<compile_context>
chip_gen: v7x
topology: tpu7x:2x2x1
jax: 0.10.2.dev20260603
libtpu: 0.0.44.dev20260713+nightly
codegen_flags: <defaults>
</compile_context>

<pallas_src>
import jax
import jax.numpy as jnp
from jax import lax
from jax.experimental import pallas as pl
from jax.experimental.pallas import tpu as pltpu
from jax.experimental.pallas import tpu_sc as plsc

N = 10000
E = 320000
D = 128
DH = D // 2
K = 3
INIT_W = 0.9
EPS = 1e-12

NC = 2
NS = 16
NW = NC * NS
CHUNK = 128
ROWS_W = 79
ROWS_S = 158
EPT = ROWS_W * CHUNK
E_PAD = NW * EPT
N_PAD = 10112
ROWS_T = N_PAD // NS

_mesh = plsc.VectorSubcoreMesh(core_axis_name="c", subcore_axis_name="s")
_sc_params = pltpu.CompilerParams(use_tc_tiling_on_sc=False)


HW = 16
HSLICE = 2 * N_PAD // NS


def _deg_body(srcr_hbm, dstr_hbm, zh_hbm, ones_hbm, out_hbm,
              srcv, dstv, ones_v, stage_v, shared):
    cid = lax.axis_index("c")
    sid = lax.axis_index("s")
    wid = cid * NS + sid

    pltpu.sync_copy(srcr_hbm.at[wid], srcv)
    pltpu.sync_copy(dstr_hbm.at[wid], dstv)
    pltpu.sync_copy(ones_hbm, ones_v)
    pltpu.sync_copy(zh_hbm, stage_v)
    base = sid * HSLICE
    pltpu.sync_copy(stage_v, shared.at[pl.ds(base, HSLICE)])
    plsc.subcore_barrier()

    def _step(j, _):
        pltpu.sync_copy(ones_v, shared.at[srcv.at[j]], add=True)
        pltpu.sync_copy(ones_v, shared.at[dstv.at[j]], add=True)
        return 0

    lax.fori_loop(0, ROWS_W, _step, 0)
    plsc.subcore_barrier()

    pltpu.sync_copy(shared.at[pl.ds(base, HSLICE)], stage_v)
    pltpu.sync_copy(stage_v, out_hbm.at[cid, pl.ds(base, HSLICE)])


_deg_call = pl.kernel(
    _deg_body,
    out_type=jax.ShapeDtypeStruct((NC, 2 * N_PAD, HW), jnp.float32),
    mesh=_mesh,
    scratch_types=[
        pltpu.VMEM((ROWS_W, CHUNK), jnp.int32),
        pltpu.VMEM((ROWS_W, CHUNK), jnp.int32),
        pltpu.VMEM((CHUNK, HW), jnp.float32),
        pltpu.VMEM((HSLICE, HW), jnp.float32),
        pltpu.VMEM_SHARED((2 * N_PAD, HW), jnp.float32),
    ],
    compiler_params=_sc_params,
)


def _spmm_body(h0_hbm, h1_hbm, srcr_hbm, dstr_hbm, zrows_hbm, out_hbm,
               srcv, dstv, rows0, rows1, acc_sh, sem):
    cid = lax.axis_index("c")
    sid = lax.axis_index("s")

    pltpu.sync_copy(srcr_hbm.at[sid], srcv)
    pltpu.sync_copy(dstr_hbm.at[sid], dstv)
    tb = sid * ROWS_T
    tail = ROWS_T - 4 * CHUNK

    pltpu.sync_copy(zrows_hbm, rows0)
    for q in range(4):
        pltpu.sync_copy(rows0, acc_sh.at[pl.ds(tb + q * CHUNK, CHUNK)])
    pltpu.sync_copy(rows0.at[pl.ds(0, tail)],
                    acc_sh.at[pl.ds(tb + 4 * CHUNK, tail)])
    plsc.subcore_barrier()

    def _make_loop(h_hbm):
        def _drain(buf):
            pltpu.make_async_copy(h_hbm.at[pl.ds(0, CHUNK)], buf, sem).wait()

        def _pair(p, _):
            j = p * 2
            _drain(rows0)
            pltpu.async_copy(h_hbm.at[srcv.at[j + 1]], rows1, sem)
            pltpu.sync_copy(rows0, acc_sh.at[dstv.at[j]], add=True)
            _drain(rows1)

            @pl.when(j + 2 < ROWS_S)
            def _next():
                pltpu.async_copy(h_hbm.at[srcv.at[j + 2]], rows0, sem)

            pltpu.sync_copy(rows1, acc_sh.at[dstv.at[j + 1]], add=True)
            return 0

        pltpu.async_copy(h_hbm.at[srcv.at[0]], rows0, sem)
        lax.fori_loop(0, ROWS_S // 2, _pair, 0)

    @pl.when(cid == 0)
    def _loop0():
        _make_loop(h0_hbm)

    @pl.when(cid == 1)
    def _loop1():
        _make_loop(h1_hbm)

    plsc.subcore_barrier()

    for q in range(4):
        buf = rows0 if q % 2 == 0 else rows1
        pltpu.sync_copy(acc_sh.at[pl.ds(tb + q * CHUNK, CHUNK)], buf)
        pltpu.sync_copy(buf, out_hbm.at[cid, pl.ds(tb + q * CHUNK, CHUNK)])
    pltpu.sync_copy(acc_sh.at[pl.ds(tb + 4 * CHUNK, tail)],
                    rows0.at[pl.ds(0, tail)])
    pltpu.sync_copy(rows0.at[pl.ds(0, tail)],
                    out_hbm.at[cid, pl.ds(tb + 4 * CHUNK, tail)])


_spmm_call = pl.kernel(
    _spmm_body,
    out_type=jax.ShapeDtypeStruct((NC, N_PAD, DH), jnp.float32),
    mesh=_mesh,
    scratch_types=[
        pltpu.VMEM((ROWS_S, CHUNK), jnp.int32),
        pltpu.VMEM((ROWS_S, CHUNK), jnp.int32),
        pltpu.VMEM((CHUNK, DH), jnp.float32),
        pltpu.VMEM((CHUNK, DH), jnp.float32),
        pltpu.VMEM_SHARED((N_PAD, DH), jnp.float32),
        pltpu.SemaphoreType.DMA,
    ],
    compiler_params=_sc_params,
)


def _norm_cols(deg_blk):
    deg_s = deg_blk[0, 0, 0, :, 0:1] + deg_blk[1, 0, 0, :, 0:1]
    deg_d = deg_blk[0, 1, 0, :, 0:1] + deg_blk[1, 1, 0, :, 0:1]
    ns = lax.rsqrt(jnp.maximum(deg_s, 1.0))
    nd = lax.rsqrt(jnp.maximum(deg_d, 1.0))
    return ns, nd


def _split(h, h_ref):
    h_ref[0] = h[:, :DH]
    h_ref[1] = h[:, DH:]


def _prep_body(deg_ref, feat_ref, h_ref):
    ns_col, _ = _norm_cols(deg_ref[...])
    _split(feat_ref[...] * ns_col, h_ref)


def _combine_body(deg_ref, p_ref, feat_ref, x_ref, h_ref):
    ns_col, nd_col = _norm_cols(deg_ref[...])
    agg = jnp.concatenate([p_ref[0], p_ref[1]], axis=1)
    x = (1.0 - INIT_W) * (agg * nd_col) + INIT_W * feat_ref[...]
    x_ref[...] = x
    _split(x * ns_col, h_ref)


def _r16(v):
    return v.astype(jnp.bfloat16).astype(jnp.float32)


def _se_body(w1_ref, w2_ref, deg_ref, p_ref, feat_ref, x1_ref, x2_ref,
             out_ref):
    _, nd_col = _norm_cols(deg_ref[...])
    agg = jnp.concatenate([p_ref[0], p_ref[1]], axis=1)
    x3 = (1.0 - INIT_W) * (agg * nd_col) + INIT_W * feat_ref[...]
    xs = [feat_ref[...], x1_ref[...], x2_ref[...], x3]
    sq = [jnp.sum(x, axis=1, keepdims=True) for x in xs]
    nrm = jnp.sqrt(sq[0] * sq[0] + sq[1] * sq[1] + sq[2] * sq[2] + sq[3] * sq[3])
    den = jnp.maximum(nrm, EPS)
    s = [_r16(q / den) for q in sq]
    e = []
    for c in range(4):
        acc = s[0] * _r16(w1_ref[0, c])
        for k in range(1, 4):
            acc = acc + s[k] * _r16(w1_ref[k, c])
        e.append(_r16(jnp.clip(acc, 0.0, 6.0)))
    g = []
    for k in range(4):
        acc = e[0] * _r16(w2_ref[0, k])
        for c in range(1, 4):
            acc = acc + e[c] * _r16(w2_ref[c, k])
        g.append(acc)
    nrm2 = jnp.sqrt(g[0] * g[0] + g[1] * g[1] + g[2] * g[2] + g[3] * g[3])
    den2 = jnp.maximum(nrm2, EPS)
    out_ref[...] = (
        xs[0] * (g[0] / den2)
        + xs[1] * (g[1] / den2)
        + xs[2] * (g[2] / den2)
        + xs[3] * (g[3] / den2)
    )


_BLK = CHUNK
_xspec = pl.BlockSpec((_BLK, D), lambda i: (i, 0))
_hspec = pl.BlockSpec((NC, _BLK, DH), lambda i: (0, i, 0))
_dspec = pl.BlockSpec((NC, 2, 1, CHUNK, HW), lambda i: (0, 0, i, 0, 0))
_wspec = pl.BlockSpec(memory_space=pltpu.SMEM)
_GRID = (N_PAD // _BLK,)


def _tc_prep(deg5, feat_pad):
    return pl.pallas_call(
        _prep_body,
        grid=_GRID,
        in_specs=[_dspec, _xspec],
        out_specs=_hspec,
        out_shape=jax.ShapeDtypeStruct((NC, N_PAD, DH), jnp.float32),
    )(deg5, feat_pad)


def _tc_combine(deg5, partial, feat_pad):
    return pl.pallas_call(
        _combine_body,
        grid=_GRID,
        in_specs=[_dspec, _hspec, _xspec],
        out_specs=[_xspec, _hspec],
        out_shape=[jax.ShapeDtypeStruct((N_PAD, D), jnp.float32),
                   jax.ShapeDtypeStruct((NC, N_PAD, DH), jnp.float32)],
    )(deg5, partial, feat_pad)


def _tc_se(w1, w2, deg5, partial, feat_pad, x1, x2):
    return pl.pallas_call(
        _se_body,
        grid=_GRID,
        in_specs=[_wspec, _wspec, _dspec, _hspec, _xspec, _xspec, _xspec],
        out_specs=_xspec,
        out_shape=jax.ShapeDtypeStruct((N_PAD, D), jnp.float32),
    )(w1, w2, deg5, partial, feat_pad, x1, x2)


def kernel(n_feat, edge_index, e_weight1, e_weight2):
    src = edge_index[0]
    dst = edge_index[1]
    pad = N + jnp.arange(E_PAD - E, dtype=jnp.int32) % (N_PAD - N)
    src_p = jnp.concatenate([src, pad])
    dst_p = jnp.concatenate([dst, pad])
    src_rows32 = src_p.reshape(NW, ROWS_W, CHUNK)
    dst_deg_rows32 = (dst_p + N_PAD).reshape(NW, ROWS_W, CHUNK)
    src_rows16 = src_p.reshape(NS, ROWS_S, CHUNK)
    dst_rows16 = dst_p.reshape(NS, ROWS_S, CHUNK)
    feat_pad = jnp.concatenate(
        [n_feat, jnp.zeros((N_PAD - N, D), jnp.float32)])
    zrows = jnp.zeros((CHUNK, DH), jnp.float32)
    zh = jnp.zeros((HSLICE, HW), jnp.float32)
    ones_rows = jnp.ones((CHUNK, HW), jnp.float32)

    deg = _deg_call(src_rows32, dst_deg_rows32, zh, ones_rows)
    deg5 = deg.reshape(NC, 2, N_PAD // CHUNK, CHUNK, HW)

    h = _tc_prep(deg5, feat_pad)
    xs = [feat_pad]
    for _ in range(K - 1):
        partial = _spmm_call(h[0], h[1], src_rows16, dst_rows16, zrows)
        x_next, h = _tc_combine(deg5, partial, feat_pad)
        xs.append(x_next)
    partial = _spmm_call(h[0], h[1], src_rows16, dst_rows16, zrows)
    out_pad = _tc_se(e_weight1, e_weight2, deg5, partial, feat_pad,
                     xs[1], xs[2])
    return out_pad[:N]

# --- scband reference (transcript-rebuilt; emitter-appended) ---
"""Pipeline reference for scband-seaggregation-71511205478485 (READ-ONLY COPY).

The authoritative reference and input builder live on the scoring server;
editing this copy changes nothing except your own understanding.
"""

import jax, jax.numpy as jnp
import numpy as np

N = 10000
E = 320000
D = 128
K = 3
INIT_W = 0.9
EPS = 1e-12


def _graph_conv(x, src, dst):
    # DGL GraphConv(norm='both', weight=False, bias=False)
    deg_out = jnp.zeros((N,), jnp.float32).at[src].add(1.0)
    deg_in = jnp.zeros((N,), jnp.float32).at[dst].add(1.0)
    norm_src = jnp.power(jnp.clip(deg_out, 1.0, None), -0.5)
    norm_dst = jnp.power(jnp.clip(deg_in, 1.0, None), -0.5)
    h = x * norm_src[:, None]
    msg = jnp.take(h, src, axis=0)
    agg = jnp.zeros((N, x.shape[1]), x.dtype).at[dst].add(msg)
    return agg * norm_dst[:, None]


def setup_inputs(seed: int = 0):
    key = jax.random.key(seed)
    k1, k2, k3, k4 = jax.random.split(key, 4)
    n_feat = jax.random.normal(k1, (N, D), dtype=jnp.float32)
    edge_index = jax.random.randint(k2, (2, E), 0, N, dtype=jnp.int32)
    e_chs = int((K + 1) * 1.0 - 1) + 1  # = 4
    lim1 = float(np.sqrt(6.0 / ((K + 1) + e_chs)))
    e_weight1 = jax.random.uniform(k3, (K + 1, e_chs), minval=-lim1, maxval=lim1, dtype=jnp.float32)
    lim2 = float(np.sqrt(6.0 / (e_chs + (K + 1))))
    e_weight2 = jax.random.uniform(k4, (e_chs, K + 1), minval=-lim2, maxval=lim2, dtype=jnp.float32)
    return {"n_feat": n_feat, "edge_index": edge_index, "e_weight1": e_weight1, "e_weight2": e_weight2}


def reference(n_feat, edge_index, e_weight1, e_weight2):
    src = edge_index[0]
    dst = edge_index[1]
    aggr_results = [n_feat]
    for _ in range(K):
        aggr_results.append((1.0 - INIT_W) * _graph_conv(aggr_results[-1], src, dst) + INIT_W * n_feat)
    stack_result = jnp.stack(aggr_results, axis=-1)  # [N, D, K+1]
    # mode == 'pool': sum over feature dim
    squeeze_result = stack_result.sum(axis=-2)  # [N, K+1]
    nrm = jnp.linalg.norm(squeeze_result, axis=-1, keepdims=True)
    squeeze_result = squeeze_result / jnp.maximum(nrm, EPS)
    excitation = jnp.matmul(squeeze_result, e_weight1)
    excitation = jnp.clip(excitation, 0.0, 6.0)  # relu6
    excitation = jnp.matmul(excitation, e_weight2)
    nrm2 = jnp.linalg.norm(excitation, axis=-1, keepdims=True)
    excitation = excitation / jnp.maximum(nrm2, EPS)
    excitation = excitation.reshape(-1, 1, K + 1)
    out = (stack_result * excitation).sum(axis=-1)  # [N, D]
    return out

if __name__ == "__main__":
    import jax
    _d = setup_inputs()
    print(jax.jit(kernel)(*tuple(_d.values())))

</pallas_src>

<mosaic_0001>
#map = affine_map<(d0, d1) -> (0, 0)>
#map1 = affine_map<(d0, d1) -> (0, 0, 0)>
module attributes {stable_mosaic.version = 14 : i64} {
  func.func @_spmm_body(%arg0: i32, %arg1: i32, %arg2: memref<10112x64xf32, #tpu.memory_space<hbm>>, %arg3: memref<10112x64xf32, #tpu.memory_space<hbm>>, %arg4: memref<16x158x128xi32, #tpu.memory_space<hbm>>, %arg5: memref<16x158x128xi32, #tpu.memory_space<hbm>>, %arg6: memref<128x64xf32, #tpu.memory_space<hbm>>, %arg7: memref<2x10112x64xf32, #tpu.memory_space<hbm>>, %arg8: memref<158x128xi32, #tpu.memory_space<vmem>>, %arg9: memref<158x128xi32, #tpu.memory_space<vmem>>, %arg10: memref<128x64xf32, #tpu.memory_space<vmem>>, %arg11: memref<128x64xf32, #tpu.memory_space<vmem>>, %arg12: memref<10112x64xf32, #tpu.memory_space<vmem_shared>>, %arg13: memref<!tpu.dma_semaphore, #tpu.memory_space<semaphore_mem>>) attributes {dimension_semantics = [#tpu.dimension_semantics<core_parallel>, #tpu.dimension_semantics<subcore_parallel>], iteration_bounds = array<i64: 2, 16>, scalar_prefetch = 0 : i64, scratch_operands = 6 : i64, tpu.core_type = #tpu.core_type<sc_vector_subcore>, window_params = [{transform_indices = #map}, {transform_indices = #map}, {transform_indices = #map1}, {transform_indices = #map1}, {transform_indices = #map}, {transform_indices = #map1}]} {
    "tpu.region"() ({
      %run_scoped3A = tpu.sem_alloc : memref<!tpu.dma_semaphore, #tpu.memory_space<semaphore_mem>>
      %dma_start3A = arith.constant 0 : i32
      %dma_start3A_38 = arith.constant 0 : i32
      %dma_start3A_39 = tpu.memref_slice %arg4[%arg1, %dma_start3A, %dma_start3A_38] : memref<16x158x128xi32, #tpu.memory_space<hbm>> -> memref<1x158x128xi32, #tpu.memory_space<hbm>>
      %dma_start3A_40 = tpu.memref_squeeze %dma_start3A_39 : memref<1x158x128xi32, #tpu.memory_space<hbm>> -> memref<158x128xi32, #tpu.memory_space<hbm>>
      %dma_start3A_41 = arith.constant 0 : i32
      %dma_start3A_42 = arith.constant 0 : i32
      %dma_start3A_43 = tpu.memref_slice %arg4[%arg1, %dma_start3A_41, %dma_start3A_42] : memref<16x158x128xi32, #tpu.memory_space<hbm>> -> memref<1x158x128xi32, #tpu.memory_space<hbm>>
      %dma_start3A_44 = tpu.memref_squeeze %dma_start3A_43 : memref<1x158x128xi32, #tpu.memory_space<hbm>> -> memref<158x128xi32, #tpu.memory_space<hbm>>
      tpu.enqueue_dma source(%dma_start3A_44 : memref<158x128xi32, #tpu.memory_space<hbm>>) target(%arg8 : memref<158x128xi32, #tpu.memory_space<vmem>>) target_semaphore(%run_scoped3A : memref<!tpu.dma_semaphore, #tpu.memory_space<semaphore_mem>>)
      %dma_wait3A = arith.constant 0 : i32
      %dma_wait3A_45 = arith.constant 0 : i32
      %dma_wait3A_46 = tpu.memref_slice %arg4[%arg1, %dma_wait3A, %dma_wait3A_45] : memref<16x158x128xi32, #tpu.memory_space<hbm>> -> memref<1x158x128xi32, #tpu.memory_space<hbm>>
      %dma_wait3A_47 = tpu.memref_squeeze %dma_wait3A_46 : memref<1x158x128xi32, #tpu.memory_space<hbm>> -> memref<158x128xi32, #tpu.memory_space<hbm>>
      %dma_wait3A_48 = arith.constant 0 : i32
      %dma_wait3A_49 = arith.constant 0 : i32
      %dma_wait3A_50 = tpu.memref_slice %arg4[%arg1, %dma_wait3A_48, %dma_wait3A_49] : memref<16x158x128xi32, #tpu.memory_space<hbm>> -> memref<1x158x128xi32, #tpu.memory_space<hbm>>
      %dma_wait3A_51 = tpu.memref_squeeze %dma_wait3A_50 : memref<1x158x128xi32, #tpu.memory_space<hbm>> -> memref<158x128xi32, #tpu.memory_space<hbm>>
      tpu.wait_dma2 semaphore(%run_scoped3A : memref<!tpu.dma_semaphore, #tpu.memory_space<semaphore_mem>>) src(%dma_wait3A_51 : memref<158x128xi32, #tpu.memory_space<hbm>>) dst(%arg8 : memref<158x128xi32, #tpu.memory_space<vmem>>)
      tpu.yield
    }) : () -> ()
    "tpu.region"() ({
      %run_scoped3A = tpu.sem_alloc : memref<!tpu.dma_semaphore, #tpu.memory_space<semaphore_mem>>
      %dma_start3A = arith.constant 0 : i32
      %dma_start3A_38 = arith.constant 0 : i32
      %dma_start3A_39 = tpu.memref_slice %arg5[%arg1, %dma_start3A, %dma_start3A_38] : memref<16x158x128xi32, #tpu.memory_space<hbm>> -> memref<1x158x128xi32, #tpu.memory_space<hbm>>
      %dma_start3A_40 = tpu.memref_squeeze %dma_start3A_39 : memref<1x158x128xi32, #tpu.memory_space<hbm>> -> memref<158x128xi32, #tpu.memory_space<hbm>>
      %dma_start3A_41 = arith.constant 0 : i32
      %dma_start3A_42 = arith.constant 0 : i32
      %dma_start3A_43 = tpu.memref_slice %arg5[%arg1, %dma_start3A_41, %dma_start3A_42] : memref<16x158x128xi32, #tpu.memory_space<hbm>> -> memref<1x158x128xi32, #tpu.memory_space<hbm>>
      %dma_start3A_44 = tpu.memref_squeeze %dma_start3A_43 : memref<1x158x128xi32, #tpu.memory_space<hbm>> -> memref<158x128xi32, #tpu.memory_space<hbm>>
      tpu.enqueue_dma source(%dma_start3A_44 : memref<158x128xi32, #tpu.memory_space<hbm>>) target(%arg9 : memref<158x128xi32, #tpu.memory_space<vmem>>) target_semaphore(%run_scoped3A : memref<!tpu.dma_semaphore, #tpu.memory_space<semaphore_mem>>)
      %dma_wait3A = arith.constant 0 : i32
      %dma_wait3A_45 = arith.constant 0 : i32
      %dma_wait3A_46 = tpu.memref_slice %arg5[%arg1, %dma_wait3A, %dma_wait3A_45] : memref<16x158x128xi32, #tpu.memory_space<hbm>> -> memref<1x158x128xi32, #tpu.memory_space<hbm>>
      %dma_wait3A_47 = tpu.memref_squeeze %dma_wait3A_46 : memref<1x158x128xi32, #tpu.memory_space<hbm>> -> memref<158x128xi32, #tpu.memory_space<hbm>>
      %dma_wait3A_48 = arith.constant 0 : i32
      %dma_wait3A_49 = arith.constant 0 : i32
      %dma_wait3A_50 = tpu.memref_slice %arg5[%arg1, %dma_wait3A_48, %dma_wait3A_49] : memref<16x158x128xi32, #tpu.memory_space<hbm>> -> memref<1x158x128xi32, #tpu.memory_space<hbm>>
      %dma_wait3A_51 = tpu.memref_squeeze %dma_wait3A_50 : memref<1x158x128xi32, #tpu.memory_space<hbm>> -> memref<158x128xi32, #tpu.memory_space<hbm>>
      tpu.wait_dma2 semaphore(%run_scoped3A : memref<!tpu.dma_semaphore, #tpu.memory_space<semaphore_mem>>) src(%dma_wait3A_51 : memref<158x128xi32, #tpu.memory_space<hbm>>) dst(%arg9 : memref<158x128xi32, #tpu.memory_space<vmem>>)
      tpu.yield
    }) : () -> ()
    %mul3A = arith.constant 632 : i32
    %mul3A_0 = arith.muli %arg1, %mul3A : i32
    "tpu.region"() ({
      %run_scoped3A = tpu.sem_alloc : memref<!tpu.dma_semaphore, #tpu.memory_space<semaphore_mem>>
      tpu.enqueue_dma source(%arg6 : memref<128x64xf32, #tpu.memory_space<hbm>>) target(%arg10 : memref<128x64xf32, #tpu.memory_space<vmem>>) target_semaphore(%run_scoped3A : memref<!tpu.dma_semaphore, #tpu.memory_space<semaphore_mem>>)
      tpu.wait_dma2 semaphore(%run_scoped3A : memref<!tpu.dma_semaphore, #tpu.memory_space<semaphore_mem>>) src(%arg6 : memref<128x64xf32, #tpu.memory_space<hbm>>) dst(%arg10 : memref<128x64xf32, #tpu.memory_space<vmem>>)
      tpu.yield
    }) : () -> ()
    %add3A = arith.constant 0 : i32
    %add3A_1 = arith.addi %mul3A_0, %add3A : i32
    "tpu.region"() ({
      %run_scoped3A = tpu.sem_alloc : memref<!tpu.dma_semaphore, #tpu.memory_space<semaphore_mem>>
      %dma_start3A = arith.constant 0 : i32
      %dma_start3A_38 = tpu.memref_slice %arg12[%add3A_1, %dma_start3A] : memref<10112x64xf32, #tpu.memory_space<vmem_shared>> -> memref<128x64xf32, #tpu.memory_space<vmem_shared>>
      %dma_start3A_39 = arith.constant 0 : i32
      %dma_start3A_40 = tpu.memref_slice %arg12[%add3A_1, %dma_start3A_39] : memref<10112x64xf32, #tpu.memory_space<vmem_shared>> -> memref<128x64xf32, #tpu.memory_space<vmem_shared>>
      tpu.enqueue_dma source(%arg10 : memref<128x64xf32, #tpu.memory_space<vmem>>) target(%dma_start3A_40 : memref<128x64xf32, #tpu.memory_space<vmem_shared>>) target_semaphore(%run_scoped3A : memref<!tpu.dma_semaphore, #tpu.memory_space<semaphore_mem>>)
      %dma_wait3A = arith.constant 0 : i32
      %dma_wait3A_41 = tpu.memref_slice %arg12[%add3A_1, %dma_wait3A] : memref<10112x64xf32, #tpu.memory_space<vmem_shared>> -> memref<128x64xf32, #tpu.memory_space<vmem_shared>>
      %dma_wait3A_42 = arith.constant 0 : i32
      %dma_wait3A_43 = tpu.memref_slice %arg12[%add3A_1, %dma_wait3A_42] : memref<10112x64xf32, #tpu.memory_space<vmem_shared>> -> memref<128x64xf32, #tpu.memory_space<vmem_shared>>
      tpu.wait_dma2 semaphore(%run_scoped3A : memref<!tpu.dma_semaphore, #tpu.memory_space<semaphore_mem>>) src(%arg10 : memref<128x64xf32, #tpu.memory_space<vmem>>) dst(%dma_wait3A_43 : memref<128x64xf32, #tpu.memory_space<vmem_shared>>)
      tpu.yield
    }) : () -> ()
    %add3A_2 = arith.constant 128 : i32
    %add3A_3 = arith.addi %mul3A_0, %add3A_2 : i32
    "tpu.region"() ({
      %run_scoped3A = tpu.sem_alloc : memref<!tpu.dma_semaphore, #tpu.memory_space<semaphore_mem>>
      %dma_start3A = arith.constant 0 : i32
      %dma_start3A_38 = tpu.memref_slice %arg12[%add3A_3, %dma_start3A] : memref<10112x64xf32, #tpu.memory_space<vmem_shared>> -> memref<128x64xf32, #tpu.memory_space<vmem_shared>>
      %dma_start3A_39 = arith.constant 0 : i32
      %dma_start3A_40 = tpu.memref_slice %arg12[%add3A_3, %dma_start3A_39] : memref<10112x64xf32, #tpu.memory_space<vmem_shared>> -> memref<128x64xf32, #tpu.memory_space<vmem_shared>>
      tpu.enqueue_dma source(%arg10 : memref<128x64xf32, #tpu.memory_space<vmem>>) target(%dma_start3A_40 : memref<128x64xf32, #tpu.memory_space<vmem_shared>>) target_semaphore(%run_scoped3A : memref<!tpu.dma_semaphore, #tpu.memory_space<semaphore_mem>>)
      %dma_wait3A = arith.constant 0 : i32
      %dma_wait3A_41 = tpu.memref_slice %arg12[%add3A_3, %dma_wait3A] : memref<10112x64xf32, #tpu.memory_space<vmem_shared>> -> memref<128x64xf32, #tpu.memory_space<vmem_shared>>
      %dma_wait3A_42 = arith.constant 0 : i32
      %dma_wait3A_43 = tpu.memref_slice %arg12[%add3A_3, %dma_wait3A_42] : memref<10112x64xf32, #tpu.memory_space<vmem_shared>> -> memref<128x64xf32, #tpu.memory_space<vmem_shared>>
      tpu.wait_dma2 semaphore(%run_scoped3A : memref<!tpu.dma_semaphore, #tpu.memory_space<semaphore_mem>>) src(%arg10 : memref<128x64xf32, #tpu.memory_space<vmem>>) dst(%dma_wait3A_43 : memref<128x64xf32, #tpu.memory_space<vmem_shared>>)
      tpu.yield
    }) : () -> ()
    %add3A_4 = arith.constant 256 : i32
    %add3A_5 = arith.addi %mul3A_0, %add3A_4 : i32
    "tpu.region"() ({
      %run_scoped3A = tpu.sem_alloc : memref<!tpu.dma_semaphore, #tpu.memory_space<semaphore_mem>>
      %dma_start3A = arith.constant 0 : i32
      %dma_start3A_38 = tpu.memref_slice %arg12[%add3A_5, %dma_start3A] : memref<10112x64xf32, #tpu.memory_space<vmem_shared>> -> memref<128x64xf32, #tpu.memory_space<vmem_shared>>
      %dma_start3A_39 = arith.constant 0 : i32
      %dma_start3A_40 = tpu.memref_slice %arg12[%add3A_5, %dma_start3A_39] : memref<10112x64xf32, #tpu.memory_space<vmem_shared>> -> memref<128x64xf32, #tpu.memory_space<vmem_shared>>
      tpu.enqueue_dma source(%arg10 : memref<128x64xf32, #tpu.memory_space<vmem>>) target(%dma_start3A_40 : memref<128x64xf32, #tpu.memory_space<vmem_shared>>) target_semaphore(%run_scoped3A : memref<!tpu.dma_semaphore, #tpu.memory_space<semaphore_mem>>)
      %dma_wait3A = arith.constant 0 : i32
      %dma_wait3A_41 = tpu.memref_slice %arg12[%add3A_5, %dma_wait3A] : memref<10112x64xf32, #tpu.memory_space<vmem_shared>> -> memref<128x64xf32, #tpu.memory_space<vmem_shared>>
      %dma_wait3A_42 = arith.constant 0 : i32
      %dma_wait3A_43 = tpu.memref_slice %arg12[%add3A_5, %dma_wait3A_42] : memref<10112x64xf32, #tpu.memory_space<vmem_shared>> -> memref<128x64xf32, #tpu.memory_space<vmem_shared>>
      tpu.wait_dma2 semaphore(%run_scoped3A : memref<!tpu.dma_semaphore, #tpu.memory_space<semaphore_mem>>) src(%arg10 : memref<128x64xf32, #tpu.memory_space<vmem>>) dst(%dma_wait3A_43 : memref<128x64xf32, #tpu.memory_space<vmem_shared>>)
      tpu.yield
    }) : () -> ()
    %add3A_6 = arith.constant 384 : i32
    %add3A_7 = arith.addi %mul3A_0, %add3A_6 : i32
    "tpu.region"() ({
      %run_scoped3A = tpu.sem_alloc : memref<!tpu.dma_semaphore, #tpu.memory_space<semaphore_mem>>
      %dma_start3A = arith.constant 0 : i32
      %dma_start3A_38 = tpu.memref_slice %arg12[%add3A_7, %dma_start3A] : memref<10112x64xf32, #tpu.memory_space<vmem_shared>> -> memref<128x64xf32, #tpu.memory_space<vmem_shared>>
      %dma_start3A_39 = arith.constant 0 : i32
      %dma_start3A_40 = tpu.memref_slice %arg12[%add3A_7, %dma_start3A_39] : memref<10112x64xf32, #tpu.memory_space<vmem_shared>> -> memref<128x64xf32, #tpu.memory_space<vmem_shared>>
      tpu.enqueue_dma source(%arg10 : memref<128x64xf32, #tpu.memory_space<vmem>>) target(%dma_start3A_40 : memref<128x64xf32, #tpu.memory_space<vmem_shared>>) target_semaphore(%run_scoped3A : memref<!tpu.dma_semaphore, #tpu.memory_space<semaphore_mem>>)
      %dma_wait3A = arith.constant 0 : i32
      %dma_wait3A_41 = tpu.memref_slice %arg12[%add3A_7, %dma_wait3A] : memref<10112x64xf32, #tpu.memory_space<vmem_shared>> -> memref<128x64xf32, #tpu.memory_space<vmem_shared>>
      %dma_wait3A_42 = arith.constant 0 : i32
      %dma_wait3A_43 = tpu.memref_slice %arg12[%add3A_7, %dma_wait3A_42] : memref<10112x64xf32, #tpu.memory_space<vmem_shared>> -> memref<128x64xf32, #tpu.memory_space<vmem_shared>>
      tpu.wait_dma2 semaphore(%run_scoped3A : memref<!tpu.dma_semaphore, #tpu.memory_space<semaphore_mem>>) src(%arg10 : memref<128x64xf32, #tpu.memory_space<vmem>>) dst(%dma_wait3A_43 : memref<128x64xf32, #tpu.memory_space<vmem_shared>>)
      tpu.yield
    }) : () -> ()
    %add3A_8 = arith.constant 512 : i32
    %add3A_9 = arith.addi %mul3A_0, %add3A_8 : i32
    "tpu.region"() ({
      %run_scoped3A = tpu.sem_alloc : memref<!tpu.dma_semaphore, #tpu.memory_space<semaphore_mem>>
      %dma_start3A = arith.constant 0 : i32
      %dma_start3A_38 = arith.constant 0 : i32
      %dma_start3A_39 = tpu.memref_slice %arg10[%dma_start3A, %dma_start3A_38] : memref<128x64xf32, #tpu.memory_space<vmem>> -> memref<120x64xf32, #tpu.memory_space<vmem>>
      %dma_start3A_40 = arith.constant 0 : i32
      %dma_start3A_41 = tpu.memref_slice %arg12[%add3A_9, %dma_start3A_40] : memref<10112x64xf32, #tpu.memory_space<vmem_shared>> -> memref<120x64xf32, #tpu.memory_space<vmem_shared>>
      %dma_start3A_42 = arith.constant 0 : i32
      %dma_start3A_43 = tpu.memref_slice %arg12[%add3A_9, %dma_start3A_42] : memref<10112x64xf32, #tpu.memory_space<vmem_shared>> -> memref<120x64xf32, #tpu.memory_space<vmem_shared>>
      %dma_start3A_44 = arith.constant 0 : i32
      %dma_start3A_45 = arith.constant 0 : i32
      %dma_start3A_46 = tpu.memref_slice %arg10[%dma_start3A_44, %dma_start3A_45] : memref<128x64xf32, #tpu.memory_space<vmem>> -> memref<120x64xf32, #tpu.memory_space<vmem>>
      tpu.enqueue_dma source(%dma_start3A_46 : memref<120x64xf32, #tpu.memory_space<vmem>>) target(%dma_start3A_43 : memref<120x64xf32, #tpu.memory_space<vmem_shared>>) target_semaphore(%run_scoped3A : memref<!tpu.dma_semaphore, #tpu.memory_space<semaphore_mem>>)
      %dma_wait3A = arith.constant 0 : i32
      %dma_wait3A_47 = arith.constant 0 : i32
      %dma_wait3A_48 = tpu.memref_slice %arg10[%dma_wait3A, %dma_wait3A_47] : memref<128x64xf32, #tpu.memory_space<vmem>> -> memref<120x64xf32, #tpu.memory_space<vmem>>
      %dma_wait3A_49 = arith.constant 0 : i32
      %dma_wait3A_50 = tpu.memref_slice %arg12[%add3A_9, %dma_wait3A_49] : memref<10112x64xf32, #tpu.memory_space<vmem_shared>> -> memref<120x64xf32, #tpu.memory_space<vmem_shared>>
      %dma_wait3A_51 = arith.constant 0 : i32
      %dma_wait3A_52 = tpu.memref_slice %arg12[%add3A_9, %dma_wait3A_51] : memref<10112x64xf32, #tpu.memory_space<vmem_shared>> -> memref<120x64xf32, #tpu.memory_space<vmem_shared>>
      %dma_wait3A_53 = arith.constant 0 : i32
      %dma_wait3A_54 = arith.constant 0 : i32
      %dma_wait3A_55 = tpu.memref_slice %arg10[%dma_wait3A_53, %dma_wait3A_54] : memref<128x64xf32, #tpu.memory_space<vmem>> -> memref<120x64xf32, #tpu.memory_space<vmem>>
      tpu.wait_dma2 semaphore(%run_scoped3A : memref<!tpu.dma_semaphore, #tpu.memory_space<semaphore_mem>>) src(%dma_wait3A_55 : memref<120x64xf32, #tpu.memory_space<vmem>>) dst(%dma_wait3A_52 : memref<120x64xf32, #tpu.memory_space<vmem_shared>>)
      tpu.yield
    }) : () -> ()
    %barrier3A = arith.constant 0 : index
    tpu.barrier barrier_id(%barrier3A)
    %eq3A = arith.constant 0 : i32
    %eq3A_10 = arith.cmpi eq, %arg0, %eq3A : i32
    %convert_element_type3A = arith.extui %eq3A_10 : i1 to i32
    %cond3A = arith.constant 0 : i32
    %cond3A_11 = arith.cmpi ne, %convert_element_type3A, %cond3A : i32
    scf.if %cond3A_11 {
      %dma_start3A = arith.constant 0 : i32
      %dma_start3A_38 = arith.constant 0 : i32
      %dma_start3A_39 = tpu.memref_slice %arg8[%dma_start3A, %dma_start3A_38] : memref<158x128xi32, #tpu.memory_space<vmem>> -> memref<1x128xi32, #tpu.memory_space<vmem>>
      %dma_start3A_40 = tpu.memref_squeeze %dma_start3A_39 : memref<1x128xi32, #tpu.memory_space<vmem>> -> memref<128xi32, #tpu.memory_space<vmem>>
      %dma_start3A_41 = arith.constant 0 : i32
      %dma_start3A_42 = arith.constant 0 : i32
      %dma_start3A_43 = tpu.memref_slice %arg2[%dma_start3A_41, %dma_start3A_42] : memref<10112x64xf32, #tpu.memory_space<hbm>> -> memref<10112x64xf32, #tpu.memory_space<hbm>>
      tpu.enqueue_indirect_dma source(%dma_start3A_43 : memref<10112x64xf32, #tpu.memory_space<hbm>>) target(%arg10 : memref<128x64xf32, #tpu.memory_space<vmem>>) offsets(%dma_start3A_40 : memref<128xi32, #tpu.memory_space<vmem>>) semaphore(%arg13 : memref<!tpu.dma_semaphore, #tpu.memory_space<semaphore_mem>>)
      %scan3A = arith.constant 0 : i32
      %scan3A_44 = arith.constant 0 : i32
      %scan3A_45 = arith.constant 79 : i32
      %scan3A_46 = arith.addi %scan3A_44, %scan3A_45 : i32
      %scan3A_47 = arith.constant 1 : i32
      %scan3A_48 = scf.for %scan3A_50 = %scan3A_44 to %scan3A_46 step %scan3A_47 iter_args(%scan3A_51 = %scan3A) -> (i32)  : i32 {
        %mul3A_52 = arith.constant 2 : i32
        %mul3A_53 = arith.muli %scan3A_50, %mul3A_52 : i32
        %dma_wait3A = arith.constant 0 : i32
        %dma_wait3A_54 = arith.constant 0 : i32
        %dma_wait3A_55 = tpu.memref_slice %arg2[%dma_wait3A, %dma_wait3A_54] : memref<10112x64xf32, #tpu.memory_space<hbm>> -> memref<128x64xf32, #tpu.memory_space<hbm>>
        %dma_wait3A_56 = arith.constant 0 : i32
        %dma_wait3A_57 = arith.constant 0 : i32
        %dma_wait3A_58 = tpu.memref_slice %arg2[%dma_wait3A_56, %dma_wait3A_57] : memref<10112x64xf32, #tpu.memory_space<hbm>> -> memref<128x64xf32, #tpu.memory_space<hbm>>
        tpu.wait_dma2 semaphore(%arg13 : memref<!tpu.dma_semaphore, #tpu.memory_space<semaphore_mem>>) src(%dma_wait3A_58 : memref<128x64xf32, #tpu.memory_space<hbm>>) dst(%arg10 : memref<128x64xf32, #tpu.memory_space<vmem>>)
        %add3A_59 = arith.constant 1 : i32
        %add3A_60 = arith.addi %mul3A_53, %add3A_59 : i32
        %dma_start3A_61 = arith.constant 0 : i32
        %dma_start3A_62 = tpu.memref_slice %arg8[%add3A_60, %dma_start3A_61] : memref<158x128xi32, #tpu.memory_space<vmem>> -> memref<1x128xi32, #tpu.memory_space<vmem>>
        %dma_start3A_63 = tpu.memref_squeeze %dma_start3A_62 : memref<1x128xi32, #tpu.memory_space<vmem>> -> memref<128xi32, #tpu.memory_space<vmem>>
        %dma_start3A_64 = arith.constant 0 : i32
        %dma_start3A_65 = arith.constant 0 : i32
        %dma_start3A_66 = tpu.memref_slice %arg2[%dma_start3A_64, %dma_start3A_65] : memref<10112x64xf32, #tpu.memory_space<hbm>> -> memref<10112x64xf32, #tpu.memory_space<hbm>>
        tpu.enqueue_indirect_dma source(%dma_start3A_66 : memref<10112x64xf32, #tpu.memory_space<hbm>>) target(%arg11 : memref<128x64xf32, #tpu.memory_space<vmem>>) offsets(%dma_start3A_63 : memref<128xi32, #tpu.memory_space<vmem>>) semaphore(%arg13 : memref<!tpu.dma_semaphore, #tpu.memory_space<semaphore_mem>>)
        "tpu.region"() ({
          %run_scoped3A = tpu.sem_alloc : memref<!tpu.dma_semaphore, #tpu.memory_space<semaphore_mem>>
          %dma_start3A_82 = arith.constant 0 : i32
          %dma_start3A_83 = tpu.memref_slice %arg9[%mul3A_53, %dma_start3A_82] : memref<158x128xi32, #tpu.memory_space<vmem>> -> memref<1x128xi32, #tpu.memory_space<vmem>>
          %dma_start3A_84 = tpu.memref_squeeze %dma_start3A_83 : memref<1x128xi32, #tpu.memory_space<vmem>> -> memref<128xi32, #tpu.memory_space<vmem>>
          %dma_start3A_85 = arith.constant 0 : i32
          %dma_start3A_86 = arith.constant 0 : i32
          %dma_start3A_87 = tpu.memref_slice %arg12[%dma_start3A_85, %dma_start3A_86] : memref<10112x64xf32, #tpu.memory_space<vmem_shared>> -> memref<10112x64xf32, #tpu.memory_space<vmem_shared>>
          tpu.enqueue_indirect_dma source(%arg10 : memref<128x64xf32, #tpu.memory_space<vmem>>) target(%dma_start3A_87 : memref<10112x64xf32, #tpu.memory_space<vmem_shared>>) offsets(%dma_start3A_84 : memref<128xi32, #tpu.memory_space<vmem>>) semaphore(%run_scoped3A : memref<!tpu.dma_semaphore, #tpu.memory_space<semaphore_mem>>) {add = true}
          %dma_wait3A_88 = arith.constant 0 : i32
          %dma_wait3A_89 = tpu.memref_slice %arg9[%mul3A_53, %dma_wait3A_88] : memref<158x128xi32, #tpu.memory_space<vmem>> -> memref<1x128xi32, #tpu.memory_space<vmem>>
          %dma_wait3A_90 = tpu.memref_squeeze %dma_wait3A_89 : memref<1x128xi32, #tpu.memory_space<vmem>> -> memref<128xi32, #tpu.memory_space<vmem>>
          %dma_wait3A_91 = arith.constant 0 : i32
          %dma_wait3A_92 = arith.constant 0 : i32
          %dma_wait3A_93 = tpu.memref_slice %arg12[%dma_wait3A_91, %dma_wait3A_92] : memref<10112x64xf32, #tpu.memory_space<vmem_shared>> -> memref<10112x64xf32, #tpu.memory_space<vmem_shared>>
          tpu.wait_indirect_dma semaphore(%run_scoped3A : memref<!tpu.dma_semaphore, #tpu.memory_space<semaphore_mem>>) src(%arg10 : memref<128x64xf32, #tpu.memory_space<vmem>>) dst(%dma_wait3A_93 : memref<10112x64xf32, #tpu.memory_space<vmem_shared>>)
          tpu.yield
        }) : () -> ()
        %dma_wait3A_67 = arith.constant 0 : i32
        %dma_wait3A_68 = arith.constant 0 : i32
        %dma_wait3A_69 = tpu.memref_slice %arg2[%dma_wait3A_67, %dma_wait3A_68] : memref<10112x64xf32, #tpu.memory_space<hbm>> -> memref<128x64xf32, #tpu.memory_space<hbm>>
        %dma_wait3A_70 = arith.constant 0 : i32
        %dma_wait3A_71 = arith.constant 0 : i32
        %dma_wait3A_72 = tpu.memref_slice %arg2[%dma_wait3A_70, %dma_wait3A_71] : memref<10112x64xf32, #tpu.memory_space<hbm>> -> memref<128x64xf32, #tpu.memory_space<hbm>>
        tpu.wait_dma2 semaphore(%arg13 : memref<!tpu.dma_semaphore, #tpu.memory_space<semaphore_mem>>) src(%dma_wait3A_72 : memref<128x64xf32, #tpu.memory_space<hbm>>) dst(%arg11 : memref<128x64xf32, #tpu.memory_space<vmem>>)
        %add3A_73 = arith.constant 2 : i32
        %add3A_74 = arith.addi %mul3A_53, %add3A_73 : i32
        %lt3A = arith.constant 158 : i32
        %lt3A_75 = arith.cmpi slt, %add3A_74, %lt3A : i32
        %convert_element_type3A_76 = arith.extui %lt3A_75 : i1 to i32
        %cond3A_77 = arith.constant 0 : i32
        %cond3A_78 = arith.cmpi ne, %convert_element_type3A_76, %cond3A_77 : i32
        scf.if %cond3A_78 {
          %add3A_82 = arith.constant 2 : i32
          %add3A_83 = arith.addi %mul3A_53, %add3A_82 : i32
          %dma_start3A_84 = arith.constant 0 : i32
          %dma_start3A_85 = tpu.memref_slice %arg8[%add3A_83, %dma_start3A_84] : memref<158x128xi32, #tpu.memory_space<vmem>> -> memref<1x128xi32, #tpu.memory_space<vmem>>
          %dma_start3A_86 = tpu.memref_squeeze %dma_start3A_85 : memref<1x128xi32, #tpu.memory_space<vmem>> -> memref<128xi32, #tpu.memory_space<vmem>>
          %dma_start3A_87 = arith.constant 0 : i32
          %dma_start3A_88 = arith.constant 0 : i32
          %dma_start3A_89 = tpu.memref_slice %arg2[%dma_start3A_87, %dma_start3A_88] : memref<10112x64xf32, #tpu.memory_space<hbm>> -> memref<10112x64xf32, #tpu.memory_space<hbm>>
          tpu.enqueue_indirect_dma source(%dma_start3A_89 : memref<10112x64xf32, #tpu.memory_space<hbm>>) target(%arg10 : memref<128x64xf32, #tpu.memory_space<vmem>>) offsets(%dma_start3A_86 : memref<128xi32, #tpu.memory_space<vmem>>) semaphore(%arg13 : memref<!tpu.dma_semaphore, #tpu.memory_space<semaphore_mem>>)
        } else {
        }
        %add3A_79 = arith.constant 1 : i32
        %add3A_80 = arith.addi %mul3A_53, %add3A_79 : i32
        "tpu.region"() ({
          %run_scoped3A = tpu.sem_alloc : memref<!tpu.dma_semaphore, #tpu.memory_space<semaphore_mem>>
          %dma_start3A_82 = arith.constant 0 : i32
          %dma_start3A_83 = tpu.memref_slice %arg9[%add3A_80, %dma_start3A_82] : memref<158x128xi32, #tpu.memory_space<vmem>> -> memref<1x128xi32, #tpu.memory_space<vmem>>
          %dma_start3A_84 = tpu.memref_squeeze %dma_start3A_83 : memref<1x128xi32, #tpu.memory_space<vmem>> -> memref<128xi32, #tpu.memory_space<vmem>>
          %dma_start3A_85 = arith.constant 0 : i32
          %dma_start3A_86 = arith.constant 0 : i32
          %dma_start3A_87 = tpu.memref_slice %arg12[%dma_start3A_85, %dma_start3A_86] : memref<10112x64xf32, #tpu.memory_space<vmem_shared>> -> memref<10112x64xf32, #tpu.memory_space<vmem_shared>>
          tpu.enqueue_indirect_dma source(%arg11 : memref<128x64xf32, #tpu.memory_space<vmem>>) target(%dma_start3A_87 : memref<10112x64xf32, #tpu.memory_space<vmem_shared>>) offsets(%dma_start3A_84 : memref<128xi32, #tpu.memory_space<vmem>>) semaphore(%run_scoped3A : memref<!tpu.dma_semaphore, #tpu.memory_space<semaphore_mem>>) {add = true}
          %dma_wait3A_88 = arith.constant 0 : i32
          %dma_wait3A_89 = tpu.memref_slice %arg9[%add3A_80, %dma_wait3A_88] : memref<158x128xi32, #tpu.memory_space<vmem>> -> memref<1x128xi32, #tpu.memory_space<vmem>>
          %dma_wait3A_90 = tpu.memref_squeeze %dma_wait3A_89 : memref<1x128xi32, #tpu.memory_space<vmem>> -> memref<128xi32, #tpu.memory_space<vmem>>
          %dma_wait3A_91 = arith.constant 0 : i32
          %dma_wait3A_92 = arith.constant 0 : i32
          %dma_wait3A_93 = tpu.memref_slice %arg12[%dma_wait3A_91, %dma_wait3A_92] : memref<10112x64xf32, #tpu.memory_space<vmem_shared>> -> memref<10112x64xf32, #tpu.memory_space<vmem_shared>>
          tpu.wait_indirect_dma semaphore(%run_scoped3A : memref<!tpu.dma_semaphore, #tpu.memory_space<semaphore_mem>>) src(%arg11 : memref<128x64xf32, #tpu.memory_space<vmem>>) dst(%dma_wait3A_93 : memref<10112x64xf32, #tpu.memory_space<vmem_shared>>)
          tpu.yield
        }) : () -> ()
        %scan3A_81 = arith.constant 0 : i32
        scf.yield %scan3A_81 : i32
      }
      %scan3A_49 = arith.constant 79 : i32
    } else {
    }
    %eq3A_12 = arith.constant 1 : i32
    %eq3A_13 = arith.cmpi eq, %arg0, %eq3A_12 : i32
    %convert_element_type3A_14 = arith.extui %eq3A_13 : i1 to i32
    %cond3A_15 = arith.constant 0 : i32
    %cond3A_16 = arith.cmpi ne, %convert_element_type3A_14, %cond3A_15 : i32
    scf.if %cond3A_16 {
      %dma_start3A = arith.constant 0 : i32
      %dma_start3A_38 = arith.constant 0 : i32
      %dma_start3A_39 = tpu.memref_slice %arg8[%dma_start3A, %dma_start3A_38] : memref<158x128xi32, #tpu.memory_space<vmem>> -> memref<1x128xi32, #tpu.memory_space<vmem>>
      %dma_start3A_40 = tpu.memref_squeeze %dma_start3A_39 : memref<1x128xi32, #tpu.memory_space<vmem>> -> memref<128xi32, #tpu.memory_space<vmem>>
      %dma_start3A_41 = arith.constant 0 : i32
      %dma_start3A_42 = arith.constant 0 : i32
      %dma_start3A_43 = tpu.memref_slice %arg3[%dma_start3A_41, %dma_start3A_42] : memref<10112x64xf32, #tpu.memory_space<hbm>> -> memref<10112x64xf32, #tpu.memory_space<hbm>>
      tpu.enqueue_indirect_dma source(%dma_start3A_43 : memref<10112x64xf32, #tpu.memory_space<hbm>>) target(%arg10 : memref<128x64xf32, #tpu.memory_space<vmem>>) offsets(%dma_start3A_40 : memref<128xi32, #tpu.memory_space<vmem>>) semaphore(%arg13 : memref<!tpu.dma_semaphore, #tpu.memory_space<semaphore_mem>>)
      %scan3A = arith.constant 0 : i32
      %scan3A_44 = arith.constant 0 : i32
      %scan3A_45 = arith.constant 79 : i32
      %scan3A_46 = arith.addi %scan3A_44, %scan3A_45 : i32
      %scan3A_47 = arith.constant 1 : i32
      %scan3A_48 = scf.for %scan3A_50 = %scan3A_44 to %scan3A_46 step %scan3A_47 iter_args(%scan3A_51 = %scan3A) -> (i32)  : i32 {
        %mul3A_52 = arith.constant 2 : i32
        %mul3A_53 = arith.muli %scan3A_50, %mul3A_52 : i32
        %dma_wait3A = arith.constant 0 : i32
        %dma_wait3A_54 = arith.constant 0 : i32
        %dma_wait3A_55 = tpu.memref_slice %arg3[%dma_wait3A, %dma_wait3A_54] : memref<10112x64xf32, #tpu.memory_space<hbm>> -> memref<128x64xf32, #tpu.memory_space<hbm>>
        %dma_wait3A_56 = arith.constant 0 : i32
        %dma_wait3A_57 = arith.constant 0 : i32
        %dma_wait3A_58 = tpu.memref_slice %arg3[%dma_wait3A_56, %dma_wait3A_57] : memref<10112x64xf32, #tpu.memory_space<hbm>> -> memref<128x64xf32, #tpu.memory_space<hbm>>
        tpu.wait_dma2 semaphore(%arg13 : memref<!tpu.dma_semaphore, #tpu.memory_space<semaphore_mem>>) src(%dma_wait3A_58 : memref<128x64xf32, #tpu.memory_space<hbm>>) dst(%arg10 : memref<128x64xf32, #tpu.memory_space<vmem>>)
        %add3A_59 = arith.constant 1 : i32
        %add3A_60 = arith.addi %mul3A_53, %add3A_59 : i32
        %dma_start3A_61 = arith.constant 0 : i32
        %dma_start3A_62 = tpu.memref_slice %arg8[%add3A_60, %dma_start3A_61] : memref<158x128xi32, #tpu.memory_space<vmem>> -> memref<1x128xi32, #tpu.memory_space<vmem>>
        %dma_start3A_63 = tpu.memref_squeeze %dma_start3A_62 : memref<1x128xi32, #tpu.memory_space<vmem>> -> memref<128xi32, #tpu.memory_space<vmem>>
        %dma_start3A_64 = arith.constant 0 : i32
        %dma_start3A_65 = arith.constant 0 : i32
        %dma_start3A_66 = tpu.memref_slice %arg3[%dma_start3A_64, %dma_start3A_65] : memref<10112x64xf32, #tpu.memory_space<hbm>> -> memref<10112x64xf32, #tpu.memory_space<hbm>>
        tpu.enqueue_indirect_dma source(%dma_start3A_66 : memref<10112x64xf32, #tpu.memory_space<hbm>>) target(%arg11 : memref<128x64xf32, #tpu.memory_space<vmem>>) offsets(%dma_start3A_63 : memref<128xi32, #tpu.memory_space<vmem>>) semaphore(%arg13 : memref<!tpu.dma_semaphore, #tpu.memory_space<semaphore_mem>>)
        "tpu.region"() ({
          %run_scoped3A = tpu.sem_alloc : memref<!tpu.dma_semaphore, #tpu.memory_space<semaphore_mem>>
          %dma_start3A_82 = arith.constant 0 : i32
          %dma_start3A_83 = tpu.memref_slice %arg9[%mul3A_53, %dma_start3A_82] : memref<158x128xi32, #tpu.memory_space<vmem>> -> memref<1x128xi32, #tpu.memory_space<vmem>>
          %dma_start3A_84 = tpu.memref_squeeze %dma_start3A_83 : memref<1x128xi32, #tpu.memory_space<vmem>> -> memref<128xi32, #tpu.memory_space<vmem>>
          %dma_start3A_85 = arith.constant 0 : i32
          %dma_start3A_86 = arith.constant 0 : i32
          %dma_start3A_87 = tpu.memref_slice %arg12[%dma_start3A_85, %dma_start3A_86] : memref<10112x64xf32, #tpu.memory_space<vmem_shared>> -> memref<10112x64xf32, #tpu.memory_space<vmem_shared>>
          tpu.enqueue_indirect_dma source(%arg10 : memref<128x64xf32, #tpu.memory_space<vmem>>) target(%dma_start3A_87 : memref<10112x64xf32, #tpu.memory_space<vmem_shared>>) offsets(%dma_start3A_84 : memref<128xi32, #tpu.memory_space<vmem>>) semaphore(%run_scoped3A : memref<!tpu.dma_semaphore, #tpu.memory_space<semaphore_mem>>) {add = true}
          %dma_wait3A_88 = arith.constant 0 : i32
          %dma_wait3A_89 = tpu.memref_slice %arg9[%mul3A_53, %dma_wait3A_88] : memref<158x128xi32, #tpu.memory_space<vmem>> -> memref<1x128xi32, #tpu.memory_space<vmem>>
          %dma_wait3A_90 = tpu.memref_squeeze %dma_wait3A_89 : memref<1x128xi32, #tpu.memory_space<vmem>> -> memref<128xi32, #tpu.memory_space<vmem>>
          %dma_wait3A_91 = arith.constant 0 : i32
          %dma_wait3A_92 = arith.constant 0 : i32
          %dma_wait3A_93 = tpu.memref_slice %arg12[%dma_wait3A_91, %dma_wait3A_92] : memref<10112x64xf32, #tpu.memory_space<vmem_shared>> -> memref<10112x64xf32, #tpu.memory_space<vmem_shared>>
          tpu.wait_indirect_dma semaphore(%run_scoped3A : memref<!tpu.dma_semaphore, #tpu.memory_space<semaphore_mem>>) src(%arg10 : memref<128x64xf32, #tpu.memory_space<vmem>>) dst(%dma_wait3A_93 : memref<10112x64xf32, #tpu.memory_space<vmem_shared>>)
          tpu.yield
        }) : () -> ()
        %dma_wait3A_67 = arith.constant 0 : i32
        %dma_wait3A_68 = arith.constant 0 : i32
        %dma_wait3A_69 = tpu.memref_slice %arg3[%dma_wait3A_67, %dma_wait3A_68] : memref<10112x64xf32, #tpu.memory_space<hbm>> -> memref<128x64xf32, #tpu.memory_space<hbm>>
        %dma_wait3A_70 = arith.constant 0 : i32
        %dma_wait3A_71 = arith.constant 0 : i32
        %dma_wait3A_72 = tpu.memref_slice %arg3[%dma_wait3A_70, %dma_wait3A_71] : memref<10112x64xf32, #tpu.memory_space<hbm>> -> memref<128x64xf32, #tpu.memory_space<hbm>>
        tpu.wait_dma2 semaphore(%arg13 : memref<!tpu.dma_semaphore, #tpu.memory_space<semaphore_mem>>) src(%dma_wait3A_72 : memref<128x64xf32, #tpu.memory_space<hbm>>) dst(%arg11 : memref<128x64xf32, #tpu.memory_space<vmem>>)
        %add3A_73 = arith.constant 2 : i32
        %add3A_74 = arith.addi %mul3A_53, %add3A_73 : i32
        %lt3A = arith.constant 158 : i32
        %lt3A_75 = arith.cmpi slt, %add3A_74, %lt3A : i32
        %convert_element_type3A_76 = arith.extui %lt3A_75 : i1 to i32
        %cond3A_77 = arith.constant 0 : i32
        %cond3A_78 = arith.cmpi ne, %convert_element_type3A_76, %cond3A_77 : i32
        scf.if %cond3A_78 {
          %add3A_82 = arith.constant 2 : i32
          %add3A_83 = arith.addi %mul3A_53, %add3A_82 : i32
          %dma_start3A_84 = arith.constant 0 : i32
          %dma_start3A_85 = tpu.memref_slice %arg8[%add3A_83, %dma_start3A_84] : memref<158x128xi32, #tpu.memory_space<vmem>> -> memref<1x128xi32, #tpu.memory_space<vmem>>
          %dma_start3A_86 = tpu.memref_squeeze %dma_start3A_85 : memref<1x128xi32, #tpu.memory_space<vmem>> -> memref<128xi32, #tpu.memory_space<vmem>>
          %dma_start3A_87 = arith.constant 0 : i32
          %dma_start3A_88 = arith.constant 0 : i32
          %dma_start3A_89 = tpu.memref_slice %arg3[%dma_start3A_87, %dma_start3A_88] : memref<10112x64xf32, #tpu.memory_space<hbm>> -> memref<10112x64xf32, #tpu.memory_space<hbm>>
          tpu.enqueue_indirect_dma source(%dma_start3A_89 : memref<10112x64xf32, #tpu.memory_space<hbm>>) target(%arg10 : memref<128x64xf32, #tpu.memory_space<vmem>>) offsets(%dma_start3A_86 : memref<128xi32, #tpu.memory_space<vmem>>) semaphore(%arg13 : memref<!tpu.dma_semaphore, #tpu.memory_space<semaphore_mem>>)
        } else {
        }
        %add3A_79 = arith.constant 1 : i32
        %add3A_80 = arith.addi %mul3A_53, %add3A_79 : i32
        "tpu.region"() ({
          %run_scoped3A = tpu.sem_alloc : memref<!tpu.dma_semaphore, #tpu.memory_space<semaphore_mem>>
          %dma_start3A_82 = arith.constant 0 : i32
          %dma_start3A_83 = tpu.memref_slice %arg9[%add3A_80, %dma_start3A_82] : memref<158x128xi32, #tpu.memory_space<vmem>> -> memref<1x128xi32, #tpu.memory_space<vmem>>
          %dma_start3A_84 = tpu.memref_squeeze %dma_start3A_83 : memref<1x128xi32, #tpu.memory_space<vmem>> -> memref<128xi32, #tpu.memory_space<vmem>>
          %dma_start3A_85 = arith.constant 0 : i32
          %dma_start3A_86 = arith.constant 0 : i32
          %dma_start3A_87 = tpu.memref_slice %arg12[%dma_start3A_85, %dma_start3A_86] : memref<10112x64xf32, #tpu.memory_space<vmem_shared>> -> memref<10112x64xf32, #tpu.memory_space<vmem_shared>>
          tpu.enqueue_indirect_dma source(%arg11 : memref<128x64xf32, #tpu.memory_space<vmem>>) target(%dma_start3A_87 : memref<10112x64xf32, #tpu.memory_space<vmem_shared>>) offsets(%dma_start3A_84 : memref<128xi32, #tpu.memory_space<vmem>>) semaphore(%run_scoped3A : memref<!tpu.dma_semaphore, #tpu.memory_space<semaphore_mem>>) {add = true}
          %dma_wait3A_88 = arith.constant 0 : i32
          %dma_wait3A_89 = tpu.memref_slice %arg9[%add3A_80, %dma_wait3A_88] : memref<158x128xi32, #tpu.memory_space<vmem>> -> memref<1x128xi32, #tpu.memory_space<vmem>>
          %dma_wait3A_90 = tpu.memref_squeeze %dma_wait3A_89 : memref<1x128xi32, #tpu.memory_space<vmem>> -> memref<128xi32, #tpu.memory_space<vmem>>
          %dma_wait3A_91 = arith.constant 0 : i32
          %dma_wait3A_92 = arith.constant 0 : i32
          %dma_wait3A_93 = tpu.memref_slice %arg12[%dma_wait3A_91, %dma_wait3A_92] : memref<10112x64xf32, #tpu.memory_space<vmem_shared>> -> memref<10112x64xf32, #tpu.memory_space<vmem_shared>>
          tpu.wait_indirect_dma semaphore(%run_scoped3A : memref<!tpu.dma_semaphore, #tpu.memory_space<semaphore_mem>>) src(%arg11 : memref<128x64xf32, #tpu.memory_space<vmem>>) dst(%dma_wait3A_93 : memref<10112x64xf32, #tpu.memory_space<vmem_shared>>)
          tpu.yield
        }) : () -> ()
        %scan3A_81 = arith.constant 0 : i32
        scf.yield %scan3A_81 : i32
      }
      %scan3A_49 = arith.constant 79 : i32
    } else {
    }
    %barrier3A_17 = arith.constant 0 : index
    tpu.barrier barrier_id(%barrier3A_17)
    %add3A_18 = arith.constant 0 : i32
    %add3A_19 = arith.addi %mul3A_0, %add3A_18 : i32
    "tpu.region"() ({
      %run_scoped3A = tpu.sem_alloc : memref<!tpu.dma_semaphore, #tpu.memory_space<semaphore_mem>>
      %dma_start3A = arith.constant 0 : i32
      %dma_start3A_38 = tpu.memref_slice %arg12[%add3A_19, %dma_start3A] : memref<10112x64xf32, #tpu.memory_space<vmem_shared>> -> memref<128x64xf32, #tpu.memory_space<vmem_shared>>
      %dma_start3A_39 = arith.constant 0 : i32
      %dma_start3A_40 = tpu.memref_slice %arg12[%add3A_19, %dma_start3A_39] : memref<10112x64xf32, #tpu.memory_space<vmem_shared>> -> memref<128x64xf32, #tpu.memory_space<vmem_shared>>
      tpu.enqueue_dma source(%dma_start3A_40 : memref<128x64xf32, #tpu.memory_space<vmem_shared>>) target(%arg10 : memref<128x64xf32, #tpu.memory_space<vmem>>) target_semaphore(%run_scoped3A : memref<!tpu.dma_semaphore, #tpu.memory_space<semaphore_mem>>)
      %dma_wait3A = arith.constant 0 : i32
      %dma_wait3A_41 = tpu.memref_slice %arg12[%add3A_19, %dma_wait3A] : memref<10112x64xf32, #tpu.memory_space<vmem_shared>> -> memref<128x64xf32, #tpu.memory_space<vmem_shared>>
      %dma_wait3A_42 = arith.constant 0 : i32
      %dma_wait3A_43 = tpu.memref_slice %arg12[%add3A_19, %dma_wait3A_42] : memref<10112x64xf32, #tpu.memory_space<vmem_shared>> -> memref<128x64xf32, #tpu.memory_space<vmem_shared>>
      tpu.wait_dma2 semaphore(%run_scoped3A : memref<!tpu.dma_semaphore, #tpu.memory_space<semaphore_mem>>) src(%dma_wait3A_43 : memref<128x64xf32, #tpu.memory_space<vmem_shared>>) dst(%arg10 : memref<128x64xf32, #tpu.memory_space<vmem>>)
      tpu.yield
    }) : () -> ()
    %add3A_20 = arith.constant 0 : i32
    %add3A_21 = arith.addi %mul3A_0, %add3A_20 : i32
    "tpu.region"() ({
      %run_scoped3A = tpu.sem_alloc : memref<!tpu.dma_semaphore, #tpu.memory_space<semaphore_mem>>
      %dma_start3A = arith.constant 0 : i32
      %dma_start3A_38 = tpu.memref_slice %arg7[%arg0, %add3A_21, %dma_start3A] : memref<2x10112x64xf32, #tpu.memory_space<hbm>> -> memref<1x128x64xf32, #tpu.memory_space<hbm>>
      %dma_start3A_39 = tpu.memref_squeeze %dma_start3A_38 : memref<1x128x64xf32, #tpu.memory_space<hbm>> -> memref<128x64xf32, #tpu.memory_space<hbm>>
      %dma_start3A_40 = arith.constant 0 : i32
      %dma_start3A_41 = tpu.memref_slice %arg7[%arg0, %add3A_21, %dma_start3A_40] : memref<2x10112x64xf32, #tpu.memory_space<hbm>> -> memref<1x128x64xf32, #tpu.memory_space<hbm>>
      %dma_start3A_42 = tpu.memref_squeeze %dma_start3A_41 : memref<1x128x64xf32, #tpu.memory_space<hbm>> -> memref<128x64xf32, #tpu.memory_space<hbm>>
      tpu.enqueue_dma source(%arg10 : memref<128x64xf32, #tpu.memory_space<vmem>>) target(%dma_start3A_42 : memref<128x64xf32, #tpu.memory_space<hbm>>) target_semaphore(%run_scoped3A : memref<!tpu.dma_semaphore, #tpu.memory_space<semaphore_mem>>)
      %dma_wait3A = arith.constant 0 : i32
      %dma_wait3A_43 = tpu.memref_slice %arg7[%arg0, %add3A_21, %dma_wait3A] : memref<2x10112x64xf32, #tpu.memory_space<hbm>> -> memref<1x128x64xf32, #tpu.memory_space<hbm>>
      %dma_wait3A_44 = tpu.memref_squeeze %dma_wait3A_43 : memref<1x128x64xf32, #tpu.memory_space<hbm>> -> memref<128x64xf32, #tpu.memory_space<hbm>>
      %dma_wait3A_45 = arith.constant 0 : i32
      %dma_wait3A_46 = tpu.memref_slice %arg7[%arg0, %add3A_21, %dma_wait3A_45] : memref<2x10112x64xf32, #tpu.memory_space<hbm>> -> memref<1x128x64xf32, #tpu.memory_space<hbm>>
      %dma_wait3A_47 = tpu.memref_squeeze %dma_wait3A_46 : memref<1x128x64xf32, #tpu.memory_space<hbm>> -> memref<128x64xf32, #tpu.memory_space<hbm>>
      tpu.wait_dma2 semaphore(%run_scoped3A : memref<!tpu.dma_semaphore, #tpu.memory_space<semaphore_mem>>) src(%arg10 : memref<128x64xf32, #tpu.memory_space<vmem>>) dst(%dma_wait3A_47 : memref<128x64xf32, #tpu.memory_space<hbm>>)
      tpu.yield
    }) : () -> ()
    %add3A_22 = arith.constant 128 : i32
    %add3A_23 = arith.addi %mul3A_0, %add3A_22 : i32
    "tpu.region"() ({
      %run_scoped3A = tpu.sem_alloc : memref<!tpu.dma_semaphore, #tpu.memory_space<semaphore_mem>>
      %dma_start3A = arith.constant 0 : i32
      %dma_start3A_38 = tpu.memref_slice %arg12[%add3A_23, %dma_start3A] : memref<10112x64xf32, #tpu.memory_space<vmem_shared>> -> memref<128x64xf32, #tpu.memory_space<vmem_shared>>
      %dma_start3A_39 = arith.constant 0 : i32
      %dma_start3A_40 = tpu.memref_slice %arg12[%add3A_23, %dma_start3A_39] : memref<10112x64xf32, #tpu.memory_space<vmem_shared>> -> memref<128x64xf32, #tpu.memory_space<vmem_shared>>
      tpu.enqueue_dma source(%dma_start3A_40 : memref<128x64xf32, #tpu.memory_space<vmem_shared>>) target(%arg11 : memref<128x64xf32, #tpu.memory_space<vmem>>) target_semaphore(%run_scoped3A : memref<!tpu.dma_semaphore, #tpu.memory_space<semaphore_mem>>)
      %dma_wait3A = arith.constant 0 : i32
      %dma_wait3A_41 = tpu.memref_slice %arg12[%add3A_23, %dma_wait3A] : memref<10112x64xf32, #tpu.memory_space<vmem_shared>> -> memref<128x64xf32, #tpu.memory_space<vmem_shared>>
      %dma_wait3A_42 = arith.constant 0 : i32
      %dma_wait3A_43 = tpu.memref_slice %arg12[%add3A_23, %dma_wait3A_42] : memref<10112x64xf32, #tpu.memory_space<vmem_shared>> -> memref<128x64xf32, #tpu.memory_space<vmem_shared>>
      tpu.wait_dma2 semaphore(%run_scoped3A : memref<!tpu.dma_semaphore, #tpu.memory_space<semaphore_mem>>) src(%dma_wait3A_43 : memref<128x64xf32, #tpu.memory_space<vmem_shared>>) dst(%arg11 : memref<128x64xf32, #tpu.memory_space<vmem>>)
      tpu.yield
    }) : () -> ()
    %add3A_24 = arith.constant 128 : i32
    %add3A_25 = arith.addi %mul3A_0, %add3A_24 : i32
    "tpu.region"() ({
      %run_scoped3A = tpu.sem_alloc : memref<!tpu.dma_semaphore, #tpu.memory_space<semaphore_mem>>
      %dma_start3A = arith.constant 0 : i32
      %dma_start3A_38 = tpu.memref_slice %arg7[%arg0, %add3A_25, %dma_start3A] : memref<2x10112x64xf32, #tpu.memory_space<hbm>> -> memref<1x128x64xf32, #tpu.memory_space<hbm>>
      %dma_start3A_39 = tpu.memref_squeeze %dma_start3A_38 : memref<1x128x64xf32, #tpu.memory_space<hbm>> -> memref<128x64xf32, #tpu.memory_space<hbm>>
      %dma_start3A_40 = arith.constant 0 : i32
      %dma_start3A_41 = tpu.memref_slice %arg7[%arg0, %add3A_25, %dma_start3A_40] : memref<2x10112x64xf32, #tpu.memory_space<hbm>> -> memref<1x128x64xf32, #tpu.memory_space<hbm>>
      %dma_start3A_42 = tpu.memref_squeeze %dma_start3A_41 : memref<1x128x64xf32, #tpu.memory_space<hbm>> -> memref<128x64xf32, #tpu.memory_space<hbm>>
      tpu.enqueue_dma source(%arg11 : memref<128x64xf32, #tpu.memory_space<vmem>>) target(%dma_start3A_42 : memref<128x64xf32, #tpu.memory_space<hbm>>) target_semaphore(%run_scoped3A : memref<!tpu.dma_semaphore, #tpu.memory_space<semaphore_mem>>)
      %dma_wait3A = arith.constant 0 : i32
      %dma_wait3A_43 = tpu.memref_slice %arg7[%arg0, %add3A_25, %dma_wait3A] : memref<2x10112x64xf32, #tpu.memory_space<hbm>> -> memref<1x128x64xf32, #tpu.memory_space<hbm>>
      %dma_wait3A_44 = tpu.memref_squeeze %dma_wait3A_43 : memref<1x128x64xf32, #tpu.memory_space<hbm>> -> memref<128x64xf32, #tpu.memory_space<hbm>>
      %dma_wait3A_45 = arith.constant 0 : i32
      %dma_wait3A_46 = tpu.memref_slice %arg7[%arg0, %add3A_25, %dma_wait3A_45] : memref<2x10112x64xf32, #tpu.memory_space<hbm>> -> memref<1x128x64xf32, #tpu.memory_space<hbm>>
      %dma_wait3A_47 = tpu.memref_squeeze %dma_wait3A_46 : memref<1x128x64xf32, #tpu.memory_space<hbm>> -> memref<128x64xf32, #tpu.memory_space<hbm>>
      tpu.wait_dma2 semaphore(%run_scoped3A : memref<!tpu.dma_semaphore, #tpu.memory_space<semaphore_mem>>) src(%arg11 : memref<128x64xf32, #tpu.memory_space<vmem>>) dst(%dma_wait3A_47 : memref<128x64xf32, #tpu.memory_space<hbm>>)
      tpu.yield
    }) : () -> ()
    %add3A_26 = arith.constant 256 : i32
    %add3A_27 = arith.addi %mul3A_0, %add3A_26 : i32
    "tpu.region"() ({
      %run_scoped3A = tpu.sem_alloc : memref<!tpu.dma_semaphore, #tpu.memory_space<semaphore_mem>>
      %dma_start3A = arith.constant 0 : i32
      %dma_start3A_38 = tpu.memref_slice %arg12[%add3A_27, %dma_start3A] : memref<10112x64xf32, #tpu.memory_space<vmem_shared>> -> memref<128x64xf32, #tpu.memory_space<vmem_shared>>
      %dma_start3A_39 = arith.constant 0 : i32
      %dma_start3A_40 = tpu.memref_slice %arg12[%add3A_27, %dma_start3A_39] : memref<10112x64xf32, #tpu.memory_space<vmem_shared>> -> memref<128x64xf32, #tpu.memory_space<vmem_shared>>
      tpu.enqueue_dma source(%dma_start3A_40 : memref<128x64xf32, #tpu.memory_space<vmem_shared>>) target(%arg10 : memref<128x64xf32, #tpu.memory_space<vmem>>) target_semaphore(%run_scoped3A : memref<!tpu.dma_semaphore, #tpu.memory_space<semaphore_mem>>)
      %dma_wait3A = arith.constant 0 : i32
      %dma_wait3A_41 = tpu.memref_slice %arg12[%add3A_27, %dma_wait3A] : memref<10112x64xf32, #tpu.memory_space<vmem_shared>> -> memref<128x64xf32, #tpu.memory_space<vmem_shared>>
      %dma_wait3A_42 = arith.constant 0 : i32
      %dma_wait3A_43 = tpu.memref_slice %arg12[%add3A_27, %dma_wait3A_42] : memref<10112x64xf32, #tpu.memory_space<vmem_shared>> -> memref<128x64xf32, #tpu.memory_space<vmem_shared>>
      tpu.wait_dma2 semaphore(%run_scoped3A : memref<!tpu.dma_semaphore, #tpu.memory_space<semaphore_mem>>) src(%dma_wait3A_43 : memref<128x64xf32, #tpu.memory_space<vmem_shared>>) dst(%arg10 : memref<128x64xf32, #tpu.memory_space<vmem>>)
      tpu.yield
    }) : () -> ()
    %add3A_28 = arith.constant 256 : i32
    %add3A_29 = arith.addi %mul3A_0, %add3A_28 : i32
    "tpu.region"() ({
      %run_scoped3A = tpu.sem_alloc : memref<!tpu.dma_semaphore, #tpu.memory_space<semaphore_mem>>
      %dma_start3A = arith.constant 0 : i32
      %dma_start3A_38 = tpu.memref_slice %arg7[%arg0, %add3A_29, %dma_start3A] : memref<2x10112x64xf32, #tpu.memory_space<hbm>> -> memref<1x128x64xf32, #tpu.memory_space<hbm>>
      %dma_start3A_39 = tpu.memref_squeeze %dma_start3A_38 : memref<1x128x64xf32, #tpu.memory_space<hbm>> -> memref<128x64xf32, #tpu.memory_space<hbm>>
      %dma_start3A_40 = arith.constant 0 : i32
      %dma_start3A_41 = tpu.memref_slice %arg7[%arg0, %add3A_29, %dma_start3A_40] : memref<2x10112x64xf32, #tpu.memory_space<hbm>> -> memref<1x128x64xf32, #tpu.memory_space<hbm>>
      %dma_start3A_42 = tpu.memref_squeeze %dma_start3A_41 : memref<1x128x64xf32, #tpu.memory_space<hbm>> -> memref<128x64xf32, #tpu.memory_space<hbm>>
      tpu.enqueue_dma source(%arg10 : memref<128x64xf32, #tpu.memory_space<vmem>>) target(%dma_start3A_42 : memref<128x64xf32, #tpu.memory_space<hbm>>) target_semaphore(%run_scoped3A : memref<!tpu.dma_semaphore, #tpu.memory_space<semaphore_mem>>)
      %dma_wait3A = arith.constant 0 : i32
      %dma_wait3A_43 = tpu.memref_slice %arg7[%arg0, %add3A_29, %dma_wait3A] : memref<2x10112x64xf32, #tpu.memory_space<hbm>> -> memref<1x128x64xf32, #tpu.memory_space<hbm>>
      %dma_wait3A_44 = tpu.memref_squeeze %dma_wait3A_43 : memref<1x128x64xf32, #tpu.memory_space<hbm>> -> memref<128x64xf32, #tpu.memory_space<hbm>>
      %dma_wait3A_45 = arith.constant 0 : i32
      %dma_wait3A_46 = tpu.memref_slice %arg7[%arg0, %add3A_29, %dma_wait3A_45] : memref<2x10112x64xf32, #tpu.memory_space<hbm>> -> memref<1x128x64xf32, #tpu.memory_space<hbm>>
      %dma_wait3A_47 = tpu.memref_squeeze %dma_wait3A_46 : memref<1x128x64xf32, #tpu.memory_space<hbm>> -> memref<128x64xf32, #tpu.memory_space<hbm>>
      tpu.wait_dma2 semaphore(%run_scoped3A : memref<!tpu.dma_semaphore, #tpu.memory_space<semaphore_mem>>) src(%arg10 : memref<128x64xf32, #tpu.memory_space<vmem>>) dst(%dma_wait3A_47 : memref<128x64xf32, #tpu.memory_space<hbm>>)
      tpu.yield
    }) : () -> ()
    %add3A_30 = arith.constant 384 : i32
    %add3A_31 = arith.addi %mul3A_0, %add3A_30 : i32
    "tpu.region"() ({
      %run_scoped3A = tpu.sem_alloc : memref<!tpu.dma_semaphore, #tpu.memory_space<semaphore_mem>>
      %dma_start3A = arith.constant 0 : i32
      %dma_start3A_38 = tpu.memref_slice %arg12[%add3A_31, %dma_start3A] : memref<10112x64xf32, #tpu.memory_space<vmem_shared>> -> memref<128x64xf32, #tpu.memory_space<vmem_shared>>
      %dma_start3A_39 = arith.constant 0 : i32
      %dma_start3A_40 = tpu.memref_slice %arg12[%add3A_31, %dma_start3A_39] : memref<10112x64xf32, #tpu.memory_space<vmem_shared>> -> memref<128x64xf32, #tpu.memory_space<vmem_shared>>
      tpu.enqueue_dma source(%dma_start3A_40 : memref<128x64xf32, #tpu.memory_space<vmem_shared>>) target(%arg11 : memref<128x64xf32, #tpu.memory_space<vmem>>) target_semaphore(%run_scoped3A : memref<!tpu.dma_semaphore, #tpu.memory_space<semaphore_mem>>)
      %dma_wait3A = arith.constant 0 : i32
      %dma_wait3A_41 = tpu.memref_slice %arg12[%add3A_31, %dma_wait3A] : memref<10112x64xf32, #tpu.memory_space<vmem_shared>> -> memref<128x64xf32, #tpu.memory_space<vmem_shared>>
      %dma_wait3A_42 = arith.constant 0 : i32
      %dma_wait3A_43 = tpu.memref_slice %arg12[%add3A_31, %dma_wait3A_42] : memref<10112x64xf32, #tpu.memory_space<vmem_shared>> -> memref<128x64xf32, #tpu.memory_space<vmem_shared>>
      tpu.wait_dma2 semaphore(%run_scoped3A : memref<!tpu.dma_semaphore, #tpu.memory_space<semaphore_mem>>) src(%dma_wait3A_43 : memref<128x64xf32, #tpu.memory_space<vmem_shared>>) dst(%arg11 : memref<128x64xf32, #tpu.memory_space<vmem>>)
      tpu.yield
    }) : () -> ()
    %add3A_32 = arith.constant 384 : i32
    %add3A_33 = arith.addi %mul3A_0, %add3A_32 : i32
    "tpu.region"() ({
      %run_scoped3A = tpu.sem_alloc : memref<!tpu.dma_semaphore, #tpu.memory_space<semaphore_mem>>
      %dma_start3A = arith.constant 0 : i32
      %dma_start3A_38 = tpu.memref_slice %arg7[%arg0, %add3A_33, %dma_start3A] : memref<2x10112x64xf32, #tpu.memory_space<hbm>> -> memref<1x128x64xf32, #tpu.memory_space<hbm>>
      %dma_start3A_39 = tpu.memref_squeeze %dma_start3A_38 : memref<1x128x64xf32, #tpu.memory_space<hbm>> -> memref<128x64xf32, #tpu.memory_space<hbm>>
      %dma_start3A_40 = arith.constant 0 : i32
      %dma_start3A_41 = tpu.memref_slice %arg7[%arg0, %add3A_33, %dma_start3A_40] : memref<2x10112x64xf32, #tpu.memory_space<hbm>> -> memref<1x128x64xf32, #tpu.memory_space<hbm>>
      %dma_start3A_42 = tpu.memref_squeeze %dma_start3A_41 : memref<1x128x64xf32, #tpu.memory_space<hbm>> -> memref<128x64xf32, #tpu.memory_space<hbm>>
      tpu.enqueue_dma source(%arg11 : memref<128x64xf32, #tpu.memory_space<vmem>>) target(%dma_start3A_42 : memref<128x64xf32, #tpu.memory_space<hbm>>) target_semaphore(%run_scoped3A : memref<!tpu.dma_semaphore, #tpu.memory_space<semaphore_mem>>)
      %dma_wait3A = arith.constant 0 : i32
      %dma_wait3A_43 = tpu.memref_slice %arg7[%arg0, %add3A_33, %dma_wait3A] : memref<2x10112x64xf32, #tpu.memory_space<hbm>> -> memref<1x128x64xf32, #tpu.memory_space<hbm>>
      %dma_wait3A_44 = tpu.memref_squeeze %dma_wait3A_43 : memref<1x128x64xf32, #tpu.memory_space<hbm>> -> memref<128x64xf32, #tpu.memory_space<hbm>>
      %dma_wait3A_45 = arith.constant 0 : i32
      %dma_wait3A_46 = tpu.memref_slice %arg7[%arg0, %add3A_33, %dma_wait3A_45] : memref<2x10112x64xf32, #tpu.memory_space<hbm>> -> memref<1x128x64xf32, #tpu.memory_space<hbm>>
      %dma_wait3A_47 = tpu.memref_squeeze %dma_wait3A_46 : memref<1x128x64xf32, #tpu.memory_space<hbm>> -> memref<128x64xf32, #tpu.memory_space<hbm>>
      tpu.wait_dma2 semaphore(%run_scoped3A : memref<!tpu.dma_semaphore, #tpu.memory_space<semaphore_mem>>) src(%arg11 : memref<128x64xf32, #tpu.memory_space<vmem>>) dst(%dma_wait3A_47 : memref<128x64xf32, #tpu.memory_space<hbm>>)
      tpu.yield
    }) : () -> ()
    %add3A_34 = arith.constant 512 : i32
    %add3A_35 = arith.addi %mul3A_0, %add3A_34 : i32
    "tpu.region"() ({
      %run_scoped3A = tpu.sem_alloc : memref<!tpu.dma_semaphore, #tpu.memory_space<semaphore_mem>>
      %dma_start3A = arith.constant 0 : i32
      %dma_start3A_38 = arith.constant 0 : i32
      %dma_start3A_39 = tpu.memref_slice %arg10[%dma_start3A, %dma_start3A_38] : memref<128x64xf32, #tpu.memory_space<vmem>> -> memref<120x64xf32, #tpu.memory_space<vmem>>
      %dma_start3A_40 = arith.constant 0 : i32
      %dma_start3A_41 = tpu.memref_slice %arg12[%add3A_35, %dma_start3A_40] : memref<10112x64xf32, #tpu.memory_space<vmem_shared>> -> memref<120x64xf32, #tpu.memory_space<vmem_shared>>
      %dma_start3A_42 = arith.constant 0 : i32
      %dma_start3A_43 = arith.constant 0 : i32
      %dma_start3A_44 = tpu.memref_slice %arg10[%dma_start3A_42, %dma_start3A_43] : memref<128x64xf32, #tpu.memory_space<vmem>> -> memref<120x64xf32, #tpu.memory_space<vmem>>
      %dma_start3A_45 = arith.constant 0 : i32
      %dma_start3A_46 = tpu.memref_slice %arg12[%add3A_35, %dma_start3A_45] : memref<10112x64xf32, #tpu.memory_space<vmem_shared>> -> memref<120x64xf32, #tpu.memory_space<vmem_shared>>
      tpu.enqueue_dma source(%dma_start3A_46 : memref<120x64xf32, #tpu.memory_space<vmem_shared>>) target(%dma_start3A_44 : memref<120x64xf32, #tpu.memory_space<vmem>>) target_semaphore(%run_scoped3A : memref<!tpu.dma_semaphore, #tpu.memory_space<semaphore_mem>>)
      %dma_wait3A = arith.constant 0 : i32
      %dma_wait3A_47 = arith.constant 0 : i32
      %dma_wait3A_48 = tpu.memref_slice %arg10[%dma_wait3A, %dma_wait3A_47] : memref<128x64xf32, #tpu.memory_space<vmem>> -> memref<120x64xf32, #tpu.memory_space<vmem>>
      %dma_wait3A_49 = arith.constant 0 : i32
      %dma_wait3A_50 = tpu.memref_slice %arg12[%add3A_35, %dma_wait3A_49] : memref<10112x64xf32, #tpu.memory_space<vmem_shared>> -> memref<120x64xf32, #tpu.memory_space<vmem_shared>>
      %dma_wait3A_51 = arith.constant 0 : i32
      %dma_wait3A_52 = arith.constant 0 : i32
      %dma_wait3A_53 = tpu.memref_slice %arg10[%dma_wait3A_51, %dma_wait3A_52] : memref<128x64xf32, #tpu.memory_space<vmem>> -> memref<120x64xf32, #tpu.memory_space<vmem>>
      %dma_wait3A_54 = arith.constant 0 : i32
      %dma_wait3A_55 = tpu.memref_slice %arg12[%add3A_35, %dma_wait3A_54] : memref<10112x64xf32, #tpu.memory_space<vmem_shared>> -> memref<120x64xf32, #tpu.memory_space<vmem_shared>>
      tpu.wait_dma2 semaphore(%run_scoped3A : memref<!tpu.dma_semaphore, #tpu.memory_space<semaphore_mem>>) src(%dma_wait3A_55 : memref<120x64xf32, #tpu.memory_space<vmem_shared>>) dst(%dma_wait3A_53 : memref<120x64xf32, #tpu.memory_space<vmem>>)
      tpu.yield
    }) : () -> ()
    %add3A_36 = arith.constant 512 : i32
    %add3A_37 = arith.addi %mul3A_0, %add3A_36 : i32
    "tpu.region"() ({
      %run_scoped3A = tpu.sem_alloc : memref<!tpu.dma_semaphore, #tpu.memory_space<semaphore_mem>>
      %dma_start3A = arith.constant 0 : i32
      %dma_start3A_38 = arith.constant 0 : i32
      %dma_start3A_39 = tpu.memref_slice %arg10[%dma_start3A, %dma_start3A_38] : memref<128x64xf32, #tpu.memory_space<vmem>> -> memref<120x64xf32, #tpu.memory_space<vmem>>
      %dma_start3A_40 = arith.constant 0 : i32
      %dma_start3A_41 = tpu.memref_slice %arg7[%arg0, %add3A_37, %dma_start3A_40] : memref<2x10112x64xf32, #tpu.memory_space<hbm>> -> memref<1x120x64xf32, #tpu.memory_space<hbm>>
      %dma_start3A_42 = tpu.memref_squeeze %dma_start3A_41 : memref<1x120x64xf32, #tpu.memory_space<hbm>> -> memref<120x64xf32, #tpu.memory_space<hbm>>
      %dma_start3A_43 = arith.constant 0 : i32
      %dma_start3A_44 = tpu.memref_slice %arg7[%arg0, %add3A_37, %dma_start3A_43] : memref<2x10112x64xf32, #tpu.memory_space<hbm>> -> memref<1x120x64xf32, #tpu.memory_space<hbm>>
      %dma_start3A_45 = tpu.memref_squeeze %dma_start3A_44 : memref<1x120x64xf32, #tpu.memory_space<hbm>> -> memref<120x64xf32, #tpu.memory_space<hbm>>
      %dma_start3A_46 = arith.constant 0 : i32
      %dma_start3A_47 = arith.constant 0 : i32
      %dma_start3A_48 = tpu.memref_slice %arg10[%dma_start3A_46, %dma_start3A_47] : memref<128x64xf32, #tpu.memory_space<vmem>> -> memref<120x64xf32, #tpu.memory_space<vmem>>
      tpu.enqueue_dma source(%dma_start3A_48 : memref<120x64xf32, #tpu.memory_space<vmem>>) target(%dma_start3A_45 : memref<120x64xf32, #tpu.memory_space<hbm>>) target_semaphore(%run_scoped3A : memref<!tpu.dma_semaphore, #tpu.memory_space<semaphore_mem>>)
      %dma_wait3A = arith.constant 0 : i32
      %dma_wait3A_49 = arith.constant 0 : i32
      %dma_wait3A_50 = tpu.memref_slice %arg10[%dma_wait3A, %dma_wait3A_49] : memref<128x64xf32, #tpu.memory_space<vmem>> -> memref<120x64xf32, #tpu.memory_space<vmem>>
      %dma_wait3A_51 = arith.constant 0 : i32
      %dma_wait3A_52 = tpu.memref_slice %arg7[%arg0, %add3A_37, %dma_wait3A_51] : memref<2x10112x64xf32, #tpu.memory_space<hbm>> -> memref<1x120x64xf32, #tpu.memory_space<hbm>>
      %dma_wait3A_53 = tpu.memref_squeeze %dma_wait3A_52 : memref<1x120x64xf32, #tpu.memory_space<hbm>> -> memref<120x64xf32, #tpu.memory_space<hbm>>
      %dma_wait3A_54 = arith.constant 0 : i32
      %dma_wait3A_55 = tpu.memref_slice %arg7[%arg0, %add3A_37, %dma_wait3A_54] : memref<2x10112x64xf32, #tpu.memory_space<hbm>> -> memref<1x120x64xf32, #tpu.memory_space<hbm>>
      %dma_wait3A_56 = tpu.memref_squeeze %dma_wait3A_55 : memref<1x120x64xf32, #tpu.memory_space<hbm>> -> memref<120x64xf32, #tpu.memory_space<hbm>>
      %dma_wait3A_57 = arith.constant 0 : i32
      %dma_wait3A_58 = arith.constant 0 : i32
      %dma_wait3A_59 = tpu.memref_slice %arg10[%dma_wait3A_57, %dma_wait3A_58] : memref<128x64xf32, #tpu.memory_space<vmem>> -> memref<120x64xf32, #tpu.memory_space<vmem>>
      tpu.wait_dma2 semaphore(%run_scoped3A : memref<!tpu.dma_semaphore, #tpu.memory_space<semaphore_mem>>) src(%dma_wait3A_59 : memref<120x64xf32, #tpu.memory_space<vmem>>) dst(%dma_wait3A_56 : memref<120x64xf32, #tpu.memory_space<hbm>>)
      tpu.yield
    }) : () -> ()
    return
  }
}

#map = affine_map<(d0, d1) -> (0, 0, 0)>
#map1 = affine_map<(d0, d1) -> (0, 0)>
module attributes {stable_mosaic.version = 14 : i64} {
  func.func @_deg_body(%arg0: i32, %arg1: i32, %arg2: memref<32x79x128xi32, #tpu.memory_space<hbm>>, %arg3: memref<32x79x128xi32, #tpu.memory_space<hbm>>, %arg4: memref<1264x16xf32, #tpu.memory_space<hbm>>, %arg5: memref<128x16xf32, #tpu.memory_space<hbm>>, %arg6: memref<2x20224x16xf32, #tpu.memory_space<hbm>>, %arg7: memref<79x128xi32, #tpu.memory_space<vmem>>, %arg8: memref<79x128xi32, #tpu.memory_space<vmem>>, %arg9: memref<128x16xf32, #tpu.memory_space<vmem>>, %arg10: memref<1264x16xf32, #tpu.memory_space<vmem>>, %arg11: memref<20224x16xf32, #tpu.memory_space<vmem_shared>>) attributes {dimension_semantics = [#tpu.dimension_semantics<core_parallel>, #tpu.dimension_semantics<subcore_parallel>], iteration_bounds = array<i64: 2, 16>, scalar_prefetch = 0 : i64, scratch_operands = 5 : i64, tpu.core_type = #tpu.core_type<sc_vector_subcore>, window_params = [{transform_indices = #map}, {transform_indices = #map}, {transform_indices = #map1}, {transform_indices = #map1}, {transform_indices = #map}]} {
    %mul3A = arith.constant 16 : i32
    %mul3A_0 = arith.muli %arg0, %mul3A : i32
    %add3A = arith.addi %mul3A_0, %arg1 : i32
    "tpu.region"() ({
      %run_scoped3A = tpu.sem_alloc : memref<!tpu.dma_semaphore, #tpu.memory_space<semaphore_mem>>
      %dma_start3A = arith.constant 0 : i32
      %dma_start3A_10 = arith.constant 0 : i32
      %dma_start3A_11 = tpu.memref_slice %arg2[%add3A, %dma_start3A, %dma_start3A_10] : memref<32x79x128xi32, #tpu.memory_space<hbm>> -> memref<1x79x128xi32, #tpu.memory_space<hbm>>
      %dma_start3A_12 = tpu.memref_squeeze %dma_start3A_11 : memref<1x79x128xi32, #tpu.memory_space<hbm>> -> memref<79x128xi32, #tpu.memory_space<hbm>>
      %dma_start3A_13 = arith.constant 0 : i32
      %dma_start3A_14 = arith.constant 0 : i32
      %dma_start3A_15 = tpu.memref_slice %arg2[%add3A, %dma_start3A_13, %dma_start3A_14] : memref<32x79x128xi32, #tpu.memory_space<hbm>> -> memref<1x79x128xi32, #tpu.memory_space<hbm>>
      %dma_start3A_16 = tpu.memref_squeeze %dma_start3A_15 : memref<1x79x128xi32, #tpu.memory_space<hbm>> -> memref<79x128xi32, #tpu.memory_space<hbm>>
      tpu.enqueue_dma source(%dma_start3A_16 : memref<79x128xi32, #tpu.memory_space<hbm>>) target(%arg7 : memref<79x128xi32, #tpu.memory_space<vmem>>) target_semaphore(%run_scoped3A : memref<!tpu.dma_semaphore, #tpu.memory_space<semaphore_mem>>)
      %dma_wait3A = arith.constant 0 : i32
      %dma_wait3A_17 = arith.constant 0 : i32
      %dma_wait3A_18 = tpu.memref_slice %arg2[%add3A, %dma_wait3A, %dma_wait3A_17] : memref<32x79x128xi32, #tpu.memory_space<hbm>> -> memref<1x79x128xi32, #tpu.memory_space<hbm>>
      %dma_wait3A_19 = tpu.memref_squeeze %dma_wait3A_18 : memref<1x79x128xi32, #tpu.memory_space<hbm>> -> memref<79x128xi32, #tpu.memory_space<hbm>>
      %dma_wait3A_20 = arith.constant 0 : i32
      %dma_wait3A_21 = arith.constant 0 : i32
      %dma_wait3A_22 = tpu.memref_slice %arg2[%add3A, %dma_wait3A_20, %dma_wait3A_21] : memref<32x79x128xi32, #tpu.memory_space<hbm>> -> memref<1x79x128xi32, #tpu.memory_space<hbm>>
      %dma_wait3A_23 = tpu.memref_squeeze %dma_wait3A_22 : memref<1x79x128xi32, #tpu.memory_space<hbm>> -> memref<79x128xi32, #tpu.memory_space<hbm>>
      tpu.wait_dma2 semaphore(%run_scoped3A : memref<!tpu.dma_semaphore, #tpu.memory_space<semaphore_mem>>) src(%dma_wait3A_23 : memref<79x128xi32, #tpu.memory_space<hbm>>) dst(%arg7 : memref<79x128xi32, #tpu.memory_space<vmem>>)
      tpu.yield
    }) : () -> ()
    "tpu.region"() ({
      %run_scoped3A = tpu.sem_alloc : memref<!tpu.dma_semaphore, #tpu.memory_space<semaphore_mem>>
      %dma_start3A = arith.constant 0 : i32
      %dma_start3A_10 = arith.constant 0 : i32
      %dma_start3A_11 = tpu.memref_slice %arg3[%add3A, %dma_start3A, %dma_start3A_10] : memref<32x79x128xi32, #tpu.memory_space<hbm>> -> memref<1x79x128xi32, #tpu.memory_space<hbm>>
      %dma_start3A_12 = tpu.memref_squeeze %dma_start3A_11 : memref<1x79x128xi32, #tpu.memory_space<hbm>> -> memref<79x128xi32, #tpu.memory_space<hbm>>
      %dma_start3A_13 = arith.constant 0 : i32
      %dma_start3A_14 = arith.constant 0 : i32
      %dma_start3A_15 = tpu.memref_slice %arg3[%add3A, %dma_start3A_13, %dma_start3A_14] : memref<32x79x128xi32, #tpu.memory_space<hbm>> -> memref<1x79x128xi32, #tpu.memory_space<hbm>>
      %dma_start3A_16 = tpu.memref_squeeze %dma_start3A_15 : memref<1x79x128xi32, #tpu.memory_space<hbm>> -> memref<79x128xi32, #tpu.memory_space<hbm>>
      tpu.enqueue_dma source(%dma_start3A_16 : memref<79x128xi32, #tpu.memory_space<hbm>>) target(%arg8 : memref<79x128xi32, #tpu.memory_space<vmem>>) target_semaphore(%run_scoped3A : memref<!tpu.dma_semaphore, #tpu.memory_space<semaphore_mem>>)
      %dma_wait3A = arith.constant 0 : i32
      %dma_wait3A_17 = arith.constant 0 : i32
      %dma_wait3A_18 = tpu.memref_slice %arg3[%add3A, %dma_wait3A, %dma_wait3A_17] : memref<32x79x128xi32, #tpu.memory_space<hbm>> -> memref<1x79x128xi32, #tpu.memory_space<hbm>>
      %dma_wait3A_19 = tpu.memref_squeeze %dma_wait3A_18 : memref<1x79x128xi32, #tpu.memory_space<hbm>> -> memref<79x128xi32, #tpu.memory_space<hbm>>
      %dma_wait3A_20 = arith.constant 0 : i32
      %dma_wait3A_21 = arith.constant 0 : i32
      %dma_wait3A_22 = tpu.memref_slice %arg3[%add3A, %dma_wait3A_20, %dma_wait3A_21] : memref<32x79x128xi32, #tpu.memory_space<hbm>> -> memref<1x79x128xi32, #tpu.memory_space<hbm>>
      %dma_wait3A_23 = tpu.memref_squeeze %dma_wait3A_22 : memref<1x79x128xi32, #tpu.memory_space<hbm>> -> memref<79x128xi32, #tpu.memory_space<hbm>>
      tpu.wait_dma2 semaphore(%run_scoped3A : memref<!tpu.dma_semaphore, #tpu.memory_space<semaphore_mem>>) src(%dma_wait3A_23 : memref<79x128xi32, #tpu.memory_space<hbm>>) dst(%arg8 : memref<79x128xi32, #tpu.memory_space<vmem>>)
      tpu.yield
    }) : () -> ()
    "tpu.region"() ({
      %run_scoped3A = tpu.sem_alloc : memref<!tpu.dma_semaphore, #tpu.memory_space<semaphore_mem>>
      tpu.enqueue_dma source(%arg5 : memref<128x16xf32, #tpu.memory_space<hbm>>) target(%arg9 : memref<128x16xf32, #tpu.memory_space<vmem>>) target_semaphore(%run_scoped3A : memref<!tpu.dma_semaphore, #tpu.memory_space<semaphore_mem>>)
      tpu.wait_dma2 semaphore(%run_scoped3A : memref<!tpu.dma_semaphore, #tpu.memory_space<semaphore_mem>>) src(%arg5 : memref<128x16xf32, #tpu.memory_space<hbm>>) dst(%arg9 : memref<128x16xf32, #tpu.memory_space<vmem>>)
      tpu.yield
    }) : () -> ()
    "tpu.region"() ({
      %run_scoped3A = tpu.sem_alloc : memref<!tpu.dma_semaphore, #tpu.memory_space<semaphore_mem>>
      tpu.enqueue_dma source(%arg4 : memref<1264x16xf32, #tpu.memory_space<hbm>>) target(%arg10 : memref<1264x16xf32, #tpu.memory_space<vmem>>) target_semaphore(%run_scoped3A : memref<!tpu.dma_semaphore, #tpu.memory_space<semaphore_mem>>)
      tpu.wait_dma2 semaphore(%run_scoped3A : memref<!tpu.dma_semaphore, #tpu.memory_space<semaphore_mem>>) src(%arg4 : memref<1264x16xf32, #tpu.memory_space<hbm>>) dst(%arg10 : memref<1264x16xf32, #tpu.memory_space<vmem>>)
      tpu.yield
    }) : () -> ()
    %mul3A_1 = arith.constant 1264 : i32
    %mul3A_2 = arith.muli %arg1, %mul3A_1 : i32
    "tpu.region"() ({
      %run_scoped3A = tpu.sem_alloc : memref<!tpu.dma_semaphore, #tpu.memory_space<semaphore_mem>>
      %dma_start3A = arith.constant 0 : i32
      %dma_start3A_10 = tpu.memref_slice %arg11[%mul3A_2, %dma_start3A] : memref<20224x16xf32, #tpu.memory_space<vmem_shared>> -> memref<1264x16xf32, #tpu.memory_space<vmem_shared>>
      %dma_start3A_11 = arith.constant 0 : i32
      %dma_start3A_12 = tpu.memref_slice %arg11[%mul3A_2, %dma_start3A_11] : memref<20224x16xf32, #tpu.memory_space<vmem_shared>> -> memref<1264x16xf32, #tpu.memory_space<vmem_shared>>
      tpu.enqueue_dma source(%arg10 : memref<1264x16xf32, #tpu.memory_space<vmem>>) target(%dma_start3A_12 : memref<1264x16xf32, #tpu.memory_space<vmem_shared>>) target_semaphore(%run_scoped3A : memref<!tpu.dma_semaphore, #tpu.memory_space<semaphore_mem>>)
      %dma_wait3A = arith.constant 0 : i32
      %dma_wait3A_13 = tpu.memref_slice %arg11[%mul3A_2, %dma_wait3A] : memref<20224x16xf32, #tpu.memory_space<vmem_shared>> -> memref<1264x16xf32, #tpu.memory_space<vmem_shared>>
      %dma_wait3A_14 = arith.constant 0 : i32
      %dma_wait3A_15 = tpu.memref_slice %arg11[%mul3A_2, %dma_wait3A_14] : memref<20224x16xf32, #tpu.memory_space<vmem_shared>> -> memref<1264x16xf32, #tpu.memory_space<vmem_shared>>
      tpu.wait_dma2 semaphore(%run_scoped3A : memref<!tpu.dma_semaphore, #tpu.memory_space<semaphore_mem>>) src(%arg10 : memref<1264x16xf32, #tpu.memory_space<vmem>>) dst(%dma_wait3A_15 : memref<1264x16xf32, #tpu.memory_space<vmem_shared>>)
      tpu.yield
    }) : () -> ()
    %barrier3A = arith.constant 0 : index
    tpu.barrier barrier_id(%barrier3A)
    %scan3A = arith.constant 0 : i32
    %scan3A_3 = arith.constant 0 : i32
    %scan3A_4 = arith.constant 79 : i32
    %scan3A_5 = arith.addi %scan3A_3, %scan3A_4 : i32
    %scan3A_6 = arith.constant 1 : i32
    %scan3A_7 = scf.for %scan3A_10 = %scan3A_3 to %scan3A_5 step %scan3A_6 iter_args(%scan3A_11 = %scan3A) -> (i32)  : i32 {
      "tpu.region"() ({
        %run_scoped3A = tpu.sem_alloc : memref<!tpu.dma_semaphore, #tpu.memory_space<semaphore_mem>>
        %dma_start3A = arith.constant 0 : i32
        %dma_start3A_13 = tpu.memref_slice %arg7[%scan3A_10, %dma_start3A] : memref<79x128xi32, #tpu.memory_space<vmem>> -> memref<1x128xi32, #tpu.memory_space<vmem>>
        %dma_start3A_14 = tpu.memref_squeeze %dma_start3A_13 : memref<1x128xi32, #tpu.memory_space<vmem>> -> memref<128xi32, #tpu.memory_space<vmem>>
        %dma_start3A_15 = arith.constant 0 : i32
        %dma_start3A_16 = arith.constant 0 : i32
        %dma_start3A_17 = tpu.memref_slice %arg11[%dma_start3A_15, %dma_start3A_16] : memref<20224x16xf32, #tpu.memory_space<vmem_shared>> -> memref<20224x16xf32, #tpu.memory_space<vmem_shared>>
        tpu.enqueue_indirect_dma source(%arg9 : memref<128x16xf32, #tpu.memory_space<vmem>>) target(%dma_start3A_17 : memref<20224x16xf32, #tpu.memory_space<vmem_shared>>) offsets(%dma_start3A_14 : memref<128xi32, #tpu.memory_space<vmem>>) semaphore(%run_scoped3A : memref<!tpu.dma_semaphore, #tpu.memory_space<semaphore_mem>>) {add = true}
        %dma_wait3A = arith.constant 0 : i32
        %dma_wait3A_18 = tpu.memref_slice %arg7[%scan3A_10, %dma_wait3A] : memref<79x128xi32, #tpu.memory_space<vmem>> -> memref<1x128xi32, #tpu.memory_space<vmem>>
        %dma_wait3A_19 = tpu.memref_squeeze %dma_wait3A_18 : memref<1x128xi32, #tpu.memory_space<vmem>> -> memref<128xi32, #tpu.memory_space<vmem>>
        %dma_wait3A_20 = arith.constant 0 : i32
        %dma_wait3A_21 = arith.constant 0 : i32
        %dma_wait3A_22 = tpu.memref_slice %arg11[%dma_wait3A_20, %dma_wait3A_21] : memref<20224x16xf32, #tpu.memory_space<vmem_shared>> -> memref<20224x16xf32, #tpu.memory_space<vmem_shared>>
        tpu.wait_indirect_dma semaphore(%run_scoped3A : memref<!tpu.dma_semaphore, #tpu.memory_space<semaphore_mem>>) src(%arg9 : memref<128x16xf32, #tpu.memory_space<vmem>>) dst(%dma_wait3A_22 : memref<20224x16xf32, #tpu.memory_space<vmem_shared>>)
        tpu.yield
      }) : () -> ()
      "tpu.region"() ({
        %run_scoped3A = tpu.sem_alloc : memref<!tpu.dma_semaphore, #tpu.memory_space<semaphore_mem>>
        %dma_start3A = arith.constant 0 : i32
        %dma_start3A_13 = tpu.memref_slice %arg8[%scan3A_10, %dma_start3A] : memref<79x128xi32, #tpu.memory_space<vmem>> -> memref<1x128xi32, #tpu.memory_space<vmem>>
        %dma_start3A_14 = tpu.memref_squeeze %dma_start3A_13 : memref<1x128xi32, #tpu.memory_space<vmem>> -> memref<128xi32, #tpu.memory_space<vmem>>
        %dma_start3A_15 = arith.constant 0 : i32
        %dma_start3A_16 = arith.constant 0 : i32
        %dma_start3A_17 = tpu.memref_slice %arg11[%dma_start3A_15, %dma_start3A_16] : memref<20224x16xf32, #tpu.memory_space<vmem_shared>> -> memref<20224x16xf32, #tpu.memory_space<vmem_shared>>
        tpu.enqueue_indirect_dma source(%arg9 : memref<128x16xf32, #tpu.memory_space<vmem>>) target(%dma_start3A_17 : memref<20224x16xf32, #tpu.memory_space<vmem_shared>>) offsets(%dma_start3A_14 : memref<128xi32, #tpu.memory_space<vmem>>) semaphore(%run_scoped3A : memref<!tpu.dma_semaphore, #tpu.memory_space<semaphore_mem>>) {add = true}
        %dma_wait3A = arith.constant 0 : i32
        %dma_wait3A_18 = tpu.memref_slice %arg8[%scan3A_10, %dma_wait3A] : memref<79x128xi32, #tpu.memory_space<vmem>> -> memref<1x128xi32, #tpu.memory_space<vmem>>
        %dma_wait3A_19 = tpu.memref_squeeze %dma_wait3A_18 : memref<1x128xi32, #tpu.memory_space<vmem>> -> memref<128xi32, #tpu.memory_space<vmem>>
        %dma_wait3A_20 = arith.constant 0 : i32
        %dma_wait3A_21 = arith.constant 0 : i32
        %dma_wait3A_22 = tpu.memref_slice %arg11[%dma_wait3A_20, %dma_wait3A_21] : memref<20224x16xf32, #tpu.memory_space<vmem_shared>> -> memref<20224x16xf32, #tpu.memory_space<vmem_shared>>
        tpu.wait_indirect_dma semaphore(%run_scoped3A : memref<!tpu.dma_semaphore, #tpu.memory_space<semaphore_mem>>) src(%arg9 : memref<128x16xf32, #tpu.memory_space<vmem>>) dst(%dma_wait3A_22 : memref<20224x16xf32, #tpu.memory_space<vmem_shared>>)
        tpu.yield
      }) : () -> ()
      %scan3A_12 = arith.constant 0 : i32
      scf.yield %scan3A_12 : i32
    }
    %scan3A_8 = arith.constant 79 : i32
    %barrier3A_9 = arith.constant 0 : index
    tpu.barrier barrier_id(%barrier3A_9)
    "tpu.region"() ({
      %run_scoped3A = tpu.sem_alloc : memref<!tpu.dma_semaphore, #tpu.memory_space<semaphore_mem>>
      %dma_start3A = arith.constant 0 : i32
      %dma_start3A_10 = tpu.memref_slice %arg11[%mul3A_2, %dma_start3A] : memref<20224x16xf32, #tpu.memory_space<vmem_shared>> -> memref<1264x16xf32, #tpu.memory_space<vmem_shared>>
      %dma_start3A_11 = arith.constant 0 : i32
      %dma_start3A_12 = tpu.memref_slice %arg11[%mul3A_2, %dma_start3A_11] : memref<20224x16xf32, #tpu.memory_space<vmem_shared>> -> memref<1264x16xf32, #tpu.memory_space<vmem_shared>>
      tpu.enqueue_dma source(%dma_start3A_12 : memref<1264x16xf32, #tpu.memory_space<vmem_shared>>) target(%arg10 : memref<1264x16xf32, #tpu.memory_space<vmem>>) target_semaphore(%run_scoped3A : memref<!tpu.dma_semaphore, #tpu.memory_space<semaphore_mem>>)
      %dma_wait3A = arith.constant 0 : i32
      %dma_wait3A_13 = tpu.memref_slice %arg11[%mul3A_2, %dma_wait3A] : memref<20224x16xf32, #tpu.memory_space<vmem_shared>> -> memref<1264x16xf32, #tpu.memory_space<vmem_shared>>
      %dma_wait3A_14 = arith.constant 0 : i32
      %dma_wait3A_15 = tpu.memref_slice %arg11[%mul3A_2, %dma_wait3A_14] : memref<20224x16xf32, #tpu.memory_space<vmem_shared>> -> memref<1264x16xf32, #tpu.memory_space<vmem_shared>>
      tpu.wait_dma2 semaphore(%run_scoped3A : memref<!tpu.dma_semaphore, #tpu.memory_space<semaphore_mem>>) src(%dma_wait3A_15 : memref<1264x16xf32, #tpu.memory_space<vmem_shared>>) dst(%arg10 : memref<1264x16xf32, #tpu.memory_space<vmem>>)
      tpu.yield
    }) : () -> ()
    "tpu.region"() ({
      %run_scoped3A = tpu.sem_alloc : memref<!tpu.dma_semaphore, #tpu.memory_space<semaphore_mem>>
      %dma_start3A = arith.constant 0 : i32
      %dma_start3A_10 = tpu.memref_slice %arg6[%arg0, %mul3A_2, %dma_start3A] : memref<2x20224x16xf32, #tpu.memory_space<hbm>> -> memref<1x1264x16xf32, #tpu.memory_space<hbm>>
      %dma_start3A_11 = tpu.memref_squeeze %dma_start3A_10 : memref<1x1264x16xf32, #tpu.memory_space<hbm>> -> memref<1264x16xf32, #tpu.memory_space<hbm>>
      %dma_start3A_12 = arith.constant 0 : i32
      %dma_start3A_13 = tpu.memref_slice %arg6[%arg0, %mul3A_2, %dma_start3A_12] : memref<2x20224x16xf32, #tpu.memory_space<hbm>> -> memref<1x1264x16xf32, #tpu.memory_space<hbm>>
      %dma_start3A_14 = tpu.memref_squeeze %dma_start3A_13 : memref<1x1264x16xf32, #tpu.memory_space<hbm>> -> memref<1264x16xf32, #tpu.memory_space<hbm>>
      tpu.enqueue_dma source(%arg10 : memref<1264x16xf32, #tpu.memory_space<vmem>>) target(%dma_start3A_14 : memref<1264x16xf32, #tpu.memory_space<hbm>>) target_semaphore(%run_scoped3A : memref<!tpu.dma_semaphore, #tpu.memory_space<semaphore_mem>>)
      %dma_wait3A = arith.constant 0 : i32
      %dma_wait3A_15 = tpu.memref_slice %arg6[%arg0, %mul3A_2, %dma_wait3A] : memref<2x20224x16xf32, #tpu.memory_space<hbm>> -> memref<1x1264x16xf32, #tpu.memory_space<hbm>>
      %dma_wait3A_16 = tpu.memref_squeeze %dma_wait3A_15 : memref<1x1264x16xf32, #tpu.memory_space<hbm>> -> memref<1264x16xf32, #tpu.memory_space<hbm>>
      %dma_wait3A_17 = arith.constant 0 : i32
      %dma_wait3A_18 = tpu.memref_slice %arg6[%arg0, %mul3A_2, %dma_wait3A_17] : memref<2x20224x16xf32, #tpu.memory_space<hbm>> -> memref<1x1264x16xf32, #tpu.memory_space<hbm>>
      %dma_wait3A_19 = tpu.memref_squeeze %dma_wait3A_18 : memref<1x1264x16xf32, #tpu.memory_space<hbm>> -> memref<1264x16xf32, #tpu.memory_space<hbm>>
      tpu.wait_dma2 semaphore(%run_scoped3A : memref<!tpu.dma_semaphore, #tpu.memory_space<semaphore_mem>>) src(%arg10 : memref<1264x16xf32, #tpu.memory_space<vmem>>) dst(%dma_wait3A_19 : memref<1264x16xf32, #tpu.memory_space<hbm>>)
      tpu.yield
    }) : () -> ()
    return
  }
}

#map = affine_map<(d0, d1) -> (0, 0)>
#map1 = affine_map<(d0, d1) -> (0, 0, 0)>
module attributes {stable_mosaic.version = 14 : i64} {
  func.func @_spmm_body(%arg0: i32, %arg1: i32, %arg2: memref<10112x64xf32, #tpu.memory_space<hbm>>, %arg3: memref<10112x64xf32, #tpu.memory_space<hbm>>, %arg4: memref<16x158x128xi32, #tpu.memory_space<hbm>>, %arg5: memref<16x158x128xi32, #tpu.memory_space<hbm>>, %arg6: memref<128x64xf32, #tpu.memory_space<hbm>>, %arg7: memref<2x10112x64xf32, #tpu.memory_space<hbm>>, %arg8: memref<158x128xi32, #tpu.memory_space<vmem>>, %arg9: memref<158x128xi32, #tpu.memory_space<vmem>>, %arg10: memref<128x64xf32, #tpu.memory_space<vmem>>, %arg11: memref<128x64xf32, #tpu.memory_space<vmem>>, %arg12: memref<10112x64xf32, #tpu.memory_space<vmem_shared>>, %arg13: memref<!tpu.dma_semaphore, #tpu.memory_space<semaphore_mem>>) attributes {dimension_semantics = [#tpu.dimension_semantics<core_parallel>, #tpu.dimension_semantics<subcore_parallel>], iteration_bounds = array<i64: 2, 16>, scalar_prefetch = 0 : i64, scratch_operands = 6 : i64, tpu.core_type = #tpu.core_type<sc_vector_subcore>, window_params = [{transform_indices = #map}, {transform_indices = #map}, {transform_indices = #map1}, {transform_indices = #map1}, {transform_indices = #map}, {transform_indices = #map1}]} {
    "tpu.region"() ({
      %run_scoped3A = tpu.sem_alloc : memref<!tpu.dma_semaphore, #tpu.memory_space<semaphore_mem>>
      %dma_start3A = arith.constant 0 : i32
      %dma_start3A_38 = arith.constant 0 : i32
      %dma_start3A_39 = tpu.memref_slice %arg4[%arg1, %dma_start3A, %dma_start3A_38] : memref<16x158x128xi32, #tpu.memory_space<hbm>> -> memref<1x158x128xi32, #tpu.memory_space<hbm>>
      %dma_start3A_40 = tpu.memref_squeeze %dma_start3A_39 : memref<1x158x128xi32, #tpu.memory_space<hbm>> -> memref<158x128xi32, #tpu.memory_space<hbm>>
      %dma_start3A_41 = arith.constant 0 : i32
      %dma_start3A_42 = arith.constant 0 : i32
      %dma_start3A_43 = tpu.memref_slice %arg4[%arg1, %dma_start3A_41, %dma_start3A_42] : memref<16x158x128xi32, #tpu.memory_space<hbm>> -> memref<1x158x128xi32, #tpu.memory_space<hbm>>
      %dma_start3A_44 = tpu.memref_squeeze %dma_start3A_43 : memref<1x158x128xi32, #tpu.memory_space<hbm>> -> memref<158x128xi32, #tpu.memory_space<hbm>>
      tpu.enqueue_dma source(%dma_start3A_44 : memref<158x128xi32, #tpu.memory_space<hbm>>) target(%arg8 : memref<158x128xi32, #tpu.memory_space<vmem>>) target_semaphore(%run_scoped3A : memref<!tpu.dma_semaphore, #tpu.memory_space<semaphore_mem>>)
      %dma_wait3A = arith.constant 0 : i32
      %dma_wait3A_45 = arith.constant 0 : i32
      %dma_wait3A_46 = tpu.memref_slice %arg4[%arg1, %dma_wait3A, %dma_wait3A_45] : memref<16x158x128xi32, #tpu.memory_space<hbm>> -> memref<1x158x128xi32, #tpu.memory_space<hbm>>
      %dma_wait3A_47 = tpu.memref_squeeze %dma_wait3A_46 : memref<1x158x128xi32, #tpu.memory_space<hbm>> -> memref<158x128xi32, #tpu.memory_space<hbm>>
      %dma_wait3A_48 = arith.constant 0 : i32
      %dma_wait3A_49 = arith.constant 0 : i32
      %dma_wait3A_50 = tpu.memref_slice %arg4[%arg1, %dma_wait3A_48, %dma_wait3A_49] : memref<16x158x128xi32, #tpu.memory_space<hbm>> -> memref<1x158x128xi32, #tpu.memory_space<hbm>>
      %dma_wait3A_51 = tpu.memref_squeeze %dma_wait3A_50 : memref<1x158x128xi32, #tpu.memory_space<hbm>> -> memref<158x128xi32, #tpu.memory_space<hbm>>
      tpu.wait_dma2 semaphore(%run_scoped3A : memref<!tpu.dma_semaphore, #tpu.memory_space<semaphore_mem>>) src(%dma_wait3A_51 : memref<158x128xi32, #tpu.memory_space<hbm>>) dst(%arg8 : memref<158x128xi32, #tpu.memory_space<vmem>>)
      tpu.yield
    }) : () -> ()
    "tpu.region"() ({
      %run_scoped3A = tpu.sem_alloc : memref<!tpu.dma_semaphore, #tpu.memory_space<semaphore_mem>>
      %dma_start3A = arith.constant 0 : i32
      %dma_start3A_38 = arith.constant 0 : i32
      %dma_start3A_39 = tpu.memref_slice %arg5[%arg1, %dma_start3A, %dma_start3A_38] : memref<16x158x128xi32, #tpu.memory_space<hbm>> -> memref<1x158x128xi32, #tpu.memory_space<hbm>>
      %dma_start3A_40 = tpu.memref_squeeze %dma_start3A_39 : memref<1x158x128xi32, #tpu.memory_space<hbm>> -> memref<158x128xi32, #tpu.memory_space<hbm>>
      %dma_start3A_41 = arith.constant 0 : i32
      %dma_start3A_42 = arith.constant 0 : i32
      %dma_start3A_43 = tpu.memref_slice %arg5[%arg1, %dma_start3A_41, %dma_start3A_42] : memref<16x158x128xi32, #tpu.memory_space<hbm>> -> memref<1x158x128xi32, #tpu.memory_space<hbm>>
      %dma_start3A_44 = tpu.memref_squeeze %dma_start3A_43 : memref<1x158x128xi32, #tpu.memory_space<hbm>> -> memref<158x128xi32, #tpu.memory_space<hbm>>
      tpu.enqueue_dma source(%dma_start3A_44 : memref<158x128xi32, #tpu.memory_space<hbm>>) target(%arg9 : memref<158x128xi32, #tpu.memory_space<vmem>>) target_semaphore(%run_scoped3A : memref<!tpu.dma_semaphore, #tpu.memory_space<semaphore_mem>>)
      %dma_wait3A = arith.constant 0 : i32
      %dma_wait3A_45 = arith.constant 0 : i32
      %dma_wait3A_46 = tpu.memref_slice %arg5[%arg1, %dma_wait3A, %dma_wait3A_45] : memref<16x158x128xi32, #tpu.memory_space<hbm>> -> memref<1x158x128xi32, #tpu.memory_space<hbm>>
      %dma_wait3A_47 = tpu.memref_squeeze %dma_wait3A_46 : memref<1x158x128xi32, #tpu.memory_space<hbm>> -> memref<158x128xi32, #tpu.memory_space<hbm>>
      %dma_wait3A_48 = arith.constant 0 : i32
      %dma_wait3A_49 = arith.constant 0 : i32
      %dma_wait3A_50 = tpu.memref_slice %arg5[%arg1, %dma_wait3A_48, %dma_wait3A_49] : memref<16x158x128xi32, #tpu.memory_space<hbm>> -> memref<1x158x128xi32, #tpu.memory_space<hbm>>
      %dma_wait3A_51 = tpu.memref_squeeze %dma_wait3A_50 : memref<1x158x128xi32, #tpu.memory_space<hbm>> -> memref<158x128xi32, #tpu.memory_space<hbm>>
      tpu.wait_dma2 semaphore(%run_scoped3A : memref<!tpu.dma_semaphore, #tpu.memory_space<semaphore_mem>>) src(%dma_wait3A_51 : memref<158x128xi32, #tpu.memory_space<hbm>>) dst(%arg9 : memref<158x128xi32, #tpu.memory_space<vmem>>)
      tpu.yield
    }) : () -> ()
    %mul3A = arith.constant 632 : i32
    %mul3A_0 = arith.muli %arg1, %mul3A : i32
    "tpu.region"() ({
      %run_scoped3A = tpu.sem_alloc : memref<!tpu.dma_semaphore, #tpu.memory_space<semaphore_mem>>
      tpu.enqueue_dma source(%arg6 : memref<128x64xf32, #tpu.memory_space<hbm>>) target(%arg10 : memref<128x64xf32, #tpu.memory_space<vmem>>) target_semaphore(%run_scoped3A : memref<!tpu.dma_semaphore, #tpu.memory_space<semaphore_mem>>)
      tpu.wait_dma2 semaphore(%run_scoped3A : memref<!tpu.dma_semaphore, #tpu.memory_space<semaphore_mem>>) src(%arg6 : memref<128x64xf32, #tpu.memory_space<hbm>>) dst(%arg10 : memref<128x64xf32, #tpu.memory_space<vmem>>)
      tpu.yield
    }) : () -> ()
    %add3A = arith.constant 0 : i32
    %add3A_1 = arith.addi %mul3A_0, %add3A : i32
    "tpu.region"() ({
      %run_scoped3A = tpu.sem_alloc : memref<!tpu.dma_semaphore, #tpu.memory_space<semaphore_mem>>
      %dma_start3A = arith.constant 0 : i32
      %dma_start3A_38 = tpu.memref_slice %arg12[%add3A_1, %dma_start3A] : memref<10112x64xf32, #tpu.memory_space<vmem_shared>> -> memref<128x64xf32, #tpu.memory_space<vmem_shared>>
      %dma_start3A_39 = arith.constant 0 : i32
      %dma_start3A_40 = tpu.memref_slice %arg12[%add3A_1, %dma_start3A_39] : memref<10112x64xf32, #tpu.memory_space<vmem_shared>> -> memref<128x64xf32, #tpu.memory_space<vmem_shared>>
      tpu.enqueue_dma source(%arg10 : memref<128x64xf32, #tpu.memory_space<vmem>>) target(%dma_start3A_40 : memref<128x64xf32, #tpu.memory_space<vmem_shared>>) target_semaphore(%run_scoped3A : memref<!tpu.dma_semaphore, #tpu.memory_space<semaphore_mem>>)
      %dma_wait3A = arith.constant 0 : i32
      %dma_wait3A_41 = tpu.memref_slice %arg12[%add3A_1, %dma_wait3A] : memref<10112x64xf32, #tpu.memory_space<vmem_shared>> -> memref<128x64xf32, #tpu.memory_space<vmem_shared>>
      %dma_wait3A_42 = arith.constant 0 : i32
      %dma_wait3A_43 = tpu.memref_slice %arg12[%add3A_1, %dma_wait3A_42] : memref<10112x64xf32, #tpu.memory_space<vmem_shared>> -> memref<128x64xf32, #tpu.memory_space<vmem_shared>>
      tpu.wait_dma2 semaphore(%run_scoped3A : memref<!tpu.dma_semaphore, #tpu.memory_space<semaphore_mem>>) src(%arg10 : memref<128x64xf32, #tpu.memory_space<vmem>>) dst(%dma_wait3A_43 : memref<128x64xf32, #tpu.memory_space<vmem_shared>>)
      tpu.yield
    }) : () -> ()
    %add3A_2 = arith.constant 128 : i32
    %add3A_3 = arith.addi %mul3A_0, %add3A_2 : i32
    "tpu.region"() ({
      %run_scoped3A = tpu.sem_alloc : memref<!tpu.dma_semaphore, #tpu.memory_space<semaphore_mem>>
      %dma_start3A = arith.constant 0 : i32
      %dma_start3A_38 = tpu.memref_slice %arg12[%add3A_3, %dma_start3A] : memref<10112x64xf32, #tpu.memory_space<vmem_shared>> -> memref<128x64xf32, #tpu.memory_space<vmem_shared>>
      %dma_start3A_39 = arith.constant 0 : i32
      %dma_start3A_40 = tpu.memref_slice %arg12[%add3A_3, %dma_start3A_39] : memref<10112x64xf32, #tpu.memory_space<vmem_shared>> -> memref<128x64xf32, #tpu.memory_space<vmem_shared>>
      tpu.enqueue_dma source(%arg10 : memref<128x64xf32, #tpu.memory_space<vmem>>) target(%dma_start3A_40 : memref<128x64xf32, #tpu.memory_space<vmem_shared>>) target_semaphore(%run_scoped3A : memref<!tpu.dma_semaphore, #tpu.memory_space<semaphore_mem>>)
      %dma_wait3A = arith.constant 0 : i32
      %dma_wait3A_41 = tpu.memref_slice %arg12[%add3A_3, %dma_wait3A] : memref<10112x64xf32, #tpu.memory_space<vmem_shared>> -> memref<128x64xf32, #tpu.memory_space<vmem_shared>>
      %dma_wait3A_42 = arith.constant 0 : i32
      %dma_wait3A_43 = tpu.memref_slice %arg12[%add3A_3, %dma_wait3A_42] : memref<10112x64xf32, #tpu.memory_space<vmem_shared>> -> memref<128x64xf32, #tpu.memory_space<vmem_shared>>
      tpu.wait_dma2 semaphore(%run_scoped3A : memref<!tpu.dma_semaphore, #tpu.memory_space<semaphore_mem>>) src(%arg10 : memref<128x64xf32, #tpu.memory_space<vmem>>) dst(%dma_wait3A_43 : memref<128x64xf32, #tpu.memory_space<vmem_shared>>)
      tpu.yield
    }) : () -> ()
    %add3A_4 = arith.constant 256 : i32
    %add3A_5 = arith.addi %mul3A_0, %add3A_4 : i32
    "tpu.region"() ({
      %run_scoped3A = tpu.sem_alloc : memref<!tpu.dma_semaphore, #tpu.memory_space<semaphore_mem>>
      %dma_start3A = arith.constant 0 : i32
      %dma_start3A_38 = tpu.memref_slice %arg12[%add3A_5, %dma_start3A] : memref<10112x64xf32, #tpu.memory_space<vmem_shared>> -> memref<128x64xf32, #tpu.memory_space<vmem_shared>>
      %dma_start3A_39 = arith.constant 0 : i32
      %dma_start3A_40 = tpu.memref_slice %arg12[%add3A_5, %dma_start3A_39] : memref<10112x64xf32, #tpu.memory_space<vmem_shared>> -> memref<128x64xf32, #tpu.memory_space<vmem_shared>>
      tpu.enqueue_dma source(%arg10 : memref<128x64xf32, #tpu.memory_space<vmem>>) target(%dma_start3A_40 : memref<128x64xf32, #tpu.memory_space<vmem_shared>>) target_semaphore(%run_scoped3A : memref<!tpu.dma_semaphore, #tpu.memory_space<semaphore_mem>>)
      %dma_wait3A = arith.constant 0 : i32
      %dma_wait3A_41 = tpu.memref_slice %arg12[%add3A_5, %dma_wait3A] : memref<10112x64xf32, #tpu.memory_space<vmem_shared>> -> memref<128x64xf32, #tpu.memory_space<vmem_shared>>
      %dma_wait3A_42 = arith.constant 0 : i32
      %dma_wait3A_43 = tpu.memref_slice %arg12[%add3A_5, %dma_wait3A_42] : memref<10112x64xf32, #tpu.memory_space<vmem_shared>> -> memref<128x64xf32, #tpu.memory_space<vmem_shared>>
      tpu.wait_dma2 semaphore(%run_scoped3A : memref<!tpu.dma_semaphore, #tpu.memory_space<semaphore_mem>>) src(%arg10 : memref<128x64xf32, #tpu.memory_space<vmem>>) dst(%dma_wait3A_43 : memref<128x64xf32, #tpu.memory_space<vmem_shared>>)
      tpu.yield
    }) : () -> ()
    %add3A_6 = arith.constant 384 : i32
    %add3A_7 = arith.addi %mul3A_0, %add3A_6 : i32
    "tpu.region"() ({
      %run_scoped3A = tpu.sem_alloc : memref<!tpu.dma_semaphore, #tpu.memory_space<semaphore_mem>>
      %dma_start3A = arith.constant 0 : i32
      %dma_start3A_38 = tpu.memref_slice %arg12[%add3A_7, %dma_start3A] : memref<10112x64xf32, #tpu.memory_space<vmem_shared>> -> memref<128x64xf32, #tpu.memory_space<vmem_shared>>
      %dma_start3A_39 = arith.constant 0 : i32
      %dma_start3A_40 = tpu.memref_slice %arg12[%add3A_7, %dma_start3A_39] : memref<10112x64xf32, #tpu.memory_space<vmem_shared>> -> memref<128x64xf32, #tpu.memory_space<vmem_shared>>
      tpu.enqueue_dma source(%arg10 : memref<128x64xf32, #tpu.memory_space<vmem>>) target(%dma_start3A_40 : memref<128x64xf32, #tpu.memory_space<vmem_shared>>) target_semaphore(%run_scoped3A : memref<!tpu.dma_semaphore, #tpu.memory_space<semaphore_mem>>)
      %dma_wait3A = arith.constant 0 : i32
      %dma_wait3A_41 = tpu.memref_slice %arg12[%add3A_7, %dma_wait3A] : memref<10112x64xf32, #tpu.memory_space<vmem_shared>> -> memref<128x64xf32, #tpu.memory_space<vmem_shared>>
      %dma_wait3A_42 = arith.constant 0 : i32
      %dma_wait3A_43 = tpu.memref_slice %arg12[%add3A_7, %dma_wait3A_42] : memref<10112x64xf32, #tpu.memory_space<vmem_shared>> -> memref<128x64xf32, #tpu.memory_space<vmem_shared>>
      tpu.wait_dma2 semaphore(%run_scoped3A : memref<!tpu.dma_semaphore, #tpu.memory_space<semaphore_mem>>) src(%arg10 : memref<128x64xf32, #tpu.memory_space<vmem>>) dst(%dma_wait3A_43 : memref<128x64xf32, #tpu.memory_space<vmem_shared>>)
      tpu.yield
    }) : () -> ()
    %add3A_8 = arith.constant 512 : i32
    %add3A_9 = arith.addi %mul3A_0, %add3A_8 : i32
    "tpu.region"() ({
      %run_scoped3A = tpu.sem_alloc : memref<!tpu.dma_semaphore, #tpu.memory_space<semaphore_mem>>
      %dma_start3A = arith.constant 0 : i32
      %dma_start3A_38 = arith.constant 0 : i32
      %dma_start3A_39 = tpu.memref_slice %arg10[%dma_start3A, %dma_start3A_38] : memref<128x64xf32, #tpu.memory_space<vmem>> -> memref<120x64xf32, #tpu.memory_space<vmem>>
      %dma_start3A_40 = arith.constant 0 : i32
      %dma_start3A_41 = tpu.memref_slice %arg12[%add3A_9, %dma_start3A_40] : memref<10112x64xf32, #tpu.memory_space<vmem_shared>> -> memref<120x64xf32, #tpu.memory_space<vmem_shared>>
      %dma_start3A_42 = arith.constant 0 : i32
      %dma_start3A_43 = tpu.memref_slice %arg12[%add3A_9, %dma_start3A_42] : memref<10112x64xf32, #tpu.memory_space<vmem_shared>> -> memref<120x64xf32, #tpu.memory_space<vmem_shared>>
      %dma_start3A_44 = arith.constant 0 : i32
      %dma_start3A_45 = arith.constant 0 : i32
      %dma_start3A_46 = tpu.memref_slice %arg10[%dma_start3A_44, %dma_start3A_45] : memref<128x64xf32, #tpu.memory_space<vmem>> -> memref<120x64xf32, #tpu.memory_space<vmem>>
      tpu.enqueue_dma source(%dma_start3A_46 : memref<120x64xf32, #tpu.memory_space<vmem>>) target(%dma_start3A_43 : memref<120x64xf32, #tpu.memory_space<vmem_shared>>) target_semaphore(%run_scoped3A : memref<!tpu.dma_semaphore, #tpu.memory_space<semaphore_mem>>)
      %dma_wait3A = arith.constant 0 : i32
      %dma_wait3A_47 = arith.constant 0 : i32
      %dma_wait3A_48 = tpu.memref_slice %arg10[%dma_wait3A, %dma_wait3A_47] : memref<128x64xf32, #tpu.memory_space<vmem>> -> memref<120x64xf32, #tpu.memory_space<vmem>>
      %dma_wait3A_49 = arith.constant 0 : i32
      %dma_wait3A_50 = tpu.memref_slice %arg12[%add3A_9, %dma_wait3A_49] : memref<10112x64xf32, #tpu.memory_space<vmem_shared>> -> memref<120x64xf32, #tpu.memory_space<vmem_shared>>
      %dma_wait3A_51 = arith.constant 0 : i32
      %dma_wait3A_52 = tpu.memref_slice %arg12[%add3A_9, %dma_wait3A_51] : memref<10112x64xf32, #tpu.memory_space<vmem_shared>> -> memref<120x64xf32, #tpu.memory_space<vmem_shared>>
      %dma_wait3A_53 = arith.constant 0 : i32
      %dma_wait3A_54 = arith.constant 0 : i32
      %dma_wait3A_55 = tpu.memref_slice %arg10[%dma_wait3A_53, %dma_wait3A_54] : memref<128x64xf32, #tpu.memory_space<vmem>> -> memref<120x64xf32, #tpu.memory_space<vmem>>
      tpu.wait_dma2 semaphore(%run_scoped3A : memref<!tpu.dma_semaphore, #tpu.memory_space<semaphore_mem>>) src(%dma_wait3A_55 : memref<120x64xf32, #tpu.memory_space<vmem>>) dst(%dma_wait3A_52 : memref<120x64xf32, #tpu.memory_space<vmem_shared>>)
      tpu.yield
    }) : () -> ()
    %barrier3A = arith.constant 0 : index
    tpu.barrier barrier_id(%barrier3A)
    %eq3A = arith.constant 0 : i32
    %eq3A_10 = arith.cmpi eq, %arg0, %eq3A : i32
    %convert_element_type3A = arith.extui %eq3A_10 : i1 to i32
    %cond3A = arith.constant 0 : i32
    %cond3A_11 = arith.cmpi ne, %convert_element_type3A, %cond3A : i32
    scf.if %cond3A_11 {
      %dma_start3A = arith.constant 0 : i32
      %dma_start3A_38 = arith.constant 0 : i32
      %dma_start3A_39 = tpu.memref_slice %arg8[%dma_start3A, %dma_start3A_38] : memref<158x128xi32, #tpu.memory_space<vmem>> -> memref<1x128xi32, #tpu.memory_space<vmem>>
      %dma_start3A_40 = tpu.memref_squeeze %dma_start3A_39 : memref<1x128xi32, #tpu.memory_space<vmem>> -> memref<128xi32, #tpu.memory_space<vmem>>
      %dma_start3A_41 = arith.constant 0 : i32
      %dma_start3A_42 = arith.constant 0 : i32
      %dma_start3A_43 = tpu.memref_slice %arg2[%dma_start3A_41, %dma_start3A_42] : memref<10112x64xf32, #tpu.memory_space<hbm>> -> memref<10112x64xf32, #tpu.memory_space<hbm>>
      tpu.enqueue_indirect_dma source(%dma_start3A_43 : memref<10112x64xf32, #tpu.memory_space<hbm>>) target(%arg10 : memref<128x64xf32, #tpu.memory_space<vmem>>) offsets(%dma_start3A_40 : memref<128xi32, #tpu.memory_space<vmem>>) semaphore(%arg13 : memref<!tpu.dma_semaphore, #tpu.memory_space<semaphore_mem>>)
      %scan3A = arith.constant 0 : i32
      %scan3A_44 = arith.constant 0 : i32
      %scan3A_45 = arith.constant 79 : i32
      %scan3A_46 = arith.addi %scan3A_44, %scan3A_45 : i32
      %scan3A_47 = arith.constant 1 : i32
      %scan3A_48 = scf.for %scan3A_50 = %scan3A_44 to %scan3A_46 step %scan3A_47 iter_args(%scan3A_51 = %scan3A) -> (i32)  : i32 {
        %mul3A_52 = arith.constant 2 : i32
        %mul3A_53 = arith.muli %scan3A_50, %mul3A_52 : i32
        %dma_wait3A = arith.constant 0 : i32
        %dma_wait3A_54 = arith.constant 0 : i32
        %dma_wait3A_55 = tpu.memref_slice %arg2[%dma_wait3A, %dma_wait3A_54] : memref<10112x64xf32, #tpu.memory_space<hbm>> -> memref<128x64xf32, #tpu.memory_space<hbm>>
        %dma_wait3A_56 = arith.constant 0 : i32
        %dma_wait3A_57 = arith.constant 0 : i32
        %dma_wait3A_58 = tpu.memref_slice %arg2[%dma_wait3A_56, %dma_wait3A_57] : memref<10112x64xf32, #tpu.memory_space<hbm>> -> memref<128x64xf32, #tpu.memory_space<hbm>>
        tpu.wait_dma2 semaphore(%arg13 : memref<!tpu.dma_semaphore, #tpu.memory_space<semaphore_mem>>) src(%dma_wait3A_58 : memref<128x64xf32, #tpu.memory_space<hbm>>) dst(%arg10 : memref<128x64xf32, #tpu.memory_space<vmem>>)
        %add3A_59 = arith.constant 1 : i32
        %add3A_60 = arith.addi %mul3A_53, %add3A_59 : i32
        %dma_start3A_61 = arith.constant 0 : i32
        %dma_start3A_62 = tpu.memref_slice %arg8[%add3A_60, %dma_start3A_61] : memref<158x128xi32, #tpu.memory_space<vmem>> -> memref<1x128xi32, #tpu.memory_space<vmem>>
        %dma_start3A_63 = tpu.memref_squeeze %dma_start3A_62 : memref<1x128xi32, #tpu.memory_space<vmem>> -> memref<128xi32, #tpu.memory_space<vmem>>
        %dma_start3A_64 = arith.constant 0 : i32
        %dma_start3A_65 = arith.constant 0 : i32
        %dma_start3A_66 = tpu.memref_slice %arg2[%dma_start3A_64, %dma_start3A_65] : memref<10112x64xf32, #tpu.memory_space<hbm>> -> memref<10112x64xf32, #tpu.memory_space<hbm>>
        tpu.enqueue_indirect_dma source(%dma_start3A_66 : memref<10112x64xf32, #tpu.memory_space<hbm>>) target(%arg11 : memref<128x64xf32, #tpu.memory_space<vmem>>) offsets(%dma_start3A_63 : memref<128xi32, #tpu.memory_space<vmem>>) semaphore(%arg13 : memref<!tpu.dma_semaphore, #tpu.memory_space<semaphore_mem>>)
        "tpu.region"() ({
          %run_scoped3A = tpu.sem_alloc : memref<!tpu.dma_semaphore, #tpu.memory_space<semaphore_mem>>
          %dma_start3A_82 = arith.constant 0 : i32
          %dma_start3A_83 = tpu.memref_slice %arg9[%mul3A_53, %dma_start3A_82] : memref<158x128xi32, #tpu.memory_space<vmem>> -> memref<1x128xi32, #tpu.memory_space<vmem>>
          %dma_start3A_84 = tpu.memref_squeeze %dma_start3A_83 : memref<1x128xi32, #tpu.memory_space<vmem>> -> memref<128xi32, #tpu.memory_space<vmem>>
          %dma_start3A_85 = arith.constant 0 : i32
          %dma_start3A_86 = arith.constant 0 : i32
          %dma_start3A_87 = tpu.memref_slice %arg12[%dma_start3A_85, %dma_start3A_86] : memref<10112x64xf32, #tpu.memory_space<vmem_shared>> -> memref<10112x64xf32, #tpu.memory_space<vmem_shared>>
          tpu.enqueue_indirect_dma source(%arg10 : memref<128x64xf32, #tpu.memory_space<vmem>>) target(%dma_start3A_87 : memref<10112x64xf32, #tpu.memory_space<vmem_shared>>) offsets(%dma_start3A_84 : memref<128xi32, #tpu.memory_space<vmem>>) semaphore(%run_scoped3A : memref<!tpu.dma_semaphore, #tpu.memory_space<semaphore_mem>>) {add = true}
          %dma_wait3A_88 = arith.constant 0 : i32
          %dma_wait3A_89 = tpu.memref_slice %arg9[%mul3A_53, %dma_wait3A_88] : memref<158x128xi32, #tpu.memory_space<vmem>> -> memref<1x128xi32, #tpu.memory_space<vmem>>
          %dma_wait3A_90 = tpu.memref_squeeze %dma_wait3A_89 : memref<1x128xi32, #tpu.memory_space<vmem>> -> memref<128xi32, #tpu.memory_space<vmem>>
          %dma_wait3A_91 = arith.constant 0 : i32
          %dma_wait3A_92 = arith.constant 0 : i32
          %dma_wait3A_93 = tpu.memref_slice %arg12[%dma_wait3A_91, %dma_wait3A_92] : memref<10112x64xf32, #tpu.memory_space<vmem_shared>> -> memref<10112x64xf32, #tpu.memory_space<vmem_shared>>
          tpu.wait_indirect_dma semaphore(%run_scoped3A : memref<!tpu.dma_semaphore, #tpu.memory_space<semaphore_mem>>) src(%arg10 : memref<128x64xf32, #tpu.memory_space<vmem>>) dst(%dma_wait3A_93 : memref<10112x64xf32, #tpu.memory_space<vmem_shared>>)
          tpu.yield
        }) : () -> ()
        %dma_wait3A_67 = arith.constant 0 : i32
        %dma_wait3A_68 = arith.constant 0 : i32
        %dma_wait3A_69 = tpu.memref_slice %arg2[%dma_wait3A_67, %dma_wait3A_68] : memref<10112x64xf32, #tpu.memory_space<hbm>> -> memref<128x64xf32, #tpu.memory_space<hbm>>
        %dma_wait3A_70 = arith.constant 0 : i32
        %dma_wait3A_71 = arith.constant 0 : i32
        %dma_wait3A_72 = tpu.memref_slice %arg2[%dma_wait3A_70, %dma_wait3A_71] : memref<10112x64xf32, #tpu.memory_space<hbm>> -> memref<128x64xf32, #tpu.memory_space<hbm>>
        tpu.wait_dma2 semaphore(%arg13 : memref<!tpu.dma_semaphore, #tpu.memory_space<semaphore_mem>>) src(%dma_wait3A_72 : memref<128x64xf32, #tpu.memory_space<hbm>>) dst(%arg11 : memref<128x64xf32, #tpu.memory_space<vmem>>)
        %add3A_73 = arith.constant 2 : i32
        %add3A_74 = arith.addi %mul3A_53, %add3A_73 : i32
        %lt3A = arith.constant 158 : i32
        %lt3A_75 = arith.cmpi slt, %add3A_74, %lt3A : i32
        %convert_element_type3A_76 = arith.extui %lt3A_75 : i1 to i32
        %cond3A_77 = arith.constant 0 : i32
        %cond3A_78 = arith.cmpi ne, %convert_element_type3A_76, %cond3A_77 : i32
        scf.if %cond3A_78 {
          %add3A_82 = arith.constant 2 : i32
          %add3A_83 = arith.addi %mul3A_53, %add3A_82 : i32
          %dma_start3A_84 = arith.constant 0 : i32
          %dma_start3A_85 = tpu.memref_slice %arg8[%add3A_83, %dma_start3A_84] : memref<158x128xi32, #tpu.memory_space<vmem>> -> memref<1x128xi32, #tpu.memory_space<vmem>>
          %dma_start3A_86 = tpu.memref_squeeze %dma_start3A_85 : memref<1x128xi32, #tpu.memory_space<vmem>> -> memref<128xi32, #tpu.memory_space<vmem>>
          %dma_start3A_87 = arith.constant 0 : i32
          %dma_start3A_88 = arith.constant 0 : i32
          %dma_start3A_89 = tpu.memref_slice %arg2[%dma_start3A_87, %dma_start3A_88] : memref<10112x64xf32, #tpu.memory_space<hbm>> -> memref<10112x64xf32, #tpu.memory_space<hbm>>
          tpu.enqueue_indirect_dma source(%dma_start3A_89 : memref<10112x64xf32, #tpu.memory_space<hbm>>) target(%arg10 : memref<128x64xf32, #tpu.memory_space<vmem>>) offsets(%dma_start3A_86 : memref<128xi32, #tpu.memory_space<vmem>>) semaphore(%arg13 : memref<!tpu.dma_semaphore, #tpu.memory_space<semaphore_mem>>)
        } else {
        }
        %add3A_79 = arith.constant 1 : i32
        %add3A_80 = arith.addi %mul3A_53, %add3A_79 : i32
        "tpu.region"() ({
          %run_scoped3A = tpu.sem_alloc : memref<!tpu.dma_semaphore, #tpu.memory_space<semaphore_mem>>
          %dma_start3A_82 = arith.constant 0 : i32
          %dma_start3A_83 = tpu.memref_slice %arg9[%add3A_80, %dma_start3A_82] : memref<158x128xi32, #tpu.memory_space<vmem>> -> memref<1x128xi32, #tpu.memory_space<vmem>>
          %dma_start3A_84 = tpu.memref_squeeze %dma_start3A_83 : memref<1x128xi32, #tpu.memory_space<vmem>> -> memref<128xi32, #tpu.memory_space<vmem>>
          %dma_start3A_85 = arith.constant 0 : i32
          %dma_start3A_86 = arith.constant 0 : i32
          %dma_start3A_87 = tpu.memref_slice %arg12[%dma_start3A_85, %dma_start3A_86] : memref<10112x64xf32, #tpu.memory_space<vmem_shared>> -> memref<10112x64xf32, #tpu.memory_space<vmem_shared>>
          tpu.enqueue_indirect_dma source(%arg11 : memref<128x64xf32, #tpu.memory_space<vmem>>) target(%dma_start3A_87 : memref<10112x64xf32, #tpu.memory_space<vmem_shared>>) offsets(%dma_start3A_84 : memref<128xi32, #tpu.memory_space<vmem>>) semaphore(%run_scoped3A : memref<!tpu.dma_semaphore, #tpu.memory_space<semaphore_mem>>) {add = true}
          %dma_wait3A_88 = arith.constant 0 : i32
          %dma_wait3A_89 = tpu.memref_slice %arg9[%add3A_80, %dma_wait3A_88] : memref<158x128xi32, #tpu.memory_space<vmem>> -> memref<1x128xi32, #tpu.memory_space<vmem>>
          %dma_wait3A_90 = tpu.memref_squeeze %dma_wait3A_89 : memref<1x128xi32, #tpu.memory_space<vmem>> -> memref<128xi32, #tpu.memory_space<vmem>>
          %dma_wait3A_91 = arith.constant 0 : i32
          %dma_wait3A_92 = arith.constant 0 : i32
          %dma_wait3A_93 = tpu.memref_slice %arg12[%dma_wait3A_91, %dma_wait3A_92] : memref<10112x64xf32, #tpu.memory_space<vmem_shared>> -> memref<10112x64xf32, #tpu.memory_space<vmem_shared>>
          tpu.wait_indirect_dma semaphore(%run_scoped3A : memref<!tpu.dma_semaphore, #tpu.memory_space<semaphore_mem>>) src(%arg11 : memref<128x64xf32, #tpu.memory_space<vmem>>) dst(%dma_wait3A_93 : memref<10112x64xf32, #tpu.memory_space<vmem_shared>>)
          tpu.yield
        }) : () -> ()
        %scan3A_81 = arith.constant 0 : i32
        scf.yield %scan3A_81 : i32
      }
      %scan3A_49 = arith.constant 79 : i32
    } else {
    }
    %eq3A_12 = arith.constant 1 : i32
    %eq3A_13 = arith.cmpi eq, %arg0, %eq3A_12 : i32
    %convert_element_type3A_14 = arith.extui %eq3A_13 : i1 to i32
    %cond3A_15 = arith.constant 0 : i32
    %cond3A_16 = arith.cmpi ne, %convert_element_type3A_14, %cond3A_15 : i32
    scf.if %cond3A_16 {
      %dma_start3A = arith.constant 0 : i32
      %dma_start3A_38 = arith.constant 0 : i32
      %dma_start3A_39 = tpu.memref_slice %arg8[%dma_start3A, %dma_start3A_38] : memref<158x128xi32, #tpu.memory_space<vmem>> -> memref<1x128xi32, #tpu.memory_space<vmem>>
      %dma_start3A_40 = tpu.memref_squeeze %dma_start3A_39 : memref<1x128xi32, #tpu.memory_space<vmem>> -> memref<128xi32, #tpu.memory_space<vmem>>
      %dma_start3A_41 = arith.constant 0 : i32
      %dma_start3A_42 = arith.constant 0 : i32
      %dma_start3A_43 = tpu.memref_slice %arg3[%dma_start3A_41, %dma_start3A_42] : memref<10112x64xf32, #tpu.memory_space<hbm>> -> memref<10112x64xf32, #tpu.memory_space<hbm>>
      tpu.enqueue_indirect_dma source(%dma_start3A_43 : memref<10112x64xf32, #tpu.memory_space<hbm>>) target(%arg10 : memref<128x64xf32, #tpu.memory_space<vmem>>) offsets(%dma_start3A_40 : memref<128xi32, #tpu.memory_space<vmem>>) semaphore(%arg13 : memref<!tpu.dma_semaphore, #tpu.memory_space<semaphore_mem>>)
      %scan3A = arith.constant 0 : i32
      %scan3A_44 = arith.constant 0 : i32
      %scan3A_45 = arith.constant 79 : i32
      %scan3A_46 = arith.addi %scan3A_44, %scan3A_45 : i32
      %scan3A_47 = arith.constant 1 : i32
      %scan3A_48 = scf.for %scan3A_50 = %scan3A_44 to %scan3A_46 step %scan3A_47 iter_args(%scan3A_51 = %scan3A) -> (i32)  : i32 {
        %mul3A_52 = arith.constant 2 : i32
        %mul3A_53 = arith.muli %scan3A_50, %mul3A_52 : i32
        %dma_wait3A = arith.constant 0 : i32
        %dma_wait3A_54 = arith.constant 0 : i32
        %dma_wait3A_55 = tpu.memref_slice %arg3[%dma_wait3A, %dma_wait3A_54] : memref<10112x64xf32, #tpu.memory_space<hbm>> -> memref<128x64xf32, #tpu.memory_space<hbm>>
        %dma_wait3A_56 = arith.constant 0 : i32
        %dma_wait3A_57 = arith.constant 0 : i32
        %dma_wait3A_58 = tpu.memref_slice %arg3[%dma_wait3A_56, %dma_wait3A_57] : memref<10112x64xf32, #tpu.memory_space<hbm>> -> memref<128x64xf32, #tpu.memory_space<hbm>>
        tpu.wait_dma2 semaphore(%arg13 : memref<!tpu.dma_semaphore, #tpu.memory_space<semaphore_mem>>) src(%dma_wait3A_58 : memref<128x64xf32, #tpu.memory_space<hbm>>) dst(%arg10 : memref<128x64xf32, #tpu.memory_space<vmem>>)
        %add3A_59 = arith.constant 1 : i32
        %add3A_60 = arith.addi %mul3A_53, %add3A_59 : i32
        %dma_start3A_61 = arith.constant 0 : i32
        %dma_start3A_62 = tpu.memref_slice %arg8[%add3A_60, %dma_start3A_61] : memref<158x128xi32, #tpu.memory_space<vmem>> -> memref<1x128xi32, #tpu.memory_space<vmem>>
        %dma_start3A_63 = tpu.memref_squeeze %dma_start3A_62 : memref<1x128xi32, #tpu.memory_space<vmem>> -> memref<128xi32, #tpu.memory_space<vmem>>
        %dma_start3A_64 = arith.constant 0 : i32
        %dma_start3A_65 = arith.constant 0 : i32
        %dma_start3A_66 = tpu.memref_slice %arg3[%dma_start3A_64, %dma_start3A_65] : memref<10112x64xf32, #tpu.memory_space<hbm>> -> memref<10112x64xf32, #tpu.memory_space<hbm>>
        tpu.enqueue_indirect_dma source(%dma_start3A_66 : memref<10112x64xf32, #tpu.memory_space<hbm>>) target(%arg11 : memref<128x64xf32, #tpu.memory_space<vmem>>) offsets(%dma_start3A_63 : memref<128xi32, #tpu.memory_space<vmem>>) semaphore(%arg13 : memref<!tpu.dma_semaphore, #tpu.memory_space<semaphore_mem>>)
        "tpu.region"() ({
          %run_scoped3A = tpu.sem_alloc : memref<!tpu.dma_semaphore, #tpu.memory_space<semaphore_mem>>
          %dma_start3A_82 = arith.constant 0 : i32
          %dma_start3A_83 = tpu.memref_slice %arg9[%mul3A_53, %dma_start3A_82] : memref<158x128xi32, #tpu.memory_space<vmem>> -> memref<1x128xi32, #tpu.memory_space<vmem>>
          %dma_start3A_84 = tpu.memref_squeeze %dma_start3A_83 : memref<1x128xi32, #tpu.memory_space<vmem>> -> memref<128xi32, #tpu.memory_space<vmem>>
          %dma_start3A_85 = arith.constant 0 : i32
          %dma_start3A_86 = arith.constant 0 : i32
          %dma_start3A_87 = tpu.memref_slice %arg12[%dma_start3A_85, %dma_start3A_86] : memref<10112x64xf32, #tpu.memory_space<vmem_shared>> -> memref<10112x64xf32, #tpu.memory_space<vmem_shared>>
          tpu.enqueue_indirect_dma source(%arg10 : memref<128x64xf32, #tpu.memory_space<vmem>>) target(%dma_start3A_87 : memref<10112x64xf32, #tpu.memory_space<vmem_shared>>) offsets(%dma_start3A_84 : memref<128xi32, #tpu.memory_space<vmem>>) semaphore(%run_scoped3A : memref<!tpu.dma_semaphore, #tpu.memory_space<semaphore_mem>>) {add = true}
          %dma_wait3A_88 = arith.constant 0 : i32
          %dma_wait3A_89 = tpu.memref_slice %arg9[%mul3A_53, %dma_wait3A_88] : memref<158x128xi32, #tpu.memory_space<vmem>> -> memref<1x128xi32, #tpu.memory_space<vmem>>
          %dma_wait3A_90 = tpu.memref_squeeze %dma_wait3A_89 : memref<1x128xi32, #tpu.memory_space<vmem>> -> memref<128xi32, #tpu.memory_space<vmem>>
          %dma_wait3A_91 = arith.constant 0 : i32
          %dma_wait3A_92 = arith.constant 0 : i32
          %dma_wait3A_93 = tpu.memref_slice %arg12[%dma_wait3A_91, %dma_wait3A_92] : memref<10112x64xf32, #tpu.memory_space<vmem_shared>> -> memref<10112x64xf32, #tpu.memory_space<vmem_shared>>
          tpu.wait_indirect_dma semaphore(%run_scoped3A : memref<!tpu.dma_semaphore, #tpu.memory_space<semaphore_mem>>) src(%arg10 : memref<128x64xf32, #tpu.memory_space<vmem>>) dst(%dma_wait3A_93 : memref<10112x64xf32, #tpu.memory_space<vmem_shared>>)
          tpu.yield
        }) : () -> ()
        %dma_wait3A_67 = arith.constant 0 : i32
        %dma_wait3A_68 = arith.constant 0 : i32
        %dma_wait3A_69 = tpu.memref_slice %arg3[%dma_wait3A_67, %dma_wait3A_68] : memref<10112x64xf32, #tpu.memory_space<hbm>> -> memref<128x64xf32, #tpu.memory_space<hbm>>
        %dma_wait3A_70 = arith.constant 0 : i32
        %dma_wait3A_71 = arith.constant 0 : i32
        %dma_wait3A_72 = tpu.memref_slice %arg3[%dma_wait3A_70, %dma_wait3A_71] : memref<10112x64xf32, #tpu.memory_space<hbm>> -> memref<128x64xf32, #tpu.memory_space<hbm>>
        tpu.wait_dma2 semaphore(%arg13 : memref<!tpu.dma_semaphore, #tpu.memory_space<semaphore_mem>>) src(%dma_wait3A_72 : memref<128x64xf32, #tpu.memory_space<hbm>>) dst(%arg11 : memref<128x64xf32, #tpu.memory_space<vmem>>)
        %add3A_73 = arith.constant 2 : i32
        %add3A_74 = arith.addi %mul3A_53, %add3A_73 : i32
        %lt3A = arith.constant 158 : i32
        %lt3A_75 = arith.cmpi slt, %add3A_74, %lt3A : i32
        %convert_element_type3A_76 = arith.extui %lt3A_75 : i1 to i32
        %cond3A_77 = arith.constant 0 : i32
        %cond3A_78 = arith.cmpi ne, %convert_element_type3A_76, %cond3A_77 : i32
        scf.if %cond3A_78 {
          %add3A_82 = arith.constant 2 : i32
          %add3A_83 = arith.addi %mul3A_53, %add3A_82 : i32
          %dma_start3A_84 = arith.constant 0 : i32
          %dma_start3A_85 = tpu.memref_slice %arg8[%add3A_83, %dma_start3A_84] : memref<158x128xi32, #tpu.memory_space<vmem>> -> memref<1x128xi32, #tpu.memory_space<vmem>>
          %dma_start3A_86 = tpu.memref_squeeze %dma_start3A_85 : memref<1x128xi32, #tpu.memory_space<vmem>> -> memref<128xi32, #tpu.memory_space<vmem>>
          %dma_start3A_87 = arith.constant 0 : i32
          %dma_start3A_88 = arith.constant 0 : i32
          %dma_start3A_89 = tpu.memref_slice %arg3[%dma_start3A_87, %dma_start3A_88] : memref<10112x64xf32, #tpu.memory_space<hbm>> -> memref<10112x64xf32, #tpu.memory_space<hbm>>
          tpu.enqueue_indirect_dma source(%dma_start3A_89 : memref<10112x64xf32, #tpu.memory_space<hbm>>) target(%arg10 : memref<128x64xf32, #tpu.memory_space<vmem>>) offsets(%dma_start3A_86 : memref<128xi32, #tpu.memory_space<vmem>>) semaphore(%arg13 : memref<!tpu.dma_semaphore, #tpu.memory_space<semaphore_mem>>)
        } else {
        }
        %add3A_79 = arith.constant 1 : i32
        %add3A_80 = arith.addi %mul3A_53, %add3A_79 : i32
        "tpu.region"() ({
          %run_scoped3A = tpu.sem_alloc : memref<!tpu.dma_semaphore, #tpu.memory_space<semaphore_mem>>
          %dma_start3A_82 = arith.constant 0 : i32
          %dma_start3A_83 = tpu.memref_slice %arg9[%add3A_80, %dma_start3A_82] : memref<158x128xi32, #tpu.memory_space<vmem>> -> memref<1x128xi32, #tpu.memory_space<vmem>>
          %dma_start3A_84 = tpu.memref_squeeze %dma_start3A_83 : memref<1x128xi32, #tpu.memory_space<vmem>> -> memref<128xi32, #tpu.memory_space<vmem>>
          %dma_start3A_85 = arith.constant 0 : i32
          %dma_start3A_86 = arith.constant 0 : i32
          %dma_start3A_87 = tpu.memref_slice %arg12[%dma_start3A_85, %dma_start3A_86] : memref<10112x64xf32, #tpu.memory_space<vmem_shared>> -> memref<10112x64xf32, #tpu.memory_space<vmem_shared>>
          tpu.enqueue_indirect_dma source(%arg11 : memref<128x64xf32, #tpu.memory_space<vmem>>) target(%dma_start3A_87 : memref<10112x64xf32, #tpu.memory_space<vmem_shared>>) offsets(%dma_start3A_84 : memref<128xi32, #tpu.memory_space<vmem>>) semaphore(%run_scoped3A : memref<!tpu.dma_semaphore, #tpu.memory_space<semaphore_mem>>) {add = true}
          %dma_wait3A_88 = arith.constant 0 : i32
          %dma_wait3A_89 = tpu.memref_slice %arg9[%add3A_80, %dma_wait3A_88] : memref<158x128xi32, #tpu.memory_space<vmem>> -> memref<1x128xi32, #tpu.memory_space<vmem>>
          %dma_wait3A_90 = tpu.memref_squeeze %dma_wait3A_89 : memref<1x128xi32, #tpu.memory_space<vmem>> -> memref<128xi32, #tpu.memory_space<vmem>>
          %dma_wait3A_91 = arith.constant 0 : i32
          %dma_wait3A_92 = arith.constant 0 : i32
          %dma_wait3A_93 = tpu.memref_slice %arg12[%dma_wait3A_91, %dma_wait3A_92] : memref<10112x64xf32, #tpu.memory_space<vmem_shared>> -> memref<10112x64xf32, #tpu.memory_space<vmem_shared>>
          tpu.wait_indirect_dma semaphore(%run_scoped3A : memref<!tpu.dma_semaphore, #tpu.memory_space<semaphore_mem>>) src(%arg11 : memref<128x64xf32, #tpu.memory_space<vmem>>) dst(%dma_wait3A_93 : memref<10112x64xf32, #tpu.memory_space<vmem_shared>>)
          tpu.yield
        }) : () -> ()
        %scan3A_81 = arith.constant 0 : i32
        scf.yield %scan3A_81 : i32
      }
      %scan3A_49 = arith.constant 79 : i32
    } else {
    }
    %barrier3A_17 = arith.constant 0 : index
    tpu.barrier barrier_id(%barrier3A_17)
    %add3A_18 = arith.constant 0 : i32
    %add3A_19 = arith.addi %mul3A_0, %add3A_18 : i32
    "tpu.region"() ({
      %run_scoped3A = tpu.sem_alloc : memref<!tpu.dma_semaphore, #tpu.memory_space<semaphore_mem>>
      %dma_start3A = arith.constant 0 : i32
      %dma_start3A_38 = tpu.memref_slice %arg12[%add3A_19, %dma_start3A] : memref<10112x64xf32, #tpu.memory_space<vmem_shared>> -> memref<128x64xf32, #tpu.memory_space<vmem_shared>>
      %dma_start3A_39 = arith.constant 0 : i32
      %dma_start3A_40 = tpu.memref_slice %arg12[%add3A_19, %dma_start3A_39] : memref<10112x64xf32, #tpu.memory_space<vmem_shared>> -> memref<128x64xf32, #tpu.memory_space<vmem_shared>>
      tpu.enqueue_dma source(%dma_start3A_40 : memref<128x64xf32, #tpu.memory_space<vmem_shared>>) target(%arg10 : memref<128x64xf32, #tpu.memory_space<vmem>>) target_semaphore(%run_scoped3A : memref<!tpu.dma_semaphore, #tpu.memory_space<semaphore_mem>>)
      %dma_wait3A = arith.constant 0 : i32
      %dma_wait3A_41 = tpu.memref_slice %arg12[%add3A_19, %dma_wait3A] : memref<10112x64xf32, #tpu.memory_space<vmem_shared>> -> memref<128x64xf32, #tpu.memory_space<vmem_shared>>
      %dma_wait3A_42 = arith.constant 0 : i32
      %dma_wait3A_43 = tpu.memref_slice %arg12[%add3A_19, %dma_wait3A_42] : memref<10112x64xf32, #tpu.memory_space<vmem_shared>> -> memref<128x64xf32, #tpu.memory_space<vmem_shared>>
      tpu.wait_dma2 semaphore(%run_scoped3A : memref<!tpu.dma_semaphore, #tpu.memory_space<semaphore_mem>>) src(%dma_wait3A_43 : memref<128x64xf32, #tpu.memory_space<vmem_shared>>) dst(%arg10 : memref<128x64xf32, #tpu.memory_space<vmem>>)
      tpu.yield
    }) : () -> ()
    %add3A_20 = arith.constant 0 : i32
    %add3A_21 = arith.addi %mul3A_0, %add3A_20 : i32
    "tpu.region"() ({
      %run_scoped3A = tpu.sem_alloc : memref<!tpu.dma_semaphore, #tpu.memory_space<semaphore_mem>>
      %dma_start3A = arith.constant 0 : i32
      %dma_start3A_38 = tpu.memref_slice %arg7[%arg0, %add3A_21, %dma_start3A] : memref<2x10112x64xf32, #tpu.memory_space<hbm>> -> memref<1x128x64xf32, #tpu.memory_space<hbm>>
      %dma_start3A_39 = tpu.memref_squeeze %dma_start3A_38 : memref<1x128x64xf32, #tpu.memory_space<hbm>> -> memref<128x64xf32, #tpu.memory_space<hbm>>
      %dma_start3A_40 = arith.constant 0 : i32
      %dma_start3A_41 = tpu.memref_slice %arg7[%arg0, %add3A_21, %dma_start3A_40] : memref<2x10112x64xf32, #tpu.memory_space<hbm>> -> memref<1x128x64xf32, #tpu.memory_space<hbm>>
      %dma_start3A_42 = tpu.memref_squeeze %dma_start3A_41 : memref<1x128x64xf32, #tpu.memory_space<hbm>> -> memref<128x64xf32, #tpu.memory_space<hbm>>
      tpu.enqueue_dma source(%arg10 : memref<128x64xf32, #tpu.memory_space<vmem>>) target(%dma_start3A_42 : memref<128x64xf32, #tpu.memory_space<hbm>>) target_semaphore(%run_scoped3A : memref<!tpu.dma_semaphore, #tpu.memory_space<semaphore_mem>>)
      %dma_wait3A = arith.constant 0 : i32
      %dma_wait3A_43 = tpu.memref_slice %arg7[%arg0, %add3A_21, %dma_wait3A] : memref<2x10112x64xf32, #tpu.memory_space<hbm>> -> memref<1x128x64xf32, #tpu.memory_space<hbm>>
      %dma_wait3A_44 = tpu.memref_squeeze %dma_wait3A_43 : memref<1x128x64xf32, #tpu.memory_space<hbm>> -> memref<128x64xf32, #tpu.memory_space<hbm>>
      %dma_wait3A_45 = arith.constant 0 : i32
      %dma_wait3A_46 = tpu.memref_slice %arg7[%arg0, %add3A_21, %dma_wait3A_45] : memref<2x10112x64xf32, #tpu.memory_space<hbm>> -> memref<1x128x64xf32, #tpu.memory_space<hbm>>
      %dma_wait3A_47 = tpu.memref_squeeze %dma_wait3A_46 : memref<1x128x64xf32, #tpu.memory_space<hbm>> -> memref<128x64xf32, #tpu.memory_space<hbm>>
      tpu.wait_dma2 semaphore(%run_scoped3A : memref<!tpu.dma_semaphore, #tpu.memory_space<semaphore_mem>>) src(%arg10 : memref<128x64xf32, #tpu.memory_space<vmem>>) dst(%dma_wait3A_47 : memref<128x64xf32, #tpu.memory_space<hbm>>)
      tpu.yield
    }) : () -> ()
    %add3A_22 = arith.constant 128 : i32
    %add3A_23 = arith.addi %mul3A_0, %add3A_22 : i32
    "tpu.region"() ({
      %run_scoped3A = tpu.sem_alloc : memref<!tpu.dma_semaphore, #tpu.memory_space<semaphore_mem>>
      %dma_start3A = arith.constant 0 : i32
      %dma_start3A_38 = tpu.memref_slice %arg12[%add3A_23, %dma_start3A] : memref<10112x64xf32, #tpu.memory_space<vmem_shared>> -> memref<128x64xf32, #tpu.memory_space<vmem_shared>>
      %dma_start3A_39 = arith.constant 0 : i32
      %dma_start3A_40 = tpu.memref_slice %arg12[%add3A_23, %dma_start3A_39] : memref<10112x64xf32, #tpu.memory_space<vmem_shared>> -> memref<128x64xf32, #tpu.memory_space<vmem_shared>>
      tpu.enqueue_dma source(%dma_start3A_40 : memref<128x64xf32, #tpu.memory_space<vmem_shared>>) target(%arg11 : memref<128x64xf32, #tpu.memory_space<vmem>>) target_semaphore(%run_scoped3A : memref<!tpu.dma_semaphore, #tpu.memory_space<semaphore_mem>>)
      %dma_wait3A = arith.constant 0 : i32
      %dma_wait3A_41 = tpu.memref_slice %arg12[%add3A_23, %dma_wait3A] : memref<10112x64xf32, #tpu.memory_space<vmem_shared>> -> memref<128x64xf32, #tpu.memory_space<vmem_shared>>
      %dma_wait3A_42 = arith.constant 0 : i32
      %dma_wait3A_43 = tpu.memref_slice %arg12[%add3A_23, %dma_wait3A_42] : memref<10112x64xf32, #tpu.memory_space<vmem_shared>> -> memref<128x64xf32, #tpu.memory_space<vmem_shared>>
      tpu.wait_dma2 semaphore(%run_scoped3A : memref<!tpu.dma_semaphore, #tpu.memory_space<semaphore_mem>>) src(%dma_wait3A_43 : memref<128x64xf32, #tpu.memory_space<vmem_shared>>) dst(%arg11 : memref<128x64xf32, #tpu.memory_space<vmem>>)
      tpu.yield
    }) : () -> ()
    %add3A_24 = arith.constant 128 : i32
    %add3A_25 = arith.addi %mul3A_0, %add3A_24 : i32
    "tpu.region"() ({
      %run_scoped3A = tpu.sem_alloc : memref<!tpu.dma_semaphore, #tpu.memory_space<semaphore_mem>>
      %dma_start3A = arith.constant 0 : i32
      %dma_start3A_38 = tpu.memref_slice %arg7[%arg0, %add3A_25, %dma_start3A] : memref<2x10112x64xf32, #tpu.memory_space<hbm>> -> memref<1x128x64xf32, #tpu.memory_space<hbm>>
      %dma_start3A_39 = tpu.memref_squeeze %dma_start3A_38 : memref<1x128x64xf32, #tpu.memory_space<hbm>> -> memref<128x64xf32, #tpu.memory_space<hbm>>
      %dma_start3A_40 = arith.constant 0 : i32
      %dma_start3A_41 = tpu.memref_slice %arg7[%arg0, %add3A_25, %dma_start3A_40] : memref<2x10112x64xf32, #tpu.memory_space<hbm>> -> memref<1x128x64xf32, #tpu.memory_space<hbm>>
      %dma_start3A_42 = tpu.memref_squeeze %dma_start3A_41 : memref<1x128x64xf32, #tpu.memory_space<hbm>> -> memref<128x64xf32, #tpu.memory_space<hbm>>
      tpu.enqueue_dma source(%arg11 : memref<128x64xf32, #tpu.memory_space<vmem>>) target(%dma_start3A_42 : memref<128x64xf32, #tpu.memory_space<hbm>>) target_semaphore(%run_scoped3A : memref<!tpu.dma_semaphore, #tpu.memory_space<semaphore_mem>>)
      %dma_wait3A = arith.constant 0 : i32
      %dma_wait3A_43 = tpu.memref_slice %arg7[%arg0, %add3A_25, %dma_wait3A] : memref<2x10112x64xf32, #tpu.memory_space<hbm>> -> memref<1x128x64xf32, #tpu.memory_space<hbm>>
      %dma_wait3A_44 = tpu.memref_squeeze %dma_wait3A_43 : memref<1x128x64xf32, #tpu.memory_space<hbm>> -> memref<128x64xf32, #tpu.memory_space<hbm>>
      %dma_wait3A_45 = arith.constant 0 : i32
      %dma_wait3A_46 = tpu.memref_slice %arg7[%arg0, %add3A_25, %dma_wait3A_45] : memref<2x10112x64xf32, #tpu.memory_space<hbm>> -> memref<1x128x64xf32, #tpu.memory_space<hbm>>
      %dma_wait3A_47 = tpu.memref_squeeze %dma_wait3A_46 : memref<1x128x64xf32, #tpu.memory_space<hbm>> -> memref<128x64xf32, #tpu.memory_space<hbm>>
      tpu.wait_dma2 semaphore(%run_scoped3A : memref<!tpu.dma_semaphore, #tpu.memory_space<semaphore_mem>>) src(%arg11 : memref<128x64xf32, #tpu.memory_space<vmem>>) dst(%dma_wait3A_47 : memref<128x64xf32, #tpu.memory_space<hbm>>)
      tpu.yield
    }) : () -> ()
    %add3A_26 = arith.constant 256 : i32
    %add3A_27 = arith.addi %mul3A_0, %add3A_26 : i32
    "tpu.region"() ({
      %run_scoped3A = tpu.sem_alloc : memref<!tpu.dma_semaphore, #tpu.memory_space<semaphore_mem>>
      %dma_start3A = arith.constant 0 : i32
      %dma_start3A_38 = tpu.memref_slice %arg12[%add3A_27, %dma_start3A] : memref<10112x64xf32, #tpu.memory_space<vmem_shared>> -> memref<128x64xf32, #tpu.memory_space<vmem_shared>>
      %dma_start3A_39 = arith.constant 0 : i32
      %dma_start3A_40 = tpu.memref_slice %arg12[%add3A_27, %dma_start3A_39] : memref<10112x64xf32, #tpu.memory_space<vmem_shared>> -> memref<128x64xf32, #tpu.memory_space<vmem_shared>>
      tpu.enqueue_dma source(%dma_start3A_40 : memref<128x64xf32, #tpu.memory_space<vmem_shared>>) target(%arg10 : memref<128x64xf32, #tpu.memory_space<vmem>>) target_semaphore(%run_scoped3A : memref<!tpu.dma_semaphore, #tpu.memory_space<semaphore_mem>>)
      %dma_wait3A = arith.constant 0 : i32
      %dma_wait3A_41 = tpu.memref_slice %arg12[%add3A_27, %dma_wait3A] : memref<10112x64xf32, #tpu.memory_space<vmem_shared>> -> memref<128x64xf32, #tpu.memory_space<vmem_shared>>
      %dma_wait3A_42 = arith.constant 0 : i32
      %dma_wait3A_43 = tpu.memref_slice %arg12[%add3A_27, %dma_wait3A_42] : memref<10112x64xf32, #tpu.memory_space<vmem_shared>> -> memref<128x64xf32, #tpu.memory_space<vmem_shared>>
      tpu.wait_dma2 semaphore(%run_scoped3A : memref<!tpu.dma_semaphore, #tpu.memory_space<semaphore_mem>>) src(%dma_wait3A_43 : memref<128x64xf32, #tpu.memory_space<vmem_shared>>) dst(%arg10 : memref<128x64xf32, #tpu.memory_space<vmem>>)
      tpu.yield
    }) : () -> ()
    %add3A_28 = arith.constant 256 : i32
    %add3A_29 = arith.addi %mul3A_0, %add3A_28 : i32
    "tpu.region"() ({
      %run_scoped3A = tpu.sem_alloc : memref<!tpu.dma_semaphore, #tpu.memory_space<semaphore_mem>>
      %dma_start3A = arith.constant 0 : i32
      %dma_start3A_38 = tpu.memref_slice %arg7[%arg0, %add3A_29, %dma_start3A] : memref<2x10112x64xf32, #tpu.memory_space<hbm>> -> memref<1x128x64xf32, #tpu.memory_space<hbm>>
      %dma_start3A_39 = tpu.memref_squeeze %dma_start3A_38 : memref<1x128x64xf32, #tpu.memory_space<hbm>> -> memref<128x64xf32, #tpu.memory_space<hbm>>
      %dma_start3A_40 = arith.constant 0 : i32
      %dma_start3A_41 = tpu.memref_slice %arg7[%arg0, %add3A_29, %dma_start3A_40] : memref<2x10112x64xf32, #tpu.memory_space<hbm>> -> memref<1x128x64xf32, #tpu.memory_space<hbm>>
      %dma_start3A_42 = tpu.memref_squeeze %dma_start3A_41 : memref<1x128x64xf32, #tpu.memory_space<hbm>> -> memref<128x64xf32, #tpu.memory_space<hbm>>
      tpu.enqueue_dma source(%arg10 : memref<128x64xf32, #tpu.memory_space<vmem>>) target(%dma_start3A_42 : memref<128x64xf32, #tpu.memory_space<hbm>>) target_semaphore(%run_scoped3A : memref<!tpu.dma_semaphore, #tpu.memory_space<semaphore_mem>>)
      %dma_wait3A = arith.constant 0 : i32
      %dma_wait3A_43 = tpu.memref_slice %arg7[%arg0, %add3A_29, %dma_wait3A] : memref<2x10112x64xf32, #tpu.memory_space<hbm>> -> memref<1x128x64xf32, #tpu.memory_space<hbm>>
      %dma_wait3A_44 = tpu.memref_squeeze %dma_wait3A_43 : memref<1x128x64xf32, #tpu.memory_space<hbm>> -> memref<128x64xf32, #tpu.memory_space<hbm>>
      %dma_wait3A_45 = arith.constant 0 : i32
      %dma_wait3A_46 = tpu.memref_slice %arg7[%arg0, %add3A_29, %dma_wait3A_45] : memref<2x10112x64xf32, #tpu.memory_space<hbm>> -> memref<1x128x64xf32, #tpu.memory_space<hbm>>
      %dma_wait3A_47 = tpu.memref_squeeze %dma_wait3A_46 : memref<1x128x64xf32, #tpu.memory_space<hbm>> -> memref<128x64xf32, #tpu.memory_space<hbm>>
      tpu.wait_dma2 semaphore(%run_scoped3A : memref<!tpu.dma_semaphore, #tpu.memory_space<semaphore_mem>>) src(%arg10 : memref<128x64xf32, #tpu.memory_space<vmem>>) dst(%dma_wait3A_47 : memref<128x64xf32, #tpu.memory_space<hbm>>)
      tpu.yield
    }) : () -> ()
    %add3A_30 = arith.constant 384 : i32
    %add3A_31 = arith.addi %mul3A_0, %add3A_30 : i32
    "tpu.region"() ({
      %run_scoped3A = tpu.sem_alloc : memref<!tpu.dma_semaphore, #tpu.memory_space<semaphore_mem>>
      %dma_start3A = arith.constant 0 : i32
      %dma_start3A_38 = tpu.memref_slice %arg12[%add3A_31, %dma_start3A] : memref<10112x64xf32, #tpu.memory_space<vmem_shared>> -> memref<128x64xf32, #tpu.memory_space<vmem_shared>>
      %dma_start3A_39 = arith.constant 0 : i32
      %dma_start3A_40 = tpu.memref_slice %arg12[%add3A_31, %dma_start3A_39] : memref<10112x64xf32, #tpu.memory_space<vmem_shared>> -> memref<128x64xf32, #tpu.memory_space<vmem_shared>>
      tpu.enqueue_dma source(%dma_start3A_40 : memref<128x64xf32, #tpu.memory_space<vmem_shared>>) target(%arg11 : memref<128x64xf32, #tpu.memory_space<vmem>>) target_semaphore(%run_scoped3A : memref<!tpu.dma_semaphore, #tpu.memory_space<semaphore_mem>>)
      %dma_wait3A = arith.constant 0 : i32
      %dma_wait3A_41 = tpu.memref_slice %arg12[%add3A_31, %dma_wait3A] : memref<10112x64xf32, #tpu.memory_space<vmem_shared>> -> memref<128x64xf32, #tpu.memory_space<vmem_shared>>
      %dma_wait3A_42 = arith.constant 0 : i32
      %dma_wait3A_43 = tpu.memref_slice %arg12[%add3A_31, %dma_wait3A_42] : memref<10112x64xf32, #tpu.memory_space<vmem_shared>> -> memref<128x64xf32, #tpu.memory_space<vmem_shared>>
      tpu.wait_dma2 semaphore(%run_scoped3A : memref<!tpu.dma_semaphore, #tpu.memory_space<semaphore_mem>>) src(%dma_wait3A_43 : memref<128x64xf32, #tpu.memory_space<vmem_shared>>) dst(%arg11 : memref<128x64xf32, #tpu.memory_space<vmem>>)
      tpu.yield
    }) : () -> ()
    %add3A_32 = arith.constant 384 : i32
    %add3A_33 = arith.addi %mul3A_0, %add3A_32 : i32
    "tpu.region"() ({
      %run_scoped3A = tpu.sem_alloc : memref<!tpu.dma_semaphore, #tpu.memory_space<semaphore_mem>>
      %dma_start3A = arith.constant 0 : i32
      %dma_start3A_38 = tpu.memref_slice %arg7[%arg0, %add3A_33, %dma_start3A] : memref<2x10112x64xf32, #tpu.memory_space<hbm>> -> memref<1x128x64xf32, #tpu.memory_space<hbm>>
      %dma_start3A_39 = tpu.memref_squeeze %dma_start3A_38 : memref<1x128x64xf32, #tpu.memory_space<hbm>> -> memref<128x64xf32, #tpu.memory_space<hbm>>
      %dma_start3A_40 = arith.constant 0 : i32
      %dma_start3A_41 = tpu.memref_slice %arg7[%arg0, %add3A_33, %dma_start3A_40] : memref<2x10112x64xf32, #tpu.memory_space<hbm>> -> memref<1x128x64xf32, #tpu.memory_space<hbm>>
      %dma_start3A_42 = tpu.memref_squeeze %dma_start3A_41 : memref<1x128x64xf32, #tpu.memory_space<hbm>> -> memref<128x64xf32, #tpu.memory_space<hbm>>
      tpu.enqueue_dma source(%arg11 : memref<128x64xf32, #tpu.memory_space<vmem>>) target(%dma_start3A_42 : memref<128x64xf32, #tpu.memory_space<hbm>>) target_semaphore(%run_scoped3A : memref<!tpu.dma_semaphore, #tpu.memory_space<semaphore_mem>>)
      %dma_wait3A = arith.constant 0 : i32
      %dma_wait3A_43 = tpu.memref_slice %arg7[%arg0, %add3A_33, %dma_wait3A] : memref<2x10112x64xf32, #tpu.memory_space<hbm>> -> memref<1x128x64xf32, #tpu.memory_space<hbm>>
      %dma_wait3A_44 = tpu.memref_squeeze %dma_wait3A_43 : memref<1x128x64xf32, #tpu.memory_space<hbm>> -> memref<128x64xf32, #tpu.memory_space<hbm>>
      %dma_wait3A_45 = arith.constant 0 : i32
      %dma_wait3A_46 = tpu.memref_slice %arg7[%arg0, %add3A_33, %dma_wait3A_45] : memref<2x10112x64xf32, #tpu.memory_space<hbm>> -> memref<1x128x64xf32, #tpu.memory_space<hbm>>
      %dma_wait3A_47 = tpu.memref_squeeze %dma_wait3A_46 : memref<1x128x64xf32, #tpu.memory_space<hbm>> -> memref<128x64xf32, #tpu.memory_space<hbm>>
      tpu.wait_dma2 semaphore(%run_scoped3A : memref<!tpu.dma_semaphore, #tpu.memory_space<semaphore_mem>>) src(%arg11 : memref<128x64xf32, #tpu.memory_space<vmem>>) dst(%dma_wait3A_47 : memref<128x64xf32, #tpu.memory_space<hbm>>)
      tpu.yield
    }) : () -> ()
    %add3A_34 = arith.constant 512 : i32
    %add3A_35 = arith.addi %mul3A_0, %add3A_34 : i32
    "tpu.region"() ({
      %run_scoped3A = tpu.sem_alloc : memref<!tpu.dma_semaphore, #tpu.memory_space<semaphore_mem>>
      %dma_start3A = arith.constant 0 : i32
      %dma_start3A_38 = arith.constant 0 : i32
      %dma_start3A_39 = tpu.memref_slice %arg10[%dma_start3A, %dma_start3A_38] : memref<128x64xf32, #tpu.memory_space<vmem>> -> memref<120x64xf32, #tpu.memory_space<vmem>>
      %dma_start3A_40 = arith.constant 0 : i32
      %dma_start3A_41 = tpu.memref_slice %arg12[%add3A_35, %dma_start3A_40] : memref<10112x64xf32, #tpu.memory_space<vmem_shared>> -> memref<120x64xf32, #tpu.memory_space<vmem_shared>>
      %dma_start3A_42 = arith.constant 0 : i32
      %dma_start3A_43 = arith.constant 0 : i32
      %dma_start3A_44 = tpu.memref_slice %arg10[%dma_start3A_42, %dma_start3A_43] : memref<128x64xf32, #tpu.memory_space<vmem>> -> memref<120x64xf32, #tpu.memory_space<vmem>>
      %dma_start3A_45 = arith.constant 0 : i32
      %dma_start3A_46 = tpu.memref_slice %arg12[%add3A_35, %dma_start3A_45] : memref<10112x64xf32, #tpu.memory_space<vmem_shared>> -> memref<120x64xf32, #tpu.memory_space<vmem_shared>>
      tpu.enqueue_dma source(%dma_start3A_46 : memref<120x64xf32, #tpu.memory_space<vmem_shared>>) target(%dma_start3A_44 : memref<120x64xf32, #tpu.memory_space<vmem>>) target_semaphore(%run_scoped3A : memref<!tpu.dma_semaphore, #tpu.memory_space<semaphore_mem>>)
      %dma_wait3A = arith.constant 0 : i32
      %dma_wait3A_47 = arith.constant 0 : i32
      %dma_wait3A_48 = tpu.memref_slice %arg10[%dma_wait3A, %dma_wait3A_47] : memref<128x64xf32, #tpu.memory_space<vmem>> -> memref<120x64xf32, #tpu.memory_space<vmem>>
      %dma_wait3A_49 = arith.constant 0 : i32
      %dma_wait3A_50 = tpu.memref_slice %arg12[%add3A_35, %dma_wait3A_49] : memref<10112x64xf32, #tpu.memory_space<vmem_shared>> -> memref<120x64xf32, #tpu.memory_space<vmem_shared>>
      %dma_wait3A_51 = arith.constant 0 : i32
      %dma_wait3A_52 = arith.constant 0 : i32
      %dma_wait3A_53 = tpu.memref_slice %arg10[%dma_wait3A_51, %dma_wait3A_52] : memref<128x64xf32, #tpu.memory_space<vmem>> -> memref<120x64xf32, #tpu.memory_space<vmem>>
      %dma_wait3A_54 = arith.constant 0 : i32
      %dma_wait3A_55 = tpu.memref_slice %arg12[%add3A_35, %dma_wait3A_54] : memref<10112x64xf32, #tpu.memory_space<vmem_shared>> -> memref<120x64xf32, #tpu.memory_space<vmem_shared>>
      tpu.wait_dma2 semaphore(%run_scoped3A : memref<!tpu.dma_semaphore, #tpu.memory_space<semaphore_mem>>) src(%dma_wait3A_55 : memref<120x64xf32, #tpu.memory_space<vmem_shared>>) dst(%dma_wait3A_53 : memref<120x64xf32, #tpu.memory_space<vmem>>)
      tpu.yield
    }) : () -> ()
    %add3A_36 = arith.constant 512 : i32
    %add3A_37 = arith.addi %mul3A_0, %add3A_36 : i32
    "tpu.region"() ({
      %run_scoped3A = tpu.sem_alloc : memref<!tpu.dma_semaphore, #tpu.memory_space<semaphore_mem>>
      %dma_start3A = arith.constant 0 : i32
      %dma_start3A_38 = arith.constant 0 : i32
      %dma_start3A_39 = tpu.memref_slice %arg10[%dma_start3A, %dma_start3A_38] : memref<128x64xf32, #tpu.memory_space<vmem>> -> memref<120x64xf32, #tpu.memory_space<vmem>>
      %dma_start3A_40 = arith.constant 0 : i32
      %dma_start3A_41 = tpu.memref_slice %arg7[%arg0, %add3A_37, %dma_start3A_40] : memref<2x10112x64xf32, #tpu.memory_space<hbm>> -> memref<1x120x64xf32, #tpu.memory_space<hbm>>
      %dma_start3A_42 = tpu.memref_squeeze %dma_start3A_41 : memref<1x120x64xf32, #tpu.memory_space<hbm>> -> memref<120x64xf32, #tpu.memory_space<hbm>>
      %dma_start3A_43 = arith.constant 0 : i32
      %dma_start3A_44 = tpu.memref_slice %arg7[%arg0, %add3A_37, %dma_start3A_43] : memref<2x10112x64xf32, #tpu.memory_space<hbm>> -> memref<1x120x64xf32, #tpu.memory_space<hbm>>
      %dma_start3A_45 = tpu.memref_squeeze %dma_start3A_44 : memref<1x120x64xf32, #tpu.memory_space<hbm>> -> memref<120x64xf32, #tpu.memory_space<hbm>>
      %dma_start3A_46 = arith.constant 0 : i32
      %dma_start3A_47 = arith.constant 0 : i32
      %dma_start3A_48 = tpu.memref_slice %arg10[%dma_start3A_46, %dma_start3A_47] : memref<128x64xf32, #tpu.memory_space<vmem>> -> memref<120x64xf32, #tpu.memory_space<vmem>>
      tpu.enqueue_dma source(%dma_start3A_48 : memref<120x64xf32, #tpu.memory_space<vmem>>) target(%dma_start3A_45 : memref<120x64xf32, #tpu.memory_space<hbm>>) target_semaphore(%run_scoped3A : memref<!tpu.dma_semaphore, #tpu.memory_space<semaphore_mem>>)
      %dma_wait3A = arith.constant 0 : i32
      %dma_wait3A_49 = arith.constant 0 : i32
      %dma_wait3A_50 = tpu.memref_slice %arg10[%dma_wait3A, %dma_wait3A_49] : memref<128x64xf32, #tpu.memory_space<vmem>> -> memref<120x64xf32, #tpu.memory_space<vmem>>
      %dma_wait3A_51 = arith.constant 0 : i32
      %dma_wait3A_52 = tpu.memref_slice %arg7[%arg0, %add3A_37, %dma_wait3A_51] : memref<2x10112x64xf32, #tpu.memory_space<hbm>> -> memref<1x120x64xf32, #tpu.memory_space<hbm>>
      %dma_wait3A_53 = tpu.memref_squeeze %dma_wait3A_52 : memref<1x120x64xf32, #tpu.memory_space<hbm>> -> memref<120x64xf32, #tpu.memory_space<hbm>>
      %dma_wait3A_54 = arith.constant 0 : i32
      %dma_wait3A_55 = tpu.memref_slice %arg7[%arg0, %add3A_37, %dma_wait3A_54] : memref<2x10112x64xf32, #tpu.memory_space<hbm>> -> memref<1x120x64xf32, #tpu.memory_space<hbm>>
      %dma_wait3A_56 = tpu.memref_squeeze %dma_wait3A_55 : memref<1x120x64xf32, #tpu.memory_space<hbm>> -> memref<120x64xf32, #tpu.memory_space<hbm>>
      %dma_wait3A_57 = arith.constant 0 : i32
      %dma_wait3A_58 = arith.constant 0 : i32
      %dma_wait3A_59 = tpu.memref_slice %arg10[%dma_wait3A_57, %dma_wait3A_58] : memref<128x64xf32, #tpu.memory_space<vmem>> -> memref<120x64xf32, #tpu.memory_space<vmem>>
      tpu.wait_dma2 semaphore(%run_scoped3A : memref<!tpu.dma_semaphore, #tpu.memory_space<semaphore_mem>>) src(%dma_wait3A_59 : memref<120x64xf32, #tpu.memory_space<vmem>>) dst(%dma_wait3A_56 : memref<120x64xf32, #tpu.memory_space<hbm>>)
      tpu.yield
    }) : () -> ()
    return
  }
}

#map = affine_map<(d0, d1) -> (0, 0)>
#map1 = affine_map<(d0, d1) -> (0, 0, 0)>
module attributes {stable_mosaic.version = 14 : i64} {
  func.func @_spmm_body(%arg0: i32, %arg1: i32, %arg2: memref<10112x64xf32, #tpu.memory_space<hbm>>, %arg3: memref<10112x64xf32, #tpu.memory_space<hbm>>, %arg4: memref<16x158x128xi32, #tpu.memory_space<hbm>>, %arg5: memref<16x158x128xi32, #tpu.memory_space<hbm>>, %arg6: memref<128x64xf32, #tpu.memory_space<hbm>>, %arg7: memref<2x10112x64xf32, #tpu.memory_space<hbm>>, %arg8: memref<158x128xi32, #tpu.memory_space<vmem>>, %arg9: memref<158x128xi32, #tpu.memory_space<vmem>>, %arg10: memref<128x64xf32, #tpu.memory_space<vmem>>, %arg11: memref<128x64xf32, #tpu.memory_space<vmem>>, %arg12: memref<10112x64xf32, #tpu.memory_space<vmem_shared>>, %arg13: memref<!tpu.dma_semaphore, #tpu.memory_space<semaphore_mem>>) attributes {dimension_semantics = [#tpu.dimension_semantics<core_parallel>, #tpu.dimension_semantics<subcore_parallel>], iteration_bounds = array<i64: 2, 16>, scalar_prefetch = 0 : i64, scratch_operands = 6 : i64, tpu.core_type = #tpu.core_type<sc_vector_subcore>, window_params = [{transform_indices = #map}, {transform_indices = #map}, {transform_indices = #map1}, {transform_indices = #map1}, {transform_indices = #map}, {transform_indices = #map1}]} {
    "tpu.region"() ({
      %run_scoped3A = tpu.sem_alloc : memref<!tpu.dma_semaphore, #tpu.memory_space<semaphore_mem>>
      %dma_start3A = arith.constant 0 : i32
      %dma_start3A_38 = arith.constant 0 : i32
      %dma_start3A_39 = tpu.memref_slice %arg4[%arg1, %dma_start3A, %dma_start3A_38] : memref<16x158x128xi32, #tpu.memory_space<hbm>> -> memref<1x158x128xi32, #tpu.memory_space<hbm>>
      %dma_start3A_40 = tpu.memref_squeeze %dma_start3A_39 : memref<1x158x128xi32, #tpu.memory_space<hbm>> -> memref<158x128xi32, #tpu.memory_space<hbm>>
      %dma_start3A_41 = arith.constant 0 : i32
      %dma_start3A_42 = arith.constant 0 : i32
      %dma_start3A_43 = tpu.memref_slice %arg4[%arg1, %dma_start3A_41, %dma_start3A_42] : memref<16x158x128xi32, #tpu.memory_space<hbm>> -> memref<1x158x128xi32, #tpu.memory_space<hbm>>
      %dma_start3A_44 = tpu.memref_squeeze %dma_start3A_43 : memref<1x158x128xi32, #tpu.memory_space<hbm>> -> memref<158x128xi32, #tpu.memory_space<hbm>>
      tpu.enqueue_dma source(%dma_start3A_44 : memref<158x128xi32, #tpu.memory_space<hbm>>) target(%arg8 : memref<158x128xi32, #tpu.memory_space<vmem>>) target_semaphore(%run_scoped3A : memref<!tpu.dma_semaphore, #tpu.memory_space<semaphore_mem>>)
      %dma_wait3A = arith.constant 0 : i32
      %dma_wait3A_45 = arith.constant 0 : i32
      %dma_wait3A_46 = tpu.memref_slice %arg4[%arg1, %dma_wait3A, %dma_wait3A_45] : memref<16x158x128xi32, #tpu.memory_space<hbm>> -> memref<1x158x128xi32, #tpu.memory_space<hbm>>
      %dma_wait3A_47 = tpu.memref_squeeze %dma_wait3A_46 : memref<1x158x128xi32, #tpu.memory_space<hbm>> -> memref<158x128xi32, #tpu.memory_space<hbm>>
      %dma_wait3A_48 = arith.constant 0 : i32
      %dma_wait3A_49 = arith.constant 0 : i32
      %dma_wait3A_50 = tpu.memref_slice %arg4[%arg1, %dma_wait3A_48, %dma_wait3A_49] : memref<16x158x128xi32, #tpu.memory_space<hbm>> -> memref<1x158x128xi32, #tpu.memory_space<hbm>>
      %dma_wait3A_51 = tpu.memref_squeeze %dma_wait3A_50 : memref<1x158x128xi32, #tpu.memory_space<hbm>> -> memref<158x128xi32, #tpu.memory_space<hbm>>
      tpu.wait_dma2 semaphore(%run_scoped3A : memref<!tpu.dma_semaphore, #tpu.memory_space<semaphore_mem>>) src(%dma_wait3A_51 : memref<158x128xi32, #tpu.memory_space<hbm>>) dst(%arg8 : memref<158x128xi32, #tpu.memory_space<vmem>>)
      tpu.yield
    }) : () -> ()
    "tpu.region"() ({
      %run_scoped3A = tpu.sem_alloc : memref<!tpu.dma_semaphore, #tpu.memory_space<semaphore_mem>>
      %dma_start3A = arith.constant 0 : i32
      %dma_start3A_38 = arith.constant 0 : i32
      %dma_start3A_39 = tpu.memref_slice %arg5[%arg1, %dma_start3A, %dma_start3A_38] : memref<16x158x128xi32, #tpu.memory_space<hbm>> -> memref<1x158x128xi32, #tpu.memory_space<hbm>>
      %dma_start3A_40 = tpu.memref_squeeze %dma_start3A_39 : memref<1x158x128xi32, #tpu.memory_space<hbm>> -> memref<158x128xi32, #tpu.memory_space<hbm>>
      %dma_start3A_41 = arith.constant 0 : i32
      %dma_start3A_42 = arith.constant 0 : i32
      %dma_start3A_43 = tpu.memref_slice %arg5[%arg1, %dma_start3A_41, %dma_start3A_42] : memref<16x158x128xi32, #tpu.memory_space<hbm>> -> memref<1x158x128xi32, #tpu.memory_space<hbm>>
      %dma_start3A_44 = tpu.memref_squeeze %dma_start3A_43 : memref<1x158x128xi32, #tpu.memory_space<hbm>> -> memref<158x128xi32, #tpu.memory_space<hbm>>
      tpu.enqueue_dma source(%dma_start3A_44 : memref<158x128xi32, #tpu.memory_space<hbm>>) target(%arg9 : memref<158x128xi32, #tpu.memory_space<vmem>>) target_semaphore(%run_scoped3A : memref<!tpu.dma_semaphore, #tpu.memory_space<semaphore_mem>>)
      %dma_wait3A = arith.constant 0 : i32
      %dma_wait3A_45 = arith.constant 0 : i32
      %dma_wait3A_46 = tpu.memref_slice %arg5[%arg1, %dma_wait3A, %dma_wait3A_45] : memref<16x158x128xi32, #tpu.memory_space<hbm>> -> memref<1x158x128xi32, #tpu.memory_space<hbm>>
      %dma_wait3A_47 = tpu.memref_squeeze %dma_wait3A_46 : memref<1x158x128xi32, #tpu.memory_space<hbm>> -> memref<158x128xi32, #tpu.memory_space<hbm>>
      %dma_wait3A_48 = arith.constant 0 : i32
      %dma_wait3A_49 = arith.constant 0 : i32
      %dma_wait3A_50 = tpu.memref_slice %arg5[%arg1, %dma_wait3A_48, %dma_wait3A_49] : memref<16x158x128xi32, #tpu.memory_space<hbm>> -> memref<1x158x128xi32, #tpu.memory_space<hbm>>
      %dma_wait3A_51 = tpu.memref_squeeze %dma_wait3A_50 : memref<1x158x128xi32, #tpu.memory_space<hbm>> -> memref<158x128xi32, #tpu.memory_space<hbm>>
      tpu.wait_dma2 semaphore(%run_scoped3A : memref<!tpu.dma_semaphore, #tpu.memory_space<semaphore_mem>>) src(%dma_wait3A_51 : memref<158x128xi32, #tpu.memory_space<hbm>>) dst(%arg9 : memref<158x128xi32, #tpu.memory_space<vmem>>)
      tpu.yield
    }) : () -> ()
    %mul3A = arith.constant 632 : i32
    %mul3A_0 = arith.muli %arg1, %mul3A : i32
    "tpu.region"() ({
      %run_scoped3A = tpu.sem_alloc : memref<!tpu.dma_semaphore, #tpu.memory_space<semaphore_mem>>
      tpu.enqueue_dma source(%arg6 : memref<128x64xf32, #tpu.memory_space<hbm>>) target(%arg10 : memref<128x64xf32, #tpu.memory_space<vmem>>) target_semaphore(%run_scoped3A : memref<!tpu.dma_semaphore, #tpu.memory_space<semaphore_mem>>)
      tpu.wait_dma2 semaphore(%run_scoped3A : memref<!tpu.dma_semaphore, #tpu.memory_space<semaphore_mem>>) src(%arg6 : memref<128x64xf32, #tpu.memory_space<hbm>>) dst(%arg10 : memref<128x64xf32, #tpu.memory_space<vmem>>)
      tpu.yield
    }) : () -> ()
    %add3A = arith.constant 0 : i32
    %add3A_1 = arith.addi %mul3A_0, %add3A : i32
    "tpu.region"() ({
      %run_scoped3A = tpu.sem_alloc : memref<!tpu.dma_semaphore, #tpu.memory_space<semaphore_mem>>
      %dma_start3A = arith.constant 0 : i32
      %dma_start3A_38 = tpu.memref_slice %arg12[%add3A_1, %dma_start3A] : memref<10112x64xf32, #tpu.memory_space<vmem_shared>> -> memref<128x64xf32, #tpu.memory_space<vmem_shared>>
      %dma_start3A_39 = arith.constant 0 : i32
      %dma_start3A_40 = tpu.memref_slice %arg12[%add3A_1, %dma_start3A_39] : memref<10112x64xf32, #tpu.memory_space<vmem_shared>> -> memref<128x64xf32, #tpu.memory_space<vmem_shared>>
      tpu.enqueue_dma source(%arg10 : memref<128x64xf32, #tpu.memory_space<vmem>>) target(%dma_start3A_40 : memref<128x64xf32, #tpu.memory_space<vmem_shared>>) target_semaphore(%run_scoped3A : memref<!tpu.dma_semaphore, #tpu.memory_space<semaphore_mem>>)
      %dma_wait3A = arith.constant 0 : i32
      %dma_wait3A_41 = tpu.memref_slice %arg12[%add3A_1, %dma_wait3A] : memref<10112x64xf32, #tpu.memory_space<vmem_shared>> -> memref<128x64xf32, #tpu.memory_space<vmem_shared>>
      %dma_wait3A_42 = arith.constant 0 : i32
      %dma_wait3A_43 = tpu.memref_slice %arg12[%add3A_1, %dma_wait3A_42] : memref<10112x64xf32, #tpu.memory_space<vmem_shared>> -> memref<128x64xf32, #tpu.memory_space<vmem_shared>>
      tpu.wait_dma2 semaphore(%run_scoped3A : memref<!tpu.dma_semaphore, #tpu.memory_space<semaphore_mem>>) src(%arg10 : memref<128x64xf32, #tpu.memory_space<vmem>>) dst(%dma_wait3A_43 : memref<128x64xf32, #tpu.memory_space<vmem_shared>>)
      tpu.yield
    }) : () -> ()
    %add3A_2 = arith.constant 128 : i32
    %add3A_3 = arith.addi %mul3A_0, %add3A_2 : i32
    "tpu.region"() ({
      %run_scoped3A = tpu.sem_alloc : memref<!tpu.dma_semaphore, #tpu.memory_space<semaphore_mem>>
      %dma_start3A = arith.constant 0 : i32
      %dma_start3A_38 = tpu.memref_slice %arg12[%add3A_3, %dma_start3A] : memref<10112x64xf32, #tpu.memory_space<vmem_shared>> -> memref<128x64xf32, #tpu.memory_space<vmem_shared>>
      %dma_start3A_39 = arith.constant 0 : i32
      %dma_start3A_40 = tpu.memref_slice %arg12[%add3A_3, %dma_start3A_39] : memref<10112x64xf32, #tpu.memory_space<vmem_shared>> -> memref<128x64xf32, #tpu.memory_space<vmem_shared>>
      tpu.enqueue_dma source(%arg10 : memref<128x64xf32, #tpu.memory_space<vmem>>) target(%dma_start3A_40 : memref<128x64xf32, #tpu.memory_space<vmem_shared>>) target_semaphore(%run_scoped3A : memref<!tpu.dma_semaphore, #tpu.memory_space<semaphore_mem>>)
      %dma_wait3A = arith.constant 0 : i32
      %dma_wait3A_41 = tpu.memref_slice %arg12[%add3A_3, %dma_wait3A] : memref<10112x64xf32, #tpu.memory_space<vmem_shared>> -> memref<128x64xf32, #tpu.memory_space<vmem_shared>>
      %dma_wait3A_42 = arith.constant 0 : i32
      %dma_wait3A_43 = tpu.memref_slice %arg12[%add3A_3, %dma_wait3A_42] : memref<10112x64xf32, #tpu.memory_space<vmem_shared>> -> memref<128x64xf32, #tpu.memory_space<vmem_shared>>
      tpu.wait_dma2 semaphore(%run_scoped3A : memref<!tpu.dma_semaphore, #tpu.memory_space<semaphore_mem>>) src(%arg10 : memref<128x64xf32, #tpu.memory_space<vmem>>) dst(%dma_wait3A_43 : memref<128x64xf32, #tpu.memory_space<vmem_shared>>)
      tpu.yield
    }) : () -> ()
    %add3A_4 = arith.constant 256 : i32
    %add3A_5 = arith.addi %mul3A_0, %add3A_4 : i32
    "tpu.region"() ({
      %run_scoped3A = tpu.sem_alloc : memref<!tpu.dma_semaphore, #tpu.memory_space<semaphore_mem>>
      %dma_start3A = arith.constant 0 : i32
      %dma_start3A_38 = tpu.memref_slice %arg12[%add3A_5, %dma_start3A] : memref<10112x64xf32, #tpu.memory_space<vmem_shared>> -> memref<128x64xf32, #tpu.memory_space<vmem_shared>>
      %dma_start3A_39 = arith.constant 0 : i32
      %dma_start3A_40 = tpu.memref_slice %arg12[%add3A_5, %dma_start3A_39] : memref<10112x64xf32, #tpu.memory_space<vmem_shared>> -> memref<128x64xf32, #tpu.memory_space<vmem_shared>>
      tpu.enqueue_dma source(%arg10 : memref<128x64xf32, #tpu.memory_space<vmem>>) target(%dma_start3A_40 : memref<128x64xf32, #tpu.memory_space<vmem_shared>>) target_semaphore(%run_scoped3A : memref<!tpu.dma_semaphore, #tpu.memory_space<semaphore_mem>>)
      %dma_wait3A = arith.constant 0 : i32
      %dma_wait3A_41 = tpu.memref_slice %arg12[%add3A_5, %dma_wait3A] : memref<10112x64xf32, #tpu.memory_space<vmem_shared>> -> memref<128x64xf32, #tpu.memory_space<vmem_shared>>
      %dma_wait3A_42 = arith.constant 0 : i32
      %dma_wait3A_43 = tpu.memref_slice %arg12[%add3A_5, %dma_wait3A_42] : memref<10112x64xf32, #tpu.memory_space<vmem_shared>> -> memref<128x64xf32, #tpu.memory_space<vmem_shared>>
      tpu.wait_dma2 semaphore(%run_scoped3A : memref<!tpu.dma_semaphore, #tpu.memory_space<semaphore_mem>>) src(%arg10 : memref<128x64xf32, #tpu.memory_space<vmem>>) dst(%dma_wait3A_43 : memref<128x64xf32, #tpu.memory_space<vmem_shared>>)
      tpu.yield
    }) : () -> ()
    %add3A_6 = arith.constant 384 : i32
    %add3A_7 = arith.addi %mul3A_0, %add3A_6 : i32
    "tpu.region"() ({
      %run_scoped3A = tpu.sem_alloc : memref<!tpu.dma_semaphore, #tpu.memory_space<semaphore_mem>>
      %dma_start3A = arith.constant 0 : i32
      %dma_start3A_38 = tpu.memref_slice %arg12[%add3A_7, %dma_start3A] : memref<10112x64xf32, #tpu.memory_space<vmem_shared>> -> memref<128x64xf32, #tpu.memory_space<vmem_shared>>
      %dma_start3A_39 = arith.constant 0 : i32
      %dma_start3A_40 = tpu.memref_slice %arg12[%add3A_7, %dma_start3A_39] : memref<10112x64xf32, #tpu.memory_space<vmem_shared>> -> memref<128x64xf32, #tpu.memory_space<vmem_shared>>
      tpu.enqueue_dma source(%arg10 : memref<128x64xf32, #tpu.memory_space<vmem>>) target(%dma_start3A_40 : memref<128x64xf32, #tpu.memory_space<vmem_shared>>) target_semaphore(%run_scoped3A : memref<!tpu.dma_semaphore, #tpu.memory_space<semaphore_mem>>)
      %dma_wait3A = arith.constant 0 : i32
      %dma_wait3A_41 = tpu.memref_slice %arg12[%add3A_7, %dma_wait3A] : memref<10112x64xf32, #tpu.memory_space<vmem_shared>> -> memref<128x64xf32, #tpu.memory_space<vmem_shared>>
      %dma_wait3A_42 = arith.constant 0 : i32
      %dma_wait3A_43 = tpu.memref_slice %arg12[%add3A_7, %dma_wait3A_42] : memref<10112x64xf32, #tpu.memory_space<vmem_shared>> -> memref<128x64xf32, #tpu.memory_space<vmem_shared>>
      tpu.wait_dma2 semaphore(%run_scoped3A : memref<!tpu.dma_semaphore, #tpu.memory_space<semaphore_mem>>) src(%arg10 : memref<128x64xf32, #tpu.memory_space<vmem>>) dst(%dma_wait3A_43 : memref<128x64xf32, #tpu.memory_space<vmem_shared>>)
      tpu.yield
    }) : () -> ()
    %add3A_8 = arith.constant 512 : i32
    %add3A_9 = arith.addi %mul3A_0, %add3A_8 : i32
    "tpu.region"() ({
      %run_scoped3A = tpu.sem_alloc : memref<!tpu.dma_semaphore, #tpu.memory_space<semaphore_mem>>
      %dma_start3A = arith.constant 0 : i32
      %dma_start3A_38 = arith.constant 0 : i32
      %dma_start3A_39 = tpu.memref_slice %arg10[%dma_start3A, %dma_start3A_38] : memref<128x64xf32, #tpu.memory_space<vmem>> -> memref<120x64xf32, #tpu.memory_space<vmem>>
      %dma_start3A_40 = arith.constant 0 : i32
      %dma_start3A_41 = tpu.memref_slice %arg12[%add3A_9, %dma_start3A_40] : memref<10112x64xf32, #tpu.memory_space<vmem_shared>> -> memref<120x64xf32, #tpu.memory_space<vmem_shared>>
      %dma_start3A_42 = arith.constant 0 : i32
      %dma_start3A_43 = tpu.memref_slice %arg12[%add3A_9, %dma_start3A_42] : memref<10112x64xf32, #tpu.memory_space<vmem_shared>> -> memref<120x64xf32, #tpu.memory_space<vmem_shared>>
      %dma_start3A_44 = arith.constant 0 : i32
      %dma_start3A_45 = arith.constant 0 : i32
      %dma_start3A_46 = tpu.memref_slice %arg10[%dma_start3A_44, %dma_start3A_45] : memref<128x64xf32, #tpu.memory_space<vmem>> -> memref<120x64xf32, #tpu.memory_space<vmem>>
      tpu.enqueue_dma source(%dma_start3A_46 : memref<120x64xf32, #tpu.memory_space<vmem>>) target(%dma_start3A_43 : memref<120x64xf32, #tpu.memory_space<vmem_shared>>) target_semaphore(%run_scoped3A : memref<!tpu.dma_semaphore, #tpu.memory_space<semaphore_mem>>)
      %dma_wait3A = arith.constant 0 : i32
      %dma_wait3A_47 = arith.constant 0 : i32
      %dma_wait3A_48 = tpu.memref_slice %arg10[%dma_wait3A, %dma_wait3A_47] : memref<128x64xf32, #tpu.memory_space<vmem>> -> memref<120x64xf32, #tpu.memory_space<vmem>>
      %dma_wait3A_49 = arith.constant 0 : i32
      %dma_wait3A_50 = tpu.memref_slice %arg12[%add3A_9, %dma_wait3A_49] : memref<10112x64xf32, #tpu.memory_space<vmem_shared>> -> memref<120x64xf32, #tpu.memory_space<vmem_shared>>
      %dma_wait3A_51 = arith.constant 0 : i32
      %dma_wait3A_52 = tpu.memref_slice %arg12[%add3A_9, %dma_wait3A_51] : memref<10112x64xf32, #tpu.memory_space<vmem_shared>> -> memref<120x64xf32, #tpu.memory_space<vmem_shared>>
      %dma_wait3A_53 = arith.constant 0 : i32
      %dma_wait3A_54 = arith.constant 0 : i32
      %dma_wait3A_55 = tpu.memref_slice %arg10[%dma_wait3A_53, %dma_wait3A_54] : memref<128x64xf32, #tpu.memory_space<vmem>> -> memref<120x64xf32, #tpu.memory_space<vmem>>
      tpu.wait_dma2 semaphore(%run_scoped3A : memref<!tpu.dma_semaphore, #tpu.memory_space<semaphore_mem>>) src(%dma_wait3A_55 : memref<120x64xf32, #tpu.memory_space<vmem>>) dst(%dma_wait3A_52 : memref<120x64xf32, #tpu.memory_space<vmem_shared>>)
      tpu.yield
    }) : () -> ()
    %barrier3A = arith.constant 0 : index
    tpu.barrier barrier_id(%barrier3A)
    %eq3A = arith.constant 0 : i32
    %eq3A_10 = arith.cmpi eq, %arg0, %eq3A : i32
    %convert_element_type3A = arith.extui %eq3A_10 : i1 to i32
    %cond3A = arith.constant 0 : i32
    %cond3A_11 = arith.cmpi ne, %convert_element_type3A, %cond3A : i32
    scf.if %cond3A_11 {
      %dma_start3A = arith.constant 0 : i32
      %dma_start3A_38 = arith.constant 0 : i32
      %dma_start3A_39 = tpu.memref_slice %arg8[%dma_start3A, %dma_start3A_38] : memref<158x128xi32, #tpu.memory_space<vmem>> -> memref<1x128xi32, #tpu.memory_space<vmem>>
      %dma_start3A_40 = tpu.memref_squeeze %dma_start3A_39 : memref<1x128xi32, #tpu.memory_space<vmem>> -> memref<128xi32, #tpu.memory_space<vmem>>
      %dma_start3A_41 = arith.constant 0 : i32
      %dma_start3A_42 = arith.constant 0 : i32
      %dma_start3A_43 = tpu.memref_slice %arg2[%dma_start3A_41, %dma_start3A_42] : memref<10112x64xf32, #tpu.memory_space<hbm>> -> memref<10112x64xf32, #tpu.memory_space<hbm>>
      tpu.enqueue_indirect_dma source(%dma_start3A_43 : memref<10112x64xf32, #tpu.memory_space<hbm>>) target(%arg10 : memref<128x64xf32, #tpu.memory_space<vmem>>) offsets(%dma_start3A_40 : memref<128xi32, #tpu.memory_space<vmem>>) semaphore(%arg13 : memref<!tpu.dma_semaphore, #tpu.memory_space<semaphore_mem>>)
      %scan3A = arith.constant 0 : i32
      %scan3A_44 = arith.constant 0 : i32
      %scan3A_45 = arith.constant 79 : i32
      %scan3A_46 = arith.addi %scan3A_44, %scan3A_45 : i32
      %scan3A_47 = arith.constant 1 : i32
      %scan3A_48 = scf.for %scan3A_50 = %scan3A_44 to %scan3A_46 step %scan3A_47 iter_args(%scan3A_51 = %scan3A) -> (i32)  : i32 {
        %mul3A_52 = arith.constant 2 : i32
        %mul3A_53 = arith.muli %scan3A_50, %mul3A_52 : i32
        %dma_wait3A = arith.constant 0 : i32
        %dma_wait3A_54 = arith.constant 0 : i32
        %dma_wait3A_55 = tpu.memref_slice %arg2[%dma_wait3A, %dma_wait3A_54] : memref<10112x64xf32, #tpu.memory_space<hbm>> -> memref<128x64xf32, #tpu.memory_space<hbm>>
        %dma_wait3A_56 = arith.constant 0 : i32
        %dma_wait3A_57 = arith.constant 0 : i32
        %dma_wait3A_58 = tpu.memref_slice %arg2[%dma_wait3A_56, %dma_wait3A_57] : memref<10112x64xf32, #tpu.memory_space<hbm>> -> memref<128x64xf32, #tpu.memory_space<hbm>>
        tpu.wait_dma2 semaphore(%arg13 : memref<!tpu.dma_semaphore, #tpu.memory_space<semaphore_mem>>) src(%dma_wait3A_58 : memref<128x64xf32, #tpu.memory_space<hbm>>) dst(%arg10 : memref<128x64xf32, #tpu.memory_space<vmem>>)
        %add3A_59 = arith.constant 1 : i32
        %add3A_60 = arith.addi %mul3A_53, %add3A_59 : i32
        %dma_start3A_61 = arith.constant 0 : i32
        %dma_start3A_62 = tpu.memref_slice %arg8[%add3A_60, %dma_start3A_61] : memref<158x128xi32, #tpu.memory_space<vmem>> -> memref<1x128xi32, #tpu.memory_space<vmem>>
        %dma_start3A_63 = tpu.memref_squeeze %dma_start3A_62 : memref<1x128xi32, #tpu.memory_space<vmem>> -> memref<128xi32, #tpu.memory_space<vmem>>
        %dma_start3A_64 = arith.constant 0 : i32
        %dma_start3A_65 = arith.constant 0 : i32
        %dma_start3A_66 = tpu.memref_slice %arg2[%dma_start3A_64, %dma_start3A_65] : memref<10112x64xf32, #tpu.memory_space<hbm>> -> memref<10112x64xf32, #tpu.memory_space<hbm>>
        tpu.enqueue_indirect_dma source(%dma_start3A_66 : memref<10112x64xf32, #tpu.memory_space<hbm>>) target(%arg11 : memref<128x64xf32, #tpu.memory_space<vmem>>) offsets(%dma_start3A_63 : memref<128xi32, #tpu.memory_space<vmem>>) semaphore(%arg13 : memref<!tpu.dma_semaphore, #tpu.memory_space<semaphore_mem>>)
        "tpu.region"() ({
          %run_scoped3A = tpu.sem_alloc : memref<!tpu.dma_semaphore, #tpu.memory_space<semaphore_mem>>
          %dma_start3A_82 = arith.constant 0 : i32
          %dma_start3A_83 = tpu.memref_slice %arg9[%mul3A_53, %dma_start3A_82] : memref<158x128xi32, #tpu.memory_space<vmem>> -> memref<1x128xi32, #tpu.memory_space<vmem>>
          %dma_start3A_84 = tpu.memref_squeeze %dma_start3A_83 : memref<1x128xi32, #tpu.memory_space<vmem>> -> memref<128xi32, #tpu.memory_space<vmem>>
          %dma_start3A_85 = arith.constant 0 : i32
          %dma_start3A_86 = arith.constant 0 : i32
          %dma_start3A_87 = tpu.memref_slice %arg12[%dma_start3A_85, %dma_start3A_86] : memref<10112x64xf32, #tpu.memory_space<vmem_shared>> -> memref<10112x64xf32, #tpu.memory_space<vmem_shared>>
          tpu.enqueue_indirect_dma source(%arg10 : memref<128x64xf32, #tpu.memory_space<vmem>>) target(%dma_start3A_87 : memref<10112x64xf32, #tpu.memory_space<vmem_shared>>) offsets(%dma_start3A_84 : memref<128xi32, #tpu.memory_space<vmem>>) semaphore(%run_scoped3A : memref<!tpu.dma_semaphore, #tpu.memory_space<semaphore_mem>>) {add = true}
          %dma_wait3A_88 = arith.constant 0 : i32
          %dma_wait3A_89 = tpu.memref_slice %arg9[%mul3A_53, %dma_wait3A_88] : memref<158x128xi32, #tpu.memory_space<vmem>> -> memref<1x128xi32, #tpu.memory_space<vmem>>
          %dma_wait3A_90 = tpu.memref_squeeze %dma_wait3A_89 : memref<1x128xi32, #tpu.memory_space<vmem>> -> memref<128xi32, #tpu.memory_space<vmem>>
          %dma_wait3A_91 = arith.constant 0 : i32
          %dma_wait3A_92 = arith.constant 0 : i32
          %dma_wait3A_93 = tpu.memref_slice %arg12[%dma_wait3A_91, %dma_wait3A_92] : memref<10112x64xf32, #tpu.memory_space<vmem_shared>> -> memref<10112x64xf32, #tpu.memory_space<vmem_shared>>
          tpu.wait_indirect_dma semaphore(%run_scoped3A : memref<!tpu.dma_semaphore, #tpu.memory_space<semaphore_mem>>) src(%arg10 : memref<128x64xf32, #tpu.memory_space<vmem>>) dst(%dma_wait3A_93 : memref<10112x64xf32, #tpu.memory_space<vmem_shared>>)
          tpu.yield
        }) : () -> ()
        %dma_wait3A_67 = arith.constant 0 : i32
        %dma_wait3A_68 = arith.constant 0 : i32
        %dma_wait3A_69 = tpu.memref_slice %arg2[%dma_wait3A_67, %dma_wait3A_68] : memref<10112x64xf32, #tpu.memory_space<hbm>> -> memref<128x64xf32, #tpu.memory_space<hbm>>
        %dma_wait3A_70 = arith.constant 0 : i32
        %dma_wait3A_71 = arith.constant 0 : i32
        %dma_wait3A_72 = tpu.memref_slice %arg2[%dma_wait3A_70, %dma_wait3A_71] : memref<10112x64xf32, #tpu.memory_space<hbm>> -> memref<128x64xf32, #tpu.memory_space<hbm>>
        tpu.wait_dma2 semaphore(%arg13 : memref<!tpu.dma_semaphore, #tpu.memory_space<semaphore_mem>>) src(%dma_wait3A_72 : memref<128x64xf32, #tpu.memory_space<hbm>>) dst(%arg11 : memref<128x64xf32, #tpu.memory_space<vmem>>)
        %add3A_73 = arith.constant 2 : i32
        %add3A_74 = arith.addi %mul3A_53, %add3A_73 : i32
        %lt3A = arith.constant 158 : i32
        %lt3A_75 = arith.cmpi slt, %add3A_74, %lt3A : i32
        %convert_element_type3A_76 = arith.extui %lt3A_75 : i1 to i32
        %cond3A_77 = arith.constant 0 : i32
        %cond3A_78 = arith.cmpi ne, %convert_element_type3A_76, %cond3A_77 : i32
        scf.if %cond3A_78 {
          %add3A_82 = arith.constant 2 : i32
          %add3A_83 = arith.addi %mul3A_53, %add3A_82 : i32
          %dma_start3A_84 = arith.constant 0 : i32
          %dma_start3A_85 = tpu.memref_slice %arg8[%add3A_83, %dma_start3A_84] : memref<158x128xi32, #tpu.memory_space<vmem>> -> memref<1x128xi32, #tpu.memory_space<vmem>>
          %dma_start3A_86 = tpu.memref_squeeze %dma_start3A_85 : memref<1x128xi32, #tpu.memory_space<vmem>> -> memref<128xi32, #tpu.memory_space<vmem>>
          %dma_start3A_87 = arith.constant 0 : i32
          %dma_start3A_88 = arith.constant 0 : i32
          %dma_start3A_89 = tpu.memref_slice %arg2[%dma_start3A_87, %dma_start3A_88] : memref<10112x64xf32, #tpu.memory_space<hbm>> -> memref<10112x64xf32, #tpu.memory_space<hbm>>
          tpu.enqueue_indirect_dma source(%dma_start3A_89 : memref<10112x64xf32, #tpu.memory_space<hbm>>) target(%arg10 : memref<128x64xf32, #tpu.memory_space<vmem>>) offsets(%dma_start3A_86 : memref<128xi32, #tpu.memory_space<vmem>>) semaphore(%arg13 : memref<!tpu.dma_semaphore, #tpu.memory_space<semaphore_mem>>)
        } else {
        }
        %add3A_79 = arith.constant 1 : i32
        %add3A_80 = arith.addi %mul3A_53, %add3A_79 : i32
        "tpu.region"() ({
          %run_scoped3A = tpu.sem_alloc : memref<!tpu.dma_semaphore, #tpu.memory_space<semaphore_mem>>
          %dma_start3A_82 = arith.constant 0 : i32
          %dma_start3A_83 = tpu.memref_slice %arg9[%add3A_80, %dma_start3A_82] : memref<158x128xi32, #tpu.memory_space<vmem>> -> memref<1x128xi32, #tpu.memory_space<vmem>>
          %dma_start3A_84 = tpu.memref_squeeze %dma_start3A_83 : memref<1x128xi32, #tpu.memory_space<vmem>> -> memref<128xi32, #tpu.memory_space<vmem>>
          %dma_start3A_85 = arith.constant 0 : i32
          %dma_start3A_86 = arith.constant 0 : i32
          %dma_start3A_87 = tpu.memref_slice %arg12[%dma_start3A_85, %dma_start3A_86] : memref<10112x64xf32, #tpu.memory_space<vmem_shared>> -> memref<10112x64xf32, #tpu.memory_space<vmem_shared>>
          tpu.enqueue_indirect_dma source(%arg11 : memref<128x64xf32, #tpu.memory_space<vmem>>) target(%dma_start3A_87 : memref<10112x64xf32, #tpu.memory_space<vmem_shared>>) offsets(%dma_start3A_84 : memref<128xi32, #tpu.memory_space<vmem>>) semaphore(%run_scoped3A : memref<!tpu.dma_semaphore, #tpu.memory_space<semaphore_mem>>) {add = true}
          %dma_wait3A_88 = arith.constant 0 : i32
          %dma_wait3A_89 = tpu.memref_slice %arg9[%add3A_80, %dma_wait3A_88] : memref<158x128xi32, #tpu.memory_space<vmem>> -> memref<1x128xi32, #tpu.memory_space<vmem>>
          %dma_wait3A_90 = tpu.memref_squeeze %dma_wait3A_89 : memref<1x128xi32, #tpu.memory_space<vmem>> -> memref<128xi32, #tpu.memory_space<vmem>>
          %dma_wait3A_91 = arith.constant 0 : i32
          %dma_wait3A_92 = arith.constant 0 : i32
          %dma_wait3A_93 = tpu.memref_slice %arg12[%dma_wait3A_91, %dma_wait3A_92] : memref<10112x64xf32, #tpu.memory_space<vmem_shared>> -> memref<10112x64xf32, #tpu.memory_space<vmem_shared>>
          tpu.wait_indirect_dma semaphore(%run_scoped3A : memref<!tpu.dma_semaphore, #tpu.memory_space<semaphore_mem>>) src(%arg11 : memref<128x64xf32, #tpu.memory_space<vmem>>) dst(%dma_wait3A_93 : memref<10112x64xf32, #tpu.memory_space<vmem_shared>>)
          tpu.yield
        }) : () -> ()
        %scan3A_81 = arith.constant 0 : i32
        scf.yield %scan3A_81 : i32
      }
      %scan3A_49 = arith.constant 79 : i32
    } else {
    }
    %eq3A_12 = arith.constant 1 : i32
    %eq3A_13 = arith.cmpi eq, %arg0, %eq3A_12 : i32
    %convert_element_type3A_14 = arith.extui %eq3A_13 : i1 to i32
    %cond3A_15 = arith.constant 0 : i32
    %cond3A_16 = arith.cmpi ne, %convert_element_type3A_14, %cond3A_15 : i32
    scf.if %cond3A_16 {
      %dma_start3A = arith.constant 0 : i32
      %dma_start3A_38 = arith.constant 0 : i32
      %dma_start3A_39 = tpu.memref_slice %arg8[%dma_start3A, %dma_start3A_38] : memref<158x128xi32, #tpu.memory_space<vmem>> -> memref<1x128xi32, #tpu.memory_space<vmem>>
      %dma_start3A_40 = tpu.memref_squeeze %dma_start3A_39 : memref<1x128xi32, #tpu.memory_space<vmem>> -> memref<128xi32, #tpu.memory_space<vmem>>
      %dma_start3A_41 = arith.constant 0 : i32
      %dma_start3A_42 = arith.constant 0 : i32
      %dma_start3A_43 = tpu.memref_slice %arg3[%dma_start3A_41, %dma_start3A_42] : memref<10112x64xf32, #tpu.memory_space<hbm>> -> memref<10112x64xf32, #tpu.memory_space<hbm>>
      tpu.enqueue_indirect_dma source(%dma_start3A_43 : memref<10112x64xf32, #tpu.memory_space<hbm>>) target(%arg10 : memref<128x64xf32, #tpu.memory_space<vmem>>) offsets(%dma_start3A_40 : memref<128xi32, #tpu.memory_space<vmem>>) semaphore(%arg13 : memref<!tpu.dma_semaphore, #tpu.memory_space<semaphore_mem>>)
      %scan3A = arith.constant 0 : i32
      %scan3A_44 = arith.constant 0 : i32
      %scan3A_45 = arith.constant 79 : i32
      %scan3A_46 = arith.addi %scan3A_44, %scan3A_45 : i32
      %scan3A_47 = arith.constant 1 : i32
      %scan3A_48 = scf.for %scan3A_50 = %scan3A_44 to %scan3A_46 step %scan3A_47 iter_args(%scan3A_51 = %scan3A) -> (i32)  : i32 {
        %mul3A_52 = arith.constant 2 : i32
        %mul3A_53 = arith.muli %scan3A_50, %mul3A_52 : i32
        %dma_wait3A = arith.constant 0 : i32
        %dma_wait3A_54 = arith.constant 0 : i32
        %dma_wait3A_55 = tpu.memref_slice %arg3[%dma_wait3A, %dma_wait3A_54] : memref<10112x64xf32, #tpu.memory_space<hbm>> -> memref<128x64xf32, #tpu.memory_space<hbm>>
        %dma_wait3A_56 = arith.constant 0 : i32
        %dma_wait3A_57 = arith.constant 0 : i32
        %dma_wait3A_58 = tpu.memref_slice %arg3[%dma_wait3A_56, %dma_wait3A_57] : memref<10112x64xf32, #tpu.memory_space<hbm>> -> memref<128x64xf32, #tpu.memory_space<hbm>>
        tpu.wait_dma2 semaphore(%arg13 : memref<!tpu.dma_semaphore, #tpu.memory_space<semaphore_mem>>) src(%dma_wait3A_58 : memref<128x64xf32, #tpu.memory_space<hbm>>) dst(%arg10 : memref<128x64xf32, #tpu.memory_space<vmem>>)
        %add3A_59 = arith.constant 1 : i32
        %add3A_60 = arith.addi %mul3A_53, %add3A_59 : i32
        %dma_start3A_61 = arith.constant 0 : i32
        %dma_start3A_62 = tpu.memref_slice %arg8[%add3A_60, %dma_start3A_61] : memref<158x128xi32, #tpu.memory_space<vmem>> -> memref<1x128xi32, #tpu.memory_space<vmem>>
        %dma_start3A_63 = tpu.memref_squeeze %dma_start3A_62 : memref<1x128xi32, #tpu.memory_space<vmem>> -> memref<128xi32, #tpu.memory_space<vmem>>
        %dma_start3A_64 = arith.constant 0 : i32
        %dma_start3A_65 = arith.constant 0 : i32
        %dma_start3A_66 = tpu.memref_slice %arg3[%dma_start3A_64, %dma_start3A_65] : memref<10112x64xf32, #tpu.memory_space<hbm>> -> memref<10112x64xf32, #tpu.memory_space<hbm>>
        tpu.enqueue_indirect_dma source(%dma_start3A_66 : memref<10112x64xf32, #tpu.memory_space<hbm>>) target(%arg11 : memref<128x64xf32, #tpu.memory_space<vmem>>) offsets(%dma_start3A_63 : memref<128xi32, #tpu.memory_space<vmem>>) semaphore(%arg13 : memref<!tpu.dma_semaphore, #tpu.memory_space<semaphore_mem>>)
        "tpu.region"() ({
          %run_scoped3A = tpu.sem_alloc : memref<!tpu.dma_semaphore, #tpu.memory_space<semaphore_mem>>
          %dma_start3A_82 = arith.constant 0 : i32
          %dma_start3A_83 = tpu.memref_slice %arg9[%mul3A_53, %dma_start3A_82] : memref<158x128xi32, #tpu.memory_space<vmem>> -> memref<1x128xi32, #tpu.memory_space<vmem>>
          %dma_start3A_84 = tpu.memref_squeeze %dma_start3A_83 : memref<1x128xi32, #tpu.memory_space<vmem>> -> memref<128xi32, #tpu.memory_space<vmem>>
          %dma_start3A_85 = arith.constant 0 : i32
          %dma_start3A_86 = arith.constant 0 : i32
          %dma_start3A_87 = tpu.memref_slice %arg12[%dma_start3A_85, %dma_start3A_86] : memref<10112x64xf32, #tpu.memory_space<vmem_shared>> -> memref<10112x64xf32, #tpu.memory_space<vmem_shared>>
          tpu.enqueue_indirect_dma source(%arg10 : memref<128x64xf32, #tpu.memory_space<vmem>>) target(%dma_start3A_87 : memref<10112x64xf32, #tpu.memory_space<vmem_shared>>) offsets(%dma_start3A_84 : memref<128xi32, #tpu.memory_space<vmem>>) semaphore(%run_scoped3A : memref<!tpu.dma_semaphore, #tpu.memory_space<semaphore_mem>>) {add = true}
          %dma_wait3A_88 = arith.constant 0 : i32
          %dma_wait3A_89 = tpu.memref_slice %arg9[%mul3A_53, %dma_wait3A_88] : memref<158x128xi32, #tpu.memory_space<vmem>> -> memref<1x128xi32, #tpu.memory_space<vmem>>
          %dma_wait3A_90 = tpu.memref_squeeze %dma_wait3A_89 : memref<1x128xi32, #tpu.memory_space<vmem>> -> memref<128xi32, #tpu.memory_space<vmem>>
          %dma_wait3A_91 = arith.constant 0 : i32
          %dma_wait3A_92 = arith.constant 0 : i32
          %dma_wait3A_93 = tpu.memref_slice %arg12[%dma_wait3A_91, %dma_wait3A_92] : memref<10112x64xf32, #tpu.memory_space<vmem_shared>> -> memref<10112x64xf32, #tpu.memory_space<vmem_shared>>
          tpu.wait_indirect_dma semaphore(%run_scoped3A : memref<!tpu.dma_semaphore, #tpu.memory_space<semaphore_mem>>) src(%arg10 : memref<128x64xf32, #tpu.memory_space<vmem>>) dst(%dma_wait3A_93 : memref<10112x64xf32, #tpu.memory_space<vmem_shared>>)
          tpu.yield
        }) : () -> ()
        %dma_wait3A_67 = arith.constant 0 : i32
        %dma_wait3A_68 = arith.constant 0 : i32
        %dma_wait3A_69 = tpu.memref_slice %arg3[%dma_wait3A_67, %dma_wait3A_68] : memref<10112x64xf32, #tpu.memory_space<hbm>> -> memref<128x64xf32, #tpu.memory_space<hbm>>
        %dma_wait3A_70 = arith.constant 0 : i32
        %dma_wait3A_71 = arith.constant 0 : i32
        %dma_wait3A_72 = tpu.memref_slice %arg3[%dma_wait3A_70, %dma_wait3A_71] : memref<10112x64xf32, #tpu.memory_space<hbm>> -> memref<128x64xf32, #tpu.memory_space<hbm>>
        tpu.wait_dma2 semaphore(%arg13 : memref<!tpu.dma_semaphore, #tpu.memory_space<semaphore_mem>>) src(%dma_wait3A_72 : memref<128x64xf32, #tpu.memory_space<hbm>>) dst(%arg11 : memref<128x64xf32, #tpu.memory_space<vmem>>)
        %add3A_73 = arith.constant 2 : i32
        %add3A_74 = arith.addi %mul3A_53, %add3A_73 : i32
        %lt3A = arith.constant 158 : i32
        %lt3A_75 = arith.cmpi slt, %add3A_74, %lt3A : i32
        %convert_element_type3A_76 = arith.extui %lt3A_75 : i1 to i32
        %cond3A_77 = arith.constant 0 : i32
        %cond3A_78 = arith.cmpi ne, %convert_element_type3A_76, %cond3A_77 : i32
        scf.if %cond3A_78 {
          %add3A_82 = arith.constant 2 : i32
          %add3A_83 = arith.addi %mul3A_53, %add3A_82 : i32
          %dma_start3A_84 = arith.constant 0 : i32
          %dma_start3A_85 = tpu.memref_slice %arg8[%add3A_83, %dma_start3A_84] : memref<158x128xi32, #tpu.memory_space<vmem>> -> memref<1x128xi32, #tpu.memory_space<vmem>>
          %dma_start3A_86 = tpu.memref_squeeze %dma_start3A_85 : memref<1x128xi32, #tpu.memory_space<vmem>> -> memref<128xi32, #tpu.memory_space<vmem>>
          %dma_start3A_87 = arith.constant 0 : i32
          %dma_start3A_88 = arith.constant 0 : i32
          %dma_start3A_89 = tpu.memref_slice %arg3[%dma_start3A_87, %dma_start3A_88] : memref<10112x64xf32, #tpu.memory_space<hbm>> -> memref<10112x64xf32, #tpu.memory_space<hbm>>
          tpu.enqueue_indirect_dma source(%dma_start3A_89 : memref<10112x64xf32, #tpu.memory_space<hbm>>) target(%arg10 : memref<128x64xf32, #tpu.memory_space<vmem>>) offsets(%dma_start3A_86 : memref<128xi32, #tpu.memory_space<vmem>>) semaphore(%arg13 : memref<!tpu.dma_semaphore, #tpu.memory_space<semaphore_mem>>)
        } else {
        }
        %add3A_79 = arith.constant 1 : i32
        %add3A_80 = arith.addi %mul3A_53, %add3A_79 : i32
        "tpu.region"() ({
          %run_scoped3A = tpu.sem_alloc : memref<!tpu.dma_semaphore, #tpu.memory_space<semaphore_mem>>
          %dma_start3A_82 = arith.constant 0 : i32
          %dma_start3A_83 = tpu.memref_slice %arg9[%add3A_80, %dma_start3A_82] : memref<158x128xi32, #tpu.memory_space<vmem>> -> memref<1x128xi32, #tpu.memory_space<vmem>>
          %dma_start3A_84 = tpu.memref_squeeze %dma_start3A_83 : memref<1x128xi32, #tpu.memory_space<vmem>> -> memref<128xi32, #tpu.memory_space<vmem>>
          %dma_start3A_85 = arith.constant 0 : i32
          %dma_start3A_86 = arith.constant 0 : i32
          %dma_start3A_87 = tpu.memref_slice %arg12[%dma_start3A_85, %dma_start3A_86] : memref<10112x64xf32, #tpu.memory_space<vmem_shared>> -> memref<10112x64xf32, #tpu.memory_space<vmem_shared>>
          tpu.enqueue_indirect_dma source(%arg11 : memref<128x64xf32, #tpu.memory_space<vmem>>) target(%dma_start3A_87 : memref<10112x64xf32, #tpu.memory_space<vmem_shared>>) offsets(%dma_start3A_84 : memref<128xi32, #tpu.memory_space<vmem>>) semaphore(%run_scoped3A : memref<!tpu.dma_semaphore, #tpu.memory_space<semaphore_mem>>) {add = true}
          %dma_wait3A_88 = arith.constant 0 : i32
          %dma_wait3A_89 = tpu.memref_slice %arg9[%add3A_80, %dma_wait3A_88] : memref<158x128xi32, #tpu.memory_space<vmem>> -> memref<1x128xi32, #tpu.memory_space<vmem>>
          %dma_wait3A_90 = tpu.memref_squeeze %dma_wait3A_89 : memref<1x128xi32, #tpu.memory_space<vmem>> -> memref<128xi32, #tpu.memory_space<vmem>>
          %dma_wait3A_91 = arith.constant 0 : i32
          %dma_wait3A_92 = arith.constant 0 : i32
          %dma_wait3A_93 = tpu.memref_slice %arg12[%dma_wait3A_91, %dma_wait3A_92] : memref<10112x64xf32, #tpu.memory_space<vmem_shared>> -> memref<10112x64xf32, #tpu.memory_space<vmem_shared>>
          tpu.wait_indirect_dma semaphore(%run_scoped3A : memref<!tpu.dma_semaphore, #tpu.memory_space<semaphore_mem>>) src(%arg11 : memref<128x64xf32, #tpu.memory_space<vmem>>) dst(%dma_wait3A_93 : memref<10112x64xf32, #tpu.memory_space<vmem_shared>>)
          tpu.yield
        }) : () -> ()
        %scan3A_81 = arith.constant 0 : i32
        scf.yield %scan3A_81 : i32
      }
      %scan3A_49 = arith.constant 79 : i32
    } else {
    }
    %barrier3A_17 = arith.constant 0 : index
    tpu.barrier barrier_id(%barrier3A_17)
    %add3A_18 = arith.constant 0 : i32
    %add3A_19 = arith.addi %mul3A_0, %add3A_18 : i32
    "tpu.region"() ({
      %run_scoped3A = tpu.sem_alloc : memref<!tpu.dma_semaphore, #tpu.memory_space<semaphore_mem>>
      %dma_start3A = arith.constant 0 : i32
      %dma_start3A_38 = tpu.memref_slice %arg12[%add3A_19, %dma_start3A] : memref<10112x64xf32, #tpu.memory_space<vmem_shared>> -> memref<128x64xf32, #tpu.memory_space<vmem_shared>>
      %dma_start3A_39 = arith.constant 0 : i32
      %dma_start3A_40 = tpu.memref_slice %arg12[%add3A_19, %dma_start3A_39] : memref<10112x64xf32, #tpu.memory_space<vmem_shared>> -> memref<128x64xf32, #tpu.memory_space<vmem_shared>>
      tpu.enqueue_dma source(%dma_start3A_40 : memref<128x64xf32, #tpu.memory_space<vmem_shared>>) target(%arg10 : memref<128x64xf32, #tpu.memory_space<vmem>>) target_semaphore(%run_scoped3A : memref<!tpu.dma_semaphore, #tpu.memory_space<semaphore_mem>>)
      %dma_wait3A = arith.constant 0 : i32
      %dma_wait3A_41 = tpu.memref_slice %arg12[%add3A_19, %dma_wait3A] : memref<10112x64xf32, #tpu.memory_space<vmem_shared>> -> memref<128x64xf32, #tpu.memory_space<vmem_shared>>
      %dma_wait3A_42 = arith.constant 0 : i32
      %dma_wait3A_43 = tpu.memref_slice %arg12[%add3A_19, %dma_wait3A_42] : memref<10112x64xf32, #tpu.memory_space<vmem_shared>> -> memref<128x64xf32, #tpu.memory_space<vmem_shared>>
      tpu.wait_dma2 semaphore(%run_scoped3A : memref<!tpu.dma_semaphore, #tpu.memory_space<semaphore_mem>>) src(%dma_wait3A_43 : memref<128x64xf32, #tpu.memory_space<vmem_shared>>) dst(%arg10 : memref<128x64xf32, #tpu.memory_space<vmem>>)
      tpu.yield
    }) : () -> ()
    %add3A_20 = arith.constant 0 : i32
    %add3A_21 = arith.addi %mul3A_0, %add3A_20 : i32
    "tpu.region"() ({
      %run_scoped3A = tpu.sem_alloc : memref<!tpu.dma_semaphore, #tpu.memory_space<semaphore_mem>>
      %dma_start3A = arith.constant 0 : i32
      %dma_start3A_38 = tpu.memref_slice %arg7[%arg0, %add3A_21, %dma_start3A] : memref<2x10112x64xf32, #tpu.memory_space<hbm>> -> memref<1x128x64xf32, #tpu.memory_space<hbm>>
      %dma_start3A_39 = tpu.memref_squeeze %dma_start3A_38 : memref<1x128x64xf32, #tpu.memory_space<hbm>> -> memref<128x64xf32, #tpu.memory_space<hbm>>
      %dma_start3A_40 = arith.constant 0 : i32
      %dma_start3A_41 = tpu.memref_slice %arg7[%arg0, %add3A_21, %dma_start3A_40] : memref<2x10112x64xf32, #tpu.memory_space<hbm>> -> memref<1x128x64xf32, #tpu.memory_space<hbm>>
      %dma_start3A_42 = tpu.memref_squeeze %dma_start3A_41 : memref<1x128x64xf32, #tpu.memory_space<hbm>> -> memref<128x64xf32, #tpu.memory_space<hbm>>
      tpu.enqueue_dma source(%arg10 : memref<128x64xf32, #tpu.memory_space<vmem>>) target(%dma_start3A_42 : memref<128x64xf32, #tpu.memory_space<hbm>>) target_semaphore(%run_scoped3A : memref<!tpu.dma_semaphore, #tpu.memory_space<semaphore_mem>>)
      %dma_wait3A = arith.constant 0 : i32
      %dma_wait3A_43 = tpu.memref_slice %arg7[%arg0, %add3A_21, %dma_wait3A] : memref<2x10112x64xf32, #tpu.memory_space<hbm>> -> memref<1x128x64xf32, #tpu.memory_space<hbm>>
      %dma_wait3A_44 = tpu.memref_squeeze %dma_wait3A_43 : memref<1x128x64xf32, #tpu.memory_space<hbm>> -> memref<128x64xf32, #tpu.memory_space<hbm>>
      %dma_wait3A_45 = arith.constant 0 : i32
      %dma_wait3A_46 = tpu.memref_slice %arg7[%arg0, %add3A_21, %dma_wait3A_45] : memref<2x10112x64xf32, #tpu.memory_space<hbm>> -> memref<1x128x64xf32, #tpu.memory_space<hbm>>
      %dma_wait3A_47 = tpu.memref_squeeze %dma_wait3A_46 : memref<1x128x64xf32, #tpu.memory_space<hbm>> -> memref<128x64xf32, #tpu.memory_space<hbm>>
      tpu.wait_dma2 semaphore(%run_scoped3A : memref<!tpu.dma_semaphore, #tpu.memory_space<semaphore_mem>>) src(%arg10 : memref<128x64xf32, #tpu.memory_space<vmem>>) dst(%dma_wait3A_47 : memref<128x64xf32, #tpu.memory_space<hbm>>)
      tpu.yield
    }) : () -> ()
    %add3A_22 = arith.constant 128 : i32
    %add3A_23 = arith.addi %mul3A_0, %add3A_22 : i32
    "tpu.region"() ({
      %run_scoped3A = tpu.sem_alloc : memref<!tpu.dma_semaphore, #tpu.memory_space<semaphore_mem>>
      %dma_start3A = arith.constant 0 : i32
      %dma_start3A_38 = tpu.memref_slice %arg12[%add3A_23, %dma_start3A] : memref<10112x64xf32, #tpu.memory_space<vmem_shared>> -> memref<128x64xf32, #tpu.memory_space<vmem_shared>>
      %dma_start3A_39 = arith.constant 0 : i32
      %dma_start3A_40 = tpu.memref_slice %arg12[%add3A_23, %dma_start3A_39] : memref<10112x64xf32, #tpu.memory_space<vmem_shared>> -> memref<128x64xf32, #tpu.memory_space<vmem_shared>>
      tpu.enqueue_dma source(%dma_start3A_40 : memref<128x64xf32, #tpu.memory_space<vmem_shared>>) target(%arg11 : memref<128x64xf32, #tpu.memory_space<vmem>>) target_semaphore(%run_scoped3A : memref<!tpu.dma_semaphore, #tpu.memory_space<semaphore_mem>>)
      %dma_wait3A = arith.constant 0 : i32
      %dma_wait3A_41 = tpu.memref_slice %arg12[%add3A_23, %dma_wait3A] : memref<10112x64xf32, #tpu.memory_space<vmem_shared>> -> memref<128x64xf32, #tpu.memory_space<vmem_shared>>
      %dma_wait3A_42 = arith.constant 0 : i32
      %dma_wait3A_43 = tpu.memref_slice %arg12[%add3A_23, %dma_wait3A_42] : memref<10112x64xf32, #tpu.memory_space<vmem_shared>> -> memref<128x64xf32, #tpu.memory_space<vmem_shared>>
      tpu.wait_dma2 semaphore(%run_scoped3A : memref<!tpu.dma_semaphore, #tpu.memory_space<semaphore_mem>>) src(%dma_wait3A_43 : memref<128x64xf32, #tpu.memory_space<vmem_shared>>) dst(%arg11 : memref<128x64xf32, #tpu.memory_space<vmem>>)
      tpu.yield
    }) : () -> ()
    %add3A_24 = arith.constant 128 : i32
    %add3A_25 = arith.addi %mul3A_0, %add3A_24 : i32
    "tpu.region"() ({
      %run_scoped3A = tpu.sem_alloc : memref<!tpu.dma_semaphore, #tpu.memory_space<semaphore_mem>>
      %dma_start3A = arith.constant 0 : i32
      %dma_start3A_38 = tpu.memref_slice %arg7[%arg0, %add3A_25, %dma_start3A] : memref<2x10112x64xf32, #tpu.memory_space<hbm>> -> memref<1x128x64xf32, #tpu.memory_space<hbm>>
      %dma_start3A_39 = tpu.memref_squeeze %dma_start3A_38 : memref<1x128x64xf32, #tpu.memory_space<hbm>> -> memref<128x64xf32, #tpu.memory_space<hbm>>
      %dma_start3A_40 = arith.constant 0 : i32
      %dma_start3A_41 = tpu.memref_slice %arg7[%arg0, %add3A_25, %dma_start3A_40] : memref<2x10112x64xf32, #tpu.memory_space<hbm>> -> memref<1x128x64xf32, #tpu.memory_space<hbm>>
      %dma_start3A_42 = tpu.memref_squeeze %dma_start3A_41 : memref<1x128x64xf32, #tpu.memory_space<hbm>> -> memref<128x64xf32, #tpu.memory_space<hbm>>
      tpu.enqueue_dma source(%arg11 : memref<128x64xf32, #tpu.memory_space<vmem>>) target(%dma_start3A_42 : memref<128x64xf32, #tpu.memory_space<hbm>>) target_semaphore(%run_scoped3A : memref<!tpu.dma_semaphore, #tpu.memory_space<semaphore_mem>>)
      %dma_wait3A = arith.constant 0 : i32
      %dma_wait3A_43 = tpu.memref_slice %arg7[%arg0, %add3A_25, %dma_wait3A] : memref<2x10112x64xf32, #tpu.memory_space<hbm>> -> memref<1x128x64xf32, #tpu.memory_space<hbm>>
      %dma_wait3A_44 = tpu.memref_squeeze %dma_wait3A_43 : memref<1x128x64xf32, #tpu.memory_space<hbm>> -> memref<128x64xf32, #tpu.memory_space<hbm>>
      %dma_wait3A_45 = arith.constant 0 : i32
      %dma_wait3A_46 = tpu.memref_slice %arg7[%arg0, %add3A_25, %dma_wait3A_45] : memref<2x10112x64xf32, #tpu.memory_space<hbm>> -> memref<1x128x64xf32, #tpu.memory_space<hbm>>
      %dma_wait3A_47 = tpu.memref_squeeze %dma_wait3A_46 : memref<1x128x64xf32, #tpu.memory_space<hbm>> -> memref<128x64xf32, #tpu.memory_space<hbm>>
      tpu.wait_dma2 semaphore(%run_scoped3A : memref<!tpu.dma_semaphore, #tpu.memory_space<semaphore_mem>>) src(%arg11 : memref<128x64xf32, #tpu.memory_space<vmem>>) dst(%dma_wait3A_47 : memref<128x64xf32, #tpu.memory_space<hbm>>)
      tpu.yield
    }) : () -> ()
    %add3A_26 = arith.constant 256 : i32
    %add3A_27 = arith.addi %mul3A_0, %add3A_26 : i32
    "tpu.region"() ({
      %run_scoped3A = tpu.sem_alloc : memref<!tpu.dma_semaphore, #tpu.memory_space<semaphore_mem>>
      %dma_start3A = arith.constant 0 : i32
      %dma_start3A_38 = tpu.memref_slice %arg12[%add3A_27, %dma_start3A] : memref<10112x64xf32, #tpu.memory_space<vmem_shared>> -> memref<128x64xf32, #tpu.memory_space<vmem_shared>>
      %dma_start3A_39 = arith.constant 0 : i32
      %dma_start3A_40 = tpu.memref_slice %arg12[%add3A_27, %dma_start3A_39] : memref<10112x64xf32, #tpu.memory_space<vmem_shared>> -> memref<128x64xf32, #tpu.memory_space<vmem_shared>>
      tpu.enqueue_dma source(%dma_start3A_40 : memref<128x64xf32, #tpu.memory_space<vmem_shared>>) target(%arg10 : memref<128x64xf32, #tpu.memory_space<vmem>>) target_semaphore(%run_scoped3A : memref<!tpu.dma_semaphore, #tpu.memory_space<semaphore_mem>>)
      %dma_wait3A = arith.constant 0 : i32
      %dma_wait3A_41 = tpu.memref_slice %arg12[%add3A_27, %dma_wait3A] : memref<10112x64xf32, #tpu.memory_space<vmem_shared>> -> memref<128x64xf32, #tpu.memory_space<vmem_shared>>
      %dma_wait3A_42 = arith.constant 0 : i32
      %dma_wait3A_43 = tpu.memref_slice %arg12[%add3A_27, %dma_wait3A_42] : memref<10112x64xf32, #tpu.memory_space<vmem_shared>> -> memref<128x64xf32, #tpu.memory_space<vmem_shared>>
      tpu.wait_dma2 semaphore(%run_scoped3A : memref<!tpu.dma_semaphore, #tpu.memory_space<semaphore_mem>>) src(%dma_wait3A_43 : memref<128x64xf32, #tpu.memory_space<vmem_shared>>) dst(%arg10 : memref<128x64xf32, #tpu.memory_space<vmem>>)
      tpu.yield
    }) : () -> ()
    %add3A_28 = arith.constant 256 : i32
    %add3A_29 = arith.addi %mul3A_0, %add3A_28 : i32
    "tpu.region"() ({
      %run_scoped3A = tpu.sem_alloc : memref<!tpu.dma_semaphore, #tpu.memory_space<semaphore_mem>>
      %dma_start3A = arith.constant 0 : i32
      %dma_start3A_38 = tpu.memref_slice %arg7[%arg0, %add3A_29, %dma_start3A] : memref<2x10112x64xf32, #tpu.memory_space<hbm>> -> memref<1x128x64xf32, #tpu.memory_space<hbm>>
      %dma_start3A_39 = tpu.memref_squeeze %dma_start3A_38 : memref<1x128x64xf32, #tpu.memory_space<hbm>> -> memref<128x64xf32, #tpu.memory_space<hbm>>
      %dma_start3A_40 = arith.constant 0 : i32
      %dma_start3A_41 = tpu.memref_slice %arg7[%arg0, %add3A_29, %dma_start3A_40] : memref<2x10112x64xf32, #tpu.memory_space<hbm>> -> memref<1x128x64xf32, #tpu.memory_space<hbm>>
      %dma_start3A_42 = tpu.memref_squeeze %dma_start3A_41 : memref<1x128x64xf32, #tpu.memory_space<hbm>> -> memref<128x64xf32, #tpu.memory_space<hbm>>
      tpu.enqueue_dma source(%arg10 : memref<128x64xf32, #tpu.memory_space<vmem>>) target(%dma_start3A_42 : memref<128x64xf32, #tpu.memory_space<hbm>>) target_semaphore(%run_scoped3A : memref<!tpu.dma_semaphore, #tpu.memory_space<semaphore_mem>>)
      %dma_wait3A = arith.constant 0 : i32
      %dma_wait3A_43 = tpu.memref_slice %arg7[%arg0, %add3A_29, %dma_wait3A] : memref<2x10112x64xf32, #tpu.memory_space<hbm>> -> memref<1x128x64xf32, #tpu.memory_space<hbm>>
      %dma_wait3A_44 = tpu.memref_squeeze %dma_wait3A_43 : memref<1x128x64xf32, #tpu.memory_space<hbm>> -> memref<128x64xf32, #tpu.memory_space<hbm>>
      %dma_wait3A_45 = arith.constant 0 : i32
      %dma_wait3A_46 = tpu.memref_slice %arg7[%arg0, %add3A_29, %dma_wait3A_45] : memref<2x10112x64xf32, #tpu.memory_space<hbm>> -> memref<1x128x64xf32, #tpu.memory_space<hbm>>
      %dma_wait3A_47 = tpu.memref_squeeze %dma_wait3A_46 : memref<1x128x64xf32, #tpu.memory_space<hbm>> -> memref<128x64xf32, #tpu.memory_space<hbm>>
      tpu.wait_dma2 semaphore(%run_scoped3A : memref<!tpu.dma_semaphore, #tpu.memory_space<semaphore_mem>>) src(%arg10 : memref<128x64xf32, #tpu.memory_space<vmem>>) dst(%dma_wait3A_47 : memref<128x64xf32, #tpu.memory_space<hbm>>)
      tpu.yield
    }) : () -> ()
    %add3A_30 = arith.constant 384 : i32
    %add3A_31 = arith.addi %mul3A_0, %add3A_30 : i32
    "tpu.region"() ({
      %run_scoped3A = tpu.sem_alloc : memref<!tpu.dma_semaphore, #tpu.memory_space<semaphore_mem>>
      %dma_start3A = arith.constant 0 : i32
      %dma_start3A_38 = tpu.memref_slice %arg12[%add3A_31, %dma_start3A] : memref<10112x64xf32, #tpu.memory_space<vmem_shared>> -> memref<128x64xf32, #tpu.memory_space<vmem_shared>>
      %dma_start3A_39 = arith.constant 0 : i32
      %dma_start3A_40 = tpu.memref_slice %arg12[%add3A_31, %dma_start3A_39] : memref<10112x64xf32, #tpu.memory_space<vmem_shared>> -> memref<128x64xf32, #tpu.memory_space<vmem_shared>>
      tpu.enqueue_dma source(%dma_start3A_40 : memref<128x64xf32, #tpu.memory_space<vmem_shared>>) target(%arg11 : memref<128x64xf32, #tpu.memory_space<vmem>>) target_semaphore(%run_scoped3A : memref<!tpu.dma_semaphore, #tpu.memory_space<semaphore_mem>>)
      %dma_wait3A = arith.constant 0 : i32
      %dma_wait3A_41 = tpu.memref_slice %arg12[%add3A_31, %dma_wait3A] : memref<10112x64xf32, #tpu.memory_space<vmem_shared>> -> memref<128x64xf32, #tpu.memory_space<vmem_shared>>
      %dma_wait3A_42 = arith.constant 0 : i32
      %dma_wait3A_43 = tpu.memref_slice %arg12[%add3A_31, %dma_wait3A_42] : memref<10112x64xf32, #tpu.memory_space<vmem_shared>> -> memref<128x64xf32, #tpu.memory_space<vmem_shared>>
      tpu.wait_dma2 semaphore(%run_scoped3A : memref<!tpu.dma_semaphore, #tpu.memory_space<semaphore_mem>>) src(%dma_wait3A_43 : memref<128x64xf32, #tpu.memory_space<vmem_shared>>) dst(%arg11 : memref<128x64xf32, #tpu.memory_space<vmem>>)
      tpu.yield
    }) : () -> ()
    %add3A_32 = arith.constant 384 : i32
    %add3A_33 = arith.addi %mul3A_0, %add3A_32 : i32
    "tpu.region"() ({
      %run_scoped3A = tpu.sem_alloc : memref<!tpu.dma_semaphore, #tpu.memory_space<semaphore_mem>>
      %dma_start3A = arith.constant 0 : i32
      %dma_start3A_38 = tpu.memref_slice %arg7[%arg0, %add3A_33, %dma_start3A] : memref<2x10112x64xf32, #tpu.memory_space<hbm>> -> memref<1x128x64xf32, #tpu.memory_space<hbm>>
      %dma_start3A_39 = tpu.memref_squeeze %dma_start3A_38 : memref<1x128x64xf32, #tpu.memory_space<hbm>> -> memref<128x64xf32, #tpu.memory_space<hbm>>
      %dma_start3A_40 = arith.constant 0 : i32
      %dma_start3A_41 = tpu.memref_slice %arg7[%arg0, %add3A_33, %dma_start3A_40] : memref<2x10112x64xf32, #tpu.memory_space<hbm>> -> memref<1x128x64xf32, #tpu.memory_space<hbm>>
      %dma_start3A_42 = tpu.memref_squeeze %dma_start3A_41 : memref<1x128x64xf32, #tpu.memory_space<hbm>> -> memref<128x64xf32, #tpu.memory_space<hbm>>
      tpu.enqueue_dma source(%arg11 : memref<128x64xf32, #tpu.memory_space<vmem>>) target(%dma_start3A_42 : memref<128x64xf32, #tpu.memory_space<hbm>>) target_semaphore(%run_scoped3A : memref<!tpu.dma_semaphore, #tpu.memory_space<semaphore_mem>>)
      %dma_wait3A = arith.constant 0 : i32
      %dma_wait3A_43 = tpu.memref_slice %arg7[%arg0, %add3A_33, %dma_wait3A] : memref<2x10112x64xf32, #tpu.memory_space<hbm>> -> memref<1x128x64xf32, #tpu.memory_space<hbm>>
      %dma_wait3A_44 = tpu.memref_squeeze %dma_wait3A_43 : memref<1x128x64xf32, #tpu.memory_space<hbm>> -> memref<128x64xf32, #tpu.memory_space<hbm>>
      %dma_wait3A_45 = arith.constant 0 : i32
      %dma_wait3A_46 = tpu.memref_slice %arg7[%arg0, %add3A_33, %dma_wait3A_45] : memref<2x10112x64xf32, #tpu.memory_space<hbm>> -> memref<1x128x64xf32, #tpu.memory_space<hbm>>
      %dma_wait3A_47 = tpu.memref_squeeze %dma_wait3A_46 : memref<1x128x64xf32, #tpu.memory_space<hbm>> -> memref<128x64xf32, #tpu.memory_space<hbm>>
      tpu.wait_dma2 semaphore(%run_scoped3A : memref<!tpu.dma_semaphore, #tpu.memory_space<semaphore_mem>>) src(%arg11 : memref<128x64xf32, #tpu.memory_space<vmem>>) dst(%dma_wait3A_47 : memref<128x64xf32, #tpu.memory_space<hbm>>)
      tpu.yield
    }) : () -> ()
    %add3A_34 = arith.constant 512 : i32
    %add3A_35 = arith.addi %mul3A_0, %add3A_34 : i32
    "tpu.region"() ({
      %run_scoped3A = tpu.sem_alloc : memref<!tpu.dma_semaphore, #tpu.memory_space<semaphore_mem>>
      %dma_start3A = arith.constant 0 : i32
      %dma_start3A_38 = arith.constant 0 : i32
      %dma_start3A_39 = tpu.memref_slice %arg10[%dma_start3A, %dma_start3A_38] : memref<128x64xf32, #tpu.memory_space<vmem>> -> memref<120x64xf32, #tpu.memory_space<vmem>>
      %dma_start3A_40 = arith.constant 0 : i32
      %dma_start3A_41 = tpu.memref_slice %arg12[%add3A_35, %dma_start3A_40] : memref<10112x64xf32, #tpu.memory_space<vmem_shared>> -> memref<120x64xf32, #tpu.memory_space<vmem_shared>>
      %dma_start3A_42 = arith.constant 0 : i32
      %dma_start3A_43 = arith.constant 0 : i32
      %dma_start3A_44 = tpu.memref_slice %arg10[%dma_start3A_42, %dma_start3A_43] : memref<128x64xf32, #tpu.memory_space<vmem>> -> memref<120x64xf32, #tpu.memory_space<vmem>>
      %dma_start3A_45 = arith.constant 0 : i32
      %dma_start3A_46 = tpu.memref_slice %arg12[%add3A_35, %dma_start3A_45] : memref<10112x64xf32, #tpu.memory_space<vmem_shared>> -> memref<120x64xf32, #tpu.memory_space<vmem_shared>>
      tpu.enqueue_dma source(%dma_start3A_46 : memref<120x64xf32, #tpu.memory_space<vmem_shared>>) target(%dma_start3A_44 : memref<120x64xf32, #tpu.memory_space<vmem>>) target_semaphore(%run_scoped3A : memref<!tpu.dma_semaphore, #tpu.memory_space<semaphore_mem>>)
      %dma_wait3A = arith.constant 0 : i32
      %dma_wait3A_47 = arith.constant 0 : i32
      %dma_wait3A_48 = tpu.memref_slice %arg10[%dma_wait3A, %dma_wait3A_47] : memref<128x64xf32, #tpu.memory_space<vmem>> -> memref<120x64xf32, #tpu.memory_space<vmem>>
      %dma_wait3A_49 = arith.constant 0 : i32
      %dma_wait3A_50 = tpu.memref_slice %arg12[%add3A_35, %dma_wait3A_49] : memref<10112x64xf32, #tpu.memory_space<vmem_shared>> -> memref<120x64xf32, #tpu.memory_space<vmem_shared>>
      %dma_wait3A_51 = arith.constant 0 : i32
      %dma_wait3A_52 = arith.constant 0 : i32
      %dma_wait3A_53 = tpu.memref_slice %arg10[%dma_wait3A_51, %dma_wait3A_52] : memref<128x64xf32, #tpu.memory_space<vmem>> -> memref<120x64xf32, #tpu.memory_space<vmem>>
      %dma_wait3A_54 = arith.constant 0 : i32
      %dma_wait3A_55 = tpu.memref_slice %arg12[%add3A_35, %dma_wait3A_54] : memref<10112x64xf32, #tpu.memory_space<vmem_shared>> -> memref<120x64xf32, #tpu.memory_space<vmem_shared>>
      tpu.wait_dma2 semaphore(%run_scoped3A : memref<!tpu.dma_semaphore, #tpu.memory_space<semaphore_mem>>) src(%dma_wait3A_55 : memref<120x64xf32, #tpu.memory_space<vmem_shared>>) dst(%dma_wait3A_53 : memref<120x64xf32, #tpu.memory_space<vmem>>)
      tpu.yield
    }) : () -> ()
    %add3A_36 = arith.constant 512 : i32
    %add3A_37 = arith.addi %mul3A_0, %add3A_36 : i32
    "tpu.region"() ({
      %run_scoped3A = tpu.sem_alloc : memref<!tpu.dma_semaphore, #tpu.memory_space<semaphore_mem>>
      %dma_start3A = arith.constant 0 : i32
      %dma_start3A_38 = arith.constant 0 : i32
      %dma_start3A_39 = tpu.memref_slice %arg10[%dma_start3A, %dma_start3A_38] : memref<128x64xf32, #tpu.memory_space<vmem>> -> memref<120x64xf32, #tpu.memory_space<vmem>>
      %dma_start3A_40 = arith.constant 0 : i32
      %dma_start3A_41 = tpu.memref_slice %arg7[%arg0, %add3A_37, %dma_start3A_40] : memref<2x10112x64xf32, #tpu.memory_space<hbm>> -> memref<1x120x64xf32, #tpu.memory_space<hbm>>
      %dma_start3A_42 = tpu.memref_squeeze %dma_start3A_41 : memref<1x120x64xf32, #tpu.memory_space<hbm>> -> memref<120x64xf32, #tpu.memory_space<hbm>>
      %dma_start3A_43 = arith.constant 0 : i32
      %dma_start3A_44 = tpu.memref_slice %arg7[%arg0, %add3A_37, %dma_start3A_43] : memref<2x10112x64xf32, #tpu.memory_space<hbm>> -> memref<1x120x64xf32, #tpu.memory_space<hbm>>
      %dma_start3A_45 = tpu.memref_squeeze %dma_start3A_44 : memref<1x120x64xf32, #tpu.memory_space<hbm>> -> memref<120x64xf32, #tpu.memory_space<hbm>>
      %dma_start3A_46 = arith.constant 0 : i32
      %dma_start3A_47 = arith.constant 0 : i32
      %dma_start3A_48 = tpu.memref_slice %arg10[%dma_start3A_46, %dma_start3A_47] : memref<128x64xf32, #tpu.memory_space<vmem>> -> memref<120x64xf32, #tpu.memory_space<vmem>>
      tpu.enqueue_dma source(%dma_start3A_48 : memref<120x64xf32, #tpu.memory_space<vmem>>) target(%dma_start3A_45 : memref<120x64xf32, #tpu.memory_space<hbm>>) target_semaphore(%run_scoped3A : memref<!tpu.dma_semaphore, #tpu.memory_space<semaphore_mem>>)
      %dma_wait3A = arith.constant 0 : i32
      %dma_wait3A_49 = arith.constant 0 : i32
      %dma_wait3A_50 = tpu.memref_slice %arg10[%dma_wait3A, %dma_wait3A_49] : memref<128x64xf32, #tpu.memory_space<vmem>> -> memref<120x64xf32, #tpu.memory_space<vmem>>
      %dma_wait3A_51 = arith.constant 0 : i32
      %dma_wait3A_52 = tpu.memref_slice %arg7[%arg0, %add3A_37, %dma_wait3A_51] : memref<2x10112x64xf32, #tpu.memory_space<hbm>> -> memref<1x120x64xf32, #tpu.memory_space<hbm>>
      %dma_wait3A_53 = tpu.memref_squeeze %dma_wait3A_52 : memref<1x120x64xf32, #tpu.memory_space<hbm>> -> memref<120x64xf32, #tpu.memory_space<hbm>>
      %dma_wait3A_54 = arith.constant 0 : i32
      %dma_wait3A_55 = tpu.memref_slice %arg7[%arg0, %add3A_37, %dma_wait3A_54] : memref<2x10112x64xf32, #tpu.memory_space<hbm>> -> memref<1x120x64xf32, #tpu.memory_space<hbm>>
      %dma_wait3A_56 = tpu.memref_squeeze %dma_wait3A_55 : memref<1x120x64xf32, #tpu.memory_space<hbm>> -> memref<120x64xf32, #tpu.memory_space<hbm>>
      %dma_wait3A_57 = arith.constant 0 : i32
      %dma_wait3A_58 = arith.constant 0 : i32
      %dma_wait3A_59 = tpu.memref_slice %arg10[%dma_wait3A_57, %dma_wait3A_58] : memref<128x64xf32, #tpu.memory_space<vmem>> -> memref<120x64xf32, #tpu.memory_space<vmem>>
      tpu.wait_dma2 semaphore(%run_scoped3A : memref<!tpu.dma_semaphore, #tpu.memory_space<semaphore_mem>>) src(%dma_wait3A_59 : memref<120x64xf32, #tpu.memory_space<vmem>>) dst(%dma_wait3A_56 : memref<120x64xf32, #tpu.memory_space<hbm>>)
      tpu.yield
    }) : () -> ()
    return
  }
}

module attributes {stable_mosaic.version = 14 : i64} {
  func.func @_prep_body(%arg0: i32, %arg1: memref<2x2x1x128x16xf32, #tpu.memory_space<vmem>>, %arg2: memref<128x128xf32, #tpu.memory_space<vmem>>, %arg3: memref<2x128x64xf32, #tpu.memory_space<vmem>>) attributes {dimension_semantics = [#tpu.dimension_semantics<arbitrary>], iteration_bounds = array<i64: 79>, scalar_prefetch = 0 : i64, scratch_operands = 0 : i64, tpu.core_type = #tpu.core_type<tc>, window_params = [{transform_indices = @transform_0, window_bounds = array<i64: 2, 2, 1, 128, 16>}, {transform_indices = @transform_1, window_bounds = array<i64: 128, 128>}, {transform_indices = @transform_2, window_bounds = array<i64: 2, 128, 64>}]} {
    %get3A = arith.constant 0 : index
    %get3A_0 = arith.constant 0 : index
    %get3A_1 = arith.constant 0 : index
    %get3A_2 = arith.constant 0 : index
    %get3A_3 = arith.constant 0 : index
    %get3A_4 = vector.load %arg1[%get3A, %get3A_0, %get3A_1, %get3A_2, %get3A_3] : memref<2x2x1x128x16xf32, #tpu.memory_space<vmem>>, vector<2x2x1x128x16xf32>
    %slice3A = vector.extract_strided_slice %get3A_4 {offsets = [0, 0, 0, 0, 0], sizes = [1, 1, 1, 128, 1], strides = [1, 1, 1, 1, 1]} : vector<2x2x1x128x16xf32> to vector<1x1x1x128x1xf32>
    %squeeze3A = vector.shape_cast %slice3A : vector<1x1x1x128x1xf32> to vector<128x1xf32>
    %slice3A_5 = vector.extract_strided_slice %get3A_4 {offsets = [1, 0, 0, 0, 0], sizes = [1, 1, 1, 128, 1], strides = [1, 1, 1, 1, 1]} : vector<2x2x1x128x16xf32> to vector<1x1x1x128x1xf32>
    %squeeze3A_6 = vector.shape_cast %slice3A_5 : vector<1x1x1x128x1xf32> to vector<128x1xf32>
    %add3A = arith.addf %squeeze3A, %squeeze3A_6 : vector<128x1xf32>
    %max3A = arith.constant 1.000000e+00 : f32
    %max3A_7 = vector.broadcast %max3A : f32 to vector<128x1xf32>
    %max3A_8 = arith.maximumf %add3A, %max3A_7 : vector<128x1xf32>
    %rsqrt3A = math.rsqrt %max3A_8 : vector<128x1xf32>
    %get3A_9 = arith.constant 0 : index
    %get3A_10 = arith.constant 0 : index
    %get3A_11 = vector.load %arg2[%get3A_9, %get3A_10] : memref<128x128xf32, #tpu.memory_space<vmem>>, vector<128x128xf32>
    %mul3A = vector.broadcast %rsqrt3A : vector<128x1xf32> to vector<128x128xf32>
    %mul3A_12 = arith.mulf %get3A_11, %mul3A : vector<128x128xf32>
    %slice3A_13 = vector.extract_strided_slice %mul3A_12 {offsets = [0, 0], sizes = [128, 64], strides = [1, 1]} : vector<128x128xf32> to vector<128x64xf32>
    %swap3A = arith.constant 0 : index
    %swap3A_14 = arith.constant 0 : index
    %swap3A_15 = arith.constant 0 : index
    %swap3A_16 = vector.load %arg3[%swap3A, %swap3A_14, %swap3A_15] : memref<2x128x64xf32, #tpu.memory_space<vmem>>, vector<1x128x64xf32>
    %swap3A_17 = vector.shape_cast %swap3A_16 : vector<1x128x64xf32> to vector<128x64xf32>
    %swap3A_18 = vector.shape_cast %slice3A_13 : vector<128x64xf32> to vector<1x128x64xf32>
    tpu.vector_store %arg3[%swap3A, %swap3A_14, %swap3A_15], %swap3A_18 {strides = array<i32>} : memref<2x128x64xf32, #tpu.memory_space<vmem>>, vector<1x128x64xf32>,
    %slice3A_19 = vector.extract_strided_slice %mul3A_12 {offsets = [0, 64], sizes = [128, 64], strides = [1, 1]} : vector<128x128xf32> to vector<128x64xf32>
    %swap3A_20 = arith.constant 1 : index
    %swap3A_21 = arith.constant 0 : index
    %swap3A_22 = arith.constant 0 : index
    %swap3A_23 = vector.load %arg3[%swap3A_20, %swap3A_21, %swap3A_22] : memref<2x128x64xf32, #tpu.memory_space<vmem>>, vector<1x128x64xf32>
    %swap3A_24 = vector.shape_cast %swap3A_23 : vector<1x128x64xf32> to vector<128x64xf32>
    %swap3A_25 = vector.shape_cast %slice3A_19 : vector<128x64xf32> to vector<1x128x64xf32>
    tpu.vector_store %arg3[%swap3A_20, %swap3A_21, %swap3A_22], %swap3A_25 {strides = array<i32>} : memref<2x128x64xf32, #tpu.memory_space<vmem>>, vector<1x128x64xf32>,
    return
  }
  func.func @transform_0(%arg0: i32) -> (i32, i32, i32, i32, i32) {
    %c0_i32 = arith.constant 0 : i32
    %c0_i32_0 = arith.constant 0 : i32
    %c0_i32_1 = arith.constant 0 : i32
    %c0_i32_2 = arith.constant 0 : i32
    %c0_i32_3 = arith.constant 0 : i32
    return %c0_i32, %c0_i32_0, %arg0, %c0_i32_1, %c0_i32_2 : i32, i32, i32, i32, i32
  }
  func.func @transform_1(%arg0: i32) -> (i32, i32) {
    %c0_i32 = arith.constant 0 : i32
    %c0_i32_0 = arith.constant 0 : i32
    return %arg0, %c0_i32 : i32, i32
  }
  func.func @transform_2(%arg0: i32) -> (i32, i32, i32) {
    %c0_i32 = arith.constant 0 : i32
    %c0_i32_0 = arith.constant 0 : i32
    %c0_i32_1 = arith.constant 0 : i32
    return %c0_i32, %arg0, %c0_i32_0 : i32, i32, i32
  }
}

module attributes {stable_mosaic.version = 14 : i64} {
  func.func @_combine_body(%arg0: i32, %arg1: memref<2x2x1x128x16xf32, #tpu.memory_space<vmem>>, %arg2: memref<2x128x64xf32, #tpu.memory_space<vmem>>, %arg3: memref<128x128xf32, #tpu.memory_space<vmem>>, %arg4: memref<128x128xf32, #tpu.memory_space<vmem>>, %arg5: memref<2x128x64xf32, #tpu.memory_space<vmem>>) attributes {dimension_semantics = [#tpu.dimension_semantics<arbitrary>], iteration_bounds = array<i64: 79>, scalar_prefetch = 0 : i64, scratch_operands = 0 : i64, tpu.core_type = #tpu.core_type<tc>, window_params = [{transform_indices = @transform_0, window_bounds = array<i64: 2, 2, 1, 128, 16>}, {transform_indices = @transform_1, window_bounds = array<i64: 2, 128, 64>}, {transform_indices = @transform_2, window_bounds = array<i64: 128, 128>}, {transform_indices = @transform_3, window_bounds = array<i64: 128, 128>}, {transform_indices = @transform_4, window_bounds = array<i64: 2, 128, 64>}]} {
    %get3A = arith.constant 0 : index
    %get3A_0 = arith.constant 0 : index
    %get3A_1 = arith.constant 0 : index
    %get3A_2 = arith.constant 0 : index
    %get3A_3 = arith.constant 0 : index
    %get3A_4 = vector.load %arg1[%get3A, %get3A_0, %get3A_1, %get3A_2, %get3A_3] : memref<2x2x1x128x16xf32, #tpu.memory_space<vmem>>, vector<2x2x1x128x16xf32>
    %slice3A = vector.extract_strided_slice %get3A_4 {offsets = [0, 0, 0, 0, 0], sizes = [1, 1, 1, 128, 1], strides = [1, 1, 1, 1, 1]} : vector<2x2x1x128x16xf32> to vector<1x1x1x128x1xf32>
    %squeeze3A = vector.shape_cast %slice3A : vector<1x1x1x128x1xf32> to vector<128x1xf32>
    %slice3A_5 = vector.extract_strided_slice %get3A_4 {offsets = [1, 0, 0, 0, 0], sizes = [1, 1, 1, 128, 1], strides = [1, 1, 1, 1, 1]} : vector<2x2x1x128x16xf32> to vector<1x1x1x128x1xf32>
    %squeeze3A_6 = vector.shape_cast %slice3A_5 : vector<1x1x1x128x1xf32> to vector<128x1xf32>
    %add3A = arith.addf %squeeze3A, %squeeze3A_6 : vector<128x1xf32>
    %slice3A_7 = vector.extract_strided_slice %get3A_4 {offsets = [0, 1, 0, 0, 0], sizes = [1, 1, 1, 128, 1], strides = [1, 1, 1, 1, 1]} : vector<2x2x1x128x16xf32> to vector<1x1x1x128x1xf32>
    %squeeze3A_8 = vector.shape_cast %slice3A_7 : vector<1x1x1x128x1xf32> to vector<128x1xf32>
    %slice3A_9 = vector.extract_strided_slice %get3A_4 {offsets = [1, 1, 0, 0, 0], sizes = [1, 1, 1, 128, 1], strides = [1, 1, 1, 1, 1]} : vector<2x2x1x128x16xf32> to vector<1x1x1x128x1xf32>
    %squeeze3A_10 = vector.shape_cast %slice3A_9 : vector<1x1x1x128x1xf32> to vector<128x1xf32>
    %add3A_11 = arith.addf %squeeze3A_8, %squeeze3A_10 : vector<128x1xf32>
    %max3A = arith.constant 1.000000e+00 : f32
    %max3A_12 = vector.broadcast %max3A : f32 to vector<128x1xf32>
    %max3A_13 = arith.maximumf %add3A, %max3A_12 : vector<128x1xf32>
    %rsqrt3A = math.rsqrt %max3A_13 : vector<128x1xf32>
    %max3A_14 = arith.constant 1.000000e+00 : f32
    %max3A_15 = vector.broadcast %max3A_14 : f32 to vector<128x1xf32>
    %max3A_16 = arith.maximumf %add3A_11, %max3A_15 : vector<128x1xf32>
    %rsqrt3A_17 = math.rsqrt %max3A_16 : vector<128x1xf32>
    %get3A_18 = arith.constant 0 : index
    %get3A_19 = arith.constant 0 : index
    %get3A_20 = arith.constant 0 : index
    %get3A_21 = vector.load %arg2[%get3A_18, %get3A_19, %get3A_20] : memref<2x128x64xf32, #tpu.memory_space<vmem>>, vector<1x128x64xf32>
    %get3A_22 = vector.shape_cast %get3A_21 : vector<1x128x64xf32> to vector<128x64xf32>
    %get3A_23 = arith.constant 1 : index
    %get3A_24 = arith.constant 0 : index
    %get3A_25 = arith.constant 0 : index
    %get3A_26 = vector.load %arg2[%get3A_23, %get3A_24, %get3A_25] : memref<2x128x64xf32, #tpu.memory_space<vmem>>, vector<1x128x64xf32>
    %get3A_27 = vector.shape_cast %get3A_26 : vector<1x128x64xf32> to vector<128x64xf32>
    %concatenate3A = tpu.concatenate %get3A_22, %get3A_27 in 1 : vector<128x64xf32>, vector<128x64xf32> -> vector<128x128xf32>
    %mul3A = vector.broadcast %rsqrt3A_17 : vector<128x1xf32> to vector<128x128xf32>
    %mul3A_28 = arith.mulf %concatenate3A, %mul3A : vector<128x128xf32>
    %mul3A_29 = arith.constant 1.000000e-01 : f32
    %mul3A_30 = vector.broadcast %mul3A_29 : f32 to vector<128x128xf32>
    %mul3A_31 = arith.mulf %mul3A_30, %mul3A_28 : vector<128x128xf32>
    %get3A_32 = arith.constant 0 : index
    %get3A_33 = arith.constant 0 : index
    %get3A_34 = vector.load %arg3[%get3A_32, %get3A_33] : memref<128x128xf32, #tpu.memory_space<vmem>>, vector<128x128xf32>
    %mul3A_35 = arith.constant 0.899999976 : f32
    %mul3A_36 = vector.broadcast %mul3A_35 : f32 to vector<128x128xf32>
    %mul3A_37 = arith.mulf %mul3A_36, %get3A_34 : vector<128x128xf32>
    %add3A_38 = arith.addf %mul3A_31, %mul3A_37 : vector<128x128xf32>
    %swap3A = arith.constant 0 : index
    %swap3A_39 = arith.constant 0 : index
    %swap3A_40 = vector.load %arg4[%swap3A, %swap3A_39] : memref<128x128xf32, #tpu.memory_space<vmem>>, vector<128x128xf32>
    tpu.vector_store %arg4[%swap3A, %swap3A_39], %add3A_38 {strides = array<i32>} : memref<128x128xf32, #tpu.memory_space<vmem>>, vector<128x128xf32>,
    %mul3A_41 = vector.broadcast %rsqrt3A : vector<128x1xf32> to vector<128x128xf32>
    %mul3A_42 = arith.mulf %add3A_38, %mul3A_41 : vector<128x128xf32>
    %slice3A_43 = vector.extract_strided_slice %mul3A_42 {offsets = [0, 0], sizes = [128, 64], strides = [1, 1]} : vector<128x128xf32> to vector<128x64xf32>
    %swap3A_44 = arith.constant 0 : index
    %swap3A_45 = arith.constant 0 : index
    %swap3A_46 = arith.constant 0 : index
    %swap3A_47 = vector.load %arg5[%swap3A_44, %swap3A_45, %swap3A_46] : memref<2x128x64xf32, #tpu.memory_space<vmem>>, vector<1x128x64xf32>
    %swap3A_48 = vector.shape_cast %swap3A_47 : vector<1x128x64xf32> to vector<128x64xf32>
    %swap3A_49 = vector.shape_cast %slice3A_43 : vector<128x64xf32> to vector<1x128x64xf32>
    tpu.vector_store %arg5[%swap3A_44, %swap3A_45, %swap3A_46], %swap3A_49 {strides = array<i32>} : memref<2x128x64xf32, #tpu.memory_space<vmem>>, vector<1x128x64xf32>,
    %slice3A_50 = vector.extract_strided_slice %mul3A_42 {offsets = [0, 64], sizes = [128, 64], strides = [1, 1]} : vector<128x128xf32> to vector<128x64xf32>
    %swap3A_51 = arith.constant 1 : index
    %swap3A_52 = arith.constant 0 : index
    %swap3A_53 = arith.constant 0 : index
    %swap3A_54 = vector.load %arg5[%swap3A_51, %swap3A_52, %swap3A_53] : memref<2x128x64xf32, #tpu.memory_space<vmem>>, vector<1x128x64xf32>
    %swap3A_55 = vector.shape_cast %swap3A_54 : vector<1x128x64xf32> to vector<128x64xf32>
    %swap3A_56 = vector.shape_cast %slice3A_50 : vector<128x64xf32> to vector<1x128x64xf32>
    tpu.vector_store %arg5[%swap3A_51, %swap3A_52, %swap3A_53], %swap3A_56 {strides = array<i32>} : memref<2x128x64xf32, #tpu.memory_space<vmem>>, vector<1x128x64xf32>,
    return
  }
  func.func @transform_0(%arg0: i32) -> (i32, i32, i32, i32, i32) {
    %c0_i32 = arith.constant 0 : i32
    %c0_i32_0 = arith.constant 0 : i32
    %c0_i32_1 = arith.constant 0 : i32
    %c0_i32_2 = arith.constant 0 : i32
    %c0_i32_3 = arith.constant 0 : i32
    return %c0_i32, %c0_i32_0, %arg0, %c0_i32_1, %c0_i32_2 : i32, i32, i32, i32, i32
  }
  func.func @transform_1(%arg0: i32) -> (i32, i32, i32) {
    %c0_i32 = arith.constant 0 : i32
    %c0_i32_0 = arith.constant 0 : i32
    %c0_i32_1 = arith.constant 0 : i32
    return %c0_i32, %arg0, %c0_i32_0 : i32, i32, i32
  }
  func.func @transform_2(%arg0: i32) -> (i32, i32) {
    %c0_i32 = arith.constant 0 : i32
    %c0_i32_0 = arith.constant 0 : i32
    return %arg0, %c0_i32 : i32, i32
  }
  func.func @transform_3(%arg0: i32) -> (i32, i32) {
    %c0_i32 = arith.constant 0 : i32
    %c0_i32_0 = arith.constant 0 : i32
    return %arg0, %c0_i32 : i32, i32
  }
  func.func @transform_4(%arg0: i32) -> (i32, i32, i32) {
    %c0_i32 = arith.constant 0 : i32
    %c0_i32_0 = arith.constant 0 : i32
    %c0_i32_1 = arith.constant 0 : i32
    return %c0_i32, %arg0, %c0_i32_0 : i32, i32, i32
  }
}

module attributes {stable_mosaic.version = 14 : i64} {
  func.func @_se_body(%arg0: i32, %arg1: memref<4x4xf32, #tpu.memory_space<smem>>, %arg2: memref<4x4xf32, #tpu.memory_space<smem>>, %arg3: memref<2x2x1x128x16xf32, #tpu.memory_space<vmem>>, %arg4: memref<2x128x64xf32, #tpu.memory_space<vmem>>, %arg5: memref<128x128xf32, #tpu.memory_space<vmem>>, %arg6: memref<128x128xf32, #tpu.memory_space<vmem>>, %arg7: memref<128x128xf32, #tpu.memory_space<vmem>>, %arg8: memref<128x128xf32, #tpu.memory_space<vmem>>) attributes {dimension_semantics = [#tpu.dimension_semantics<arbitrary>], iteration_bounds = array<i64: 79>, scalar_prefetch = 0 : i64, scratch_operands = 0 : i64, tpu.core_type = #tpu.core_type<tc>, window_params = [{transform_indices = @transform_0, window_bounds = array<i64: 4, 4>}, {transform_indices = @transform_1, window_bounds = array<i64: 4, 4>}, {transform_indices = @transform_2, window_bounds = array<i64: 2, 2, 1, 128, 16>}, {transform_indices = @transform_3, window_bounds = array<i64: 2, 128, 64>}, {transform_indices = @transform_4, window_bounds = array<i64: 128, 128>}, {transform_indices = @transform_5, window_bounds = array<i64: 128, 128>}, {transform_indices = @transform_6, window_bounds = array<i64: 128, 128>}, {transform_indices = @transform_7, window_bounds = array<i64: 128, 128>}]} {
    %get3A = arith.constant 0 : index
    %get3A_0 = arith.constant 0 : index
    %get3A_1 = arith.constant 0 : index
    %get3A_2 = arith.constant 0 : index
    %get3A_3 = arith.constant 0 : index
    %get3A_4 = vector.load %arg3[%get3A, %get3A_0, %get3A_1, %get3A_2, %get3A_3] : memref<2x2x1x128x16xf32, #tpu.memory_space<vmem>>, vector<2x2x1x128x16xf32>
    %slice3A = vector.extract_strided_slice %get3A_4 {offsets = [0, 1, 0, 0, 0], sizes = [1, 1, 1, 128, 1], strides = [1, 1, 1, 1, 1]} : vector<2x2x1x128x16xf32> to vector<1x1x1x128x1xf32>
    %squeeze3A = vector.shape_cast %slice3A : vector<1x1x1x128x1xf32> to vector<128x1xf32>
    %slice3A_5 = vector.extract_strided_slice %get3A_4 {offsets = [1, 1, 0, 0, 0], sizes = [1, 1, 1, 128, 1], strides = [1, 1, 1, 1, 1]} : vector<2x2x1x128x16xf32> to vector<1x1x1x128x1xf32>
    %squeeze3A_6 = vector.shape_cast %slice3A_5 : vector<1x1x1x128x1xf32> to vector<128x1xf32>
    %add3A = arith.addf %squeeze3A, %squeeze3A_6 : vector<128x1xf32>
    %max3A = arith.constant 1.000000e+00 : f32
    %max3A_7 = vector.broadcast %max3A : f32 to vector<128x1xf32>
    %max3A_8 = arith.maximumf %add3A, %max3A_7 : vector<128x1xf32>
    %rsqrt3A = math.rsqrt %max3A_8 : vector<128x1xf32>
    %get3A_9 = arith.constant 0 : index
    %get3A_10 = arith.constant 0 : index
    %get3A_11 = arith.constant 0 : index
    %get3A_12 = vector.load %arg4[%get3A_9, %get3A_10, %get3A_11] : memref<2x128x64xf32, #tpu.memory_space<vmem>>, vector<1x128x64xf32>
    %get3A_13 = vector.shape_cast %get3A_12 : vector<1x128x64xf32> to vector<128x64xf32>
    %get3A_14 = arith.constant 1 : index
    %get3A_15 = arith.constant 0 : index
    %get3A_16 = arith.constant 0 : index
    %get3A_17 = vector.load %arg4[%get3A_14, %get3A_15, %get3A_16] : memref<2x128x64xf32, #tpu.memory_space<vmem>>, vector<1x128x64xf32>
    %get3A_18 = vector.shape_cast %get3A_17 : vector<1x128x64xf32> to vector<128x64xf32>
    %concatenate3A = tpu.concatenate %get3A_13, %get3A_18 in 1 : vector<128x64xf32>, vector<128x64xf32> -> vector<128x128xf32>
    %mul3A = vector.broadcast %rsqrt3A : vector<128x1xf32> to vector<128x128xf32>
    %mul3A_19 = arith.mulf %concatenate3A, %mul3A : vector<128x128xf32>
    %mul3A_20 = arith.constant 1.000000e-01 : f32
    %mul3A_21 = vector.broadcast %mul3A_20 : f32 to vector<128x128xf32>
    %mul3A_22 = arith.mulf %mul3A_21, %mul3A_19 : vector<128x128xf32>
    %get3A_23 = arith.constant 0 : index
    %get3A_24 = arith.constant 0 : index
    %get3A_25 = vector.load %arg5[%get3A_23, %get3A_24] : memref<128x128xf32, #tpu.memory_space<vmem>>, vector<128x128xf32>
    %mul3A_26 = arith.constant 0.899999976 : f32
    %mul3A_27 = vector.broadcast %mul3A_26 : f32 to vector<128x128xf32>
    %mul3A_28 = arith.mulf %mul3A_27, %get3A_25 : vector<128x128xf32>
    %add3A_29 = arith.addf %mul3A_22, %mul3A_28 : vector<128x128xf32>
    %get3A_30 = arith.constant 0 : index
    %get3A_31 = arith.constant 0 : index
    %get3A_32 = vector.load %arg5[%get3A_30, %get3A_31] : memref<128x128xf32, #tpu.memory_space<vmem>>, vector<128x128xf32>
    %get3A_33 = arith.constant 0 : index
    %get3A_34 = arith.constant 0 : index
    %get3A_35 = vector.load %arg6[%get3A_33, %get3A_34] : memref<128x128xf32, #tpu.memory_space<vmem>>, vector<128x128xf32>
    %get3A_36 = arith.constant 0 : index
    %get3A_37 = arith.constant 0 : index
    %get3A_38 = vector.load %arg7[%get3A_36, %get3A_37] : memref<128x128xf32, #tpu.memory_space<vmem>>, vector<128x128xf32>
    %reduce_sum3A = arith.constant dense<0.000000e+00> : vector<128xf32>
    %reduce_sum3A_39 = vector.multi_reduction <add>, %get3A_32, %reduce_sum3A [1] : vector<128x128xf32> to vector<128xf32>
    %broadcast_in_dim3A = vector.shape_cast %reduce_sum3A_39 : vector<128xf32> to vector<128x1xf32>
    %reduce_sum3A_40 = arith.constant dense<0.000000e+00> : vector<128xf32>
    %reduce_sum3A_41 = vector.multi_reduction <add>, %get3A_35, %reduce_sum3A_40 [1] : vector<128x128xf32> to vector<128xf32>
    %broadcast_in_dim3A_42 = vector.shape_cast %reduce_sum3A_41 : vector<128xf32> to vector<128x1xf32>
    %reduce_sum3A_43 = arith.constant dense<0.000000e+00> : vector<128xf32>
    %reduce_sum3A_44 = vector.multi_reduction <add>, %get3A_38, %reduce_sum3A_43 [1] : vector<128x128xf32> to vector<128xf32>
    %broadcast_in_dim3A_45 = vector.shape_cast %reduce_sum3A_44 : vector<128xf32> to vector<128x1xf32>
    %reduce_sum3A_46 = arith.constant dense<0.000000e+00> : vector<128xf32>
    %reduce_sum3A_47 = vector.multi_reduction <add>, %add3A_29, %reduce_sum3A_46 [1] : vector<128x128xf32> to vector<128xf32>
    %broadcast_in_dim3A_48 = vector.shape_cast %reduce_sum3A_47 : vector<128xf32> to vector<128x1xf32>
    %mul3A_49 = arith.mulf %broadcast_in_dim3A, %broadcast_in_dim3A : vector<128x1xf32>
    %mul3A_50 = arith.mulf %broadcast_in_dim3A_42, %broadcast_in_dim3A_42 : vector<128x1xf32>
    %add3A_51 = arith.addf %mul3A_49, %mul3A_50 : vector<128x1xf32>
    %mul3A_52 = arith.mulf %broadcast_in_dim3A_45, %broadcast_in_dim3A_45 : vector<128x1xf32>
    %add3A_53 = arith.addf %add3A_51, %mul3A_52 : vector<128x1xf32>
    %mul3A_54 = arith.mulf %broadcast_in_dim3A_48, %broadcast_in_dim3A_48 : vector<128x1xf32>
    %add3A_55 = arith.addf %add3A_53, %mul3A_54 : vector<128x1xf32>
    %sqrt3A = math.sqrt %add3A_55 : vector<128x1xf32>
    %max3A_56 = arith.constant 9.99999996E-13 : f32
    %max3A_57 = vector.broadcast %max3A_56 : f32 to vector<128x1xf32>
    %max3A_58 = arith.maximumf %sqrt3A, %max3A_57 : vector<128x1xf32>
    %div3A = arith.divf %broadcast_in_dim3A, %max3A_58 : vector<128x1xf32>
    %convert_element_type3A = arith.truncf %div3A : vector<128x1xf32> to vector<128x1xbf16>
    %convert_element_type3A_59 = arith.extf %convert_element_type3A : vector<128x1xbf16> to vector<128x1xf32>
    %div3A_60 = arith.divf %broadcast_in_dim3A_42, %max3A_58 : vector<128x1xf32>
    %convert_element_type3A_61 = arith.truncf %div3A_60 : vector<128x1xf32> to vector<128x1xbf16>
    %convert_element_type3A_62 = arith.extf %convert_element_type3A_61 : vector<128x1xbf16> to vector<128x1xf32>
    %div3A_63 = arith.divf %broadcast_in_dim3A_45, %max3A_58 : vector<128x1xf32>
    %convert_element_type3A_64 = arith.truncf %div3A_63 : vector<128x1xf32> to vector<128x1xbf16>
    %convert_element_type3A_65 = arith.extf %convert_element_type3A_64 : vector<128x1xbf16> to vector<128x1xf32>
    %div3A_66 = arith.divf %broadcast_in_dim3A_48, %max3A_58 : vector<128x1xf32>
    %convert_element_type3A_67 = arith.truncf %div3A_66 : vector<128x1xf32> to vector<128x1xbf16>
    %convert_element_type3A_68 = arith.extf %convert_element_type3A_67 : vector<128x1xbf16> to vector<128x1xf32>
    %get3A_69 = arith.constant 0 : index
    %get3A_70 = arith.constant 0 : index
    %get3A_71 = memref.load %arg1[%get3A_69, %get3A_70] : memref<4x4xf32, #tpu.memory_space<smem>>
    %convert_element_type3A_72 = arith.truncf %get3A_71 : f32 to bf16
    %convert_element_type3A_73 = arith.extf %convert_element_type3A_72 : bf16 to f32
    %mul3A_74 = vector.broadcast %convert_element_type3A_73 : f32 to vector<128x1xf32>
    %mul3A_75 = arith.mulf %convert_element_type3A_59, %mul3A_74 : vector<128x1xf32>
    %get3A_76 = arith.constant 1 : index
    %get3A_77 = arith.constant 0 : index
    %get3A_78 = memref.load %arg1[%get3A_76, %get3A_77] : memref<4x4xf32, #tpu.memory_space<smem>>
    %convert_element_type3A_79 = arith.truncf %get3A_78 : f32 to bf16
    %convert_element_type3A_80 = arith.extf %convert_element_type3A_79 : bf16 to f32
    %mul3A_81 = vector.broadcast %convert_element_type3A_80 : f32 to vector<128x1xf32>
    %mul3A_82 = arith.mulf %convert_element_type3A_62, %mul3A_81 : vector<128x1xf32>
    %add3A_83 = arith.addf %mul3A_75, %mul3A_82 : vector<128x1xf32>
    %get3A_84 = arith.constant 2 : index
    %get3A_85 = arith.constant 0 : index
    %get3A_86 = memref.load %arg1[%get3A_84, %get3A_85] : memref<4x4xf32, #tpu.memory_space<smem>>
    %convert_element_type3A_87 = arith.truncf %get3A_86 : f32 to bf16
    %convert_element_type3A_88 = arith.extf %convert_element_type3A_87 : bf16 to f32
    %mul3A_89 = vector.broadcast %convert_element_type3A_88 : f32 to vector<128x1xf32>
    %mul3A_90 = arith.mulf %convert_element_type3A_65, %mul3A_89 : vector<128x1xf32>
    %add3A_91 = arith.addf %add3A_83, %mul3A_90 : vector<128x1xf32>
    %get3A_92 = arith.constant 3 : index
    %get3A_93 = arith.constant 0 : index
    %get3A_94 = memref.load %arg1[%get3A_92, %get3A_93] : memref<4x4xf32, #tpu.memory_space<smem>>
    %convert_element_type3A_95 = arith.truncf %get3A_94 : f32 to bf16
    %convert_element_type3A_96 = arith.extf %convert_element_type3A_95 : bf16 to f32
    %mul3A_97 = vector.broadcast %convert_element_type3A_96 : f32 to vector<128x1xf32>
    %mul3A_98 = arith.mulf %convert_element_type3A_68, %mul3A_97 : vector<128x1xf32>
    %add3A_99 = arith.addf %add3A_91, %mul3A_98 : vector<128x1xf32>
    %jit3A = arith.constant 0.000000e+00 : f32
    %jit3A_100 = arith.constant 6.000000e+00 : f32
    %max3A_101 = vector.broadcast %jit3A : f32 to vector<128x1xf32>
    %max3A_102 = arith.maximumf %max3A_101, %add3A_99 : vector<128x1xf32>
    %min3A = vector.broadcast %jit3A_100 : f32 to vector<128x1xf32>
    %min3A_103 = arith.minimumf %min3A, %max3A_102 : vector<128x1xf32>
    %convert_element_type3A_104 = arith.truncf %min3A_103 : vector<128x1xf32> to vector<128x1xbf16>
    %convert_element_type3A_105 = arith.extf %convert_element_type3A_104 : vector<128x1xbf16> to vector<128x1xf32>
    %get3A_106 = arith.constant 0 : index
    %get3A_107 = arith.constant 1 : index
    %get3A_108 = memref.load %arg1[%get3A_106, %get3A_107] : memref<4x4xf32, #tpu.memory_space<smem>>
    %convert_element_type3A_109 = arith.truncf %get3A_108 : f32 to bf16
    %convert_element_type3A_110 = arith.extf %convert_element_type3A_109 : bf16 to f32
    %mul3A_111 = vector.broadcast %convert_element_type3A_110 : f32 to vector<128x1xf32>
    %mul3A_112 = arith.mulf %convert_element_type3A_59, %mul3A_111 : vector<128x1xf32>
    %get3A_113 = arith.constant 1 : index
    %get3A_114 = arith.constant 1 : index
    %get3A_115 = memref.load %arg1[%get3A_113, %get3A_114] : memref<4x4xf32, #tpu.memory_space<smem>>
    %convert_element_type3A_116 = arith.truncf %get3A_115 : f32 to bf16
    %convert_element_type3A_117 = arith.extf %convert_element_type3A_116 : bf16 to f32
    %mul3A_118 = vector.broadcast %convert_element_type3A_117 : f32 to vector<128x1xf32>
    %mul3A_119 = arith.mulf %convert_element_type3A_62, %mul3A_118 : vector<128x1xf32>
    %add3A_120 = arith.addf %mul3A_112, %mul3A_119 : vector<128x1xf32>
    %get3A_121 = arith.constant 2 : index
    %get3A_122 = arith.constant 1 : index
    %get3A_123 = memref.load %arg1[%get3A_121, %get3A_122] : memref<4x4xf32, #tpu.memory_space<smem>>
    %convert_element_type3A_124 = arith.truncf %get3A_123 : f32 to bf16
    %convert_element_type3A_125 = arith.extf %convert_element_type3A_124 : bf16 to f32
    %mul3A_126 = vector.broadcast %convert_element_type3A_125 : f32 to vector<128x1xf32>
    %mul3A_127 = arith.mulf %convert_element_type3A_65, %mul3A_126 : vector<128x1xf32>
    %add3A_128 = arith.addf %add3A_120, %mul3A_127 : vector<128x1xf32>
    %get3A_129 = arith.constant 3 : index
    %get3A_130 = arith.constant 1 : index
    %get3A_131 = memref.load %arg1[%get3A_129, %get3A_130] : memref<4x4xf32, #tpu.memory_space<smem>>
    %convert_element_type3A_132 = arith.truncf %get3A_131 : f32 to bf16
    %convert_element_type3A_133 = arith.extf %convert_element_type3A_132 : bf16 to f32
    %mul3A_134 = vector.broadcast %convert_element_type3A_133 : f32 to vector<128x1xf32>
    %mul3A_135 = arith.mulf %convert_element_type3A_68, %mul3A_134 : vector<128x1xf32>
    %add3A_136 = arith.addf %add3A_128, %mul3A_135 : vector<128x1xf32>
    %jit3A_137 = arith.constant 0.000000e+00 : f32
    %jit3A_138 = arith.constant 6.000000e+00 : f32
    %max3A_139 = vector.broadcast %jit3A_137 : f32 to vector<128x1xf32>
    %max3A_140 = arith.maximumf %max3A_139, %add3A_136 : vector<128x1xf32>
    %min3A_141 = vector.broadcast %jit3A_138 : f32 to vector<128x1xf32>
    %min3A_142 = arith.minimumf %min3A_141, %max3A_140 : vector<128x1xf32>
    %convert_element_type3A_143 = arith.truncf %min3A_142 : vector<128x1xf32> to vector<128x1xbf16>
    %convert_element_type3A_144 = arith.extf %convert_element_type3A_143 : vector<128x1xbf16> to vector<128x1xf32>
    %get3A_145 = arith.constant 0 : index
    %get3A_146 = arith.constant 2 : index
    %get3A_147 = memref.load %arg1[%get3A_145, %get3A_146] : memref<4x4xf32, #tpu.memory_space<smem>>
    %convert_element_type3A_148 = arith.truncf %get3A_147 : f32 to bf16
    %convert_element_type3A_149 = arith.extf %convert_element_type3A_148 : bf16 to f32
    %mul3A_150 = vector.broadcast %convert_element_type3A_149 : f32 to vector<128x1xf32>
    %mul3A_151 = arith.mulf %convert_element_type3A_59, %mul3A_150 : vector<128x1xf32>
    %get3A_152 = arith.constant 1 : index
    %get3A_153 = arith.constant 2 : index
    %get3A_154 = memref.load %arg1[%get3A_152, %get3A_153] : memref<4x4xf32, #tpu.memory_space<smem>>
    %convert_element_type3A_155 = arith.truncf %get3A_154 : f32 to bf16
    %convert_element_type3A_156 = arith.extf %convert_element_type3A_155 : bf16 to f32
    %mul3A_157 = vector.broadcast %convert_element_type3A_156 : f32 to vector<128x1xf32>
    %mul3A_158 = arith.mulf %convert_element_type3A_62, %mul3A_157 : vector<128x1xf32>
    %add3A_159 = arith.addf %mul3A_151, %mul3A_158 : vector<128x1xf32>
    %get3A_160 = arith.constant 2 : index
    %get3A_161 = arith.constant 2 : index
    %get3A_162 = memref.load %arg1[%get3A_160, %get3A_161] : memref<4x4xf32, #tpu.memory_space<smem>>
    %convert_element_type3A_163 = arith.truncf %get3A_162 : f32 to bf16
    %convert_element_type3A_164 = arith.extf %convert_element_type3A_163 : bf16 to f32
    %mul3A_165 = vector.broadcast %convert_element_type3A_164 : f32 to vector<128x1xf32>
    %mul3A_166 = arith.mulf %convert_element_type3A_65, %mul3A_165 : vector<128x1xf32>
    %add3A_167 = arith.addf %add3A_159, %mul3A_166 : vector<128x1xf32>
    %get3A_168 = arith.constant 3 : index
    %get3A_169 = arith.constant 2 : index
    %get3A_170 = memref.load %arg1[%get3A_168, %get3A_169] : memref<4x4xf32, #tpu.memory_space<smem>>
    %convert_element_type3A_171 = arith.truncf %get3A_170 : f32 to bf16
    %convert_element_type3A_172 = arith.extf %convert_element_type3A_171 : bf16 to f32
    %mul3A_173 = vector.broadcast %convert_element_type3A_172 : f32 to vector<128x1xf32>
    %mul3A_174 = arith.mulf %convert_element_type3A_68, %mul3A_173 : vector<128x1xf32>
    %add3A_175 = arith.addf %add3A_167, %mul3A_174 : vector<128x1xf32>
    %jit3A_176 = arith.constant 0.000000e+00 : f32
    %jit3A_177 = arith.constant 6.000000e+00 : f32
    %max3A_178 = vector.broadcast %jit3A_176 : f32 to vector<128x1xf32>
    %max3A_179 = arith.maximumf %max3A_178, %add3A_175 : vector<128x1xf32>
    %min3A_180 = vector.broadcast %jit3A_177 : f32 to vector<128x1xf32>
    %min3A_181 = arith.minimumf %min3A_180, %max3A_179 : vector<128x1xf32>
    %convert_element_type3A_182 = arith.truncf %min3A_181 : vector<128x1xf32> to vector<128x1xbf16>
    %convert_element_type3A_183 = arith.extf %convert_element_type3A_182 : vector<128x1xbf16> to vector<128x1xf32>
    %get3A_184 = arith.constant 0 : index
    %get3A_185 = arith.constant 3 : index
    %get3A_186 = memref.load %arg1[%get3A_184, %get3A_185] : memref<4x4xf32, #tpu.memory_space<smem>>
    %convert_element_type3A_187 = arith.truncf %get3A_186 : f32 to bf16
    %convert_element_type3A_188 = arith.extf %convert_element_type3A_187 : bf16 to f32
    %mul3A_189 = vector.broadcast %convert_element_type3A_188 : f32 to vector<128x1xf32>
    %mul3A_190 = arith.mulf %convert_element_type3A_59, %mul3A_189 : vector<128x1xf32>
    %get3A_191 = arith.constant 1 : index
    %get3A_192 = arith.constant 3 : index
    %get3A_193 = memref.load %arg1[%get3A_191, %get3A_192] : memref<4x4xf32, #tpu.memory_space<smem>>
    %convert_element_type3A_194 = arith.truncf %get3A_193 : f32 to bf16
    %convert_element_type3A_195 = arith.extf %convert_element_type3A_194 : bf16 to f32
    %mul3A_196 = vector.broadcast %convert_element_type3A_195 : f32 to vector<128x1xf32>
    %mul3A_197 = arith.mulf %convert_element_type3A_62, %mul3A_196 : vector<128x1xf32>
    %add3A_198 = arith.addf %mul3A_190, %mul3A_197 : vector<128x1xf32>
    %get3A_199 = arith.constant 2 : index
    %get3A_200 = arith.constant 3 : index
    %get3A_201 = memref.load %arg1[%get3A_199, %get3A_200] : memref<4x4xf32, #tpu.memory_space<smem>>
    %convert_element_type3A_202 = arith.truncf %get3A_201 : f32 to bf16
    %convert_element_type3A_203 = arith.extf %convert_element_type3A_202 : bf16 to f32
    %mul3A_204 = vector.broadcast %convert_element_type3A_203 : f32 to vector<128x1xf32>
    %mul3A_205 = arith.mulf %convert_element_type3A_65, %mul3A_204 : vector<128x1xf32>
    %add3A_206 = arith.addf %add3A_198, %mul3A_205 : vector<128x1xf32>
    %get3A_207 = arith.constant 3 : index
    %get3A_208 = arith.constant 3 : index
    %get3A_209 = memref.load %arg1[%get3A_207, %get3A_208] : memref<4x4xf32, #tpu.memory_space<smem>>
    %convert_element_type3A_210 = arith.truncf %get3A_209 : f32 to bf16
    %convert_element_type3A_211 = arith.extf %convert_element_type3A_210 : bf16 to f32
    %mul3A_212 = vector.broadcast %convert_element_type3A_211 : f32 to vector<128x1xf32>
    %mul3A_213 = arith.mulf %convert_element_type3A_68, %mul3A_212 : vector<128x1xf32>
    %add3A_214 = arith.addf %add3A_206, %mul3A_213 : vector<128x1xf32>
    %jit3A_215 = arith.constant 0.000000e+00 : f32
    %jit3A_216 = arith.constant 6.000000e+00 : f32
    %max3A_217 = vector.broadcast %jit3A_215 : f32 to vector<128x1xf32>
    %max3A_218 = arith.maximumf %max3A_217, %add3A_214 : vector<128x1xf32>
    %min3A_219 = vector.broadcast %jit3A_216 : f32 to vector<128x1xf32>
    %min3A_220 = arith.minimumf %min3A_219, %max3A_218 : vector<128x1xf32>
    %convert_element_type3A_221 = arith.truncf %min3A_220 : vector<128x1xf32> to vector<128x1xbf16>
    %convert_element_type3A_222 = arith.extf %convert_element_type3A_221 : vector<128x1xbf16> to vector<128x1xf32>
    %get3A_223 = arith.constant 0 : index
    %get3A_224 = arith.constant 0 : index
    %get3A_225 = memref.load %arg2[%get3A_223, %get3A_224] : memref<4x4xf32, #tpu.memory_space<smem>>
    %convert_element_type3A_226 = arith.truncf %get3A_225 : f32 to bf16
    %convert_element_type3A_227 = arith.extf %convert_element_type3A_226 : bf16 to f32
    %mul3A_228 = vector.broadcast %convert_element_type3A_227 : f32 to vector<128x1xf32>
    %mul3A_229 = arith.mulf %convert_element_type3A_105, %mul3A_228 : vector<128x1xf32>
    %get3A_230 = arith.constant 1 : index
    %get3A_231 = arith.constant 0 : index
    %get3A_232 = memref.load %arg2[%get3A_230, %get3A_231] : memref<4x4xf32, #tpu.memory_space<smem>>
    %convert_element_type3A_233 = arith.truncf %get3A_232 : f32 to bf16
    %convert_element_type3A_234 = arith.extf %convert_element_type3A_233 : bf16 to f32
    %mul3A_235 = vector.broadcast %convert_element_type3A_234 : f32 to vector<128x1xf32>
    %mul3A_236 = arith.mulf %convert_element_type3A_144, %mul3A_235 : vector<128x1xf32>
    %add3A_237 = arith.addf %mul3A_229, %mul3A_236 : vector<128x1xf32>
    %get3A_238 = arith.constant 2 : index
    %get3A_239 = arith.constant 0 : index
    %get3A_240 = memref.load %arg2[%get3A_238, %get3A_239] : memref<4x4xf32, #tpu.memory_space<smem>>
    %convert_element_type3A_241 = arith.truncf %get3A_240 : f32 to bf16
    %convert_element_type3A_242 = arith.extf %convert_element_type3A_241 : bf16 to f32
    %mul3A_243 = vector.broadcast %convert_element_type3A_242 : f32 to vector<128x1xf32>
    %mul3A_244 = arith.mulf %convert_element_type3A_183, %mul3A_243 : vector<128x1xf32>
    %add3A_245 = arith.addf %add3A_237, %mul3A_244 : vector<128x1xf32>
    %get3A_246 = arith.constant 3 : index
    %get3A_247 = arith.constant 0 : index
    %get3A_248 = memref.load %arg2[%get3A_246, %get3A_247] : memref<4x4xf32, #tpu.memory_space<smem>>
    %convert_element_type3A_249 = arith.truncf %get3A_248 : f32 to bf16
    %convert_element_type3A_250 = arith.extf %convert_element_type3A_249 : bf16 to f32
    %mul3A_251 = vector.broadcast %convert_element_type3A_250 : f32 to vector<128x1xf32>
    %mul3A_252 = arith.mulf %convert_element_type3A_222, %mul3A_251 : vector<128x1xf32>
    %add3A_253 = arith.addf %add3A_245, %mul3A_252 : vector<128x1xf32>
    %get3A_254 = arith.constant 0 : index
    %get3A_255 = arith.constant 1 : index
    %get3A_256 = memref.load %arg2[%get3A_254, %get3A_255] : memref<4x4xf32, #tpu.memory_space<smem>>
    %convert_element_type3A_257 = arith.truncf %get3A_256 : f32 to bf16
    %convert_element_type3A_258 = arith.extf %convert_element_type3A_257 : bf16 to f32
    %mul3A_259 = vector.broadcast %convert_element_type3A_258 : f32 to vector<128x1xf32>
    %mul3A_260 = arith.mulf %convert_element_type3A_105, %mul3A_259 : vector<128x1xf32>
    %get3A_261 = arith.constant 1 : index
    %get3A_262 = arith.constant 1 : index
    %get3A_263 = memref.load %arg2[%get3A_261, %get3A_262] : memref<4x4xf32, #tpu.memory_space<smem>>
    %convert_element_type3A_264 = arith.truncf %get3A_263 : f32 to bf16
    %convert_element_type3A_265 = arith.extf %convert_element_type3A_264 : bf16 to f32
    %mul3A_266 = vector.broadcast %convert_element_type3A_265 : f32 to vector<128x1xf32>
    %mul3A_267 = arith.mulf %convert_element_type3A_144, %mul3A_266 : vector<128x1xf32>
    %add3A_268 = arith.addf %mul3A_260, %mul3A_267 : vector<128x1xf32>
    %get3A_269 = arith.constant 2 : index
    %get3A_270 = arith.constant 1 : index
    %get3A_271 = memref.load %arg2[%get3A_269, %get3A_270] : memref<4x4xf32, #tpu.memory_space<smem>>
    %convert_element_type3A_272 = arith.truncf %get3A_271 : f32 to bf16
    %convert_element_type3A_273 = arith.extf %convert_element_type3A_272 : bf16 to f32
    %mul3A_274 = vector.broadcast %convert_element_type3A_273 : f32 to vector<128x1xf32>
    %mul3A_275 = arith.mulf %convert_element_type3A_183, %mul3A_274 : vector<128x1xf32>
    %add3A_276 = arith.addf %add3A_268, %mul3A_275 : vector<128x1xf32>
    %get3A_277 = arith.constant 3 : index
    %get3A_278 = arith.constant 1 : index
    %get3A_279 = memref.load %arg2[%get3A_277, %get3A_278] : memref<4x4xf32, #tpu.memory_space<smem>>
    %convert_element_type3A_280 = arith.truncf %get3A_279 : f32 to bf16
    %convert_element_type3A_281 = arith.extf %convert_element_type3A_280 : bf16 to f32
    %mul3A_282 = vector.broadcast %convert_element_type3A_281 : f32 to vector<128x1xf32>
    %mul3A_283 = arith.mulf %convert_element_type3A_222, %mul3A_282 : vector<128x1xf32>
    %add3A_284 = arith.addf %add3A_276, %mul3A_283 : vector<128x1xf32>
    %get3A_285 = arith.constant 0 : index
    %get3A_286 = arith.constant 2 : index
    %get3A_287 = memref.load %arg2[%get3A_285, %get3A_286] : memref<4x4xf32, #tpu.memory_space<smem>>
    %convert_element_type3A_288 = arith.truncf %get3A_287 : f32 to bf16
    %convert_element_type3A_289 = arith.extf %convert_element_type3A_288 : bf16 to f32
    %mul3A_290 = vector.broadcast %convert_element_type3A_289 : f32 to vector<128x1xf32>
    %mul3A_291 = arith.mulf %convert_element_type3A_105, %mul3A_290 : vector<128x1xf32>
    %get3A_292 = arith.constant 1 : index
    %get3A_293 = arith.constant 2 : index
    %get3A_294 = memref.load %arg2[%get3A_292, %get3A_293] : memref<4x4xf32, #tpu.memory_space<smem>>
    %convert_element_type3A_295 = arith.truncf %get3A_294 : f32 to bf16
    %convert_element_type3A_296 = arith.extf %convert_element_type3A_295 : bf16 to f32
    %mul3A_297 = vector.broadcast %convert_element_type3A_296 : f32 to vector<128x1xf32>
    %mul3A_298 = arith.mulf %convert_element_type3A_144, %mul3A_297 : vector<128x1xf32>
    %add3A_299 = arith.addf %mul3A_291, %mul3A_298 : vector<128x1xf32>
    %get3A_300 = arith.constant 2 : index
    %get3A_301 = arith.constant 2 : index
    %get3A_302 = memref.load %arg2[%get3A_300, %get3A_301] : memref<4x4xf32, #tpu.memory_space<smem>>
    %convert_element_type3A_303 = arith.truncf %get3A_302 : f32 to bf16
    %convert_element_type3A_304 = arith.extf %convert_element_type3A_303 : bf16 to f32
    %mul3A_305 = vector.broadcast %convert_element_type3A_304 : f32 to vector<128x1xf32>
    %mul3A_306 = arith.mulf %convert_element_type3A_183, %mul3A_305 : vector<128x1xf32>
    %add3A_307 = arith.addf %add3A_299, %mul3A_306 : vector<128x1xf32>
    %get3A_308 = arith.constant 3 : index
    %get3A_309 = arith.constant 2 : index
    %get3A_310 = memref.load %arg2[%get3A_308, %get3A_309] : memref<4x4xf32, #tpu.memory_space<smem>>
    %convert_element_type3A_311 = arith.truncf %get3A_310 : f32 to bf16
    %convert_element_type3A_312 = arith.extf %convert_element_type3A_311 : bf16 to f32
    %mul3A_313 = vector.broadcast %convert_element_type3A_312 : f32 to vector<128x1xf32>
    %mul3A_314 = arith.mulf %convert_element_type3A_222, %mul3A_313 : vector<128x1xf32>
    %add3A_315 = arith.addf %add3A_307, %mul3A_314 : vector<128x1xf32>
    %get3A_316 = arith.constant 0 : index
    %get3A_317 = arith.constant 3 : index
    %get3A_318 = memref.load %arg2[%get3A_316, %get3A_317] : memref<4x4xf32, #tpu.memory_space<smem>>
    %convert_element_type3A_319 = arith.truncf %get3A_318 : f32 to bf16
    %convert_element_type3A_320 = arith.extf %convert_element_type3A_319 : bf16 to f32
    %mul3A_321 = vector.broadcast %convert_element_type3A_320 : f32 to vector<128x1xf32>
    %mul3A_322 = arith.mulf %convert_element_type3A_105, %mul3A_321 : vector<128x1xf32>
    %get3A_323 = arith.constant 1 : index
    %get3A_324 = arith.constant 3 : index
    %get3A_325 = memref.load %arg2[%get3A_323, %get3A_324] : memref<4x4xf32, #tpu.memory_space<smem>>
    %convert_element_type3A_326 = arith.truncf %get3A_325 : f32 to bf16
    %convert_element_type3A_327 = arith.extf %convert_element_type3A_326 : bf16 to f32
    %mul3A_328 = vector.broadcast %convert_element_type3A_327 : f32 to vector<128x1xf32>
    %mul3A_329 = arith.mulf %convert_element_type3A_144, %mul3A_328 : vector<128x1xf32>
    %add3A_330 = arith.addf %mul3A_322, %mul3A_329 : vector<128x1xf32>
    %get3A_331 = arith.constant 2 : index
    %get3A_332 = arith.constant 3 : index
    %get3A_333 = memref.load %arg2[%get3A_331, %get3A_332] : memref<4x4xf32, #tpu.memory_space<smem>>
    %convert_element_type3A_334 = arith.truncf %get3A_333 : f32 to bf16
    %convert_element_type3A_335 = arith.extf %convert_element_type3A_334 : bf16 to f32
    %mul3A_336 = vector.broadcast %convert_element_type3A_335 : f32 to vector<128x1xf32>
    %mul3A_337 = arith.mulf %convert_element_type3A_183, %mul3A_336 : vector<128x1xf32>
    %add3A_338 = arith.addf %add3A_330, %mul3A_337 : vector<128x1xf32>
    %get3A_339 = arith.constant 3 : index
    %get3A_340 = arith.constant 3 : index
    %get3A_341 = memref.load %arg2[%get3A_339, %get3A_340] : memref<4x4xf32, #tpu.memory_space<smem>>
    %convert_element_type3A_342 = arith.truncf %get3A_341 : f32 to bf16
    %convert_element_type3A_343 = arith.extf %convert_element_type3A_342 : bf16 to f32
    %mul3A_344 = vector.broadcast %convert_element_type3A_343 : f32 to vector<128x1xf32>
    %mul3A_345 = arith.mulf %convert_element_type3A_222, %mul3A_344 : vector<128x1xf32>
    %add3A_346 = arith.addf %add3A_338, %mul3A_345 : vector<128x1xf32>
    %mul3A_347 = arith.mulf %add3A_253, %add3A_253 : vector<128x1xf32>
    %mul3A_348 = arith.mulf %add3A_284, %add3A_284 : vector<128x1xf32>
    %add3A_349 = arith.addf %mul3A_347, %mul3A_348 : vector<128x1xf32>
    %mul3A_350 = arith.mulf %add3A_315, %add3A_315 : vector<128x1xf32>
    %add3A_351 = arith.addf %add3A_349, %mul3A_350 : vector<128x1xf32>
    %mul3A_352 = arith.mulf %add3A_346, %add3A_346 : vector<128x1xf32>
    %add3A_353 = arith.addf %add3A_351, %mul3A_352 : vector<128x1xf32>
    %sqrt3A_354 = math.sqrt %add3A_353 : vector<128x1xf32>
    %max3A_355 = arith.constant 9.99999996E-13 : f32
    %max3A_356 = vector.broadcast %max3A_355 : f32 to vector<128x1xf32>
    %max3A_357 = arith.maximumf %sqrt3A_354, %max3A_356 : vector<128x1xf32>
    %div3A_358 = arith.divf %add3A_253, %max3A_357 : vector<128x1xf32>
    %mul3A_359 = vector.broadcast %div3A_358 : vector<128x1xf32> to vector<128x128xf32>
    %mul3A_360 = arith.mulf %get3A_32, %mul3A_359 : vector<128x128xf32>
    %div3A_361 = arith.divf %add3A_284, %max3A_357 : vector<128x1xf32>
    %mul3A_362 = vector.broadcast %div3A_361 : vector<128x1xf32> to vector<128x128xf32>
    %mul3A_363 = arith.mulf %get3A_35, %mul3A_362 : vector<128x128xf32>
    %add3A_364 = arith.addf %mul3A_360, %mul3A_363 : vector<128x128xf32>
    %div3A_365 = arith.divf %add3A_315, %max3A_357 : vector<128x1xf32>
    %mul3A_366 = vector.broadcast %div3A_365 : vector<128x1xf32> to vector<128x128xf32>
    %mul3A_367 = arith.mulf %get3A_38, %mul3A_366 : vector<128x128xf32>
    %add3A_368 = arith.addf %add3A_364, %mul3A_367 : vector<128x128xf32>
    %div3A_369 = arith.divf %add3A_346, %max3A_357 : vector<128x1xf32>
    %mul3A_370 = vector.broadcast %div3A_369 : vector<128x1xf32> to vector<128x128xf32>
    %mul3A_371 = arith.mulf %add3A_29, %mul3A_370 : vector<128x128xf32>
    %add3A_372 = arith.addf %add3A_368, %mul3A_371 : vector<128x128xf32>
    %swap3A = arith.constant 0 : index
    %swap3A_373 = arith.constant 0 : index
    %swap3A_374 = vector.load %arg8[%swap3A, %swap3A_373] : memref<128x128xf32, #tpu.memory_space<vmem>>, vector<128x128xf32>
    tpu.vector_store %arg8[%swap3A, %swap3A_373], %add3A_372 {strides = array<i32>} : memref<128x128xf32, #tpu.memory_space<vmem>>, vector<128x128xf32>,
    return
  }
  func.func @transform_0(%arg0: i32) -> (i32, i32) {
    %c0_i32 = arith.constant 0 : i32
    %c0_i32_0 = arith.constant 0 : i32
    %c0_i32_1 = arith.constant 0 : i32
    return %c0_i32, %c0_i32_0 : i32, i32
  }
  func.func @transform_1(%arg0: i32) -> (i32, i32) {
    %c0_i32 = arith.constant 0 : i32
    %c0_i32_0 = arith.constant 0 : i32
    %c0_i32_1 = arith.constant 0 : i32
    return %c0_i32, %c0_i32_0 : i32, i32
  }
  func.func @transform_2(%arg0: i32) -> (i32, i32, i32, i32, i32) {
    %c0_i32 = arith.constant 0 : i32
    %c0_i32_0 = arith.constant 0 : i32
    %c0_i32_1 = arith.constant 0 : i32
    %c0_i32_2 = arith.constant 0 : i32
    %c0_i32_3 = arith.constant 0 : i32
    return %c0_i32, %c0_i32_0, %arg0, %c0_i32_1, %c0_i32_2 : i32, i32, i32, i32, i32
  }
  func.func @transform_3(%arg0: i32) -> (i32, i32, i32) {
    %c0_i32 = arith.constant 0 : i32
    %c0_i32_0 = arith.constant 0 : i32
    %c0_i32_1 = arith.constant 0 : i32
    return %c0_i32, %arg0, %c0_i32_0 : i32, i32, i32
  }
  func.func @transform_4(%arg0: i32) -> (i32, i32) {
    %c0_i32 = arith.constant 0 : i32
    %c0_i32_0 = arith.constant 0 : i32
    return %arg0, %c0_i32 : i32, i32
  }
  func.func @transform_5(%arg0: i32) -> (i32, i32) {
    %c0_i32 = arith.constant 0 : i32
    %c0_i32_0 = arith.constant 0 : i32
    return %arg0, %c0_i32 : i32, i32
  }
  func.func @transform_6(%arg0: i32) -> (i32, i32) {
    %c0_i32 = arith.constant 0 : i32
    %c0_i32_0 = arith.constant 0 : i32
    return %arg0, %c0_i32 : i32, i32
  }
  func.func @transform_7(%arg0: i32) -> (i32, i32) {
    %c0_i32 = arith.constant 0 : i32
    %c0_i32_0 = arith.constant 0 : i32
    return %arg0, %c0_i32 : i32, i32
  }
}

</mosaic_0001>

<sc_bundles>
// kernel: kernel.10.cloned.1.call-start
scs
__scs_entry_jumppad:
0x0: {  	(pc) =	sbr.rel $0x88, $3  }
0x1: {  	(tag) =	ssettag $0x0;
	lr =	simm.s32 $0x1  }
0x2: {  	[smem:$0x3F9D] =	sst lr;
	_ =	strace $0xD0000000  }
0x3: {  	_ = 	snop  }
0x4: {  	_ = 	snop  }
0x5: {  	_ = 	snop  }
0x6: {  	_ = 	snop  }
0x7: {  	_ = 	snop  }
__scs_overlays_trampoline_lowered:
0x8: {  	[smem:$0x3FAC] =	sst s0  }
0x9: {  	[smem:$0x3FAD] =	sst s1  }
0xa: {  	[smem:$0x3FAE] =	sst s2  }
0xb: {  	[smem:$0x3FAF] =	sst s3  }
0xc: {  	[smem:$0x3FB0] =	sst s4  }
0xd: {  	[smem:$0x3FB1] =	sst s5  }
0xe: {  	[smem:$0x3FB2] =	sst s6  }
0xf: {  	[smem:$0x3FB3] =	sst s7  }
0x10: {  	[smem:$0x3FB4] =	sst s8  }
0x11: {  	[smem:$0x3FB5] =	sst s9;
	s0 =	simm.s32 @!p0 $0x0  }
0x12: {  	s1 =	sld [smem:$0x3F9B];
	s0 =	simm.s32 @p0 $0x1  }
0x13: {  	[smem:$0x3FB6] =	sst s0;
	s0 =	simm.s32 @!p1 $0x0  }
0x14: {  	s2 =	sld [smem:$0x3F9A];
	s0 =	simm.s32 @p1 $0x1  }
0x15: {  	[smem:$0x3FB7] =	sst s0;
	s0 =	simm.s32 @!p2 $0x0  }
0x16: {  	s3 =	sld [smem:$0x3FDB];
	s0 =	simm.s32 @p2 $0x1  }
0x17: {  	s4 =	simm.s32 $0x1BF5;
	[smem:$0x3FB9] =	sst s0  }
0x18: {  	s0 =	sld [smem:$0x3F9C];
	_ =	swait.ge [sflag:s4], $0x0  }
0x19: {  	s7 =	sld [smem:$0x3F9D]  }
0x1a: {  	s8 =	sadd.s32 $0xFFFFE003, lr  }
0x1b: {  	s9 =	sadd.s32 $0xFFFFFEF7, lr;
	s5 =	simm.s32 $0xFFFFFFFF;
	p2 =	slt.u32 s8, $0xFFFFF086  }
0x1c: {  	p1 =	slt.u32 s9, $0xF7A;
	s5 =	simm.s32 @!p2 $0x0  }
0x1d: {  	s5 =	simm.s32 @p1 $0x1;
	p0 =	seq.s32 s7, s2  }
0x1e: {  	s7 =	smul.u32 @!p0 $0xF7A, s2;
	p2 =	seq.s32 @!p0 s5, $0x0  }
0x1f: {  	s9 =	smul.u32 $0xF7A, s1;
	s8 =	simm.s32 @!p0 $0x1BF5;
	p2 =	por !p2, p0  }
0x20: {  	[sflag:s8] =	ssyncset.s32 @!p0 $0xFFFFF086;
	s6 =	sadd.s32 @!p0 s3, s7;
	s7 =	simm.s32 @!p0 $0x108  }
0x21: {  	s3 =	sadd.s32 s3, s9;
	s6 =	sadd.s32 @!p0 $0x88, s6;
	s7 =	simm.s32 @p2 $0x1082  }
0x22: {  	[simem:s7], [sflag:s8] =	dma.local @!p0 [hbm:s6], $0xF7A  }
0x23: {  	s9 =	sor.u32 $0xD0000000, s2;
	s6 =	simm.s32 $0x108;
	_ =	swait.ge @!p0 [sflag:s8], $0x0  }
0x24: {  	s3 =	sadd.s32 $0x88, s3;
	s6 =	simm.s32 @!p1 $0x1082;
	[sflag:s4] =	ssyncset.s32 $0xFFFFF086  }
0x25: {  	[simem:s6], [sflag:s4] =	dma.local [hbm:s3], $0xF7A  }
0x26: {  	[smem:$0x3F9D] =	sst s1;
	(tag) =	ssettag s2;
	_ =	strace s9  }
0x27: {  	s1 =	sld [smem:$0x3FAD]  }
0x28: {  	s2 =	sld [smem:$0x3FAE]  }
0x29: {  	s4 =	sld [smem:$0x3FB0]  }
0x2a: {  	p0 =	seq.s32 s5, $0x0;
	s5 =	sld [smem:$0x3FB1]  }
0x2b: {  	s6 =	sld [smem:$0x3FB2]  }
0x2c: {  	s7 =	sld [smem:$0x3FB3]  }
0x2d: {  	s3 =	simm.s32 $0x108;
	s8 =	sld [smem:$0x3FB4]  }
0x2e: {  	s3 =	simm.s32 @!p0 $0x1082;
	s9 =	sld [smem:$0x3FB5]  }
0x2f: {  	lr =	sadd.s32 s0, s3;
	s0 =	sld [smem:$0x3FAC]  }
0x30: {  	s3 =	sld [smem:$0x3FAF]  }
0x31: {  	[smem:$0x3FB8] =	sst s10  }
0x32: {  	s10 =	sld [smem:$0x3FB6];
	_ =	sdelay $0x3  }
0x33: {  	p0 =	seq.s32 s10, $0x1;
	s10 =	sld [smem:$0x3FB8];
	_ =	sdelay $0x3  }
0x34: {  	[smem:$0x3FB8] =	sst s10  }
0x35: {  	s10 =	sld [smem:$0x3FB7];
	_ =	sdelay $0x3  }
0x36: {  	p1 =	seq.s32 s10, $0x1;
	s10 =	sld [smem:$0x3FB8];
	_ =	sdelay $0x3  }
0x37: {  	[smem:$0x3FB8] =	sst s10  }
0x38: {  	s10 =	sld [smem:$0x3FB9]  }
0x39: {  	_ = 	snop;
	(pc) =	sbr.ind lr, $3  }
0x3a: {  	_ = 	snop  }
0x3b: {  	_ = 	snop  }
0x3c: {  	p2 =	seq.s32 s10, $0x1;
	s10 =	sld [smem:$0x3FB8]  }
0x3d: {  	_ =	shalt  }
0x3e: {  	_ =	shalt  }
0x3f: {  	_ =	shalt  }
0x40: {  	_ =	shalt  }
0x41: {  	_ =	shalt  }
0x42: {  	_ =	shalt  }
0x43: {  	_ =	shalt  }
0x44: {  	_ =	shalt  }
0x45: {  	_ =	shalt  }
0x46: {  	_ =	shalt  }
0x47: {  	_ =	shalt  }
0x48: {  	_ =	shalt  }
0x49: {  	_ =	shalt  }
0x4a: {  	_ =	shalt  }
0x4b: {  	_ =	shalt  }
0x4c: {  	_ =	shalt  }
0x4d: {  	_ =	shalt  }
0x4e: {  	_ =	shalt  }
0x4f: {  	_ =	shalt  }
0x50: {  	_ =	shalt  }
0x51: {  	_ =	shalt  }
0x52: {  	_ =	shalt  }
0x53: {  	_ =	shalt  }
0x54: {  	_ =	shalt  }
0x55: {  	_ =	shalt  }
0x56: {  	_ =	shalt  }
0x57: {  	_ =	shalt  }
0x58: {  	_ =	shalt  }
0x59: {  	_ =	shalt  }
0x5a: {  	_ =	shalt  }
0x5b: {  	_ =	shalt  }
0x5c: {  	_ =	shalt  }
0x5d: {  	_ =	shalt  }
0x5e: {  	_ =	shalt  }
0x5f: {  	_ =	shalt  }
0x60: {  	_ =	shalt  }
0x61: {  	_ =	shalt  }
0x62: {  	_ =	shalt  }
0x63: {  	_ =	shalt  }
0x64: {  	_ =	shalt  }
0x65: {  	_ =	shalt  }
0x66: {  	_ =	shalt  }
0x67: {  	_ =	shalt  }
0x68: {  	_ =	shalt  }
0x69: {  	_ =	shalt  }
0x6a: {  	_ =	shalt  }
0x6b: {  	_ =	shalt  }
0x6c: {  	_ =	shalt  }
0x6d: {  	_ =	shalt  }
0x6e: {  	_ =	shalt  }
0x6f: {  	_ =	shalt  }
0x70: {  	_ =	shalt  }
0x71: {  	_ =	shalt  }
0x72: {  	_ =	shalt  }
0x73: {  	_ =	shalt  }
0x74: {  	_ =	shalt  }
0x75: {  	_ =	shalt  }
0x76: {  	_ =	shalt  }
0x77: {  	_ =	shalt  }
0x78: {  	_ =	shalt  }
0x79: {  	_ =	shalt  }
0x7a: {  	_ =	shalt  }
0x7b: {  	_ =	shalt  }
0x7c: {  	_ =	shalt  }
0x7d: {  	_ =	shalt  }
0x7e: {  	_ =	shalt  }
0x7f: {  	_ =	shalt  }
0x80: {  	_ =	shalt  }
0x81: {  	_ =	shalt  }
0x82: {  	_ =	shalt  }
0x83: {  	_ =	shalt  }
0x84: {  	_ =	shalt  }
0x85: {  	_ =	shalt  }
0x86: {  	_ =	shalt  }
0x87: {  	_ =	shalt  }
.Lfunc_end0:
.L_simem_size_0:
called_computation_lowered:
.L_overlay_start_0:
0x88: {  	s2 =	sld [smem:$0x3FD9]  }
0x89: {  	s3 =	sld [smem:$0x3FFE];
	_ =	sdelay $0x1  }
0x8a: {  	s1 =	srdreg.scid  }
0x8b: {  	s0 =	sand.u32 $0x1, s1  }
0x8c: {  	s17 =	sshll.u32 s0, $0xA;
	s2 =	sadd.s32 s3, s2  }
0x8d: {  	s2 =	sadd.s32 s2, s17  }
0x8e: {  	[smem:$0x3FC4] =	sst s2  }
0x8f: {  	_ = 	snop  }
0x90: {  	s2 =	sld [smem:$0x3FD0];
	(tm) =	ssettm $0x1  }
0x91: {  	s18 =	sld [smem:$0x3FFB];
	_ =	sdelay $0x3  }
0x92: {  	_ =	strace s18  }
0x93: {  	s3 =	sld [smem:$0x3FFC];
	_ =	sdelay $0x3  }
0x94: {  	_ =	strace s3  }
0x95: {  	s3 =	sld [smem:$0x3FFD];
	_ =	sdelay $0x3  }
0x96: {  	_ =	strace s3  }
0x97: {  	_ =	strace $0x8FFFFFFF  }
0x98: {  	s19 =	sld [smem:$0x3FDB];
	_ =	sdelay $0x1  }
0x99: {  	s4 =	simm.s32 $_scs_section_size  }
0x9a: {  	s5 =	simm.s32 $_size__tile_overlayer_lowered;
	s6 =	simm.s32 $_tile_overlayer_lowered  }
0x9b: {  	s22 =	simm.s32 $0x1BFF;
	s21 =	sshll.u32 s6, $0x1;
	s3 =	sadd.s32 s4, s19  }
0x9c: {  	s7 =	simm.s32 $0x0;
	s20 =	sshll.u32 s5, $0x1;
	s5 =	sadd.s32 s21, s3  }
0x9d: {  	[timem:s7], [sflag:s22] =	dma.local [hbm:s5], s20  }
0x9e: {  	_ =	swait.ge [sflag:s22], s20  }
0x9f: {  	s4 =	ssub.s32 $0x0, s20;
	[sflag:s22] =	ssyncset.done $0x0  }
0xa0: {  	[sflag:s22] =	ssyncadd.s32 s4;
	_ =	sdelay $0x1  }
0xa1: {  	s23 =	simm.s32 $0x1B8B  }
0xa2: {  	_ =	swait.ge [sflag:s23], $0x1  }
0xa3: {  	[sflag:s23] =	ssyncset.done $0x0  }
0xa4: {  	s25 =	simm.s32 $0x1B8E;
	s24 =	sld [smem:$0x3FFE];
	[sflag:s23] =	ssyncadd.s32 $0xFFFFFFFF  }
0xa5: {  	s26 =	simm.s32 $execute0_lowered;
	[smem:$0x3FD2] =	sst s25  }
0xa6: {  	s5 =	sshll.u32 s26, $0x1;
	_ =	strace $0x80000046;
	[dreg:$0x1] =	wrdreg $0xFFFFFFFF  }
0xa7: {  	s28 =	simm.s32 $_size_execute0_lowered;
	s3 =	sadd.s32 s3, s5;
	[dreg:$0x0] =	wrdreg $0x0  }
0xa8: {  	s5 =	sshll.u32 s28, $0x1;
	[dreg:$0x2] =	wrdreg s3  }
0xa9: {  	[dreg:$0x3] =	wrdreg s5  }
0xaa: {  	[dreg:$0x4] =	wrdreg $0xC0  }
0xab: {  	_ =	task [dreg:s7], $0x5FFFF  }
0xac: {  	[dreg:$0x1] =	wrdreg $0xFFFFFFFF  }
0xad: {  	[dreg:$0x0] =	wrdreg $0x60  }
0xae: {  	[dreg:$0x2] =	wrdreg s24  }
0xaf: {  	[dreg:$0x3] =	wrdreg s2  }
0xb0: {  	[dreg:$0x4] =	wrdreg $0xA6000  }
0xb1: {  	[dreg:$0x5] =	wrdreg $0x9  }
0xb2: {  	_ =	task.clear_ibuf [dreg:s7], $0x6FFFF;
	_ =	strace $0x90000046  }
0xb3: {  	s29 =	simm.s32 $0x9;
	_ =	strace $0x80000048  }
0xb4: {  	_ =	swait.ge [sflag:s29], $0x1  }
0xb5: {  	[sflag:s29] =	ssyncadd.s32 $0xFFFFFFFF  }
0xb6: {  	_ =	strace $0x90000048  }
0xb7: {  	_ =	sfence  }
0xb8: {  	s30 =	sld [smem:$0x0];
	_ =	sdelay $0x2  }
0xb9: {  	s31 =	sshll.u32 s1, $0xD;
	s1 =	sshrl.u32 s1, $0x2  }
0xba: {  	s3 =	sand.u32 $0x4000, s31;
	s1 =	sadd.s32 s1, s30  }
0xbb: {  	s0 =	sor.u32 s3, s0;
	s1 =	sshll.u32 s1, $0x11  }
0xbc: {  	s0 =	sor.u32 s1, s0  }
0xbd: {  	s0 =	sadd.s32 $0x8F2B, s0  }
0xbe: {  	[sflag:s0] =	ssyncadd.remote.s32 $0x1  }
0xbf: {  	_ =	sfence.sel $0xFFFF  }
0xc0: {  	[dreg:$0x0] =	wrdreg $0xFFFFFFFF;
	(pc) =	sbr.abs _section_cstart, $3  }
0xc1: {  	[dreg:$0x1] =	wrdreg $0xFFFFFFFF  }
0xc2: {  	_ =	task.clear_ibuf [dreg:s7], $0x2FFFF;
	_ =	strace $0x9FFFFFFF  }
0xc3: {  	(tm) =	ssettm $0x7FFFFFFF  }
tec
execute0_lowered:
.L_overlay_start_1:
0x0: {  	(tag) =	ssettag $0x1  }
0x1: {  	s5 =	rddreg [dreg:$0x0]  }
0x2: {  	s9 =	rddreg [dreg:$0x1]  }
0x3: {  	s0 =	srdreg.scid;
	s2 =	rddreg [dreg:$0x2]  }
0x4: {  	s3 =	simm.s32 $0x0;
	s13 =	simm.s32 $0x4F00;
	s14 =	simm.s32 $0x5700  }
0x5: {  	s15 =	simm.s32 $0x80;
	s4 =	sand.u32 $0x1, s0;
	s0 =	stileid.u32  }
0x6: {  	s16 =	simm.s32 $0x0;
	[smem:$0x7FF] =	sst s3;
	s8 =	smul.u32 $0x4F00, s0  }
0x7: {  	s1 =	sshll.u32 s4, $0x4;
	s7 =	ssub.s32 $0x2, s4;
	s10 =	smul.u32 $0x4F000, s4  }
0x8: {  	s4 =	sadd.s32 $0x1FC00, s5;
	s6 =	sor.u32 s0, s1;
	s1 =	rddreg [dreg:$0x3]  }
0x9: {  	_ =	strace $0x80000047;
	s31 =	sshrl.u32 s7, $0x1;
	s6 =	smul.u32 $0x4F0, s6  }
0xa: {  	s12 =	ssub.s32 s7, s31;
	s10 =	sadd.s32 s8, s10;
	s8 =	sadd.s32 s8, s2  }
0xb: {  	s10 =	sshrl.u32 s10, $0x3;
	s11 =	sadd.s32 s6, s5;
	s5 =	sadd.s32 $0x1FA00, s5  }
0xc: {  	s9 =	sadd.s32 s9, s10;
	s10 =	smax.u32 s12, $0x1;
	s12 =	simm.s32 $0x2780  }
0xd: {  	s6 =	sadd.s32 $0x15C00, s11;
	s7 =	sadd.s32 $0x2000, s11;
	s11 =	simm.s32 $0x1  }
.LBB2_1:
0xe: {  	[tilespmem:s3], [sflag:$0x1] =	stream.linear.gather [hbm4b:s6+s3], $0x2780, $0x38;
	[tilespmem:$0xF500] =	vst v63  }
0xf: {  	_ =	swait.ge [sflag:s11], $0x2780  }
0x10: {  	[sflag:s11] =	ssyncset.done $0x0  }
0x11: {  	[sflag:s11] =	ssyncadd.s32 $0xFFFFD880  }
0x12: {  	[tilespmem:s12], [sflag:$0x1] =	stream.linear.gather [hbm4b:s7+s3], $0x2780, $0x38;
	[tilespmem:$0xF500] =	vst v63  }
0x13: {  	_ =	swait.ge [sflag:s11], $0x2780  }
0x14: {  	[sflag:s11] =	ssyncset.done $0x0  }
0x15: {  	[sflag:s11] =	ssyncadd.s32 $0xFFFFD880  }
0x16: {  	[tilespmem:s13], [sflag:$0x1] =	stream.linear.gather [hbm4b:s5+s3], $0x800, $0x38;
	[tilespmem:$0xF500] =	vst v63  }
0x17: {  	_ =	swait.ge [sflag:s11], $0x800  }
0x18: {  	[sflag:s11] =	ssyncset.done $0x0  }
0x19: {  	[sflag:s11] =	ssyncadd.s32 $0xFFFFF800  }
0x1a: {  	[tilespmem:s14], [sflag:$0x1] =	stream.linear.gather [hbm4b:s4+s3], $0x4F00, $0x38;
	[tilespmem:$0xF500] =	vst v63  }
0x1b: {  	_ =	swait.ge [sflag:s11], $0x4F00  }
0x1c: {  	[sflag:s11] =	ssyncset.done $0x0  }
0x1d: {  	[sflag:s11] =	ssyncadd.s32 $0xFFFFB100  }
0x1e: {  	[spmem:s8] =	stream.linear.scatter [tilespmem:s14], [sflag:$0x1], $0x4F00, $0x38;
	[tilespmem:$0xF500] =	vst v63  }
0x1f: {  	_ =	swait.ge [sflag:s11], $0x4F00  }
0x20: {  	[sflag:s11] =	ssyncset.done $0x0  }
0x21: {  	[sflag:s11] =	ssyncadd.s32 $0xFFFFB100  }
0x22: {  	s17 =	simm.s32 $0x0;
	[bflag:$0x0] =	sbarrier.arrive $0xFFFF  }
0x23: {  	[spmem:s2] =	stream.indirect.scatter.add.f32 [tilespmem:s13], [sflag:$0x1], $0x10, s17, s15, $0xb8;
	[tilespmem:$0xF500] =	vst v63  }
0x24: {  	_ =	swait.ge [sflag:s11], $0x800  }
0x25: {  	[sflag:s11] =	ssyncset.done $0x0  }
0x26: {  	s31 =	simm.s32 $0x2780;
	[sflag:s11] =	ssyncadd.s32 $0xFFFFF800  }
0x27: {  	[spmem:s2] =	stream.indirect.scatter.add.f32 [tilespmem:s13], [sflag:$0x1], $0x10, s31, s15, $0xb8;
	[tilespmem:$0xF500] =	vst v63  }
0x28: {  	_ =	swait.ge [sflag:s11], $0x800  }
0x29: {  	s18 =	simm.s32 $0x400;
	s17 =	simm.s32 $0x200;
	[sflag:s11] =	ssyncset.done $0x0  }
.LBB2_2:
0x2a: {  	s19 =	sshra.s32 s17, $0x2  }
0x2b: {  	[sflag:s11] =	ssyncadd.s32 $0xFFFFF800;
	s17 =	smov.u32 s18;
	s20 =	sadd.s32 $0x200, s18  }
0x2c: {  	[spmem:s2] =	stream.indirect.scatter.add.f32 [tilespmem:s13], [sflag:$0x1], $0x10, s19, s15, $0xb8;
	[tilespmem:$0xF500] =	vst v63  }
0x2d: {  	p0 =	sne.s32 s18, $0x9C00;
	_ =	swait.ge [sflag:s11], $0x800  }
.Ltmp0:
0x2e: {  	[sflag:s11] =	ssyncset.done $0x0;
	(pc) =	sbr.rel @p0 .LBB2_2-.Ltmp0, $4  }
0x2f: {  	s18 =	sadd.s32 $0x2780, s19;
	[sflag:s11] =	ssyncadd.s32 $0xFFFFF800  }
0x30: {  	[spmem:s2] =	stream.indirect.scatter.add.f32 [tilespmem:s13], [sflag:$0x1], $0x10, s18, s15, $0xb8;
	[tilespmem:$0xF500] =	vst v63  }
0x31: {  	_ =	swait.ge [sflag:s11], $0x800  }
0x32: {  	s18 =	smov.u32 s20;
	[sflag:s11] =	ssyncset.done $0x0  }
0x33: {  	s17 =	sshra.s32 s17, $0x2;
	[sflag:s11] =	ssyncadd.s32 $0xFFFFF800  }
0x34: {  	[spmem:s2] =	stream.indirect.scatter.add.f32 [tilespmem:s13], [sflag:$0x1], $0x10, s17, s15, $0xb8;
	[tilespmem:$0xF500] =	vst v63  }
0x35: {  	_ =	swait.ge [sflag:s11], $0x800  }
0x36: {  	[sflag:s11] =	ssyncset.done $0x0  }
0x37: {  	s17 =	sadd.s32 $0x2780, s17;
	[sflag:s11] =	ssyncadd.s32 $0xFFFFF800  }
0x38: {  	[spmem:s2] =	stream.indirect.scatter.add.f32 [tilespmem:s13], [sflag:$0x1], $0x10, s17, s15, $0xb8;
	[tilespmem:$0xF500] =	vst v63  }
0x39: {  	_ =	swait.ge [sflag:s11], $0x800  }
0x3a: {  	[sflag:s11] =	ssyncset.done $0x0  }
0x3b: {  	[sflag:s11] =	ssyncadd.s32 $0xFFFFF800  }
0x3c: {  	[bflag:$0x0] =	sbarrier.arrive $0xFFFF  }
0x3d: {  	[tilespmem:s14], [sflag:$0x1] =	stream.linear.gather [spmem:s8], $0x4F00, $0x38;
	[tilespmem:$0xF500] =	vst v63  }
0x3e: {  	s16 =	sadd.s32 $0x1, s16;
	_ =	swait.ge [sflag:s11], $0x4F00  }
0x3f: {  	p0 =	sne.s32 s16, s10;
	[sflag:s11] =	ssyncset.done $0x0  }
.Ltmp1:
0x40: {  	[sflag:s11] =	ssyncadd.s32 $0xFFFFB100;
	(pc) =	sbr.rel @p0 .LBB2_1-.Ltmp1, $4  }
0x41: {  	[hbm4b:s9+s3] =	stream.linear.scatter [tilespmem:s14], [sflag:$0x1], $0x4F00, $0x38;
	[tilespmem:$0xF500] =	vst v63  }
0x42: {  	_ =	swait.ge [sflag:s11], $0x4F00  }
0x43: {  	[sflag:s11] =	ssyncset.done $0x0  }
0x44: {  	[sflag:s11] =	ssyncadd.s32 $0xFFFFB100  }
0x45: {  	_ =	sfence.sel $0x180000  }
0x46: {  	[bflag:$0x0] =	sbarrier.arrive $0xFFFF  }
0x47: {  	p0 =	sne.s32 s0, $0x0;
	_ =	strace $0x90000047  }
0x48: {  	s0 =	sadd.s32 @!p0 $0x100000, s1;
	[bflag:$0x2] =	sbarrier.arrive $0xFFFF  }
0x49: {  	[sflag:s0] =	ssyncadd.tile.s32 @!p0 $0x1;
	_ =	shalt  }
.Lfunc_end2:
_tile_overlayer_lowered:
.L_overlay_start_2:
0x4a: {  	(tag) =	ssettag $0x2  }
0x4b: {  	s0 =	rddreg [dreg:$0x0];
	s2 =	stileid.u32  }
0x4c: {  	s1 =	rddreg [dreg:$0x1];
	p0 =	sne.s32 s2, $0x0  }
0x4d: {  	s3 =	rddreg [dreg:$0x2];
	[bflag:$0x3] =	sbarrier.arrive $0xFFFF;
	s2 =	simm.s32 @!p0 $0x1C01  }
0x4e: {  	[timem:s3], [sflag:s2] =	dma.local @!p0 [hbm:s0], s1  }
0x4f: {  	s0 =	simm.s32 @!p0 $0x1  }
0x50: {  	_ =	swait.ge @!p0 [sflag:s0], s1  }
0x51: {  	s1 =	ssub.s32 @!p0 $0x0, s1;
	[sflag:s0] =	ssyncset.done @!p0 $0x0  }
0x52: {  	[sflag:s0] =	ssyncadd.s32 @!p0 s1  }
0x53: {  	[bflag:$0x3] =	sbarrier.arrive $0xFFFF  }
0x54: {  	_ =	shalt  }

// kernel: kernel.13.cloned.1.call-start
scs
__scs_entry_jumppad:
0x0: {  	(pc) =	sbr.rel $0x88, $3  }
0x1: {  	(tag) =	ssettag $0x0;
	lr =	simm.s32 $0x1  }
0x2: {  	[smem:$0x3F9D] =	sst lr;
	_ =	strace $0xD0000000  }
0x3: {  	_ = 	snop  }
0x4: {  	_ = 	snop  }
0x5: {  	_ = 	snop  }
0x6: {  	_ = 	snop  }
0x7: {  	_ = 	snop  }
__scs_overlays_trampoline_lowered:
0x8: {  	[smem:$0x3FAC] =	sst s0  }
0x9: {  	[smem:$0x3FAD] =	sst s1  }
0xa: {  	[smem:$0x3FAE] =	sst s2  }
0xb: {  	[smem:$0x3FAF] =	sst s3  }
0xc: {  	[smem:$0x3FB0] =	sst s4  }
0xd: {  	[smem:$0x3FB1] =	sst s5  }
0xe: {  	[smem:$0x3FB2] =	sst s6  }
0xf: {  	[smem:$0x3FB3] =	sst s7  }
0x10: {  	[smem:$0x3FB4] =	sst s8  }
0x11: {  	[smem:$0x3FB5] =	sst s9;
	s0 =	simm.s32 @!p0 $0x0  }
0x12: {  	s1 =	sld [smem:$0x3F9B];
	s0 =	simm.s32 @p0 $0x1  }
0x13: {  	[smem:$0x3FB6] =	sst s0;
	s0 =	simm.s32 @!p1 $0x0  }
0x14: {  	s2 =	sld [smem:$0x3F9A];
	s0 =	simm.s32 @p1 $0x1  }
0x15: {  	[smem:$0x3FB7] =	sst s0;
	s0 =	simm.s32 @!p2 $0x0  }
0x16: {  	s3 =	sld [smem:$0x3FDB];
	s0 =	simm.s32 @p2 $0x1  }
0x17: {  	s4 =	simm.s32 $0x1BF5;
	[smem:$0x3FB9] =	sst s0  }
0x18: {  	s0 =	sld [smem:$0x3F9C];
	_ =	swait.ge [sflag:s4], $0x0  }
0x19: {  	s7 =	sld [smem:$0x3F9D]  }
0x1a: {  	s8 =	sadd.s32 $0xFFFFE003, lr  }
0x1b: {  	s9 =	sadd.s32 $0xFFFFFEF7, lr;
	s5 =	simm.s32 $0xFFFFFFFF;
	p2 =	slt.u32 s8, $0xFFFFF086  }
0x1c: {  	p1 =	slt.u32 s9, $0xF7A;
	s5 =	simm.s32 @!p2 $0x0  }
0x1d: {  	s5 =	simm.s32 @p1 $0x1;
	p0 =	seq.s32 s7, s2  }
0x1e: {  	s7 =	smul.u32 @!p0 $0xF7A, s2;
	p2 =	seq.s32 @!p0 s5, $0x0  }
0x1f: {  	s9 =	smul.u32 $0xF7A, s1;
	s8 =	simm.s32 @!p0 $0x1BF5;
	p2 =	por !p2, p0  }
0x20: {  	[sflag:s8] =	ssyncset.s32 @!p0 $0xFFFFF086;
	s6 =	sadd.s32 @!p0 s3, s7;
	s7 =	simm.s32 @!p0 $0x108  }
0x21: {  	s3 =	sadd.s32 s3, s9;
	s6 =	sadd.s32 @!p0 $0x88, s6;
	s7 =	simm.s32 @p2 $0x1082  }
0x22: {  	[simem:s7], [sflag:s8] =	dma.local @!p0 [hbm:s6], $0xF7A  }
0x23: {  	s9 =	sor.u32 $0xD0000000, s2;
	s6 =	simm.s32 $0x108;
	_ =	swait.ge @!p0 [sflag:s8], $0x0  }
0x24: {  	s3 =	sadd.s32 $0x88, s3;
	s6 =	simm.s32 @!p1 $0x1082;
	[sflag:s4] =	ssyncset.s32 $0xFFFFF086  }
0x25: {  	[simem:s6], [sflag:s4] =	dma.local [hbm:s3], $0xF7A  }
0x26: {  	[smem:$0x3F9D] =	sst s1;
	(tag) =	ssettag s2;
	_ =	strace s9  }
0x27: {  	s1 =	sld [smem:$0x3FAD]  }
0x28: {  	s2 =	sld [smem:$0x3FAE]  }
0x29: {  	s4 =	sld [smem:$0x3FB0]  }
0x2a: {  	p0 =	seq.s32 s5, $0x0;
	s5 =	sld [smem:$0x3FB1]  }
0x2b: {  	s6 =	sld [smem:$0x3FB2]  }
0x2c: {  	s7 =	sld [smem:$0x3FB3]  }
0x2d: {  	s3 =	simm.s32 $0x108;
	s8 =	sld [smem:$0x3FB4]  }
0x2e: {  	s3 =	simm.s32 @!p0 $0x1082;
	s9 =	sld [smem:$0x3FB5]  }
0x2f: {  	lr =	sadd.s32 s0, s3;
	s0 =	sld [smem:$0x3FAC]  }
0x30: {  	s3 =	sld [smem:$0x3FAF]  }
0x31: {  	[smem:$0x3FB8] =	sst s10  }
0x32: {  	s10 =	sld [smem:$0x3FB6];
	_ =	sdelay $0x3  }
0x33: {  	p0 =	seq.s32 s10, $0x1;
	s10 =	sld [smem:$0x3FB8];
	_ =	sdelay $0x3  }
0x34: {  	[smem:$0x3FB8] =	sst s10  }
0x35: {  	s10 =	sld [smem:$0x3FB7];
	_ =	sdelay $0x3  }
0x36: {  	p1 =	seq.s32 s10, $0x1;
	s10 =	sld [smem:$0x3FB8];
	_ =	sdelay $0x3  }
0x37: {  	[smem:$0x3FB8] =	sst s10  }
0x38: {  	s10 =	sld [smem:$0x3FB9]  }
0x39: {  	_ = 	snop;
	(pc) =	sbr.ind lr, $3  }
0x3a: {  	_ = 	snop  }
0x3b: {  	_ = 	snop  }
0x3c: {  	p2 =	seq.s32 s10, $0x1;
	s10 =	sld [smem:$0x3FB8]  }
0x3d: {  	_ =	shalt  }
0x3e: {  	_ =	shalt  }
0x3f: {  	_ =	shalt  }
0x40: {  	_ =	shalt  }
0x41: {  	_ =	shalt  }
0x42: {  	_ =	shalt  }
0x43: {  	_ =	shalt  }
0x44: {  	_ =	shalt  }
0x45: {  	_ =	shalt  }
0x46: {  	_ =	shalt  }
0x47: {  	_ =	shalt  }
0x48: {  	_ =	shalt  }
0x49: {  	_ =	shalt  }
0x4a: {  	_ =	shalt  }
0x4b: {  	_ =	shalt  }
0x4c: {  	_ =	shalt  }
0x4d: {  	_ =	shalt  }
0x4e: {  	_ =	shalt  }
0x4f: {  	_ =	shalt  }
0x50: {  	_ =	shalt  }
0x51: {  	_ =	shalt  }
0x52: {  	_ =	shalt  }
0x53: {  	_ =	shalt  }
0x54: {  	_ =	shalt  }
0x55: {  	_ =	shalt  }
0x56: {  	_ =	shalt  }
0x57: {  	_ =	shalt  }
0x58: {  	_ =	shalt  }
0x59: {  	_ =	shalt  }
0x5a: {  	_ =	shalt  }
0x5b: {  	_ =	shalt  }
0x5c: {  	_ =	shalt  }
0x5d: {  	_ =	shalt  }
0x5e: {  	_ =	shalt  }
0x5f: {  	_ =	shalt  }
0x60: {  	_ =	shalt  }
0x61: {  	_ =	shalt  }
0x62: {  	_ =	shalt  }
0x63: {  	_ =	shalt  }
0x64: {  	_ =	shalt  }
0x65: {  	_ =	shalt  }
0x66: {  	_ =	shalt  }
0x67: {  	_ =	shalt  }
0x68: {  	_ =	shalt  }
0x69: {  	_ =	shalt  }
0x6a: {  	_ =	shalt  }
0x6b: {  	_ =	shalt  }
0x6c: {  	_ =	shalt  }
0x6d: {  	_ =	shalt  }
0x6e: {  	_ =	shalt  }
0x6f: {  	_ =	shalt  }
0x70: {  	_ =	shalt  }
0x71: {  	_ =	shalt  }
0x72: {  	_ =	shalt  }
0x73: {  	_ =	shalt  }
0x74: {  	_ =	shalt  }
0x75: {  	_ =	shalt  }
0x76: {  	_ =	shalt  }
0x77: {  	_ =	shalt  }
0x78: {  	_ =	shalt  }
0x79: {  	_ =	shalt  }
0x7a: {  	_ =	shalt  }
0x7b: {  	_ =	shalt  }
0x7c: {  	_ =	shalt  }
0x7d: {  	_ =	shalt  }
0x7e: {  	_ =	shalt  }
0x7f: {  	_ =	shalt  }
0x80: {  	_ =	shalt  }
0x81: {  	_ =	shalt  }
0x82: {  	_ =	shalt  }
0x83: {  	_ =	shalt  }
0x84: {  	_ =	shalt  }
0x85: {  	_ =	shalt  }
0x86: {  	_ =	shalt  }
0x87: {  	_ =	shalt  }
.Lfunc_end0:
.L_simem_size_0:
called_computation.1_lowered:
.L_overlay_start_0:
0x88: {  	s2 =	sld [smem:$0x3FD9]  }
0x89: {  	s3 =	sld [smem:$0x3FFE];
	_ =	sdelay $0x1  }
0x8a: {  	s1 =	srdreg.scid  }
0x8b: {  	s0 =	sand.u32 $0x1, s1  }
0x8c: {  	s17 =	sshll.u32 s0, $0xA;
	s2 =	sadd.s32 s3, s2  }
0x8d: {  	s2 =	sadd.s32 s2, s17  }
0x8e: {  	[smem:$0x3FC4] =	sst s2  }
0x8f: {  	_ = 	snop  }
0x90: {  	s2 =	sld [smem:$0x3FD0];
	(tm) =	ssettm $0x1  }
0x91: {  	s18 =	sld [smem:$0x3FFB];
	_ =	sdelay $0x3  }
0x92: {  	_ =	strace s18  }
0x93: {  	s3 =	sld [smem:$0x3FFC];
	_ =	sdelay $0x3  }
0x94: {  	_ =	strace s3  }
0x95: {  	s3 =	sld [smem:$0x3FFD];
	_ =	sdelay $0x3  }
0x96: {  	_ =	strace s3  }
0x97: {  	_ =	strace $0x8FFFFFFF  }
0x98: {  	s19 =	sld [smem:$0x3FDB];
	_ =	sdelay $0x1  }
0x99: {  	s4 =	simm.s32 $_scs_section_size  }
0x9a: {  	s5 =	simm.s32 $_size__tile_overlayer_lowered;
	s6 =	simm.s32 $_tile_overlayer_lowered  }
0x9b: {  	s22 =	simm.s32 $0x1BFF;
	s21 =	sshll.u32 s6, $0x1;
	s3 =	sadd.s32 s4, s19  }
0x9c: {  	s7 =	simm.s32 $0x0;
	s20 =	sshll.u32 s5, $0x1;
	s5 =	sadd.s32 s21, s3  }
0x9d: {  	[timem:s7], [sflag:s22] =	dma.local [hbm:s5], s20  }
0x9e: {  	_ =	swait.ge [sflag:s22], s20  }
0x9f: {  	s4 =	ssub.s32 $0x0, s20;
	[sflag:s22] =	ssyncset.done $0x0  }
0xa0: {  	[sflag:s22] =	ssyncadd.s32 s4;
	_ =	sdelay $0x1  }
0xa1: {  	s23 =	simm.s32 $0x1B8B  }
0xa2: {  	_ =	swait.ge [sflag:s23], $0x1  }
0xa3: {  	[sflag:s23] =	ssyncset.done $0x0  }
0xa4: {  	s25 =	simm.s32 $0x1B8E;
	s24 =	sld [smem:$0x3FFE];
	[sflag:s23] =	ssyncadd.s32 $0xFFFFFFFF  }
0xa5: {  	s26 =	simm.s32 $execute0_lowered;
	[smem:$0x3FD2] =	sst s25  }
0xa6: {  	s5 =	sshll.u32 s26, $0x1;
	_ =	strace $0x80000049;
	[dreg:$0x1] =	wrdreg $0xFFFFFFFF  }
0xa7: {  	s28 =	simm.s32 $_size_execute0_lowered;
	s3 =	sadd.s32 s3, s5;
	[dreg:$0x0] =	wrdreg $0x0  }
0xa8: {  	s5 =	sshll.u32 s28, $0x1;
	[dreg:$0x2] =	wrdreg s3  }
0xa9: {  	[dreg:$0x3] =	wrdreg s5  }
0xaa: {  	[dreg:$0x4] =	wrdreg $0xC0  }
0xab: {  	_ =	task [dreg:s7], $0x5FFFF  }
0xac: {  	[dreg:$0x1] =	wrdreg $0xFFFFFFFF  }
0xad: {  	[dreg:$0x0] =	wrdreg $0x60  }
0xae: {  	[dreg:$0x2] =	wrdreg s2  }
0xaf: {  	[dreg:$0x3] =	wrdreg s24  }
0xb0: {  	[dreg:$0x4] =	wrdreg $0xDE000  }
0xb1: {  	[dreg:$0x5] =	wrdreg $0x9  }
0xb2: {  	_ =	task.clear_ibuf [dreg:s7], $0x6FFFF;
	_ =	strace $0x90000049  }
0xb3: {  	s29 =	simm.s32 $0x9;
	_ =	strace $0x8000004B  }
0xb4: {  	_ =	swait.ge [sflag:s29], $0x1  }
0xb5: {  	[sflag:s29] =	ssyncadd.s32 $0xFFFFFFFF  }
0xb6: {  	_ =	strace $0x9000004B  }
0xb7: {  	_ =	sfence  }
0xb8: {  	s30 =	sld [smem:$0x0];
	_ =	sdelay $0x2  }
0xb9: {  	s31 =	sshll.u32 s1, $0xD;
	s1 =	sshrl.u32 s1, $0x2  }
0xba: {  	s3 =	sand.u32 $0x4000, s31;
	s1 =	sadd.s32 s1, s30  }
0xbb: {  	s0 =	sor.u32 s3, s0;
	s1 =	sshll.u32 s1, $0x11  }
0xbc: {  	s0 =	sor.u32 s1, s0  }
0xbd: {  	s0 =	sadd.s32 $0x8F2B, s0  }
0xbe: {  	[sflag:s0] =	ssyncadd.remote.s32 $0x1  }
0xbf: {  	_ =	sfence.sel $0xFFFF  }
0xc0: {  	[dreg:$0x0] =	wrdreg $0xFFFFFFFF;
	(pc) =	sbr.abs _section_cstart, $3  }
0xc1: {  	[dreg:$0x1] =	wrdreg $0xFFFFFFFF  }
0xc2: {  	_ =	task.clear_ibuf [dreg:s7], $0x2FFFF;
	_ =	strace $0x9FFFFFFF  }
0xc3: {  	(tm) =	ssettm $0x7FFFFFFF  }
tec
execute0_lowered:
.L_overlay_start_1:
0x0: {  	(tag) =	ssettag $0x1  }
0x1: {  	s1 =	rddreg [dreg:$0x0]  }
0x2: {  	s7 =	rddreg [dreg:$0x1]  }
0x3: {  	s3 =	rddreg [dreg:$0x2];
	s4 =	simm.s32 $0x0  }
0x4: {  	s0 =	stileid.u32;
	s5 =	srdreg.scid;
	s23 =	simm.s32 $0x80  }
0x5: {  	s24 =	simm.s32 $0x1;
	s25 =	simm.s32 $0xBE00;
	s26 =	simm.s32 $0x4E80  }
0x6: {  	s28 =	simm.s32 $0x9D00;
	s29 =	simm.s32 $0x9D80;
	s30 =	simm.s32 $0x0  }
0x7: {  	[smem:$0x7FF] =	sst s4;
	s6 =	smul.u32 $0x9E0, s0;
	s14 =	sand.u32 $0x1, s5  }
0x8: {  	s5 =	sadd.s32 $0xBDA00, s7;
	s13 =	smul.u32 $0x9E00, s0;
	s18 =	sadd.s32 $0xD1600, s7  }
0x9: {  	_ =	strace $0x8000004A;
	s8 =	ssub.s32 $0x2, s14;
	s17 =	smul.u32 $0x9E000, s14  }
0xa: {  	p0 =	seq.s32 s14, $0x1;
	s9 =	sadd.s32 s6, s7;
	s10 =	sshrl.u32 s8, $0x1  }
0xb: {  	s6 =	sadd.s32 $0x2000, s7;
	s15 =	sadd.s32 $0x2000, s13;
	s16 =	sadd.s32 $0x4000, s13  }
0xc: {  	s20 =	sadd.s32 $0x6000, s13;
	s21 =	sadd.s32 $0x8000, s13;
	s19 =	ssub.s32 s8, s10  }
0xd: {  	s7 =	sadd.s32 $0x15C00, s9;
	s8 =	sadd.s32 $0xBE00, s9;
	s9 =	sadd.s32 s13, s3  }
0xe: {  	s10 =	sadd.s32 s15, s3;
	s11 =	sadd.s32 s16, s3;
	s12 =	sadd.s32 s20, s3  }
0xf: {  	s22 =	sadd.s32 s13, s17;
	s13 =	sadd.s32 s21, s3;
	s15 =	sadd.s32 s17, s15  }
0x10: {  	s16 =	sadd.s32 s17, s16;
	s20 =	sadd.s32 s17, s20;
	s21 =	sadd.s32 s17, s21  }
.Ltmp0:
0x11: {  	s22 =	sshrl.u32 s22, $0x3;
	s15 =	sshrl.u32 s15, $0x3;
	(pc) =	sbr.rel .LBB2_1-.Ltmp0, $4  }
0x12: {  	s16 =	sshrl.u32 s16, $0x3;
	s20 =	sshrl.u32 s20, $0x3;
	s31 =	sshrl.u32 s21, $0x3  }
0x13: {  	s19 =	smax.u32 s19, $0x1;
	s21 =	simm.s32 $0x4F00;
	s14 =	sadd.s32 s18, s22  }
0x14: {  	s15 =	sadd.s32 s18, s15;
	s16 =	sadd.s32 s18, s16;
	s17 =	sadd.s32 s18, s20  }
0x15: {  	s18 =	sadd.s32 s18, s31;
	s20 =	simm.s32 $0x2;
	s22 =	simm.s32 $0x9E00  }
.LBB2_7:
0x16: {  	[sflag:s20] =	ssyncadd.s32 $0xFFFFE000  }
0x17: {  	_ =	swait.ge [sflag:s24], $0x2000  }
0x18: {  	[sflag:s24] =	ssyncset.done $0x0  }
0x19: {  	[sflag:s24] =	ssyncadd.s32 $0xFFFFE000  }
0x1a: {  	[tilespmem:s25], [sflag:$0x1] =	stream.indirect.gather [hbm4b:s5+s23], $0x40, s26, s23, $0xb8;
	[tilespmem:$0x17C00] =	vst v63  }
.LBB2_8:
0x1b: {  	[spmem:s3] =	stream.indirect.scatter.add.f32 [tilespmem:s22], [sflag:$0x2], $0x40, s28, s23, $0xb8;
	[tilespmem:$0x17C00] =	vst v63  }
0x1c: {  	_ =	swait.ge [sflag:s20], $0x2000  }
0x1d: {  	[sflag:s20] =	ssyncset.done $0x0  }
0x1e: {  	[sflag:s20] =	ssyncadd.s32 $0xFFFFE000  }
0x1f: {  	_ =	swait.ge [sflag:s24], $0x2000  }
0x20: {  	[sflag:s24] =	ssyncset.done $0x0  }
0x21: {  	[sflag:s24] =	ssyncadd.s32 $0xFFFFE000  }
0x22: {  	[spmem:s3] =	stream.indirect.scatter.add.f32 [tilespmem:s25], [sflag:$0x2], $0x40, s29, s23, $0xb8;
	[tilespmem:$0x17C00] =	vst v63  }
0x23: {  	_ =	swait.ge [sflag:s20], $0x2000  }
0x24: {  	[sflag:s20] =	ssyncset.done $0x0  }
0x25: {  	[sflag:s20] =	ssyncadd.s32 $0xFFFFE000  }
0x26: {  	[bflag:$0x0] =	sbarrier.arrive $0xFFFF  }
0x27: {  	[tilespmem:s22], [sflag:$0x2] =	stream.linear.gather [spmem:s9], $0x2000, $0x38;
	[tilespmem:$0x17C00] =	vst v63  }
0x28: {  	_ =	swait.ge [sflag:s20], $0x2000  }
0x29: {  	[sflag:s20] =	ssyncset.done $0x0  }
0x2a: {  	[sflag:s20] =	ssyncadd.s32 $0xFFFFE000  }
0x2b: {  	[hbm4b:s14+s4] =	stream.linear.scatter [tilespmem:s22], [sflag:$0x2], $0x2000, $0x38;
	[tilespmem:$0x17C00] =	vst v63  }
0x2c: {  	_ =	swait.ge [sflag:s20], $0x2000  }
0x2d: {  	[sflag:s20] =	ssyncset.done $0x0  }
0x2e: {  	[sflag:s20] =	ssyncadd.s32 $0xFFFFE000  }
0x2f: {  	[tilespmem:s25], [sflag:$0x2] =	stream.linear.gather [spmem:s10], $0x2000, $0x38;
	[tilespmem:$0x17C00] =	vst v63  }
0x30: {  	_ =	swait.ge [sflag:s20], $0x2000  }
0x31: {  	[sflag:s20] =	ssyncset.done $0x0  }
0x32: {  	[sflag:s20] =	ssyncadd.s32 $0xFFFFE000  }
0x33: {  	[hbm4b:s15+s4] =	stream.linear.scatter [tilespmem:s25], [sflag:$0x2], $0x2000, $0x38;
	[tilespmem:$0x17C00] =	vst v63  }
0x34: {  	_ =	swait.ge [sflag:s20], $0x2000  }
0x35: {  	[sflag:s20] =	ssyncset.done $0x0  }
0x36: {  	[sflag:s20] =	ssyncadd.s32 $0xFFFFE000  }
0x37: {  	[tilespmem:s22], [sflag:$0x2] =	stream.linear.gather [spmem:s11], $0x2000, $0x38;
	[tilespmem:$0x17C00] =	vst v63  }
0x38: {  	_ =	swait.ge [sflag:s20], $0x2000  }
0x39: {  	[sflag:s20] =	ssyncset.done $0x0  }
0x3a: {  	[sflag:s20] =	ssyncadd.s32 $0xFFFFE000  }
0x3b: {  	[hbm4b:s16+s4] =	stream.linear.scatter [tilespmem:s22], [sflag:$0x2], $0x2000, $0x38;
	[tilespmem:$0x17C00] =	vst v63  }
0x3c: {  	_ =	swait.ge [sflag:s20], $0x2000  }
0x3d: {  	[sflag:s20] =	ssyncset.done $0x0  }
0x3e: {  	[sflag:s20] =	ssyncadd.s32 $0xFFFFE000  }
0x3f: {  	[tilespmem:s25], [sflag:$0x2] =	stream.linear.gather [spmem:s12], $0x2000, $0x38;
	[tilespmem:$0x17C00] =	vst v63  }
0x40: {  	_ =	swait.ge [sflag:s20], $0x2000  }
0x41: {  	[sflag:s20] =	ssyncset.done $0x0  }
0x42: {  	[sflag:s20] =	ssyncadd.s32 $0xFFFFE000  }
0x43: {  	[hbm4b:s17+s4] =	stream.linear.scatter [tilespmem:s25], [sflag:$0x2], $0x2000, $0x38;
	[tilespmem:$0x17C00] =	vst v63  }
0x44: {  	_ =	swait.ge [sflag:s20], $0x2000  }
0x45: {  	[sflag:s20] =	ssyncset.done $0x0  }
0x46: {  	[sflag:s20] =	ssyncadd.s32 $0xFFFFE000  }
0x47: {  	[tilespmem:s22], [sflag:$0x2] =	stream.linear.gather [spmem:s13], $0x1E00, $0x38;
	[tilespmem:$0x17C00] =	vst v63  }
0x48: {  	s30 =	sadd.s32 $0x1, s30;
	_ =	swait.ge [sflag:s20], $0x1E00  }
0x49: {  	p1 =	sne.s32 s30, s19;
	[sflag:s20] =	ssyncset.done $0x0  }
.Ltmp1:
0x4a: {  	[sflag:s20] =	ssyncadd.s32 $0xFFFFE200;
	(pc) =	sbr.rel @!p1 .LBB2_9-.Ltmp1, $4  }
0x4b: {  	[hbm4b:s18+s4] =	stream.linear.scatter [tilespmem:s22], [sflag:$0x2], $0x1E00, $0x38;
	[tilespmem:$0x17C00] =	vst v63  }
0x4c: {  	_ =	swait.ge [sflag:s20], $0x1E00  }
0x4d: {  	[sflag:s20] =	ssyncset.done $0x0  }
0x4e: {  	[sflag:s20] =	ssyncadd.s32 $0xFFFFE200  }
.LBB2_1:
0x4f: {  	[tilespmem:s4], [sflag:$0x2] =	stream.linear.gather [hbm4b:s7+s4], $0x4F00, $0x38;
	[tilespmem:$0x17C00] =	vst v63  }
0x50: {  	_ =	swait.ge [sflag:s20], $0x4F00  }
0x51: {  	[sflag:s20] =	ssyncset.done $0x0  }
0x52: {  	[sflag:s20] =	ssyncadd.s32 $0xFFFFB100  }
0x53: {  	[tilespmem:s21], [sflag:$0x2] =	stream.linear.gather [hbm4b:s8+s4], $0x4F00, $0x38;
	[tilespmem:$0x17C00] =	vst v63  }
0x54: {  	_ =	swait.ge [sflag:s20], $0x4F00  }
0x55: {  	[sflag:s20] =	ssyncset.done $0x0  }
0x56: {  	[sflag:s20] =	ssyncadd.s32 $0xFFFFB100  }
0x57: {  	[tilespmem:s22], [sflag:$0x2] =	stream.linear.gather [hbm4b:s6+s4], $0x2000, $0x38;
	[tilespmem:$0x17C00] =	vst v63  }
0x58: {  	_ =	swait.ge [sflag:s20], $0x2000  }
0x59: {  	[sflag:s20] =	ssyncset.done $0x0  }
0x5a: {  	[sflag:s20] =	ssyncadd.s32 $0xFFFFE000  }
0x5b: {  	[spmem:s9] =	stream.linear.scatter [tilespmem:s22], [sflag:$0x2], $0x2000, $0x38;
	[tilespmem:$0x17C00] =	vst v63  }
0x5c: {  	_ =	swait.ge [sflag:s20], $0x2000  }
0x5d: {  	[sflag:s20] =	ssyncset.done $0x0  }
0x5e: {  	[sflag:s20] =	ssyncadd.s32 $0xFFFFE000  }
0x5f: {  	[spmem:s10] =	stream.linear.scatter [tilespmem:s22], [sflag:$0x2], $0x2000, $0x38;
	[tilespmem:$0x17C00] =	vst v63  }
0x60: {  	_ =	swait.ge [sflag:s20], $0x2000  }
0x61: {  	[sflag:s20] =	ssyncset.done $0x0  }
0x62: {  	[sflag:s20] =	ssyncadd.s32 $0xFFFFE000  }
0x63: {  	[spmem:s11] =	stream.linear.scatter [tilespmem:s22], [sflag:$0x2], $0x2000, $0x38;
	[tilespmem:$0x17C00] =	vst v63  }
0x64: {  	_ =	swait.ge [sflag:s20], $0x2000  }
0x65: {  	[sflag:s20] =	ssyncset.done $0x0  }
0x66: {  	[sflag:s20] =	ssyncadd.s32 $0xFFFFE000  }
0x67: {  	[spmem:s12] =	stream.linear.scatter [tilespmem:s22], [sflag:$0x2], $0x2000, $0x38;
	[tilespmem:$0x17C00] =	vst v63  }
0x68: {  	_ =	swait.ge [sflag:s20], $0x2000  }
0x69: {  	[sflag:s20] =	ssyncset.done $0x0  }
0x6a: {  	[sflag:s20] =	ssyncadd.s32 $0xFFFFE000  }
0x6b: {  	[spmem:s13] =	stream.linear.scatter [tilespmem:s22], [sflag:$0x2], $0x1E00, $0x38;
	[tilespmem:$0x17C00] =	vst v63  }
.Ltmp2:
0x6c: {  	_ =	swait.ge [sflag:s20], $0x1E00;
	(pc) =	sbr.rel @!p0 .LBB2_2-.Ltmp2, $3  }
0x6d: {  	[sflag:s20] =	ssyncset.done $0x0  }
0x6e: {  	[sflag:s20] =	ssyncadd.s32 $0xFFFFE200  }
0x6f: {  	[bflag:$0x0] =	sbarrier.arrive $0xFFFF;
	_ =	sdelay $0x1  }
0x70: {  	s0 =	simm.s32 $0x0  }
0x71: {  	[tilespmem:s22], [sflag:$0x1] =	stream.indirect.gather [hbm4b:s5+s23], $0x40, s0, s23, $0xb8;
	[tilespmem:$0x17C00] =	vst v63  }
0x72: {  	_ =	swait.ge [sflag:s24], $0x2000  }
0x73: {  	[sflag:s24] =	ssyncset.done $0x0  }
0x74: {  	s2 =	simm.s32 $0x80;
	[sflag:s24] =	ssyncadd.s32 $0xFFFFE000  }
0x75: {  	[tilespmem:s25], [sflag:$0x1] =	stream.indirect.gather [hbm4b:s5+s23], $0x40, s2, s23, $0xb8;
	[tilespmem:$0x17C00] =	vst v63  }
0x76: {  	s2 =	simm.s32 $0x4F00  }
0x77: {  	[spmem:s3] =	stream.indirect.scatter.add.f32 [tilespmem:s22], [sflag:$0x2], $0x40, s2, s23, $0xb8;
	[tilespmem:$0x17C00] =	vst v63  }
0x78: {  	_ =	swait.ge [sflag:s20], $0x2000  }
0x79: {  	[sflag:s20] =	ssyncset.done $0x0  }
0x7a: {  	[sflag:s20] =	ssyncadd.s32 $0xFFFFE000  }
0x7b: {  	_ =	swait.ge [sflag:s24], $0x2000  }
0x7c: {  	[sflag:s24] =	ssyncset.done $0x0  }
0x7d: {  	s2 =	simm.s32 $0x100;
	[sflag:s24] =	ssyncadd.s32 $0xFFFFE000  }
0x7e: {  	[tilespmem:s22], [sflag:$0x1] =	stream.indirect.gather [hbm4b:s5+s23], $0x40, s2, s23, $0xb8;
	[tilespmem:$0x17C00] =	vst v63  }
0x7f: {  	s2 =	simm.s32 $0x4F80  }
0x80: {  	[spmem:s3] =	stream.indirect.scatter.add.f32 [tilespmem:s25], [sflag:$0x2], $0x40, s2, s23, $0xb8;
	[tilespmem:$0x17C00] =	vst v63  }
0x81: {  	_ =	swait.ge [sflag:s20], $0x2000  }
0x82: {  	s31 =	simm.s32 $0x400;
	[sflag:s20] =	ssyncset.done $0x0  }
.LBB2_6:
0x83: {  	p1 =	sne.s32 s31, $0x13400  }
0x84: {  	[sflag:s20] =	ssyncadd.s32 $0xFFFFE000;
	s0 =	smov.u32 s31;
	s31 =	sadd.s32 $0x400, s31  }
0x85: {  	_ = 	snop  }
0x86: {  	_ =	swait.ge [sflag:s24], $0x2000  }
0x87: {  	s0 =	sshra.s32 s0, $0x2;
	[sflag:s24] =	ssyncset.done $0x0  }
0x88: {  	s2 =	sadd.s32 $0x80, s0;
	[sflag:s24] =	ssyncadd.s32 $0xFFFFE000  }
0x89: {  	[tilespmem:s25], [sflag:$0x1] =	stream.indirect.gather [hbm4b:s5+s23], $0x40, s2, s23, $0xb8;
	[tilespmem:$0x17C00] =	vst v63  }
0x8a: {  	s2 =	sadd.s32 $0x4F00, s0  }
0x8b: {  	[spmem:s3] =	stream.indirect.scatter.add.f32 [tilespmem:s22], [sflag:$0x2], $0x40, s2, s23, $0xb8;
	[tilespmem:$0x17C00] =	vst v63  }
0x8c: {  	_ =	swait.ge [sflag:s20], $0x2000  }
0x8d: {  	[sflag:s20] =	ssyncset.done $0x0  }
0x8e: {  	[sflag:s20] =	ssyncadd.s32 $0xFFFFE000  }
0x8f: {  	_ =	swait.ge [sflag:s24], $0x2000  }
0x90: {  	[sflag:s24] =	ssyncset.done $0x0  }
0x91: {  	s2 =	sadd.s32 $0x100, s0;
	[sflag:s24] =	ssyncadd.s32 $0xFFFFE000  }
0x92: {  	[tilespmem:s22], [sflag:$0x1] =	stream.indirect.gather [hbm4b:s5+s23], $0x40, s2, s23, $0xb8;
	[tilespmem:$0x17C00] =	vst v63  }
.Ltmp3:
0x93: {  	_ = 	snop;
	(pc) =	sbr.rel @p1 .LBB2_6-.Ltmp3, $4  }
0x94: {  	s0 =	sadd.s32 $0x4F80, s0  }
0x95: {  	[spmem:s3] =	stream.indirect.scatter.add.f32 [tilespmem:s25], [sflag:$0x2], $0x40, s0, s23, $0xb8;
	[tilespmem:$0x17C00] =	vst v63  }
0x96: {  	_ =	swait.ge [sflag:s20], $0x2000  }
0x97: {  	[sflag:s20] =	ssyncset.done $0x0  }
.Ltmp4:
0x98: {  	_ = 	snop;
	(pc) =	sbr.rel .LBB2_7-.Ltmp4, $1  }
0x99: {  	_ =	sdelay $0x3  }
.LBB2_2:
0x9a: {  	s31 =	simm.s32 $0x0  }
0x9b: {  	[tilespmem:s22], [sflag:$0x1] =	stream.indirect.gather [hbm4b:s1+s23], $0x40, s31, s23, $0xb8;
	[tilespmem:$0x17C00] =	vst v63  }
0x9c: {  	_ =	swait.ge [sflag:s24], $0x2000  }
0x9d: {  	[sflag:s24] =	ssyncset.done $0x0  }
0x9e: {  	s31 =	simm.s32 $0x80;
	[sflag:s24] =	ssyncadd.s32 $0xFFFFE000  }
0x9f: {  	[tilespmem:s25], [sflag:$0x1] =	stream.indirect.gather [hbm4b:s1+s23], $0x40, s31, s23, $0xb8;
	[tilespmem:$0x17C00] =	vst v63  }
0xa0: {  	s31 =	simm.s32 $0x4F00  }
0xa1: {  	[spmem:s3] =	stream.indirect.scatter.add.f32 [tilespmem:s22], [sflag:$0x2], $0x40, s31, s23, $0xb8;
	[tilespmem:$0x17C00] =	vst v63  }
0xa2: {  	_ =	swait.ge [sflag:s20], $0x2000  }
0xa3: {  	[sflag:s20] =	ssyncset.done $0x0  }
0xa4: {  	[sflag:s20] =	ssyncadd.s32 $0xFFFFE000  }
0xa5: {  	_ =	swait.ge [sflag:s24], $0x2000  }
0xa6: {  	[sflag:s24] =	ssyncset.done $0x0  }
0xa7: {  	s31 =	simm.s32 $0x100;
	[sflag:s24] =	ssyncadd.s32 $0xFFFFE000  }
0xa8: {  	[tilespmem:s22], [sflag:$0x1] =	stream.indirect.gather [hbm4b:s1+s23], $0x40, s31, s23, $0xb8;
	[tilespmem:$0x17C00] =	vst v63  }
0xa9: {  	s31 =	simm.s32 $0x4F80  }
0xaa: {  	[spmem:s3] =	stream.indirect.scatter.add.f32 [tilespmem:s25], [sflag:$0x2], $0x40, s31, s23, $0xb8;
	[tilespmem:$0x17C00] =	vst v63  }
0xab: {  	_ =	swait.ge [sflag:s20], $0x2000  }
0xac: {  	s31 =	simm.s32 $0x400;
	[sflag:s20] =	ssyncset.done $0x0  }
.LBB2_3:
0xad: {  	p1 =	seq.s32 s31, $0x13400  }
0xae: {  	[sflag:s20] =	ssyncadd.s32 $0xFFFFE000;
	s0 =	smov.u32 s31;
	s31 =	sadd.s32 $0x400, s31  }
0xaf: {  	_ = 	snop  }
0xb0: {  	_ =	swait.ge [sflag:s24], $0x2000  }
0xb1: {  	s0 =	sshra.s32 s0, $0x2;
	[sflag:s24] =	ssyncset.done $0x0  }
0xb2: {  	s2 =	sadd.s32 $0x80, s0;
	[sflag:s24] =	ssyncadd.s32 $0xFFFFE000  }
0xb3: {  	[tilespmem:s25], [sflag:$0x1] =	stream.indirect.gather [hbm4b:s1+s23], $0x40, s2, s23, $0xb8;
	[tilespmem:$0x17C00] =	vst v63  }
0xb4: {  	s2 =	sadd.s32 $0x4F00, s0  }
0xb5: {  	[spmem:s3] =	stream.indirect.scatter.add.f32 [tilespmem:s22], [sflag:$0x2], $0x40, s2, s23, $0xb8;
	[tilespmem:$0x17C00] =	vst v63  }
0xb6: {  	_ =	swait.ge [sflag:s20], $0x2000  }
0xb7: {  	[sflag:s20] =	ssyncset.done $0x0  }
0xb8: {  	[sflag:s20] =	ssyncadd.s32 $0xFFFFE000  }
0xb9: {  	_ =	swait.ge [sflag:s24], $0x2000  }
0xba: {  	[sflag:s24] =	ssyncset.done $0x0  }
0xbb: {  	s2 =	sadd.s32 $0x100, s0;
	[sflag:s24] =	ssyncadd.s32 $0xFFFFE000  }
0xbc: {  	[tilespmem:s22], [sflag:$0x1] =	stream.indirect.gather [hbm4b:s1+s23], $0x40, s2, s23, $0xb8;
	[tilespmem:$0x17C00] =	vst v63  }
.Ltmp5:
0xbd: {  	_ = 	snop;
	(pc) =	sbr.rel @!p1 .LBB2_3-.Ltmp5, $4  }
0xbe: {  	s0 =	sadd.s32 $0x4F80, s0  }
0xbf: {  	[spmem:s3] =	stream.indirect.scatter.add.f32 [tilespmem:s25], [sflag:$0x2], $0x40, s0, s23, $0xb8;
	[tilespmem:$0x17C00] =	vst v63  }
0xc0: {  	_ =	swait.ge [sflag:s20], $0x2000  }
0xc1: {  	[sflag:s20] =	ssyncset.done $0x0  }
.Ltmp6:
0xc2: {  	[sflag:s20] =	ssyncadd.s32 $0xFFFFE000;
	(pc) =	sbr.rel .LBB2_8-.Ltmp6, $4  }
0xc3: {  	_ =	swait.ge [sflag:s24], $0x2000  }
0xc4: {  	[sflag:s24] =	ssyncset.done $0x0  }
0xc5: {  	[sflag:s24] =	ssyncadd.s32 $0xFFFFE000  }
0xc6: {  	[tilespmem:s25], [sflag:$0x1] =	stream.indirect.gather [hbm4b:s1+s23], $0x40, s26, s23, $0xb8;
	[tilespmem:$0x17C00] =	vst v63  }
.LBB2_9:
0xc7: {  	_ =	sfence.sel $0x180000  }
0xc8: {  	[bflag:$0x0] =	sbarrier.arrive $0xFFFF  }
0xc9: {  	_ =	strace $0x9000004A  }
0xca: {  	s0 =	stileid.u32;
	[bflag:$0x2] =	sbarrier.arrive $0xFFFF  }
0xcb: {  	p0 =	sne.s32 s0, $0x0;
	s0 =	rddreg [dreg:$0x3]  }
0xcc: {  	s0 =	sadd.s32 @!p0 $0x100000, s0  }
0xcd: {  	[sflag:s0] =	ssyncadd.tile.s32 @!p0 $0x1;
	_ =	shalt  }
.Lfunc_end2:
_tile_overlayer_lowered:
.L_overlay_start_2:
0xce: {  	(tag) =	ssettag $0x2  }
0xcf: {  	s0 =	rddreg [dreg:$0x0];
	s2 =	stileid.u32  }
0xd0: {  	s1 =	rddreg [dreg:$0x1];
	p0 =	sne.s32 s2, $0x0  }
0xd1: {  	s3 =	rddreg [dreg:$0x2];
	[bflag:$0x3] =	sbarrier.arrive $0xFFFF;
	s2 =	simm.s32 @!p0 $0x1C02  }
0xd2: {  	[timem:s3], [sflag:s2] =	dma.local @!p0 [hbm:s0], s1  }
0xd3: {  	s0 =	simm.s32 @!p0 $0x2  }
0xd4: {  	_ =	swait.ge @!p0 [sflag:s0], s1  }
0xd5: {  	s1 =	ssub.s32 @!p0 $0x0, s1;
	[sflag:s0] =	ssyncset.done @!p0 $0x0  }
0xd6: {  	[sflag:s0] =	ssyncadd.s32 @!p0 s1  }
0xd7: {  	[bflag:$0x3] =	sbarrier.arrive $0xFFFF  }
0xd8: {  	_ =	shalt  }

// kernel: kernel.16.cloned.1.call-start
scs
__scs_entry_jumppad:
0x0: {  	(pc) =	sbr.rel $0x88, $3  }
0x1: {  	(tag) =	ssettag $0x0;
	lr =	simm.s32 $0x1  }
0x2: {  	[smem:$0x3F9D] =	sst lr;
	_ =	strace $0xD0000000  }
0x3: {  	_ = 	snop  }
0x4: {  	_ = 	snop  }
0x5: {  	_ = 	snop  }
0x6: {  	_ = 	snop  }
0x7: {  	_ = 	snop  }
__scs_overlays_trampoline_lowered:
0x8: {  	[smem:$0x3FAC] =	sst s0  }
0x9: {  	[smem:$0x3FAD] =	sst s1  }
0xa: {  	[smem:$0x3FAE] =	sst s2  }
0xb: {  	[smem:$0x3FAF] =	sst s3  }
0xc: {  	[smem:$0x3FB0] =	sst s4  }
0xd: {  	[smem:$0x3FB1] =	sst s5  }
0xe: {  	[smem:$0x3FB2] =	sst s6  }
0xf: {  	[smem:$0x3FB3] =	sst s7  }
0x10: {  	[smem:$0x3FB4] =	sst s8  }
0x11: {  	[smem:$0x3FB5] =	sst s9;
	s0 =	simm.s32 @!p0 $0x0  }
0x12: {  	s1 =	sld [smem:$0x3F9B];
	s0 =	simm.s32 @p0 $0x1  }
0x13: {  	[smem:$0x3FB6] =	sst s0;
	s0 =	simm.s32 @!p1 $0x0  }
0x14: {  	s2 =	sld [smem:$0x3F9A];
	s0 =	simm.s32 @p1 $0x1  }
0x15: {  	[smem:$0x3FB7] =	sst s0;
	s0 =	simm.s32 @!p2 $0x0  }
0x16: {  	s3 =	sld [smem:$0x3FDB];
	s0 =	simm.s32 @p2 $0x1  }
0x17: {  	s4 =	simm.s32 $0x1BF5;
	[smem:$0x3FB9] =	sst s0  }
0x18: {  	s0 =	sld [smem:$0x3F9C];
	_ =	swait.ge [sflag:s4], $0x0  }
0x19: {  	s7 =	sld [smem:$0x3F9D]  }
0x1a: {  	s8 =	sadd.s32 $0xFFFFE003, lr  }
0x1b: {  	s9 =	sadd.s32 $0xFFFFFEF7, lr;
	s5 =	simm.s32 $0xFFFFFFFF;
	p2 =	slt.u32 s8, $0xFFFFF086  }
0x1c: {  	p1 =	slt.u32 s9, $0xF7A;
	s5 =	simm.s32 @!p2 $0x0  }
0x1d: {  	s5 =	simm.s32 @p1 $0x1;
	p0 =	seq.s32 s7, s2  }
0x1e: {  	s7 =	smul.u32 @!p0 $0xF7A, s2;
	p2 =	seq.s32 @!p0 s5, $0x0  }
0x1f: {  	s9 =	smul.u32 $0xF7A, s1;
	s8 =	simm.s32 @!p0 $0x1BF5;
	p2 =	por !p2, p0  }
0x20: {  	[sflag:s8] =	ssyncset.s32 @!p0 $0xFFFFF086;
	s6 =	sadd.s32 @!p0 s3, s7;
	s7 =	simm.s32 @!p0 $0x108  }
0x21: {  	s3 =	sadd.s32 s3, s9;
	s6 =	sadd.s32 @!p0 $0x88, s6;
	s7 =	simm.s32 @p2 $0x1082  }
0x22: {  	[simem:s7], [sflag:s8] =	dma.local @!p0 [hbm:s6], $0xF7A  }
0x23: {  	s9 =	sor.u32 $0xD0000000, s2;
	s6 =	simm.s32 $0x108;
	_ =	swait.ge @!p0 [sflag:s8], $0x0  }
0x24: {  	s3 =	sadd.s32 $0x88, s3;
	s6 =	simm.s32 @!p1 $0x1082;
	[sflag:s4] =	ssyncset.s32 $0xFFFFF086  }
0x25: {  	[simem:s6], [sflag:s4] =	dma.local [hbm:s3], $0xF7A  }
0x26: {  	[smem:$0x3F9D] =	sst s1;
	(tag) =	ssettag s2;
	_ =	strace s9  }
0x27: {  	s1 =	sld [smem:$0x3FAD]  }
0x28: {  	s2 =	sld [smem:$0x3FAE]  }
0x29: {  	s4 =	sld [smem:$0x3FB0]  }
0x2a: {  	p0 =	seq.s32 s5, $0x0;
	s5 =	sld [smem:$0x3FB1]  }
0x2b: {  	s6 =	sld [smem:$0x3FB2]  }
0x2c: {  	s7 =	sld [smem:$0x3FB3]  }
0x2d: {  	s3 =	simm.s32 $0x108;
	s8 =	sld [smem:$0x3FB4]  }
0x2e: {  	s3 =	simm.s32 @!p0 $0x1082;
	s9 =	sld [smem:$0x3FB5]  }
0x2f: {  	lr =	sadd.s32 s0, s3;
	s0 =	sld [smem:$0x3FAC]  }
0x30: {  	s3 =	sld [smem:$0x3FAF]  }
0x31: {  	[smem:$0x3FB8] =	sst s10  }
0x32: {  	s10 =	sld [smem:$0x3FB6];
	_ =	sdelay $0x3  }
0x33: {  	p0 =	seq.s32 s10, $0x1;
	s10 =	sld [smem:$0x3FB8];
	_ =	sdelay $0x3  }
0x34: {  	[smem:$0x3FB8] =	sst s10  }
0x35: {  	s10 =	sld [smem:$0x3FB7];
	_ =	sdelay $0x3  }
0x36: {  	p1 =	seq.s32 s10, $0x1;
	s10 =	sld [smem:$0x3FB8];
	_ =	sdelay $0x3  }
0x37: {  	[smem:$0x3FB8] =	sst s10  }
0x38: {  	s10 =	sld [smem:$0x3FB9]  }
0x39: {  	_ = 	snop;
	(pc) =	sbr.ind lr, $3  }
0x3a: {  	_ = 	snop  }
0x3b: {  	_ = 	snop  }
0x3c: {  	p2 =	seq.s32 s10, $0x1;
	s10 =	sld [smem:$0x3FB8]  }
0x3d: {  	_ =	shalt  }
0x3e: {  	_ =	shalt  }
0x3f: {  	_ =	shalt  }
0x40: {  	_ =	shalt  }
0x41: {  	_ =	shalt  }
0x42: {  	_ =	shalt  }
0x43: {  	_ =	shalt  }
0x44: {  	_ =	shalt  }
0x45: {  	_ =	shalt  }
0x46: {  	_ =	shalt  }
0x47: {  	_ =	shalt  }
0x48: {  	_ =	shalt  }
0x49: {  	_ =	shalt  }
0x4a: {  	_ =	shalt  }
0x4b: {  	_ =	shalt  }
0x4c: {  	_ =	shalt  }
0x4d: {  	_ =	shalt  }
0x4e: {  	_ =	shalt  }
0x4f: {  	_ =	shalt  }
0x50: {  	_ =	shalt  }
0x51: {  	_ =	shalt  }
0x52: {  	_ =	shalt  }
0x53: {  	_ =	shalt  }
0x54: {  	_ =	shalt  }
0x55: {  	_ =	shalt  }
0x56: {  	_ =	shalt  }
0x57: {  	_ =	shalt  }
0x58: {  	_ =	shalt  }
0x59: {  	_ =	shalt  }
0x5a: {  	_ =	shalt  }
0x5b: {  	_ =	shalt  }
0x5c: {  	_ =	shalt  }
0x5d: {  	_ =	shalt  }
0x5e: {  	_ =	shalt  }
0x5f: {  	_ =	shalt  }
0x60: {  	_ =	shalt  }
0x61: {  	_ =	shalt  }
0x62: {  	_ =	shalt  }
0x63: {  	_ =	shalt  }
0x64: {  	_ =	shalt  }
0x65: {  	_ =	shalt  }
0x66: {  	_ =	shalt  }
0x67: {  	_ =	shalt  }
0x68: {  	_ =	shalt  }
0x69: {  	_ =	shalt  }
0x6a: {  	_ =	shalt  }
0x6b: {  	_ =	shalt  }
0x6c: {  	_ =	shalt  }
0x6d: {  	_ =	shalt  }
0x6e: {  	_ =	shalt  }
0x6f: {  	_ =	shalt  }
0x70: {  	_ =	shalt  }
0x71: {  	_ =	shalt  }
0x72: {  	_ =	shalt  }
0x73: {  	_ =	shalt  }
0x74: {  	_ =	shalt  }
0x75: {  	_ =	shalt  }
0x76: {  	_ =	shalt  }
0x77: {  	_ =	shalt  }
0x78: {  	_ =	shalt  }
0x79: {  	_ =	shalt  }
0x7a: {  	_ =	shalt  }
0x7b: {  	_ =	shalt  }
0x7c: {  	_ =	shalt  }
0x7d: {  	_ =	shalt  }
0x7e: {  	_ =	shalt  }
0x7f: {  	_ =	shalt  }
0x80: {  	_ =	shalt  }
0x81: {  	_ =	shalt  }
0x82: {  	_ =	shalt  }
0x83: {  	_ =	shalt  }
0x84: {  	_ =	shalt  }
0x85: {  	_ =	shalt  }
0x86: {  	_ =	shalt  }
0x87: {  	_ =	shalt  }
.Lfunc_end0:
.L_simem_size_0:
called_computation.2_lowered:
.L_overlay_start_0:
0x88: {  	s2 =	sld [smem:$0x3FD9]  }
0x89: {  	s3 =	sld [smem:$0x3FFE];
	_ =	sdelay $0x1  }
0x8a: {  	s1 =	srdreg.scid  }
0x8b: {  	s0 =	sand.u32 $0x1, s1  }
0x8c: {  	s17 =	sshll.u32 s0, $0xA;
	s2 =	sadd.s32 s3, s2  }
0x8d: {  	s2 =	sadd.s32 s2, s17  }
0x8e: {  	[smem:$0x3FC4] =	sst s2  }
0x8f: {  	_ = 	snop  }
0x90: {  	s2 =	sld [smem:$0x3FD0];
	(tm) =	ssettm $0x1  }
0x91: {  	s18 =	sld [smem:$0x3FFB];
	_ =	sdelay $0x3  }
0x92: {  	_ =	strace s18  }
0x93: {  	s3 =	sld [smem:$0x3FFC];
	_ =	sdelay $0x3  }
0x94: {  	_ =	strace s3  }
0x95: {  	s3 =	sld [smem:$0x3FFD];
	_ =	sdelay $0x3  }
0x96: {  	_ =	strace s3  }
0x97: {  	_ =	strace $0x8FFFFFFF  }
0x98: {  	s19 =	sld [smem:$0x3FDB];
	_ =	sdelay $0x1  }
0x99: {  	s4 =	simm.s32 $_scs_section_size  }
0x9a: {  	s5 =	simm.s32 $_size__tile_overlayer_lowered;
	s6 =	simm.s32 $_tile_overlayer_lowered  }
0x9b: {  	s22 =	simm.s32 $0x1BFF;
	s21 =	sshll.u32 s6, $0x1;
	s3 =	sadd.s32 s4, s19  }
0x9c: {  	s7 =	simm.s32 $0x0;
	s20 =	sshll.u32 s5, $0x1;
	s5 =	sadd.s32 s21, s3  }
0x9d: {  	[timem:s7], [sflag:s22] =	dma.local [hbm:s5], s20  }
0x9e: {  	_ =	swait.ge [sflag:s22], s20  }
0x9f: {  	s4 =	ssub.s32 $0x0, s20;
	[sflag:s22] =	ssyncset.done $0x0  }
0xa0: {  	[sflag:s22] =	ssyncadd.s32 s4;
	_ =	sdelay $0x1  }
0xa1: {  	s23 =	simm.s32 $0x1B8B  }
0xa2: {  	_ =	swait.ge [sflag:s23], $0x1  }
0xa3: {  	[sflag:s23] =	ssyncset.done $0x0  }
0xa4: {  	s25 =	simm.s32 $0x1B8E;
	s24 =	sld [smem:$0x3FFE];
	[sflag:s23] =	ssyncadd.s32 $0xFFFFFFFF  }
0xa5: {  	s26 =	simm.s32 $execute0_lowered;
	[smem:$0x3FD2] =	sst s25  }
0xa6: {  	s5 =	sshll.u32 s26, $0x1;
	_ =	strace $0x8000004C;
	[dreg:$0x1] =	wrdreg $0xFFFFFFFF  }
0xa7: {  	s28 =	simm.s32 $_size_execute0_lowered;
	s3 =	sadd.s32 s3, s5;
	[dreg:$0x0] =	wrdreg $0x0  }
0xa8: {  	s5 =	sshll.u32 s28, $0x1;
	[dreg:$0x2] =	wrdreg s3  }
0xa9: {  	[dreg:$0x3] =	wrdreg s5  }
0xaa: {  	[dreg:$0x4] =	wrdreg $0xC0  }
0xab: {  	_ =	task [dreg:s7], $0x5FFFF  }
0xac: {  	[dreg:$0x1] =	wrdreg $0xFFFFFFFF  }
0xad: {  	[dreg:$0x0] =	wrdreg $0x60  }
0xae: {  	[dreg:$0x2] =	wrdreg s2  }
0xaf: {  	[dreg:$0x3] =	wrdreg s24  }
0xb0: {  	[dreg:$0x4] =	wrdreg $0xDE000  }
0xb1: {  	[dreg:$0x5] =	wrdreg $0x9  }
0xb2: {  	_ =	task.clear_ibuf [dreg:s7], $0x6FFFF;
	_ =	strace $0x9000004C  }
0xb3: {  	s29 =	simm.s32 $0x9;
	_ =	strace $0x8000004E  }
0xb4: {  	_ =	swait.ge [sflag:s29], $0x1  }
0xb5: {  	[sflag:s29] =	ssyncadd.s32 $0xFFFFFFFF  }
0xb6: {  	_ =	strace $0x9000004E  }
0xb7: {  	_ =	sfence  }
0xb8: {  	s30 =	sld [smem:$0x0];
	_ =	sdelay $0x2  }
0xb9: {  	s31 =	sshll.u32 s1, $0xD;
	s1 =	sshrl.u32 s1, $0x2  }
0xba: {  	s3 =	sand.u32 $0x4000, s31;
	s1 =	sadd.s32 s1, s30  }
0xbb: {  	s0 =	sor.u32 s3, s0;
	s1 =	sshll.u32 s1, $0x11  }
0xbc: {  	s0 =	sor.u32 s1, s0  }
0xbd: {  	s0 =	sadd.s32 $0x8F2B, s0  }
0xbe: {  	[sflag:s0] =	ssyncadd.remote.s32 $0x1  }
0xbf: {  	_ =	sfence.sel $0xFFFF  }
0xc0: {  	[dreg:$0x0] =	wrdreg $0xFFFFFFFF;
	(pc) =	sbr.abs _section_cstart, $3  }
0xc1: {  	[dreg:$0x1] =	wrdreg $0xFFFFFFFF  }
0xc2: {  	_ =	task.clear_ibuf [dreg:s7], $0x2FFFF;
	_ =	strace $0x9FFFFFFF  }
0xc3: {  	(tm) =	ssettm $0x7FFFFFFF  }
tec
execute0_lowered:
.L_overlay_start_1:
0x0: {  	(tag) =	ssettag $0x1  }
0x1: {  	s1 =	rddreg [dreg:$0x0]  }
0x2: {  	s7 =	rddreg [dreg:$0x1]  }
0x3: {  	s3 =	rddreg [dreg:$0x2];
	s4 =	simm.s32 $0x0  }
0x4: {  	s0 =	stileid.u32;
	s5 =	srdreg.scid;
	s23 =	simm.s32 $0x80  }
0x5: {  	s24 =	simm.s32 $0x1;
	s25 =	simm.s32 $0xBE00;
	s26 =	simm.s32 $0x4E80  }
0x6: {  	s28 =	simm.s32 $0x9D00;
	s29 =	simm.s32 $0x9D80;
	s30 =	simm.s32 $0x0  }
0x7: {  	[smem:$0x7FF] =	sst s4;
	s6 =	smul.u32 $0x9E0, s0;
	s14 =	sand.u32 $0x1, s5  }
0x8: {  	s5 =	sadd.s32 $0xBDA00, s7;
	s13 =	smul.u32 $0x9E00, s0;
	s18 =	sadd.s32 $0xD1600, s7  }
0x9: {  	_ =	strace $0x8000004D;
	s8 =	ssub.s32 $0x2, s14;
	s17 =	smul.u32 $0x9E000, s14  }
0xa: {  	p0 =	seq.s32 s14, $0x1;
	s9 =	sadd.s32 s6, s7;
	s10 =	sshrl.u32 s8, $0x1  }
0xb: {  	s6 =	sadd.s32 $0x2000, s7;
	s15 =	sadd.s32 $0x2000, s13;
	s16 =	sadd.s32 $0x4000, s13  }
0xc: {  	s20 =	sadd.s32 $0x6000, s13;
	s21 =	sadd.s32 $0x8000, s13;
	s19 =	ssub.s32 s8, s10  }
0xd: {  	s7 =	sadd.s32 $0x15C00, s9;
	s8 =	sadd.s32 $0xBE00, s9;
	s9 =	sadd.s32 s13, s3  }
0xe: {  	s10 =	sadd.s32 s15, s3;
	s11 =	sadd.s32 s16, s3;
	s12 =	sadd.s32 s20, s3  }
0xf: {  	s22 =	sadd.s32 s13, s17;
	s13 =	sadd.s32 s21, s3;
	s15 =	sadd.s32 s17, s15  }
0x10: {  	s16 =	sadd.s32 s17, s16;
	s20 =	sadd.s32 s17, s20;
	s21 =	sadd.s32 s17, s21  }
.Ltmp0:
0x11: {  	s22 =	sshrl.u32 s22, $0x3;
	s15 =	sshrl.u32 s15, $0x3;
	(pc) =	sbr.rel .LBB2_1-.Ltmp0, $4  }
0x12: {  	s16 =	sshrl.u32 s16, $0x3;
	s20 =	sshrl.u32 s20, $0x3;
	s31 =	sshrl.u32 s21, $0x3  }
0x13: {  	s19 =	smax.u32 s19, $0x1;
	s21 =	simm.s32 $0x4F00;
	s14 =	sadd.s32 s18, s22  }
0x14: {  	s15 =	sadd.s32 s18, s15;
	s16 =	sadd.s32 s18, s16;
	s17 =	sadd.s32 s18, s20  }
0x15: {  	s18 =	sadd.s32 s18, s31;
	s20 =	simm.s32 $0x2;
	s22 =	simm.s32 $0x9E00  }
.LBB2_7:
0x16: {  	[sflag:s20] =	ssyncadd.s32 $0xFFFFE000  }
0x17: {  	_ =	swait.ge [sflag:s24], $0x2000  }
0x18: {  	[sflag:s24] =	ssyncset.done $0x0  }
0x19: {  	[sflag:s24] =	ssyncadd.s32 $0xFFFFE000  }
0x1a: {  	[tilespmem:s25], [sflag:$0x1] =	stream.indirect.gather [hbm4b:s5+s23], $0x40, s26, s23, $0xb8;
	[tilespmem:$0x17C00] =	vst v63  }
.LBB2_8:
0x1b: {  	[spmem:s3] =	stream.indirect.scatter.add.f32 [tilespmem:s22], [sflag:$0x2], $0x40, s28, s23, $0xb8;
	[tilespmem:$0x17C00] =	vst v63  }
0x1c: {  	_ =	swait.ge [sflag:s20], $0x2000  }
0x1d: {  	[sflag:s20] =	ssyncset.done $0x0  }
0x1e: {  	[sflag:s20] =	ssyncadd.s32 $0xFFFFE000  }
0x1f: {  	_ =	swait.ge [sflag:s24], $0x2000  }
0x20: {  	[sflag:s24] =	ssyncset.done $0x0  }
0x21: {  	[sflag:s24] =	ssyncadd.s32 $0xFFFFE000  }
0x22: {  	[spmem:s3] =	stream.indirect.scatter.add.f32 [tilespmem:s25], [sflag:$0x2], $0x40, s29, s23, $0xb8;
	[tilespmem:$0x17C00] =	vst v63  }
0x23: {  	_ =	swait.ge [sflag:s20], $0x2000  }
0x24: {  	[sflag:s20] =	ssyncset.done $0x0  }
0x25: {  	[sflag:s20] =	ssyncadd.s32 $0xFFFFE000  }
0x26: {  	[bflag:$0x0] =	sbarrier.arrive $0xFFFF  }
0x27: {  	[tilespmem:s22], [sflag:$0x2] =	stream.linear.gather [spmem:s9], $0x2000, $0x38;
	[tilespmem:$0x17C00] =	vst v63  }
0x28: {  	_ =	swait.ge [sflag:s20], $0x2000  }
0x29: {  	[sflag:s20] =	ssyncset.done $0x0  }
0x2a: {  	[sflag:s20] =	ssyncadd.s32 $0xFFFFE000  }
0x2b: {  	[hbm4b:s14+s4] =	stream.linear.scatter [tilespmem:s22], [sflag:$0x2], $0x2000, $0x38;
	[tilespmem:$0x17C00] =	vst v63  }
0x2c: {  	_ =	swait.ge [sflag:s20], $0x2000  }
0x2d: {  	[sflag:s20] =	ssyncset.done $0x0  }
0x2e: {  	[sflag:s20] =	ssyncadd.s32 $0xFFFFE000  }
0x2f: {  	[tilespmem:s25], [sflag:$0x2] =	stream.linear.gather [spmem:s10], $0x2000, $0x38;
	[tilespmem:$0x17C00] =	vst v63  }
0x30: {  	_ =	swait.ge [sflag:s20], $0x2000  }
0x31: {  	[sflag:s20] =	ssyncset.done $0x0  }
0x32: {  	[sflag:s20] =	ssyncadd.s32 $0xFFFFE000  }
0x33: {  	[hbm4b:s15+s4] =	stream.linear.scatter [tilespmem:s25], [sflag:$0x2], $0x2000, $0x38;
	[tilespmem:$0x17C00] =	vst v63  }
0x34: {  	_ =	swait.ge [sflag:s20], $0x2000  }
0x35: {  	[sflag:s20] =	ssyncset.done $0x0  }
0x36: {  	[sflag:s20] =	ssyncadd.s32 $0xFFFFE000  }
0x37: {  	[tilespmem:s22], [sflag:$0x2] =	stream.linear.gather [spmem:s11], $0x2000, $0x38;
	[tilespmem:$0x17C00] =	vst v63  }
0x38: {  	_ =	swait.ge [sflag:s20], $0x2000  }
0x39: {  	[sflag:s20] =	ssyncset.done $0x0  }
0x3a: {  	[sflag:s20] =	ssyncadd.s32 $0xFFFFE000  }
0x3b: {  	[hbm4b:s16+s4] =	stream.linear.scatter [tilespmem:s22], [sflag:$0x2], $0x2000, $0x38;
	[tilespmem:$0x17C00] =	vst v63  }
0x3c: {  	_ =	swait.ge [sflag:s20], $0x2000  }
0x3d: {  	[sflag:s20] =	ssyncset.done $0x0  }
0x3e: {  	[sflag:s20] =	ssyncadd.s32 $0xFFFFE000  }
0x3f: {  	[tilespmem:s25], [sflag:$0x2] =	stream.linear.gather [spmem:s12], $0x2000, $0x38;
	[tilespmem:$0x17C00] =	vst v63  }
0x40: {  	_ =	swait.ge [sflag:s20], $0x2000  }
0x41: {  	[sflag:s20] =	ssyncset.done $0x0  }
0x42: {  	[sflag:s20] =	ssyncadd.s32 $0xFFFFE000  }
0x43: {  	[hbm4b:s17+s4] =	stream.linear.scatter [tilespmem:s25], [sflag:$0x2], $0x2000, $0x38;
	[tilespmem:$0x17C00] =	vst v63  }
0x44: {  	_ =	swait.ge [sflag:s20], $0x2000  }
0x45: {  	[sflag:s20] =	ssyncset.done $0x0  }
0x46: {  	[sflag:s20] =	ssyncadd.s32 $0xFFFFE000  }
0x47: {  	[tilespmem:s22], [sflag:$0x2] =	stream.linear.gather [spmem:s13], $0x1E00, $0x38;
	[tilespmem:$0x17C00] =	vst v63  }
0x48: {  	s30 =	sadd.s32 $0x1, s30;
	_ =	swait.ge [sflag:s20], $0x1E00  }
0x49: {  	p1 =	sne.s32 s30, s19;
	[sflag:s20] =	ssyncset.done $0x0  }
.Ltmp1:
0x4a: {  	[sflag:s20] =	ssyncadd.s32 $0xFFFFE200;
	(pc) =	sbr.rel @!p1 .LBB2_9-.Ltmp1, $4  }
0x4b: {  	[hbm4b:s18+s4] =	stream.linear.scatter [tilespmem:s22], [sflag:$0x2], $0x1E00, $0x38;
	[tilespmem:$0x17C00] =	vst v63  }
0x4c: {  	_ =	swait.ge [sflag:s20], $0x1E00  }
0x4d: {  	[sflag:s20] =	ssyncset.done $0x0  }
0x4e: {  	[sflag:s20] =	ssyncadd.s32 $0xFFFFE200  }
.LBB2_1:
0x4f: {  	[tilespmem:s4], [sflag:$0x2] =	stream.linear.gather [hbm4b:s7+s4], $0x4F00, $0x38;
	[tilespmem:$0x17C00] =	vst v63  }
0x50: {  	_ =	swait.ge [sflag:s20], $0x4F00  }
0x51: {  	[sflag:s20] =	ssyncset.done $0x0  }
0x52: {  	[sflag:s20] =	ssyncadd.s32 $0xFFFFB100  }
0x53: {  	[tilespmem:s21], [sflag:$0x2] =	stream.linear.gather [hbm4b:s8+s4], $0x4F00, $0x38;
	[tilespmem:$0x17C00] =	vst v63  }
0x54: {  	_ =	swait.ge [sflag:s20], $0x4F00  }
0x55: {  	[sflag:s20] =	ssyncset.done $0x0  }
0x56: {  	[sflag:s20] =	ssyncadd.s32 $0xFFFFB100  }
0x57: {  	[tilespmem:s22], [sflag:$0x2] =	stream.linear.gather [hbm4b:s6+s4], $0x2000, $0x38;
	[tilespmem:$0x17C00] =	vst v63  }
0x58: {  	_ =	swait.ge [sflag:s20], $0x2000  }
0x59: {  	[sflag:s20] =	ssyncset.done $0x0  }
0x5a: {  	[sflag:s20] =	ssyncadd.s32 $0xFFFFE000  }
0x5b: {  	[spmem:s9] =	stream.linear.scatter [tilespmem:s22], [sflag:$0x2], $0x2000, $0x38;
	[tilespmem:$0x17C00] =	vst v63  }
0x5c: {  	_ =	swait.ge [sflag:s20], $0x2000  }
0x5d: {  	[sflag:s20] =	ssyncset.done $0x0  }
0x5e: {  	[sflag:s20] =	ssyncadd.s32 $0xFFFFE000  }
0x5f: {  	[spmem:s10] =	stream.linear.scatter [tilespmem:s22], [sflag:$0x2], $0x2000, $0x38;
	[tilespmem:$0x17C00] =	vst v63  }
0x60: {  	_ =	swait.ge [sflag:s20], $0x2000  }
0x61: {  	[sflag:s20] =	ssyncset.done $0x0  }
0x62: {  	[sflag:s20] =	ssyncadd.s32 $0xFFFFE000  }
0x63: {  	[spmem:s11] =	stream.linear.scatter [tilespmem:s22], [sflag:$0x2], $0x2000, $0x38;
	[tilespmem:$0x17C00] =	vst v63  }
0x64: {  	_ =	swait.ge [sflag:s20], $0x2000  }
0x65: {  	[sflag:s20] =	ssyncset.done $0x0  }
0x66: {  	[sflag:s20] =	ssyncadd.s32 $0xFFFFE000  }
0x67: {  	[spmem:s12] =	stream.linear.scatter [tilespmem:s22], [sflag:$0x2], $0x2000, $0x38;
	[tilespmem:$0x17C00] =	vst v63  }
0x68: {  	_ =	swait.ge [sflag:s20], $0x2000  }
0x69: {  	[sflag:s20] =	ssyncset.done $0x0  }
0x6a: {  	[sflag:s20] =	ssyncadd.s32 $0xFFFFE000  }
0x6b: {  	[spmem:s13] =	stream.linear.scatter [tilespmem:s22], [sflag:$0x2], $0x1E00, $0x38;
	[tilespmem:$0x17C00] =	vst v63  }
.Ltmp2:
0x6c: {  	_ =	swait.ge [sflag:s20], $0x1E00;
	(pc) =	sbr.rel @!p0 .LBB2_2-.Ltmp2, $3  }
0x6d: {  	[sflag:s20] =	ssyncset.done $0x0  }
0x6e: {  	[sflag:s20] =	ssyncadd.s32 $0xFFFFE200  }
0x6f: {  	[bflag:$0x0] =	sbarrier.arrive $0xFFFF;
	_ =	sdelay $0x1  }
0x70: {  	s0 =	simm.s32 $0x0  }
0x71: {  	[tilespmem:s22], [sflag:$0x1] =	stream.indirect.gather [hbm4b:s5+s23], $0x40, s0, s23, $0xb8;
	[tilespmem:$0x17C00] =	vst v63  }
0x72: {  	_ =	swait.ge [sflag:s24], $0x2000  }
0x73: {  	[sflag:s24] =	ssyncset.done $0x0  }
0x74: {  	s2 =	simm.s32 $0x80;
	[sflag:s24] =	ssyncadd.s32 $0xFFFFE000  }
0x75: {  	[tilespmem:s25], [sflag:$0x1] =	stream.indirect.gather [hbm4b:s5+s23], $0x40, s2, s23, $0xb8;
	[tilespmem:$0x17C00] =	vst v63  }
0x76: {  	s2 =	simm.s32 $0x4F00  }
0x77: {  	[spmem:s3] =	stream.indirect.scatter.add.f32 [tilespmem:s22], [sflag:$0x2], $0x40, s2, s23, $0xb8;
	[tilespmem:$0x17C00] =	vst v63  }
0x78: {  	_ =	swait.ge [sflag:s20], $0x2000  }
0x79: {  	[sflag:s20] =	ssyncset.done $0x0  }
0x7a: {  	[sflag:s20] =	ssyncadd.s32 $0xFFFFE000  }
0x7b: {  	_ =	swait.ge [sflag:s24], $0x2000  }
0x7c: {  	[sflag:s24] =	ssyncset.done $0x0  }
0x7d: {  	s2 =	simm.s32 $0x100;
	[sflag:s24] =	ssyncadd.s32 $0xFFFFE000  }
0x7e: {  	[tilespmem:s22], [sflag:$0x1] =	stream.indirect.gather [hbm4b:s5+s23], $0x40, s2, s23, $0xb8;
	[tilespmem:$0x17C00] =	vst v63  }
0x7f: {  	s2 =	simm.s32 $0x4F80  }
0x80: {  	[spmem:s3] =	stream.indirect.scatter.add.f32 [tilespmem:s25], [sflag:$0x2], $0x40, s2, s23, $0xb8;
	[tilespmem:$0x17C00] =	vst v63  }
0x81: {  	_ =	swait.ge [sflag:s20], $0x2000  }
0x82: {  	s31 =	simm.s32 $0x400;
	[sflag:s20] =	ssyncset.done $0x0  }
.LBB2_6:
0x83: {  	p1 =	sne.s32 s31, $0x13400  }
0x84: {  	[sflag:s20] =	ssyncadd.s32 $0xFFFFE000;
	s0 =	smov.u32 s31;
	s31 =	sadd.s32 $0x400, s31  }
0x85: {  	_ = 	snop  }
0x86: {  	_ =	swait.ge [sflag:s24], $0x2000  }
0x87: {  	s0 =	sshra.s32 s0, $0x2;
	[sflag:s24] =	ssyncset.done $0x0  }
0x88: {  	s2 =	sadd.s32 $0x80, s0;
	[sflag:s24] =	ssyncadd.s32 $0xFFFFE000  }
0x89: {  	[tilespmem:s25], [sflag:$0x1] =	stream.indirect.gather [hbm4b:s5+s23], $0x40, s2, s23, $0xb8;
	[tilespmem:$0x17C00] =	vst v63  }
0x8a: {  	s2 =	sadd.s32 $0x4F00, s0  }
0x8b: {  	[spmem:s3] =	stream.indirect.scatter.add.f32 [tilespmem:s22], [sflag:$0x2], $0x40, s2, s23, $0xb8;
	[tilespmem:$0x17C00] =	vst v63  }
0x8c: {  	_ =	swait.ge [sflag:s20], $0x2000  }
0x8d: {  	[sflag:s20] =	ssyncset.done $0x0  }
0x8e: {  	[sflag:s20] =	ssyncadd.s32 $0xFFFFE000  }
0x8f: {  	_ =	swait.ge [sflag:s24], $0x2000  }
0x90: {  	[sflag:s24] =	ssyncset.done $0x0  }
0x91: {  	s2 =	sadd.s32 $0x100, s0;
	[sflag:s24] =	ssyncadd.s32 $0xFFFFE000  }
0x92: {  	[tilespmem:s22], [sflag:$0x1] =	stream.indirect.gather [hbm4b:s5+s23], $0x40, s2, s23, $0xb8;
	[tilespmem:$0x17C00] =	vst v63  }
.Ltmp3:
0x93: {  	_ = 	snop;
	(pc) =	sbr.rel @p1 .LBB2_6-.Ltmp3, $4  }
0x94: {  	s0 =	sadd.s32 $0x4F80, s0  }
0x95: {  	[spmem:s3] =	stream.indirect.scatter.add.f32 [tilespmem:s25], [sflag:$0x2], $0x40, s0, s23, $0xb8;
	[tilespmem:$0x17C00] =	vst v63  }
0x96: {  	_ =	swait.ge [sflag:s20], $0x2000  }
0x97: {  	[sflag:s20] =	ssyncset.done $0x0  }
.Ltmp4:
0x98: {  	_ = 	snop;
	(pc) =	sbr.rel .LBB2_7-.Ltmp4, $1  }
0x99: {  	_ =	sdelay $0x3  }
.LBB2_2:
0x9a: {  	s31 =	simm.s32 $0x0  }
0x9b: {  	[tilespmem:s22], [sflag:$0x1] =	stream.indirect.gather [hbm4b:s1+s23], $0x40, s31, s23, $0xb8;
	[tilespmem:$0x17C00] =	vst v63  }
0x9c: {  	_ =	swait.ge [sflag:s24], $0x2000  }
0x9d: {  	[sflag:s24] =	ssyncset.done $0x0  }
0x9e: {  	s31 =	simm.s32 $0x80;
	[sflag:s24] =	ssyncadd.s32 $0xFFFFE000  }
0x9f: {  	[tilespmem:s25], [sflag:$0x1] =	stream.indirect.gather [hbm4b:s1+s23], $0x40, s31, s23, $0xb8;
	[tilespmem:$0x17C00] =	vst v63  }
0xa0: {  	s31 =	simm.s32 $0x4F00  }
0xa1: {  	[spmem:s3] =	stream.indirect.scatter.add.f32 [tilespmem:s22], [sflag:$0x2], $0x40, s31, s23, $0xb8;
	[tilespmem:$0x17C00] =	vst v63  }
0xa2: {  	_ =	swait.ge [sflag:s20], $0x2000  }
0xa3: {  	[sflag:s20] =	ssyncset.done $0x0  }
0xa4: {  	[sflag:s20] =	ssyncadd.s32 $0xFFFFE000  }
0xa5: {  	_ =	swait.ge [sflag:s24], $0x2000  }
0xa6: {  	[sflag:s24] =	ssyncset.done $0x0  }
0xa7: {  	s31 =	simm.s32 $0x100;
	[sflag:s24] =	ssyncadd.s32 $0xFFFFE000  }
0xa8: {  	[tilespmem:s22], [sflag:$0x1] =	stream.indirect.gather [hbm4b:s1+s23], $0x40, s31, s23, $0xb8;
	[tilespmem:$0x17C00] =	vst v63  }
0xa9: {  	s31 =	simm.s32 $0x4F80  }
0xaa: {  	[spmem:s3] =	stream.indirect.scatter.add.f32 [tilespmem:s25], [sflag:$0x2], $0x40, s31, s23, $0xb8;
	[tilespmem:$0x17C00] =	vst v63  }
0xab: {  	_ =	swait.ge [sflag:s20], $0x2000  }
0xac: {  	s31 =	simm.s32 $0x400;
	[sflag:s20] =	ssyncset.done $0x0  }
.LBB2_3:
0xad: {  	p1 =	seq.s32 s31, $0x13400  }
0xae: {  	[sflag:s20] =	ssyncadd.s32 $0xFFFFE000;
	s0 =	smov.u32 s31;
	s31 =	sadd.s32 $0x400, s31  }
0xaf: {  	_ = 	snop  }
0xb0: {  	_ =	swait.ge [sflag:s24], $0x2000  }
0xb1: {  	s0 =	sshra.s32 s0, $0x2;
	[sflag:s24] =	ssyncset.done $0x0  }
0xb2: {  	s2 =	sadd.s32 $0x80, s0;
	[sflag:s24] =	ssyncadd.s32 $0xFFFFE000  }
0xb3: {  	[tilespmem:s25], [sflag:$0x1] =	stream.indirect.gather [hbm4b:s1+s23], $0x40, s2, s23, $0xb8;
	[tilespmem:$0x17C00] =	vst v63  }
0xb4: {  	s2 =	sadd.s32 $0x4F00, s0  }
0xb5: {  	[spmem:s3] =	stream.indirect.scatter.add.f32 [tilespmem:s22], [sflag:$0x2], $0x40, s2, s23, $0xb8;
	[tilespmem:$0x17C00] =	vst v63  }
0xb6: {  	_ =	swait.ge [sflag:s20], $0x2000  }
0xb7: {  	[sflag:s20] =	ssyncset.done $0x0  }
0xb8: {  	[sflag:s20] =	ssyncadd.s32 $0xFFFFE000  }
0xb9: {  	_ =	swait.ge [sflag:s24], $0x2000  }
0xba: {  	[sflag:s24] =	ssyncset.done $0x0  }
0xbb: {  	s2 =	sadd.s32 $0x100, s0;
	[sflag:s24] =	ssyncadd.s32 $0xFFFFE000  }
0xbc: {  	[tilespmem:s22], [sflag:$0x1] =	stream.indirect.gather [hbm4b:s1+s23], $0x40, s2, s23, $0xb8;
	[tilespmem:$0x17C00] =	vst v63  }
.Ltmp5:
0xbd: {  	_ = 	snop;
	(pc) =	sbr.rel @!p1 .LBB2_3-.Ltmp5, $4  }
0xbe: {  	s0 =	sadd.s32 $0x4F80, s0  }
0xbf: {  	[spmem:s3] =	stream.indirect.scatter.add.f32 [tilespmem:s25], [sflag:$0x2], $0x40, s0, s23, $0xb8;
	[tilespmem:$0x17C00] =	vst v63  }
0xc0: {  	_ =	swait.ge [sflag:s20], $0x2000  }
0xc1: {  	[sflag:s20] =	ssyncset.done $0x0  }
.Ltmp6:
0xc2: {  	[sflag:s20] =	ssyncadd.s32 $0xFFFFE000;
	(pc) =	sbr.rel .LBB2_8-.Ltmp6, $4  }
0xc3: {  	_ =	swait.ge [sflag:s24], $0x2000  }
0xc4: {  	[sflag:s24] =	ssyncset.done $0x0  }
0xc5: {  	[sflag:s24] =	ssyncadd.s32 $0xFFFFE000  }
0xc6: {  	[tilespmem:s25], [sflag:$0x1] =	stream.indirect.gather [hbm4b:s1+s23], $0x40, s26, s23, $0xb8;
	[tilespmem:$0x17C00] =	vst v63  }
.LBB2_9:
0xc7: {  	_ =	sfence.sel $0x180000  }
0xc8: {  	[bflag:$0x0] =	sbarrier.arrive $0xFFFF  }
0xc9: {  	_ =	strace $0x9000004D  }
0xca: {  	s0 =	stileid.u32;
	[bflag:$0x2] =	sbarrier.arrive $0xFFFF  }
0xcb: {  	p0 =	sne.s32 s0, $0x0;
	s0 =	rddreg [dreg:$0x3]  }
0xcc: {  	s0 =	sadd.s32 @!p0 $0x100000, s0  }
0xcd: {  	[sflag:s0] =	ssyncadd.tile.s32 @!p0 $0x1;
	_ =	shalt  }
.Lfunc_end2:
_tile_overlayer_lowered:
.L_overlay_start_2:
0xce: {  	(tag) =	ssettag $0x2  }
0xcf: {  	s0 =	rddreg [dreg:$0x0];
	s2 =	stileid.u32  }
0xd0: {  	s1 =	rddreg [dreg:$0x1];
	p0 =	sne.s32 s2, $0x0  }
0xd1: {  	s3 =	rddreg [dreg:$0x2];
	[bflag:$0x3] =	sbarrier.arrive $0xFFFF;
	s2 =	simm.s32 @!p0 $0x1C02  }
0xd2: {  	[timem:s3], [sflag:s2] =	dma.local @!p0 [hbm:s0], s1  }
0xd3: {  	s0 =	simm.s32 @!p0 $0x2  }
0xd4: {  	_ =	swait.ge @!p0 [sflag:s0], s1  }
0xd5: {  	s1 =	ssub.s32 @!p0 $0x0, s1;
	[sflag:s0] =	ssyncset.done @!p0 $0x0  }
0xd6: {  	[sflag:s0] =	ssyncadd.s32 @!p0 s1  }
0xd7: {  	[bflag:$0x3] =	sbarrier.arrive $0xFFFF  }
0xd8: {  	_ =	shalt  }

// kernel: kernel.19.cloned.1.call-start
scs
__scs_entry_jumppad:
0x0: {  	(pc) =	sbr.rel $0x88, $3  }
0x1: {  	(tag) =	ssettag $0x0;
	lr =	simm.s32 $0x1  }
0x2: {  	[smem:$0x3F9D] =	sst lr;
	_ =	strace $0xD0000000  }
0x3: {  	_ = 	snop  }
0x4: {  	_ = 	snop  }
0x5: {  	_ = 	snop  }
0x6: {  	_ = 	snop  }
0x7: {  	_ = 	snop  }
__scs_overlays_trampoline_lowered:
0x8: {  	[smem:$0x3FAC] =	sst s0  }
0x9: {  	[smem:$0x3FAD] =	sst s1  }
0xa: {  	[smem:$0x3FAE] =	sst s2  }
0xb: {  	[smem:$0x3FAF] =	sst s3  }
0xc: {  	[smem:$0x3FB0] =	sst s4  }
0xd: {  	[smem:$0x3FB1] =	sst s5  }
0xe: {  	[smem:$0x3FB2] =	sst s6  }
0xf: {  	[smem:$0x3FB3] =	sst s7  }
0x10: {  	[smem:$0x3FB4] =	sst s8  }
0x11: {  	[smem:$0x3FB5] =	sst s9;
	s0 =	simm.s32 @!p0 $0x0  }
0x12: {  	s1 =	sld [smem:$0x3F9B];
	s0 =	simm.s32 @p0 $0x1  }
0x13: {  	[smem:$0x3FB6] =	sst s0;
	s0 =	simm.s32 @!p1 $0x0  }
0x14: {  	s2 =	sld [smem:$0x3F9A];
	s0 =	simm.s32 @p1 $0x1  }
0x15: {  	[smem:$0x3FB7] =	sst s0;
	s0 =	simm.s32 @!p2 $0x0  }
0x16: {  	s3 =	sld [smem:$0x3FDB];
	s0 =	simm.s32 @p2 $0x1  }
0x17: {  	s4 =	simm.s32 $0x1BF5;
	[smem:$0x3FB9] =	sst s0  }
0x18: {  	s0 =	sld [smem:$0x3F9C];
	_ =	swait.ge [sflag:s4], $0x0  }
0x19: {  	s7 =	sld [smem:$0x3F9D]  }
0x1a: {  	s8 =	sadd.s32 $0xFFFFE003, lr  }
0x1b: {  	s9 =	sadd.s32 $0xFFFFFEF7, lr;
	s5 =	simm.s32 $0xFFFFFFFF;
	p2 =	slt.u32 s8, $0xFFFFF086  }
0x1c: {  	p1 =	slt.u32 s9, $0xF7A;
	s5 =	simm.s32 @!p2 $0x0  }
0x1d: {  	s5 =	simm.s32 @p1 $0x1;
	p0 =	seq.s32 s7, s2  }
0x1e: {  	s7 =	smul.u32 @!p0 $0xF7A, s2;
	p2 =	seq.s32 @!p0 s5, $0x0  }
0x1f: {  	s9 =	smul.u32 $0xF7A, s1;
	s8 =	simm.s32 @!p0 $0x1BF5;
	p2 =	por !p2, p0  }
0x20: {  	[sflag:s8] =	ssyncset.s32 @!p0 $0xFFFFF086;
	s6 =	sadd.s32 @!p0 s3, s7;
	s7 =	simm.s32 @!p0 $0x108  }
0x21: {  	s3 =	sadd.s32 s3, s9;
	s6 =	sadd.s32 @!p0 $0x88, s6;
	s7 =	simm.s32 @p2 $0x1082  }
0x22: {  	[simem:s7], [sflag:s8] =	dma.local @!p0 [hbm:s6], $0xF7A  }
0x23: {  	s9 =	sor.u32 $0xD0000000, s2;
	s6 =	simm.s32 $0x108;
	_ =	swait.ge @!p0 [sflag:s8], $0x0  }
0x24: {  	s3 =	sadd.s32 $0x88, s3;
	s6 =	simm.s32 @!p1 $0x1082;
	[sflag:s4] =	ssyncset.s32 $0xFFFFF086  }
0x25: {  	[simem:s6], [sflag:s4] =	dma.local [hbm:s3], $0xF7A  }
0x26: {  	[smem:$0x3F9D] =	sst s1;
	(tag) =	ssettag s2;
	_ =	strace s9  }
0x27: {  	s1 =	sld [smem:$0x3FAD]  }
0x28: {  	s2 =	sld [smem:$0x3FAE]  }
0x29: {  	s4 =	sld [smem:$0x3FB0]  }
0x2a: {  	p0 =	seq.s32 s5, $0x0;
	s5 =	sld [smem:$0x3FB1]  }
0x2b: {  	s6 =	sld [smem:$0x3FB2]  }
0x2c: {  	s7 =	sld [smem:$0x3FB3]  }
0x2d: {  	s3 =	simm.s32 $0x108;
	s8 =	sld [smem:$0x3FB4]  }
0x2e: {  	s3 =	simm.s32 @!p0 $0x1082;
	s9 =	sld [smem:$0x3FB5]  }
0x2f: {  	lr =	sadd.s32 s0, s3;
	s0 =	sld [smem:$0x3FAC]  }
0x30: {  	s3 =	sld [smem:$0x3FAF]  }
0x31: {  	[smem:$0x3FB8] =	sst s10  }
0x32: {  	s10 =	sld [smem:$0x3FB6];
	_ =	sdelay $0x3  }
0x33: {  	p0 =	seq.s32 s10, $0x1;
	s10 =	sld [smem:$0x3FB8];
	_ =	sdelay $0x3  }
0x34: {  	[smem:$0x3FB8] =	sst s10  }
0x35: {  	s10 =	sld [smem:$0x3FB7];
	_ =	sdelay $0x3  }
0x36: {  	p1 =	seq.s32 s10, $0x1;
	s10 =	sld [smem:$0x3FB8];
	_ =	sdelay $0x3  }
0x37: {  	[smem:$0x3FB8] =	sst s10  }
0x38: {  	s10 =	sld [smem:$0x3FB9]  }
0x39: {  	_ = 	snop;
	(pc) =	sbr.ind lr, $3  }
0x3a: {  	_ = 	snop  }
0x3b: {  	_ = 	snop  }
0x3c: {  	p2 =	seq.s32 s10, $0x1;
	s10 =	sld [smem:$0x3FB8]  }
0x3d: {  	_ =	shalt  }
0x3e: {  	_ =	shalt  }
0x3f: {  	_ =	shalt  }
0x40: {  	_ =	shalt  }
0x41: {  	_ =	shalt  }
0x42: {  	_ =	shalt  }
0x43: {  	_ =	shalt  }
0x44: {  	_ =	shalt  }
0x45: {  	_ =	shalt  }
0x46: {  	_ =	shalt  }
0x47: {  	_ =	shalt  }
0x48: {  	_ =	shalt  }
0x49: {  	_ =	shalt  }
0x4a: {  	_ =	shalt  }
0x4b: {  	_ =	shalt  }
0x4c: {  	_ =	shalt  }
0x4d: {  	_ =	shalt  }
0x4e: {  	_ =	shalt  }
0x4f: {  	_ =	shalt  }
0x50: {  	_ =	shalt  }
0x51: {  	_ =	shalt  }
0x52: {  	_ =	shalt  }
0x53: {  	_ =	shalt  }
0x54: {  	_ =	shalt  }
0x55: {  	_ =	shalt  }
0x56: {  	_ =	shalt  }
0x57: {  	_ =	shalt  }
0x58: {  	_ =	shalt  }
0x59: {  	_ =	shalt  }
0x5a: {  	_ =	shalt  }
0x5b: {  	_ =	shalt  }
0x5c: {  	_ =	shalt  }
0x5d: {  	_ =	shalt  }
0x5e: {  	_ =	shalt  }
0x5f: {  	_ =	shalt  }
0x60: {  	_ =	shalt  }
0x61: {  	_ =	shalt  }
0x62: {  	_ =	shalt  }
0x63: {  	_ =	shalt  }
0x64: {  	_ =	shalt  }
0x65: {  	_ =	shalt  }
0x66: {  	_ =	shalt  }
0x67: {  	_ =	shalt  }
0x68: {  	_ =	shalt  }
0x69: {  	_ =	shalt  }
0x6a: {  	_ =	shalt  }
0x6b: {  	_ =	shalt  }
0x6c: {  	_ =	shalt  }
0x6d: {  	_ =	shalt  }
0x6e: {  	_ =	shalt  }
0x6f: {  	_ =	shalt  }
0x70: {  	_ =	shalt  }
0x71: {  	_ =	shalt  }
0x72: {  	_ =	shalt  }
0x73: {  	_ =	shalt  }
0x74: {  	_ =	shalt  }
0x75: {  	_ =	shalt  }
0x76: {  	_ =	shalt  }
0x77: {  	_ =	shalt  }
0x78: {  	_ =	shalt  }
0x79: {  	_ =	shalt  }
0x7a: {  	_ =	shalt  }
0x7b: {  	_ =	shalt  }
0x7c: {  	_ =	shalt  }
0x7d: {  	_ =	shalt  }
0x7e: {  	_ =	shalt  }
0x7f: {  	_ =	shalt  }
0x80: {  	_ =	shalt  }
0x81: {  	_ =	shalt  }
0x82: {  	_ =	shalt  }
0x83: {  	_ =	shalt  }
0x84: {  	_ =	shalt  }
0x85: {  	_ =	shalt  }
0x86: {  	_ =	shalt  }
0x87: {  	_ =	shalt  }
.Lfunc_end0:
.L_simem_size_0:
called_computation.3_lowered:
.L_overlay_start_0:
0x88: {  	s2 =	sld [smem:$0x3FD9]  }
0x89: {  	s3 =	sld [smem:$0x3FFE];
	_ =	sdelay $0x1  }
0x8a: {  	s1 =	srdreg.scid  }
0x8b: {  	s0 =	sand.u32 $0x1, s1  }
0x8c: {  	s17 =	sshll.u32 s0, $0xA;
	s2 =	sadd.s32 s3, s2  }
0x8d: {  	s2 =	sadd.s32 s2, s17  }
0x8e: {  	[smem:$0x3FC4] =	sst s2  }
0x8f: {  	_ = 	snop  }
0x90: {  	s2 =	sld [smem:$0x3FD0];
	(tm) =	ssettm $0x1  }
0x91: {  	s18 =	sld [smem:$0x3FFB];
	_ =	sdelay $0x3  }
0x92: {  	_ =	strace s18  }
0x93: {  	s3 =	sld [smem:$0x3FFC];
	_ =	sdelay $0x3  }
0x94: {  	_ =	strace s3  }
0x95: {  	s3 =	sld [smem:$0x3FFD];
	_ =	sdelay $0x3  }
0x96: {  	_ =	strace s3  }
0x97: {  	_ =	strace $0x8FFFFFFF  }
0x98: {  	s19 =	sld [smem:$0x3FDB];
	_ =	sdelay $0x1  }
0x99: {  	s4 =	simm.s32 $_scs_section_size  }
0x9a: {  	s5 =	simm.s32 $_size__tile_overlayer_lowered;
	s6 =	simm.s32 $_tile_overlayer_lowered  }
0x9b: {  	s22 =	simm.s32 $0x1BFF;
	s21 =	sshll.u32 s6, $0x1;
	s3 =	sadd.s32 s4, s19  }
0x9c: {  	s7 =	simm.s32 $0x0;
	s20 =	sshll.u32 s5, $0x1;
	s5 =	sadd.s32 s21, s3  }
0x9d: {  	[timem:s7], [sflag:s22] =	dma.local [hbm:s5], s20  }
0x9e: {  	_ =	swait.ge [sflag:s22], s20  }
0x9f: {  	s4 =	ssub.s32 $0x0, s20;
	[sflag:s22] =	ssyncset.done $0x0  }
0xa0: {  	[sflag:s22] =	ssyncadd.s32 s4;
	_ =	sdelay $0x1  }
0xa1: {  	s23 =	simm.s32 $0x1B8B  }
0xa2: {  	_ =	swait.ge [sflag:s23], $0x1  }
0xa3: {  	[sflag:s23] =	ssyncset.done $0x0  }
0xa4: {  	s25 =	simm.s32 $0x1B8E;
	s24 =	sld [smem:$0x3FFE];
	[sflag:s23] =	ssyncadd.s32 $0xFFFFFFFF  }
0xa5: {  	s26 =	simm.s32 $execute0_lowered;
	[smem:$0x3FD2] =	sst s25  }
0xa6: {  	s5 =	sshll.u32 s26, $0x1;
	_ =	strace $0x8000004F;
	[dreg:$0x1] =	wrdreg $0xFFFFFFFF  }
0xa7: {  	s28 =	simm.s32 $_size_execute0_lowered;
	s3 =	sadd.s32 s3, s5;
	[dreg:$0x0] =	wrdreg $0x0  }
0xa8: {  	s5 =	sshll.u32 s28, $0x1;
	[dreg:$0x2] =	wrdreg s3  }
0xa9: {  	[dreg:$0x3] =	wrdreg s5  }
0xaa: {  	[dreg:$0x4] =	wrdreg $0xC0  }
0xab: {  	_ =	task [dreg:s7], $0x5FFFF  }
0xac: {  	[dreg:$0x1] =	wrdreg $0xFFFFFFFF  }
0xad: {  	[dreg:$0x0] =	wrdreg $0x60  }
0xae: {  	[dreg:$0x2] =	wrdreg s2  }
0xaf: {  	[dreg:$0x3] =	wrdreg s24  }
0xb0: {  	[dreg:$0x4] =	wrdreg $0xDE000  }
0xb1: {  	[dreg:$0x5] =	wrdreg $0x9  }
0xb2: {  	_ =	task.clear_ibuf [dreg:s7], $0x6FFFF;
	_ =	strace $0x9000004F  }
0xb3: {  	s29 =	simm.s32 $0x9;
	_ =	strace $0x80000051  }
0xb4: {  	_ =	swait.ge [sflag:s29], $0x1  }
0xb5: {  	[sflag:s29] =	ssyncadd.s32 $0xFFFFFFFF  }
0xb6: {  	_ =	strace $0x90000051  }
0xb7: {  	_ =	sfence  }
0xb8: {  	s30 =	sld [smem:$0x0];
	_ =	sdelay $0x2  }
0xb9: {  	s31 =	sshll.u32 s1, $0xD;
	s1 =	sshrl.u32 s1, $0x2  }
0xba: {  	s3 =	sand.u32 $0x4000, s31;
	s1 =	sadd.s32 s1, s30  }
0xbb: {  	s0 =	sor.u32 s3, s0;
	s1 =	sshll.u32 s1, $0x11  }
0xbc: {  	s0 =	sor.u32 s1, s0  }
0xbd: {  	s0 =	sadd.s32 $0x8F2B, s0  }
0xbe: {  	[sflag:s0] =	ssyncadd.remote.s32 $0x1  }
0xbf: {  	_ =	sfence.sel $0xFFFF  }
0xc0: {  	[dreg:$0x0] =	wrdreg $0xFFFFFFFF;
	(pc) =	sbr.abs _section_cstart, $3  }
0xc1: {  	[dreg:$0x1] =	wrdreg $0xFFFFFFFF  }
0xc2: {  	_ =	task.clear_ibuf [dreg:s7], $0x2FFFF;
	_ =	strace $0x9FFFFFFF  }
0xc3: {  	(tm) =	ssettm $0x7FFFFFFF  }
tec
execute0_lowered:
.L_overlay_start_1:
0x0: {  	(tag) =	ssettag $0x1  }
0x1: {  	s1 =	rddreg [dreg:$0x0]  }
0x2: {  	s7 =	rddreg [dreg:$0x1]  }
0x3: {  	s3 =	rddreg [dreg:$0x2];
	s4 =	simm.s32 $0x0  }
0x4: {  	s0 =	stileid.u32;
	s5 =	srdreg.scid;
	s23 =	simm.s32 $0x80  }
0x5: {  	s24 =	simm.s32 $0x1;
	s25 =	simm.s32 $0xBE00;
	s26 =	simm.s32 $0x4E80  }
0x6: {  	s28 =	simm.s32 $0x9D00;
	s29 =	simm.s32 $0x9D80;
	s30 =	simm.s32 $0x0  }
0x7: {  	[smem:$0x7FF] =	sst s4;
	s6 =	smul.u32 $0x9E0, s0;
	s14 =	sand.u32 $0x1, s5  }
0x8: {  	s5 =	sadd.s32 $0xE5200, s7;
	s13 =	smul.u32 $0x9E00, s0;
	s18 =	sadd.s32 $0xBDA00, s7  }
0x9: {  	_ =	strace $0x80000050;
	s8 =	ssub.s32 $0x2, s14;
	s17 =	smul.u32 $0x9E000, s14  }
0xa: {  	p0 =	seq.s32 s14, $0x1;
	s9 =	sadd.s32 s6, s7;
	s10 =	sshrl.u32 s8, $0x1  }
0xb: {  	s6 =	sadd.s32 $0x2000, s7;
	s15 =	sadd.s32 $0x2000, s13;
	s16 =	sadd.s32 $0x4000, s13  }
0xc: {  	s20 =	sadd.s32 $0x6000, s13;
	s21 =	sadd.s32 $0x8000, s13;
	s19 =	ssub.s32 s8, s10  }
0xd: {  	s7 =	sadd.s32 $0x15C00, s9;
	s8 =	sadd.s32 $0xBE00, s9;
	s9 =	sadd.s32 s13, s3  }
0xe: {  	s10 =	sadd.s32 s15, s3;
	s11 =	sadd.s32 s16, s3;
	s12 =	sadd.s32 s20, s3  }
0xf: {  	s22 =	sadd.s32 s13, s17;
	s13 =	sadd.s32 s21, s3;
	s15 =	sadd.s32 s17, s15  }
0x10: {  	s16 =	sadd.s32 s17, s16;
	s20 =	sadd.s32 s17, s20;
	s21 =	sadd.s32 s17, s21  }
.Ltmp0:
0x11: {  	s22 =	sshrl.u32 s22, $0x3;
	s15 =	sshrl.u32 s15, $0x3;
	(pc) =	sbr.rel .LBB2_1-.Ltmp0, $4  }
0x12: {  	s16 =	sshrl.u32 s16, $0x3;
	s20 =	sshrl.u32 s20, $0x3;
	s31 =	sshrl.u32 s21, $0x3  }
0x13: {  	s19 =	smax.u32 s19, $0x1;
	s21 =	simm.s32 $0x4F00;
	s14 =	sadd.s32 s18, s22  }
0x14: {  	s15 =	sadd.s32 s18, s15;
	s16 =	sadd.s32 s18, s16;
	s17 =	sadd.s32 s18, s20  }
0x15: {  	s18 =	sadd.s32 s18, s31;
	s20 =	simm.s32 $0x2;
	s22 =	simm.s32 $0x9E00  }
.LBB2_7:
0x16: {  	[sflag:s20] =	ssyncadd.s32 $0xFFFFE000  }
0x17: {  	_ =	swait.ge [sflag:s24], $0x2000  }
0x18: {  	[sflag:s24] =	ssyncset.done $0x0  }
0x19: {  	[sflag:s24] =	ssyncadd.s32 $0xFFFFE000  }
0x1a: {  	[tilespmem:s25], [sflag:$0x1] =	stream.indirect.gather [hbm4b:s5+s23], $0x40, s26, s23, $0xb8;
	[tilespmem:$0x17C00] =	vst v63  }
.LBB2_8:
0x1b: {  	[spmem:s3] =	stream.indirect.scatter.add.f32 [tilespmem:s22], [sflag:$0x2], $0x40, s28, s23, $0xb8;
	[tilespmem:$0x17C00] =	vst v63  }
0x1c: {  	_ =	swait.ge [sflag:s20], $0x2000  }
0x1d: {  	[sflag:s20] =	ssyncset.done $0x0  }
0x1e: {  	[sflag:s20] =	ssyncadd.s32 $0xFFFFE000  }
0x1f: {  	_ =	swait.ge [sflag:s24], $0x2000  }
0x20: {  	[sflag:s24] =	ssyncset.done $0x0  }
0x21: {  	[sflag:s24] =	ssyncadd.s32 $0xFFFFE000  }
0x22: {  	[spmem:s3] =	stream.indirect.scatter.add.f32 [tilespmem:s25], [sflag:$0x2], $0x40, s29, s23, $0xb8;
	[tilespmem:$0x17C00] =	vst v63  }
0x23: {  	_ =	swait.ge [sflag:s20], $0x2000  }
0x24: {  	[sflag:s20] =	ssyncset.done $0x0  }
0x25: {  	[sflag:s20] =	ssyncadd.s32 $0xFFFFE000  }
0x26: {  	[bflag:$0x0] =	sbarrier.arrive $0xFFFF  }
0x27: {  	[tilespmem:s22], [sflag:$0x2] =	stream.linear.gather [spmem:s9], $0x2000, $0x38;
	[tilespmem:$0x17C00] =	vst v63  }
0x28: {  	_ =	swait.ge [sflag:s20], $0x2000  }
0x29: {  	[sflag:s20] =	ssyncset.done $0x0  }
0x2a: {  	[sflag:s20] =	ssyncadd.s32 $0xFFFFE000  }
0x2b: {  	[hbm4b:s14+s4] =	stream.linear.scatter [tilespmem:s22], [sflag:$0x2], $0x2000, $0x38;
	[tilespmem:$0x17C00] =	vst v63  }
0x2c: {  	_ =	swait.ge [sflag:s20], $0x2000  }
0x2d: {  	[sflag:s20] =	ssyncset.done $0x0  }
0x2e: {  	[sflag:s20] =	ssyncadd.s32 $0xFFFFE000  }
0x2f: {  	[tilespmem:s25], [sflag:$0x2] =	stream.linear.gather [spmem:s10], $0x2000, $0x38;
	[tilespmem:$0x17C00] =	vst v63  }
0x30: {  	_ =	swait.ge [sflag:s20], $0x2000  }
0x31: {  	[sflag:s20] =	ssyncset.done $0x0  }
0x32: {  	[sflag:s20] =	ssyncadd.s32 $0xFFFFE000  }
0x33: {  	[hbm4b:s15+s4] =	stream.linear.scatter [tilespmem:s25], [sflag:$0x2], $0x2000, $0x38;
	[tilespmem:$0x17C00] =	vst v63  }
0x34: {  	_ =	swait.ge [sflag:s20], $0x2000  }
0x35: {  	[sflag:s20] =	ssyncset.done $0x0  }
0x36: {  	[sflag:s20] =	ssyncadd.s32 $0xFFFFE000  }
0x37: {  	[tilespmem:s22], [sflag:$0x2] =	stream.linear.gather [spmem:s11], $0x2000, $0x38;
	[tilespmem:$0x17C00] =	vst v63  }
0x38: {  	_ =	swait.ge [sflag:s20], $0x2000  }
0x39: {  	[sflag:s20] =	ssyncset.done $0x0  }
0x3a: {  	[sflag:s20] =	ssyncadd.s32 $0xFFFFE000  }
0x3b: {  	[hbm4b:s16+s4] =	stream.linear.scatter [tilespmem:s22], [sflag:$0x2], $0x2000, $0x38;
	[tilespmem:$0x17C00] =	vst v63  }
0x3c: {  	_ =	swait.ge [sflag:s20], $0x2000  }
0x3d: {  	[sflag:s20] =	ssyncset.done $0x0  }
0x3e: {  	[sflag:s20] =	ssyncadd.s32 $0xFFFFE000  }
0x3f: {  	[tilespmem:s25], [sflag:$0x2] =	stream.linear.gather [spmem:s12], $0x2000, $0x38;
	[tilespmem:$0x17C00] =	vst v63  }
0x40: {  	_ =	swait.ge [sflag:s20], $0x2000  }
0x41: {  	[sflag:s20] =	ssyncset.done $0x0  }
0x42: {  	[sflag:s20] =	ssyncadd.s32 $0xFFFFE000  }
0x43: {  	[hbm4b:s17+s4] =	stream.linear.scatter [tilespmem:s25], [sflag:$0x2], $0x2000, $0x38;
	[tilespmem:$0x17C00] =	vst v63  }
0x44: {  	_ =	swait.ge [sflag:s20], $0x2000  }
0x45: {  	[sflag:s20] =	ssyncset.done $0x0  }
0x46: {  	[sflag:s20] =	ssyncadd.s32 $0xFFFFE000  }
0x47: {  	[tilespmem:s22], [sflag:$0x2] =	stream.linear.gather [spmem:s13], $0x1E00, $0x38;
	[tilespmem:$0x17C00] =	vst v63  }
0x48: {  	s30 =	sadd.s32 $0x1, s30;
	_ =	swait.ge [sflag:s20], $0x1E00  }
0x49: {  	p1 =	sne.s32 s30, s19;
	[sflag:s20] =	ssyncset.done $0x0  }
.Ltmp1:
0x4a: {  	[sflag:s20] =	ssyncadd.s32 $0xFFFFE200;
	(pc) =	sbr.rel @!p1 .LBB2_9-.Ltmp1, $4  }
0x4b: {  	[hbm4b:s18+s4] =	stream.linear.scatter [tilespmem:s22], [sflag:$0x2], $0x1E00, $0x38;
	[tilespmem:$0x17C00] =	vst v63  }
0x4c: {  	_ =	swait.ge [sflag:s20], $0x1E00  }
0x4d: {  	[sflag:s20] =	ssyncset.done $0x0  }
0x4e: {  	[sflag:s20] =	ssyncadd.s32 $0xFFFFE200  }
.LBB2_1:
0x4f: {  	[tilespmem:s4], [sflag:$0x2] =	stream.linear.gather [hbm4b:s7+s4], $0x4F00, $0x38;
	[tilespmem:$0x17C00] =	vst v63  }
0x50: {  	_ =	swait.ge [sflag:s20], $0x4F00  }
0x51: {  	[sflag:s20] =	ssyncset.done $0x0  }
0x52: {  	[sflag:s20] =	ssyncadd.s32 $0xFFFFB100  }
0x53: {  	[tilespmem:s21], [sflag:$0x2] =	stream.linear.gather [hbm4b:s8+s4], $0x4F00, $0x38;
	[tilespmem:$0x17C00] =	vst v63  }
0x54: {  	_ =	swait.ge [sflag:s20], $0x4F00  }
0x55: {  	[sflag:s20] =	ssyncset.done $0x0  }
0x56: {  	[sflag:s20] =	ssyncadd.s32 $0xFFFFB100  }
0x57: {  	[tilespmem:s22], [sflag:$0x2] =	stream.linear.gather [hbm4b:s6+s4], $0x2000, $0x38;
	[tilespmem:$0x17C00] =	vst v63  }
0x58: {  	_ =	swait.ge [sflag:s20], $0x2000  }
0x59: {  	[sflag:s20] =	ssyncset.done $0x0  }
0x5a: {  	[sflag:s20] =	ssyncadd.s32 $0xFFFFE000  }
0x5b: {  	[spmem:s9] =	stream.linear.scatter [tilespmem:s22], [sflag:$0x2], $0x2000, $0x38;
	[tilespmem:$0x17C00] =	vst v63  }
0x5c: {  	_ =	swait.ge [sflag:s20], $0x2000  }
0x5d: {  	[sflag:s20] =	ssyncset.done $0x0  }
0x5e: {  	[sflag:s20] =	ssyncadd.s32 $0xFFFFE000  }
0x5f: {  	[spmem:s10] =	stream.linear.scatter [tilespmem:s22], [sflag:$0x2], $0x2000, $0x38;
	[tilespmem:$0x17C00] =	vst v63  }
0x60: {  	_ =	swait.ge [sflag:s20], $0x2000  }
0x61: {  	[sflag:s20] =	ssyncset.done $0x0  }
0x62: {  	[sflag:s20] =	ssyncadd.s32 $0xFFFFE000  }
0x63: {  	[spmem:s11] =	stream.linear.scatter [tilespmem:s22], [sflag:$0x2], $0x2000, $0x38;
	[tilespmem:$0x17C00] =	vst v63  }
0x64: {  	_ =	swait.ge [sflag:s20], $0x2000  }
0x65: {  	[sflag:s20] =	ssyncset.done $0x0  }
0x66: {  	[sflag:s20] =	ssyncadd.s32 $0xFFFFE000  }
0x67: {  	[spmem:s12] =	stream.linear.scatter [tilespmem:s22], [sflag:$0x2], $0x2000, $0x38;
	[tilespmem:$0x17C00] =	vst v63  }
0x68: {  	_ =	swait.ge [sflag:s20], $0x2000  }
0x69: {  	[sflag:s20] =	ssyncset.done $0x0  }
0x6a: {  	[sflag:s20] =	ssyncadd.s32 $0xFFFFE000  }
0x6b: {  	[spmem:s13] =	stream.linear.scatter [tilespmem:s22], [sflag:$0x2], $0x1E00, $0x38;
	[tilespmem:$0x17C00] =	vst v63  }
.Ltmp2:
0x6c: {  	_ =	swait.ge [sflag:s20], $0x1E00;
	(pc) =	sbr.rel @!p0 .LBB2_2-.Ltmp2, $3  }
0x6d: {  	[sflag:s20] =	ssyncset.done $0x0  }
0x6e: {  	[sflag:s20] =	ssyncadd.s32 $0xFFFFE200  }
0x6f: {  	[bflag:$0x0] =	sbarrier.arrive $0xFFFF;
	_ =	sdelay $0x1  }
0x70: {  	s0 =	simm.s32 $0x0  }
0x71: {  	[tilespmem:s22], [sflag:$0x1] =	stream.indirect.gather [hbm4b:s5+s23], $0x40, s0, s23, $0xb8;
	[tilespmem:$0x17C00] =	vst v63  }
0x72: {  	_ =	swait.ge [sflag:s24], $0x2000  }
0x73: {  	[sflag:s24] =	ssyncset.done $0x0  }
0x74: {  	s2 =	simm.s32 $0x80;
	[sflag:s24] =	ssyncadd.s32 $0xFFFFE000  }
0x75: {  	[tilespmem:s25], [sflag:$0x1] =	stream.indirect.gather [hbm4b:s5+s23], $0x40, s2, s23, $0xb8;
	[tilespmem:$0x17C00] =	vst v63  }
0x76: {  	s2 =	simm.s32 $0x4F00  }
0x77: {  	[spmem:s3] =	stream.indirect.scatter.add.f32 [tilespmem:s22], [sflag:$0x2], $0x40, s2, s23, $0xb8;
	[tilespmem:$0x17C00] =	vst v63  }
0x78: {  	_ =	swait.ge [sflag:s20], $0x2000  }
0x79: {  	[sflag:s20] =	ssyncset.done $0x0  }
0x7a: {  	[sflag:s20] =	ssyncadd.s32 $0xFFFFE000  }
0x7b: {  	_ =	swait.ge [sflag:s24], $0x2000  }
0x7c: {  	[sflag:s24] =	ssyncset.done $0x0  }
0x7d: {  	s2 =	simm.s32 $0x100;
	[sflag:s24] =	ssyncadd.s32 $0xFFFFE000  }
0x7e: {  	[tilespmem:s22], [sflag:$0x1] =	stream.indirect.gather [hbm4b:s5+s23], $0x40, s2, s23, $0xb8;
	[tilespmem:$0x17C00] =	vst v63  }
0x7f: {  	s2 =	simm.s32 $0x4F80  }
0x80: {  	[spmem:s3] =	stream.indirect.scatter.add.f32 [tilespmem:s25], [sflag:$0x2], $0x40, s2, s23, $0xb8;
	[tilespmem:$0x17C00] =	vst v63  }
0x81: {  	_ =	swait.ge [sflag:s20], $0x2000  }
0x82: {  	s31 =	simm.s32 $0x400;
	[sflag:s20] =	ssyncset.done $0x0  }
.LBB2_6:
0x83: {  	p1 =	sne.s32 s31, $0x13400  }
0x84: {  	[sflag:s20] =	ssyncadd.s32 $0xFFFFE000;
	s0 =	smov.u32 s31;
	s31 =	sadd.s32 $0x400, s31  }
0x85: {  	_ = 	snop  }
0x86: {  	_ =	swait.ge [sflag:s24], $0x2000  }
0x87: {  	s0 =	sshra.s32 s0, $0x2;
	[sflag:s24] =	ssyncset.done $0x0  }
0x88: {  	s2 =	sadd.s32 $0x80, s0;
	[sflag:s24] =	ssyncadd.s32 $0xFFFFE000  }
0x89: {  	[tilespmem:s25], [sflag:$0x1] =	stream.indirect.gather [hbm4b:s5+s23], $0x40, s2, s23, $0xb8;
	[tilespmem:$0x17C00] =	vst v63  }
0x8a: {  	s2 =	sadd.s32 $0x4F00, s0  }
0x8b: {  	[spmem:s3] =	stream.indirect.scatter.add.f32 [tilespmem:s22], [sflag:$0x2], $0x40, s2, s23, $0xb8;
	[tilespmem:$0x17C00] =	vst v63  }
0x8c: {  	_ =	swait.ge [sflag:s20], $0x2000  }
0x8d: {  	[sflag:s20] =	ssyncset.done $0x0  }
0x8e: {  	[sflag:s20] =	ssyncadd.s32 $0xFFFFE000  }
0x8f: {  	_ =	swait.ge [sflag:s24], $0x2000  }
0x90: {  	[sflag:s24] =	ssyncset.done $0x0  }
0x91: {  	s2 =	sadd.s32 $0x100, s0;
	[sflag:s24] =	ssyncadd.s32 $0xFFFFE000  }
0x92: {  	[tilespmem:s22], [sflag:$0x1] =	stream.indirect.gather [hbm4b:s5+s23], $0x40, s2, s23, $0xb8;
	[tilespmem:$0x17C00] =	vst v63  }
.Ltmp3:
0x93: {  	_ = 	snop;
	(pc) =	sbr.rel @p1 .LBB2_6-.Ltmp3, $4  }
0x94: {  	s0 =	sadd.s32 $0x4F80, s0  }
0x95: {  	[spmem:s3] =	stream.indirect.scatter.add.f32 [tilespmem:s25], [sflag:$0x2], $0x40, s0, s23, $0xb8;
	[tilespmem:$0x17C00] =	vst v63  }
0x96: {  	_ =	swait.ge [sflag:s20], $0x2000  }
0x97: {  	[sflag:s20] =	ssyncset.done $0x0  }
.Ltmp4:
0x98: {  	_ = 	snop;
	(pc) =	sbr.rel .LBB2_7-.Ltmp4, $1  }
0x99: {  	_ =	sdelay $0x3  }
.LBB2_2:
0x9a: {  	s31 =	simm.s32 $0x0  }
0x9b: {  	[tilespmem:s22], [sflag:$0x1] =	stream.indirect.gather [hbm4b:s1+s23], $0x40, s31, s23, $0xb8;
	[tilespmem:$0x17C00] =	vst v63  }
0x9c: {  	_ =	swait.ge [sflag:s24], $0x2000  }
0x9d: {  	[sflag:s24] =	ssyncset.done $0x0  }
0x9e: {  	s31 =	simm.s32 $0x80;
	[sflag:s24] =	ssyncadd.s32 $0xFFFFE000  }
0x9f: {  	[tilespmem:s25], [sflag:$0x1] =	stream.indirect.gather [hbm4b:s1+s23], $0x40, s31, s23, $0xb8;
	[tilespmem:$0x17C00] =	vst v63  }
0xa0: {  	s31 =	simm.s32 $0x4F00  }
0xa1: {  	[spmem:s3] =	stream.indirect.scatter.add.f32 [tilespmem:s22], [sflag:$0x2], $0x40, s31, s23, $0xb8;
	[tilespmem:$0x17C00] =	vst v63  }
0xa2: {  	_ =	swait.ge [sflag:s20], $0x2000  }
0xa3: {  	[sflag:s20] =	ssyncset.done $0x0  }
0xa4: {  	[sflag:s20] =	ssyncadd.s32 $0xFFFFE000  }
0xa5: {  	_ =	swait.ge [sflag:s24], $0x2000  }
0xa6: {  	[sflag:s24] =	ssyncset.done $0x0  }
0xa7: {  	s31 =	simm.s32 $0x100;
	[sflag:s24] =	ssyncadd.s32 $0xFFFFE000  }
0xa8: {  	[tilespmem:s22], [sflag:$0x1] =	stream.indirect.gather [hbm4b:s1+s23], $0x40, s31, s23, $0xb8;
	[tilespmem:$0x17C00] =	vst v63  }
0xa9: {  	s31 =	simm.s32 $0x4F80  }
0xaa: {  	[spmem:s3] =	stream.indirect.scatter.add.f32 [tilespmem:s25], [sflag:$0x2], $0x40, s31, s23, $0xb8;
	[tilespmem:$0x17C00] =	vst v63  }
0xab: {  	_ =	swait.ge [sflag:s20], $0x2000  }
0xac: {  	s31 =	simm.s32 $0x400;
	[sflag:s20] =	ssyncset.done $0x0  }
.LBB2_3:
0xad: {  	p1 =	seq.s32 s31, $0x13400  }
0xae: {  	[sflag:s20] =	ssyncadd.s32 $0xFFFFE000;
	s0 =	smov.u32 s31;
	s31 =	sadd.s32 $0x400, s31  }
0xaf: {  	_ = 	snop  }
0xb0: {  	_ =	swait.ge [sflag:s24], $0x2000  }
0xb1: {  	s0 =	sshra.s32 s0, $0x2;
	[sflag:s24] =	ssyncset.done $0x0  }
0xb2: {  	s2 =	sadd.s32 $0x80, s0;
	[sflag:s24] =	ssyncadd.s32 $0xFFFFE000  }
0xb3: {  	[tilespmem:s25], [sflag:$0x1] =	stream.indirect.gather [hbm4b:s1+s23], $0x40, s2, s23, $0xb8;
	[tilespmem:$0x17C00] =	vst v63  }
0xb4: {  	s2 =	sadd.s32 $0x4F00, s0  }
0xb5: {  	[spmem:s3] =	stream.indirect.scatter.add.f32 [tilespmem:s22], [sflag:$0x2], $0x40, s2, s23, $0xb8;
	[tilespmem:$0x17C00] =	vst v63  }
0xb6: {  	_ =	swait.ge [sflag:s20], $0x2000  }
0xb7: {  	[sflag:s20] =	ssyncset.done $0x0  }
0xb8: {  	[sflag:s20] =	ssyncadd.s32 $0xFFFFE000  }
0xb9: {  	_ =	swait.ge [sflag:s24], $0x2000  }
0xba: {  	[sflag:s24] =	ssyncset.done $0x0  }
0xbb: {  	s2 =	sadd.s32 $0x100, s0;
	[sflag:s24] =	ssyncadd.s32 $0xFFFFE000  }
0xbc: {  	[tilespmem:s22], [sflag:$0x1] =	stream.indirect.gather [hbm4b:s1+s23], $0x40, s2, s23, $0xb8;
	[tilespmem:$0x17C00] =	vst v63  }
.Ltmp5:
0xbd: {  	_ = 	snop;
	(pc) =	sbr.rel @!p1 .LBB2_3-.Ltmp5, $4  }
0xbe: {  	s0 =	sadd.s32 $0x4F80, s0  }
0xbf: {  	[spmem:s3] =	stream.indirect.scatter.add.f32 [tilespmem:s25], [sflag:$0x2], $0x40, s0, s23, $0xb8;
	[tilespmem:$0x17C00] =	vst v63  }
0xc0: {  	_ =	swait.ge [sflag:s20], $0x2000  }
0xc1: {  	[sflag:s20] =	ssyncset.done $0x0  }
.Ltmp6:
0xc2: {  	[sflag:s20] =	ssyncadd.s32 $0xFFFFE000;
	(pc) =	sbr.rel .LBB2_8-.Ltmp6, $4  }
0xc3: {  	_ =	swait.ge [sflag:s24], $0x2000  }
0xc4: {  	[sflag:s24] =	ssyncset.done $0x0  }
0xc5: {  	[sflag:s24] =	ssyncadd.s32 $0xFFFFE000  }
0xc6: {  	[tilespmem:s25], [sflag:$0x1] =	stream.indirect.gather [hbm4b:s1+s23], $0x40, s26, s23, $0xb8;
	[tilespmem:$0x17C00] =	vst v63  }
.LBB2_9:
0xc7: {  	_ =	sfence.sel $0x180000  }
0xc8: {  	[bflag:$0x0] =	sbarrier.arrive $0xFFFF  }
0xc9: {  	_ =	strace $0x90000050  }
0xca: {  	s0 =	stileid.u32;
	[bflag:$0x2] =	sbarrier.arrive $0xFFFF  }
0xcb: {  	p0 =	sne.s32 s0, $0x0;
	s0 =	rddreg [dreg:$0x3]  }
0xcc: {  	s0 =	sadd.s32 @!p0 $0x100000, s0  }
0xcd: {  	[sflag:s0] =	ssyncadd.tile.s32 @!p0 $0x1;
	_ =	shalt  }
.Lfunc_end2:
_tile_overlayer_lowered:
.L_overlay_start_2:
0xce: {  	(tag) =	ssettag $0x2  }
0xcf: {  	s0 =	rddreg [dreg:$0x0];
	s2 =	stileid.u32  }
0xd0: {  	s1 =	rddreg [dreg:$0x1];
	p0 =	sne.s32 s2, $0x0  }
0xd1: {  	s3 =	rddreg [dreg:$0x2];
	[bflag:$0x3] =	sbarrier.arrive $0xFFFF;
	s2 =	simm.s32 @!p0 $0x1C02  }
0xd2: {  	[timem:s3], [sflag:s2] =	dma.local @!p0 [hbm:s0], s1  }
0xd3: {  	s0 =	simm.s32 @!p0 $0x2  }
0xd4: {  	_ =	swait.ge @!p0 [sflag:s0], s1  }
0xd5: {  	s1 =	ssub.s32 @!p0 $0x0, s1;
	[sflag:s0] =	ssyncset.done @!p0 $0x0  }
0xd6: {  	[sflag:s0] =	ssyncadd.s32 @!p0 s1  }
0xd7: {  	[bflag:$0x3] =	sbarrier.arrive $0xFFFF  }
0xd8: {  	_ =	shalt  }

</sc_bundles>
